<compile_context>
chip_gen: v7x
topology: tpu7x:2x2x1
jax: 0.10.2.dev20260603
libtpu: 0.0.44.dev20260713+nightly
codegen_flags: <defaults>
</compile_context>

<pallas_src>
import functools

import jax
import jax.numpy as jnp
from jax import lax
from jax.experimental import pallas as pl
from jax.experimental.pallas import tpu as pltpu
from jax.experimental.pallas import tpu_sc as plsc

NH = 16
WIN = 32
DIAG = 2 * WIN - 1
TROWS = DIAG * DIAG
UCOLS = DIAG * WIN
CHUNK = 32 * DIAG

_mesh = plsc.VectorSubcoreMesh(core_axis_name="c", subcore_axis_name="s")


@functools.partial(
    pl.kernel,
    mesh=_mesh,
    compiler_params=pltpu.CompilerParams(
        use_tc_tiling_on_sc=False, needs_layout_passes=False
    ),
    out_type=jax.ShapeDtypeStruct((NH, WIN * WIN, WIN * WIN), jnp.float32),
    scratch_types=[
        pltpu.VMEM((TROWS * NH,), jnp.float32),
        pltpu.VMEM((16, UCOLS), jnp.float32),
        pltpu.SemaphoreType.DMA,
        pltpu.SemaphoreType.DMA,
        pltpu.SemaphoreType.DMA,
        pltpu.SemaphoreType.DMA,
    ],
)
def _sc_bias(table_hbm, out_hbm, tbl_v, u_v, tsem_a1, tsem_a2, tsem_b, osem):
    cid = lax.axis_index("c")
    sid = lax.axis_index("s")
    wid = sid * 2 + cid
    h = wid // 2
    iw_base = (wid % 2) * 16

    def stage(lo_row, hi_row, sem):
        return pltpu.make_async_copy(
            table_hbm.at[pl.ds(lo_row * NH, (hi_row - lo_row) * NH)],
            tbl_v.at[pl.ds(lo_row * NH, (hi_row - lo_row) * NH)],
            sem)

    copy_a1 = stage(0, 8 * DIAG, tsem_a1)
    copy_a2 = stage(8 * DIAG, CHUNK, tsem_a2)
    copy_b = stage(CHUNK, TROWS, tsem_b)
    copy_a1.start()
    copy_a2.start()
    copy_b.start()

    lane16 = lax.iota(jnp.int32, 16) * NH

    def gather_cc(cc):
        ubase = (62 - cc) * WIN
        rowbase = cc * DIAG * NH + h
        for r in range(16):
            iw = iw_base + r
            for jwb in (0, 16):
                idx = jnp.full((16,), 0, jnp.int32) + (
                    rowbase + (iw - jwb + 31) * NH) - lane16
                u_v[r, pl.ds(ubase + jwb, 16)] = plsc.load_gather(tbl_v, [idx])

    def gather_range(lo, hi):
        def body(cc, carry):
            gather_cc(cc)
            return carry
        lax.fori_loop(lo, hi, body, 0)

    def fire_window(cc):
        ih = cc - (WIN - 1)
        pltpu.make_async_copy(
            u_v.at[:, pl.ds((62 - cc) * WIN, WIN * WIN)],
            out_hbm.at[h, pl.ds(ih * WIN + iw_base, 16), :],
            osem,
        ).start()

    copy_a1.wait()
    gather_range(0, 8)
    copy_a2.wait()
    gather_range(8, WIN)
    fire_window(WIN - 1)

    copy_b.wait()

    def body2(cc, carry):
        gather_cc(cc)
        fire_window(cc)
        return carry

    lax.fori_loop(WIN, DIAG, body2, 0)

    for _ in range(WIN):
        pltpu.make_async_copy(
            u_v.at[:, pl.ds(0, WIN * WIN)],
            out_hbm.at[0, pl.ds(iw_base, 16), :],
            osem,
        ).wait()


def kernel(attn, relative_position_bias_table, relative_position_index):
    del attn, relative_position_index
    bias = _sc_bias(relative_position_bias_table.reshape(-1))
    return bias[None, :, :, :, None]

# --- scband reference (transcript-rebuilt; emitter-appended) ---
"""Pipeline reference for scband-swin-rel-pos-41901700940221 (READ-ONLY COPY).

The authoritative reference and input builder live on the scoring server;
editing this copy changes nothing except your own understanding.
"""

import jax, jax.numpy as jnp
import numpy as np

H, W, NUM_HEADS = 32, 32, 16


def _rel_pos_index(h, w):
    coords_h = np.arange(h)
    coords_w = np.arange(w)
    coords = np.stack(np.meshgrid(coords_h, coords_w, indexing='ij'))
    coords_flatten = coords.reshape(2, -1)
    rel = coords_flatten[:, :, None] - coords_flatten[:, None, :]
    rel = rel.transpose(1, 2, 0).copy()
    rel[:, :, 0] += h - 1
    rel[:, :, 1] += w - 1
    rel[:, :, 0] *= 2 * w - 1
    return rel.sum(-1).astype(np.int32)


def setup_inputs(seed: int = 0) -> dict:
    key = jax.random.key(seed)
    k1, k2 = jax.random.split(key)
    attn = jax.random.normal(k1, (2, NUM_HEADS, H * W, H * W), dtype=jnp.float32)
    table = jax.random.normal(k2, ((2 * H - 1) * (2 * W - 1), NUM_HEADS), dtype=jnp.float32) * 0.02
    rel_idx = jnp.asarray(_rel_pos_index(H, W))
    return {"attn": attn, "relative_position_bias_table": table, "relative_position_index": rel_idx}


def reference(attn, relative_position_bias_table, relative_position_index):
    hw = H * W
    bias = relative_position_bias_table[relative_position_index.reshape(-1)]
    bias = bias.reshape(hw, hw, -1)
    bias = jnp.transpose(bias, (2, 0, 1))
    return bias[None, ..., None]

if __name__ == "__main__":
    import jax
    _d = setup_inputs()
    print(jax.jit(kernel)(*tuple(_d.values())))

</pallas_src>

<mosaic_0001>
#map = affine_map<(d0, d1) -> (0)>
#map1 = affine_map<(d0, d1) -> (0, 0, 0)>
module attributes {stable_mosaic.version = 14 : i64} {
  func.func @_sc_bias(%arg0: i32, %arg1: i32, %arg2: memref<63504xf32, #tpu.memory_space<hbm>>, %arg3: memref<16x1024x1024xf32, #tpu.memory_space<hbm>>, %arg4: memref<63504xf32, #tpu.memory_space<vmem>>, %arg5: memref<16x2016xf32, #tpu.memory_space<vmem>>, %arg6: memref<!tpu.dma_semaphore, #tpu.memory_space<semaphore_mem>>, %arg7: memref<!tpu.dma_semaphore, #tpu.memory_space<semaphore_mem>>, %arg8: memref<!tpu.dma_semaphore, #tpu.memory_space<semaphore_mem>>, %arg9: memref<!tpu.dma_semaphore, #tpu.memory_space<semaphore_mem>>) attributes {dimension_semantics = [#tpu.dimension_semantics<core_parallel>, #tpu.dimension_semantics<subcore_parallel>], iteration_bounds = array<i64: 2, 16>, scalar_prefetch = 0 : i64, scratch_operands = 6 : i64, tpu.core_type = #tpu.core_type<sc_vector_subcore>, window_params = [{transform_indices = #map}, {transform_indices = #map1}]} {
    %mul3A = arith.constant 2 : i32
    %mul3A_0 = arith.muli %arg1, %mul3A : i32
    %add3A = arith.addi %mul3A_0, %arg0 : i32
    %jit3A = arith.constant 2 : i32
    %div3A = arith.divsi %add3A, %jit3A : i32
    %sign3A = arith.constant 0 : i32
    %sign3A_1 = arith.cmpi sgt, %add3A, %sign3A : i32
    %sign3A_2 = arith.extui %sign3A_1 : i1 to i32
    %sign3A_3 = arith.constant 0 : i32
    %sign3A_4 = arith.cmpi slt, %add3A, %sign3A_3 : i32
    %sign3A_5 = arith.extui %sign3A_4 : i1 to i32
    %sign3A_6 = arith.subi %sign3A_2, %sign3A_5 : i32
    %sign3A_7 = arith.constant 0 : i32
    %sign3A_8 = arith.cmpi sgt, %jit3A, %sign3A_7 : i32
    %sign3A_9 = arith.extui %sign3A_8 : i1 to i32
    %sign3A_10 = arith.constant 0 : i32
    %sign3A_11 = arith.cmpi slt, %jit3A, %sign3A_10 : i32
    %sign3A_12 = arith.extui %sign3A_11 : i1 to i32
    %sign3A_13 = arith.subi %sign3A_9, %sign3A_12 : i32
    %ne3A = arith.cmpi ne, %sign3A_6, %sign3A_13 : i32
    %rem3A = arith.remsi %add3A, %jit3A : i32
    %ne3A_14 = arith.constant 0 : i32
    %ne3A_15 = arith.cmpi ne, %rem3A, %ne3A_14 : i32
    %and3A = arith.andi %ne3A, %ne3A_15 : i1
    %sub3A = arith.constant 1 : i32
    %sub3A_16 = arith.subi %div3A, %sub3A : i32
    %select_n3A = arith.select %and3A, %sub3A_16, %div3A : i32
    %jit3A_17 = arith.constant 2 : i32
    %eq3A = arith.constant 0 : i32
    %eq3A_18 = arith.cmpi eq, %jit3A_17, %eq3A : i32
    %jit3A_19 = arith.constant 1 : i32
    %select_n3A_20 = arith.select %eq3A_18, %jit3A_19, %jit3A_17 : i32
    %rem3A_21 = arith.remsi %add3A, %select_n3A_20 : i32
    %ne3A_22 = arith.constant 0 : i32
    %ne3A_23 = arith.cmpi ne, %rem3A_21, %ne3A_22 : i32
    %lt3A = arith.constant 0 : i32
    %lt3A_24 = arith.cmpi slt, %rem3A_21, %lt3A : i32
    %lt3A_25 = arith.constant 0 : i32
    %lt3A_26 = arith.cmpi slt, %select_n3A_20, %lt3A_25 : i32
    %ne3A_27 = arith.xori %lt3A_24, %lt3A_26 : i1
    %and3A_28 = arith.andi %ne3A_27, %ne3A_23 : i1
    %add3A_29 = arith.addi %rem3A_21, %select_n3A_20 : i32
    %select_n3A_30 = arith.select %and3A_28, %add3A_29, %rem3A_21 : i32
    %mul3A_31 = arith.constant 16 : i32
    %mul3A_32 = arith.muli %select_n3A_30, %mul3A_31 : i32
    %dma_start3A = arith.constant 0 : i32
    %dma_start3A_33 = tpu.memref_slice %arg4[%dma_start3A] : memref<63504xf32, #tpu.memory_space<vmem>> -> memref<8064xf32, #tpu.memory_space<vmem>>
    %dma_start3A_34 = arith.constant 0 : i32
    %dma_start3A_35 = tpu.memref_slice %arg2[%dma_start3A_34] : memref<63504xf32, #tpu.memory_space<hbm>> -> memref<8064xf32, #tpu.memory_space<hbm>>
    %dma_start3A_36 = arith.constant 0 : i32
    %dma_start3A_37 = tpu.memref_slice %arg4[%dma_start3A_36] : memref<63504xf32, #tpu.memory_space<vmem>> -> memref<8064xf32, #tpu.memory_space<vmem>>
    %dma_start3A_38 = arith.constant 0 : i32
    %dma_start3A_39 = tpu.memref_slice %arg2[%dma_start3A_38] : memref<63504xf32, #tpu.memory_space<hbm>> -> memref<8064xf32, #tpu.memory_space<hbm>>
    tpu.enqueue_dma source(%dma_start3A_39 : memref<8064xf32, #tpu.memory_space<hbm>>) target(%dma_start3A_37 : memref<8064xf32, #tpu.memory_space<vmem>>) target_semaphore(%arg6 : memref<!tpu.dma_semaphore, #tpu.memory_space<semaphore_mem>>)
    %dma_start3A_40 = arith.constant 8064 : i32
    %dma_start3A_41 = tpu.memref_slice %arg4[%dma_start3A_40] : memref<63504xf32, #tpu.memory_space<vmem>> -> memref<24192xf32, #tpu.memory_space<vmem>>
    %dma_start3A_42 = arith.constant 8064 : i32
    %dma_start3A_43 = tpu.memref_slice %arg2[%dma_start3A_42] : memref<63504xf32, #tpu.memory_space<hbm>> -> memref<24192xf32, #tpu.memory_space<hbm>>
    %dma_start3A_44 = arith.constant 8064 : i32
    %dma_start3A_45 = tpu.memref_slice %arg4[%dma_start3A_44] : memref<63504xf32, #tpu.memory_space<vmem>> -> memref<24192xf32, #tpu.memory_space<vmem>>
    %dma_start3A_46 = arith.constant 8064 : i32
    %dma_start3A_47 = tpu.memref_slice %arg2[%dma_start3A_46] : memref<63504xf32, #tpu.memory_space<hbm>> -> memref<24192xf32, #tpu.memory_space<hbm>>
    tpu.enqueue_dma source(%dma_start3A_47 : memref<24192xf32, #tpu.memory_space<hbm>>) target(%dma_start3A_45 : memref<24192xf32, #tpu.memory_space<vmem>>) target_semaphore(%arg7 : memref<!tpu.dma_semaphore, #tpu.memory_space<semaphore_mem>>)
    %dma_start3A_48 = arith.constant 32256 : i32
    %dma_start3A_49 = tpu.memref_slice %arg4[%dma_start3A_48] : memref<63504xf32, #tpu.memory_space<vmem>> -> memref<31248xf32, #tpu.memory_space<vmem>>
    %dma_start3A_50 = arith.constant 32256 : i32
    %dma_start3A_51 = tpu.memref_slice %arg2[%dma_start3A_50] : memref<63504xf32, #tpu.memory_space<hbm>> -> memref<31248xf32, #tpu.memory_space<hbm>>
    %dma_start3A_52 = arith.constant 32256 : i32
    %dma_start3A_53 = tpu.memref_slice %arg4[%dma_start3A_52] : memref<63504xf32, #tpu.memory_space<vmem>> -> memref<31248xf32, #tpu.memory_space<vmem>>
    %dma_start3A_54 = arith.constant 32256 : i32
    %dma_start3A_55 = tpu.memref_slice %arg2[%dma_start3A_54] : memref<63504xf32, #tpu.memory_space<hbm>> -> memref<31248xf32, #tpu.memory_space<hbm>>
    tpu.enqueue_dma source(%dma_start3A_55 : memref<31248xf32, #tpu.memory_space<hbm>>) target(%dma_start3A_53 : memref<31248xf32, #tpu.memory_space<vmem>>) target_semaphore(%arg8 : memref<!tpu.dma_semaphore, #tpu.memory_space<semaphore_mem>>)
    %iota3A = tpu.iota {dimensions = array<i32: 0>} : vector<16xi32>
    %mul3A_56 = arith.constant 16 : i32
    %mul3A_57 = vector.broadcast %mul3A_56 : i32 to vector<16xi32>
    %mul3A_58 = arith.muli %iota3A, %mul3A_57 : vector<16xi32>
    %dma_wait3A = arith.constant 0 : i32
    %dma_wait3A_59 = tpu.memref_slice %arg4[%dma_wait3A] : memref<63504xf32, #tpu.memory_space<vmem>> -> memref<8064xf32, #tpu.memory_space<vmem>>
    %dma_wait3A_60 = arith.constant 0 : i32
    %dma_wait3A_61 = tpu.memref_slice %arg2[%dma_wait3A_60] : memref<63504xf32, #tpu.memory_space<hbm>> -> memref<8064xf32, #tpu.memory_space<hbm>>
    %dma_wait3A_62 = arith.constant 0 : i32
    %dma_wait3A_63 = tpu.memref_slice %arg4[%dma_wait3A_62] : memref<63504xf32, #tpu.memory_space<vmem>> -> memref<8064xf32, #tpu.memory_space<vmem>>
    %dma_wait3A_64 = arith.constant 0 : i32
    %dma_wait3A_65 = tpu.memref_slice %arg2[%dma_wait3A_64] : memref<63504xf32, #tpu.memory_space<hbm>> -> memref<8064xf32, #tpu.memory_space<hbm>>
    tpu.wait_dma2 semaphore(%arg6 : memref<!tpu.dma_semaphore, #tpu.memory_space<semaphore_mem>>) src(%dma_wait3A_65 : memref<8064xf32, #tpu.memory_space<hbm>>) dst(%dma_wait3A_63 : memref<8064xf32, #tpu.memory_space<vmem>>)
    %scan3A = arith.constant 0 : i32
    %scan3A_66 = arith.constant 0 : i32
    %scan3A_67 = arith.constant 8 : i32
    %scan3A_68 = arith.addi %scan3A_66, %scan3A_67 : i32
    %scan3A_69 = arith.constant 1 : i32
    scf.for %scan3A_529 = %scan3A_66 to %scan3A_68 step %scan3A_69  : i32 {
      %sub3A_530 = arith.constant 62 : i32
      %sub3A_531 = arith.subi %sub3A_530, %scan3A_529 : i32
      %mul3A_532 = arith.constant 32 : i32
      %mul3A_533 = arith.muli %sub3A_531, %mul3A_532 : i32
      %mul3A_534 = arith.constant 63 : i32
      %mul3A_535 = arith.muli %scan3A_529, %mul3A_534 : i32
      %mul3A_536 = arith.constant 16 : i32
      %mul3A_537 = arith.muli %mul3A_535, %mul3A_536 : i32
      %add3A_538 = arith.addi %mul3A_537, %select_n3A : i32
      %add3A_539 = arith.constant 0 : i32
      %add3A_540 = arith.addi %mul3A_32, %add3A_539 : i32
      %broadcast_in_dim3A = arith.constant 0 : i32
      %broadcast_in_dim3A_541 = vector.broadcast %broadcast_in_dim3A : i32 to vector<16xi32>
      %sub3A_542 = arith.constant 0 : i32
      %sub3A_543 = arith.subi %add3A_540, %sub3A_542 : i32
      %add3A_544 = arith.constant 31 : i32
      %add3A_545 = arith.addi %sub3A_543, %add3A_544 : i32
      %mul3A_546 = arith.constant 16 : i32
      %mul3A_547 = arith.muli %add3A_545, %mul3A_546 : i32
      %add3A_548 = arith.addi %add3A_538, %mul3A_547 : i32
      %add3A_549 = vector.broadcast %add3A_548 : i32 to vector<16xi32>
      %add3A_550 = arith.addi %broadcast_in_dim3A_541, %add3A_549 : vector<16xi32>
      %sub3A_551 = arith.subi %add3A_550, %mul3A_58 : vector<16xi32>
      %gather3A = tpu.vector_load_idx %arg4[%sub3A_551] : memref<63504xf32, #tpu.memory_space<vmem>>[vector<16xi32>], vector<16xf32>,
      %add3A_552 = arith.constant 0 : i32
      %add3A_553 = arith.addi %mul3A_533, %add3A_552 : i32
      %swap3A = arith.constant 0 : i32
      %swap3A_554 = arith.index_cast %swap3A : i32 to index
      %swap3A_555 = arith.index_cast %add3A_553 : i32 to index
      %swap3A_556 = tpu.vector_load %arg5[%swap3A_554, %swap3A_555] {strides = array<i32>} : memref<16x2016xf32, #tpu.memory_space<vmem>>, vector<16xf32>,
      tpu.vector_store %arg5[%swap3A_554, %swap3A_555], %gather3A {strides = array<i32>} : memref<16x2016xf32, #tpu.memory_space<vmem>>, vector<16xf32>,
      %broadcast_in_dim3A_557 = arith.constant 0 : i32
      %broadcast_in_dim3A_558 = vector.broadcast %broadcast_in_dim3A_557 : i32 to vector<16xi32>
      %sub3A_559 = arith.constant 16 : i32
      %sub3A_560 = arith.subi %add3A_540, %sub3A_559 : i32
      %add3A_561 = arith.constant 31 : i32
      %add3A_562 = arith.addi %sub3A_560, %add3A_561 : i32
      %mul3A_563 = arith.constant 16 : i32
      %mul3A_564 = arith.muli %add3A_562, %mul3A_563 : i32
      %add3A_565 = arith.addi %add3A_538, %mul3A_564 : i32
      %add3A_566 = vector.broadcast %add3A_565 : i32 to vector<16xi32>
      %add3A_567 = arith.addi %broadcast_in_dim3A_558, %add3A_566 : vector<16xi32>
      %sub3A_568 = arith.subi %add3A_567, %mul3A_58 : vector<16xi32>
      %gather3A_569 = tpu.vector_load_idx %arg4[%sub3A_568] : memref<63504xf32, #tpu.memory_space<vmem>>[vector<16xi32>], vector<16xf32>,
      %add3A_570 = arith.constant 16 : i32
      %add3A_571 = arith.addi %mul3A_533, %add3A_570 : i32
      %swap3A_572 = arith.constant 0 : i32
      %swap3A_573 = arith.index_cast %swap3A_572 : i32 to index
      %swap3A_574 = arith.index_cast %add3A_571 : i32 to index
      %swap3A_575 = tpu.vector_load %arg5[%swap3A_573, %swap3A_574] {strides = array<i32>} : memref<16x2016xf32, #tpu.memory_space<vmem>>, vector<16xf32>,
      tpu.vector_store %arg5[%swap3A_573, %swap3A_574], %gather3A_569 {strides = array<i32>} : memref<16x2016xf32, #tpu.memory_space<vmem>>, vector<16xf32>,
      %add3A_576 = arith.constant 1 : i32
      %add3A_577 = arith.addi %mul3A_32, %add3A_576 : i32
      %broadcast_in_dim3A_578 = arith.constant 0 : i32
      %broadcast_in_dim3A_579 = vector.broadcast %broadcast_in_dim3A_578 : i32 to vector<16xi32>
      %sub3A_580 = arith.constant 0 : i32
      %sub3A_581 = arith.subi %add3A_577, %sub3A_580 : i32
      %add3A_582 = arith.constant 31 : i32
      %add3A_583 = arith.addi %sub3A_581, %add3A_582 : i32
      %mul3A_584 = arith.constant 16 : i32
      %mul3A_585 = arith.muli %add3A_583, %mul3A_584 : i32
      %add3A_586 = arith.addi %add3A_538, %mul3A_585 : i32
      %add3A_587 = vector.broadcast %add3A_586 : i32 to vector<16xi32>
      %add3A_588 = arith.addi %broadcast_in_dim3A_579, %add3A_587 : vector<16xi32>
      %sub3A_589 = arith.subi %add3A_588, %mul3A_58 : vector<16xi32>
      %gather3A_590 = tpu.vector_load_idx %arg4[%sub3A_589] : memref<63504xf32, #tpu.memory_space<vmem>>[vector<16xi32>], vector<16xf32>,
      %add3A_591 = arith.constant 0 : i32
      %add3A_592 = arith.addi %mul3A_533, %add3A_591 : i32
      %swap3A_593 = arith.constant 1 : i32
      %swap3A_594 = arith.index_cast %swap3A_593 : i32 to index
      %swap3A_595 = arith.index_cast %add3A_592 : i32 to index
      %swap3A_596 = tpu.vector_load %arg5[%swap3A_594, %swap3A_595] {strides = array<i32>} : memref<16x2016xf32, #tpu.memory_space<vmem>>, vector<16xf32>,
      tpu.vector_store %arg5[%swap3A_594, %swap3A_595], %gather3A_590 {strides = array<i32>} : memref<16x2016xf32, #tpu.memory_space<vmem>>, vector<16xf32>,
      %broadcast_in_dim3A_597 = arith.constant 0 : i32
      %broadcast_in_dim3A_598 = vector.broadcast %broadcast_in_dim3A_597 : i32 to vector<16xi32>
      %sub3A_599 = arith.constant 16 : i32
      %sub3A_600 = arith.subi %add3A_577, %sub3A_599 : i32
      %add3A_601 = arith.constant 31 : i32
      %add3A_602 = arith.addi %sub3A_600, %add3A_601 : i32
      %mul3A_603 = arith.constant 16 : i32
      %mul3A_604 = arith.muli %add3A_602, %mul3A_603 : i32
      %add3A_605 = arith.addi %add3A_538, %mul3A_604 : i32
      %add3A_606 = vector.broadcast %add3A_605 : i32 to vector<16xi32>
      %add3A_607 = arith.addi %broadcast_in_dim3A_598, %add3A_606 : vector<16xi32>
      %sub3A_608 = arith.subi %add3A_607, %mul3A_58 : vector<16xi32>
      %gather3A_609 = tpu.vector_load_idx %arg4[%sub3A_608] : memref<63504xf32, #tpu.memory_space<vmem>>[vector<16xi32>], vector<16xf32>,
      %add3A_610 = arith.constant 16 : i32
      %add3A_611 = arith.addi %mul3A_533, %add3A_610 : i32
      %swap3A_612 = arith.constant 1 : i32
      %swap3A_613 = arith.index_cast %swap3A_612 : i32 to index
      %swap3A_614 = arith.index_cast %add3A_611 : i32 to index
      %swap3A_615 = tpu.vector_load %arg5[%swap3A_613, %swap3A_614] {strides = array<i32>} : memref<16x2016xf32, #tpu.memory_space<vmem>>, vector<16xf32>,
      tpu.vector_store %arg5[%swap3A_613, %swap3A_614], %gather3A_609 {strides = array<i32>} : memref<16x2016xf32, #tpu.memory_space<vmem>>, vector<16xf32>,
      %add3A_616 = arith.constant 2 : i32
      %add3A_617 = arith.addi %mul3A_32, %add3A_616 : i32
      %broadcast_in_dim3A_618 = arith.constant 0 : i32
      %broadcast_in_dim3A_619 = vector.broadcast %broadcast_in_dim3A_618 : i32 to vector<16xi32>
      %sub3A_620 = arith.constant 0 : i32
      %sub3A_621 = arith.subi %add3A_617, %sub3A_620 : i32
      %add3A_622 = arith.constant 31 : i32
      %add3A_623 = arith.addi %sub3A_621, %add3A_622 : i32
      %mul3A_624 = arith.constant 16 : i32
      %mul3A_625 = arith.muli %add3A_623, %mul3A_624 : i32
      %add3A_626 = arith.addi %add3A_538, %mul3A_625 : i32
      %add3A_627 = vector.broadcast %add3A_626 : i32 to vector<16xi32>
      %add3A_628 = arith.addi %broadcast_in_dim3A_619, %add3A_627 : vector<16xi32>
      %sub3A_629 = arith.subi %add3A_628, %mul3A_58 : vector<16xi32>
      %gather3A_630 = tpu.vector_load_idx %arg4[%sub3A_629] : memref<63504xf32, #tpu.memory_space<vmem>>[vector<16xi32>], vector<16xf32>,
      %add3A_631 = arith.constant 0 : i32
      %add3A_632 = arith.addi %mul3A_533, %add3A_631 : i32
      %swap3A_633 = arith.constant 2 : i32
      %swap3A_634 = arith.index_cast %swap3A_633 : i32 to index
      %swap3A_635 = arith.index_cast %add3A_632 : i32 to index
      %swap3A_636 = tpu.vector_load %arg5[%swap3A_634, %swap3A_635] {strides = array<i32>} : memref<16x2016xf32, #tpu.memory_space<vmem>>, vector<16xf32>,
      tpu.vector_store %arg5[%swap3A_634, %swap3A_635], %gather3A_630 {strides = array<i32>} : memref<16x2016xf32, #tpu.memory_space<vmem>>, vector<16xf32>,
      %broadcast_in_dim3A_637 = arith.constant 0 : i32
      %broadcast_in_dim3A_638 = vector.broadcast %broadcast_in_dim3A_637 : i32 to vector<16xi32>
      %sub3A_639 = arith.constant 16 : i32
      %sub3A_640 = arith.subi %add3A_617, %sub3A_639 : i32
      %add3A_641 = arith.constant 31 : i32
      %add3A_642 = arith.addi %sub3A_640, %add3A_641 : i32
      %mul3A_643 = arith.constant 16 : i32
      %mul3A_644 = arith.muli %add3A_642, %mul3A_643 : i32
      %add3A_645 = arith.addi %add3A_538, %mul3A_644 : i32
      %add3A_646 = vector.broadcast %add3A_645 : i32 to vector<16xi32>
      %add3A_647 = arith.addi %broadcast_in_dim3A_638, %add3A_646 : vector<16xi32>
      %sub3A_648 = arith.subi %add3A_647, %mul3A_58 : vector<16xi32>
      %gather3A_649 = tpu.vector_load_idx %arg4[%sub3A_648] : memref<63504xf32, #tpu.memory_space<vmem>>[vector<16xi32>], vector<16xf32>,
      %add3A_650 = arith.constant 16 : i32
      %add3A_651 = arith.addi %mul3A_533, %add3A_650 : i32
      %swap3A_652 = arith.constant 2 : i32
      %swap3A_653 = arith.index_cast %swap3A_652 : i32 to index
      %swap3A_654 = arith.index_cast %add3A_651 : i32 to index
      %swap3A_655 = tpu.vector_load %arg5[%swap3A_653, %swap3A_654] {strides = array<i32>} : memref<16x2016xf32, #tpu.memory_space<vmem>>, vector<16xf32>,
      tpu.vector_store %arg5[%swap3A_653, %swap3A_654], %gather3A_649 {strides = array<i32>} : memref<16x2016xf32, #tpu.memory_space<vmem>>, vector<16xf32>,
      %add3A_656 = arith.constant 3 : i32
      %add3A_657 = arith.addi %mul3A_32, %add3A_656 : i32
      %broadcast_in_dim3A_658 = arith.constant 0 : i32
      %broadcast_in_dim3A_659 = vector.broadcast %broadcast_in_dim3A_658 : i32 to vector<16xi32>
      %sub3A_660 = arith.constant 0 : i32
      %sub3A_661 = arith.subi %add3A_657, %sub3A_660 : i32
      %add3A_662 = arith.constant 31 : i32
      %add3A_663 = arith.addi %sub3A_661, %add3A_662 : i32
      %mul3A_664 = arith.constant 16 : i32
      %mul3A_665 = arith.muli %add3A_663, %mul3A_664 : i32
      %add3A_666 = arith.addi %add3A_538, %mul3A_665 : i32
      %add3A_667 = vector.broadcast %add3A_666 : i32 to vector<16xi32>
      %add3A_668 = arith.addi %broadcast_in_dim3A_659, %add3A_667 : vector<16xi32>
      %sub3A_669 = arith.subi %add3A_668, %mul3A_58 : vector<16xi32>
      %gather3A_670 = tpu.vector_load_idx %arg4[%sub3A_669] : memref<63504xf32, #tpu.memory_space<vmem>>[vector<16xi32>], vector<16xf32>,
      %add3A_671 = arith.constant 0 : i32
      %add3A_672 = arith.addi %mul3A_533, %add3A_671 : i32
      %swap3A_673 = arith.constant 3 : i32
      %swap3A_674 = arith.index_cast %swap3A_673 : i32 to index
      %swap3A_675 = arith.index_cast %add3A_672 : i32 to index
      %swap3A_676 = tpu.vector_load %arg5[%swap3A_674, %swap3A_675] {strides = array<i32>} : memref<16x2016xf32, #tpu.memory_space<vmem>>, vector<16xf32>,
      tpu.vector_store %arg5[%swap3A_674, %swap3A_675], %gather3A_670 {strides = array<i32>} : memref<16x2016xf32, #tpu.memory_space<vmem>>, vector<16xf32>,
      %broadcast_in_dim3A_677 = arith.constant 0 : i32
      %broadcast_in_dim3A_678 = vector.broadcast %broadcast_in_dim3A_677 : i32 to vector<16xi32>
      %sub3A_679 = arith.constant 16 : i32
      %sub3A_680 = arith.subi %add3A_657, %sub3A_679 : i32
      %add3A_681 = arith.constant 31 : i32
      %add3A_682 = arith.addi %sub3A_680, %add3A_681 : i32
      %mul3A_683 = arith.constant 16 : i32
      %mul3A_684 = arith.muli %add3A_682, %mul3A_683 : i32
      %add3A_685 = arith.addi %add3A_538, %mul3A_684 : i32
      %add3A_686 = vector.broadcast %add3A_685 : i32 to vector<16xi32>
      %add3A_687 = arith.addi %broadcast_in_dim3A_678, %add3A_686 : vector<16xi32>
      %sub3A_688 = arith.subi %add3A_687, %mul3A_58 : vector<16xi32>
      %gather3A_689 = tpu.vector_load_idx %arg4[%sub3A_688] : memref<63504xf32, #tpu.memory_space<vmem>>[vector<16xi32>], vector<16xf32>,
      %add3A_690 = arith.constant 16 : i32
      %add3A_691 = arith.addi %mul3A_533, %add3A_690 : i32
      %swap3A_692 = arith.constant 3 : i32
      %swap3A_693 = arith.index_cast %swap3A_692 : i32 to index
      %swap3A_694 = arith.index_cast %add3A_691 : i32 to index
      %swap3A_695 = tpu.vector_load %arg5[%swap3A_693, %swap3A_694] {strides = array<i32>} : memref<16x2016xf32, #tpu.memory_space<vmem>>, vector<16xf32>,
      tpu.vector_store %arg5[%swap3A_693, %swap3A_694], %gather3A_689 {strides = array<i32>} : memref<16x2016xf32, #tpu.memory_space<vmem>>, vector<16xf32>,
      %add3A_696 = arith.constant 4 : i32
      %add3A_697 = arith.addi %mul3A_32, %add3A_696 : i32
      %broadcast_in_dim3A_698 = arith.constant 0 : i32
      %broadcast_in_dim3A_699 = vector.broadcast %broadcast_in_dim3A_698 : i32 to vector<16xi32>
      %sub3A_700 = arith.constant 0 : i32
      %sub3A_701 = arith.subi %add3A_697, %sub3A_700 : i32
      %add3A_702 = arith.constant 31 : i32
      %add3A_703 = arith.addi %sub3A_701, %add3A_702 : i32
      %mul3A_704 = arith.constant 16 : i32
      %mul3A_705 = arith.muli %add3A_703, %mul3A_704 : i32
      %add3A_706 = arith.addi %add3A_538, %mul3A_705 : i32
      %add3A_707 = vector.broadcast %add3A_706 : i32 to vector<16xi32>
      %add3A_708 = arith.addi %broadcast_in_dim3A_699, %add3A_707 : vector<16xi32>
      %sub3A_709 = arith.subi %add3A_708, %mul3A_58 : vector<16xi32>
      %gather3A_710 = tpu.vector_load_idx %arg4[%sub3A_709] : memref<63504xf32, #tpu.memory_space<vmem>>[vector<16xi32>], vector<16xf32>,
      %add3A_711 = arith.constant 0 : i32
      %add3A_712 = arith.addi %mul3A_533, %add3A_711 : i32
      %swap3A_713 = arith.constant 4 : i32
      %swap3A_714 = arith.index_cast %swap3A_713 : i32 to index
      %swap3A_715 = arith.index_cast %add3A_712 : i32 to index
      %swap3A_716 = tpu.vector_load %arg5[%swap3A_714, %swap3A_715] {strides = array<i32>} : memref<16x2016xf32, #tpu.memory_space<vmem>>, vector<16xf32>,
      tpu.vector_store %arg5[%swap3A_714, %swap3A_715], %gather3A_710 {strides = array<i32>} : memref<16x2016xf32, #tpu.memory_space<vmem>>, vector<16xf32>,
      %broadcast_in_dim3A_717 = arith.constant 0 : i32
      %broadcast_in_dim3A_718 = vector.broadcast %broadcast_in_dim3A_717 : i32 to vector<16xi32>
      %sub3A_719 = arith.constant 16 : i32
      %sub3A_720 = arith.subi %add3A_697, %sub3A_719 : i32
      %add3A_721 = arith.constant 31 : i32
      %add3A_722 = arith.addi %sub3A_720, %add3A_721 : i32
      %mul3A_723 = arith.constant 16 : i32
      %mul3A_724 = arith.muli %add3A_722, %mul3A_723 : i32
      %add3A_725 = arith.addi %add3A_538, %mul3A_724 : i32
      %add3A_726 = vector.broadcast %add3A_725 : i32 to vector<16xi32>
      %add3A_727 = arith.addi %broadcast_in_dim3A_718, %add3A_726 : vector<16xi32>
      %sub3A_728 = arith.subi %add3A_727, %mul3A_58 : vector<16xi32>
      %gather3A_729 = tpu.vector_load_idx %arg4[%sub3A_728] : memref<63504xf32, #tpu.memory_space<vmem>>[vector<16xi32>], vector<16xf32>,
      %add3A_730 = arith.constant 16 : i32
      %add3A_731 = arith.addi %mul3A_533, %add3A_730 : i32
      %swap3A_732 = arith.constant 4 : i32
      %swap3A_733 = arith.index_cast %swap3A_732 : i32 to index
      %swap3A_734 = arith.index_cast %add3A_731 : i32 to index
      %swap3A_735 = tpu.vector_load %arg5[%swap3A_733, %swap3A_734] {strides = array<i32>} : memref<16x2016xf32, #tpu.memory_space<vmem>>, vector<16xf32>,
      tpu.vector_store %arg5[%swap3A_733, %swap3A_734], %gather3A_729 {strides = array<i32>} : memref<16x2016xf32, #tpu.memory_space<vmem>>, vector<16xf32>,
      %add3A_736 = arith.constant 5 : i32
      %add3A_737 = arith.addi %mul3A_32, %add3A_736 : i32
      %broadcast_in_dim3A_738 = arith.constant 0 : i32
      %broadcast_in_dim3A_739 = vector.broadcast %broadcast_in_dim3A_738 : i32 to vector<16xi32>
      %sub3A_740 = arith.constant 0 : i32
      %sub3A_741 = arith.subi %add3A_737, %sub3A_740 : i32
      %add3A_742 = arith.constant 31 : i32
      %add3A_743 = arith.addi %sub3A_741, %add3A_742 : i32
      %mul3A_744 = arith.constant 16 : i32
      %mul3A_745 = arith.muli %add3A_743, %mul3A_744 : i32
      %add3A_746 = arith.addi %add3A_538, %mul3A_745 : i32
      %add3A_747 = vector.broadcast %add3A_746 : i32 to vector<16xi32>
      %add3A_748 = arith.addi %broadcast_in_dim3A_739, %add3A_747 : vector<16xi32>
      %sub3A_749 = arith.subi %add3A_748, %mul3A_58 : vector<16xi32>
      %gather3A_750 = tpu.vector_load_idx %arg4[%sub3A_749] : memref<63504xf32, #tpu.memory_space<vmem>>[vector<16xi32>], vector<16xf32>,
      %add3A_751 = arith.constant 0 : i32
      %add3A_752 = arith.addi %mul3A_533, %add3A_751 : i32
      %swap3A_753 = arith.constant 5 : i32
      %swap3A_754 = arith.index_cast %swap3A_753 : i32 to index
      %swap3A_755 = arith.index_cast %add3A_752 : i32 to index
      %swap3A_756 = tpu.vector_load %arg5[%swap3A_754, %swap3A_755] {strides = array<i32>} : memref<16x2016xf32, #tpu.memory_space<vmem>>, vector<16xf32>,
      tpu.vector_store %arg5[%swap3A_754, %swap3A_755], %gather3A_750 {strides = array<i32>} : memref<16x2016xf32, #tpu.memory_space<vmem>>, vector<16xf32>,
      %broadcast_in_dim3A_757 = arith.constant 0 : i32
      %broadcast_in_dim3A_758 = vector.broadcast %broadcast_in_dim3A_757 : i32 to vector<16xi32>
      %sub3A_759 = arith.constant 16 : i32
      %sub3A_760 = arith.subi %add3A_737, %sub3A_759 : i32
      %add3A_761 = arith.constant 31 : i32
      %add3A_762 = arith.addi %sub3A_760, %add3A_761 : i32
      %mul3A_763 = arith.constant 16 : i32
      %mul3A_764 = arith.muli %add3A_762, %mul3A_763 : i32
      %add3A_765 = arith.addi %add3A_538, %mul3A_764 : i32
      %add3A_766 = vector.broadcast %add3A_765 : i32 to vector<16xi32>
      %add3A_767 = arith.addi %broadcast_in_dim3A_758, %add3A_766 : vector<16xi32>
      %sub3A_768 = arith.subi %add3A_767, %mul3A_58 : vector<16xi32>
      %gather3A_769 = tpu.vector_load_idx %arg4[%sub3A_768] : memref<63504xf32, #tpu.memory_space<vmem>>[vector<16xi32>], vector<16xf32>,
      %add3A_770 = arith.constant 16 : i32
      %add3A_771 = arith.addi %mul3A_533, %add3A_770 : i32
      %swap3A_772 = arith.constant 5 : i32
      %swap3A_773 = arith.index_cast %swap3A_772 : i32 to index
      %swap3A_774 = arith.index_cast %add3A_771 : i32 to index
      %swap3A_775 = tpu.vector_load %arg5[%swap3A_773, %swap3A_774] {strides = array<i32>} : memref<16x2016xf32, #tpu.memory_space<vmem>>, vector<16xf32>,
      tpu.vector_store %arg5[%swap3A_773, %swap3A_774], %gather3A_769 {strides = array<i32>} : memref<16x2016xf32, #tpu.memory_space<vmem>>, vector<16xf32>,
      %add3A_776 = arith.constant 6 : i32
      %add3A_777 = arith.addi %mul3A_32, %add3A_776 : i32
      %broadcast_in_dim3A_778 = arith.constant 0 : i32
      %broadcast_in_dim3A_779 = vector.broadcast %broadcast_in_dim3A_778 : i32 to vector<16xi32>
      %sub3A_780 = arith.constant 0 : i32
      %sub3A_781 = arith.subi %add3A_777, %sub3A_780 : i32
      %add3A_782 = arith.constant 31 : i32
      %add3A_783 = arith.addi %sub3A_781, %add3A_782 : i32
      %mul3A_784 = arith.constant 16 : i32
      %mul3A_785 = arith.muli %add3A_783, %mul3A_784 : i32
      %add3A_786 = arith.addi %add3A_538, %mul3A_785 : i32
      %add3A_787 = vector.broadcast %add3A_786 : i32 to vector<16xi32>
      %add3A_788 = arith.addi %broadcast_in_dim3A_779, %add3A_787 : vector<16xi32>
      %sub3A_789 = arith.subi %add3A_788, %mul3A_58 : vector<16xi32>
      %gather3A_790 = tpu.vector_load_idx %arg4[%sub3A_789] : memref<63504xf32, #tpu.memory_space<vmem>>[vector<16xi32>], vector<16xf32>,
      %add3A_791 = arith.constant 0 : i32
      %add3A_792 = arith.addi %mul3A_533, %add3A_791 : i32
      %swap3A_793 = arith.constant 6 : i32
      %swap3A_794 = arith.index_cast %swap3A_793 : i32 to index
      %swap3A_795 = arith.index_cast %add3A_792 : i32 to index
      %swap3A_796 = tpu.vector_load %arg5[%swap3A_794, %swap3A_795] {strides = array<i32>} : memref<16x2016xf32, #tpu.memory_space<vmem>>, vector<16xf32>,
      tpu.vector_store %arg5[%swap3A_794, %swap3A_795], %gather3A_790 {strides = array<i32>} : memref<16x2016xf32, #tpu.memory_space<vmem>>, vector<16xf32>,
      %broadcast_in_dim3A_797 = arith.constant 0 : i32
      %broadcast_in_dim3A_798 = vector.broadcast %broadcast_in_dim3A_797 : i32 to vector<16xi32>
      %sub3A_799 = arith.constant 16 : i32
      %sub3A_800 = arith.subi %add3A_777, %sub3A_799 : i32
      %add3A_801 = arith.constant 31 : i32
      %add3A_802 = arith.addi %sub3A_800, %add3A_801 : i32
      %mul3A_803 = arith.constant 16 : i32
      %mul3A_804 = arith.muli %add3A_802, %mul3A_803 : i32
      %add3A_805 = arith.addi %add3A_538, %mul3A_804 : i32
      %add3A_806 = vector.broadcast %add3A_805 : i32 to vector<16xi32>
      %add3A_807 = arith.addi %broadcast_in_dim3A_798, %add3A_806 : vector<16xi32>
      %sub3A_808 = arith.subi %add3A_807, %mul3A_58 : vector<16xi32>
      %gather3A_809 = tpu.vector_load_idx %arg4[%sub3A_808] : memref<63504xf32, #tpu.memory_space<vmem>>[vector<16xi32>], vector<16xf32>,
      %add3A_810 = arith.constant 16 : i32
      %add3A_811 = arith.addi %mul3A_533, %add3A_810 : i32
      %swap3A_812 = arith.constant 6 : i32
      %swap3A_813 = arith.index_cast %swap3A_812 : i32 to index
      %swap3A_814 = arith.index_cast %add3A_811 : i32 to index
      %swap3A_815 = tpu.vector_load %arg5[%swap3A_813, %swap3A_814] {strides = array<i32>} : memref<16x2016xf32, #tpu.memory_space<vmem>>, vector<16xf32>,
      tpu.vector_store %arg5[%swap3A_813, %swap3A_814], %gather3A_809 {strides = array<i32>} : memref<16x2016xf32, #tpu.memory_space<vmem>>, vector<16xf32>,
      %add3A_816 = arith.constant 7 : i32
      %add3A_817 = arith.addi %mul3A_32, %add3A_816 : i32
      %broadcast_in_dim3A_818 = arith.constant 0 : i32
      %broadcast_in_dim3A_819 = vector.broadcast %broadcast_in_dim3A_818 : i32 to vector<16xi32>
      %sub3A_820 = arith.constant 0 : i32
      %sub3A_821 = arith.subi %add3A_817, %sub3A_820 : i32
      %add3A_822 = arith.constant 31 : i32
      %add3A_823 = arith.addi %sub3A_821, %add3A_822 : i32
      %mul3A_824 = arith.constant 16 : i32
      %mul3A_825 = arith.muli %add3A_823, %mul3A_824 : i32
      %add3A_826 = arith.addi %add3A_538, %mul3A_825 : i32
      %add3A_827 = vector.broadcast %add3A_826 : i32 to vector<16xi32>
      %add3A_828 = arith.addi %broadcast_in_dim3A_819, %add3A_827 : vector<16xi32>
      %sub3A_829 = arith.subi %add3A_828, %mul3A_58 : vector<16xi32>
      %gather3A_830 = tpu.vector_load_idx %arg4[%sub3A_829] : memref<63504xf32, #tpu.memory_space<vmem>>[vector<16xi32>], vector<16xf32>,
      %add3A_831 = arith.constant 0 : i32
      %add3A_832 = arith.addi %mul3A_533, %add3A_831 : i32
      %swap3A_833 = arith.constant 7 : i32
      %swap3A_834 = arith.index_cast %swap3A_833 : i32 to index
      %swap3A_835 = arith.index_cast %add3A_832 : i32 to index
      %swap3A_836 = tpu.vector_load %arg5[%swap3A_834, %swap3A_835] {strides = array<i32>} : memref<16x2016xf32, #tpu.memory_space<vmem>>, vector<16xf32>,
      tpu.vector_store %arg5[%swap3A_834, %swap3A_835], %gather3A_830 {strides = array<i32>} : memref<16x2016xf32, #tpu.memory_space<vmem>>, vector<16xf32>,
      %broadcast_in_dim3A_837 = arith.constant 0 : i32
      %broadcast_in_dim3A_838 = vector.broadcast %broadcast_in_dim3A_837 : i32 to vector<16xi32>
      %sub3A_839 = arith.constant 16 : i32
      %sub3A_840 = arith.subi %add3A_817, %sub3A_839 : i32
      %add3A_841 = arith.constant 31 : i32
      %add3A_842 = arith.addi %sub3A_840, %add3A_841 : i32
      %mul3A_843 = arith.constant 16 : i32
      %mul3A_844 = arith.muli %add3A_842, %mul3A_843 : i32
      %add3A_845 = arith.addi %add3A_538, %mul3A_844 : i32
      %add3A_846 = vector.broadcast %add3A_845 : i32 to vector<16xi32>
      %add3A_847 = arith.addi %broadcast_in_dim3A_838, %add3A_846 : vector<16xi32>
      %sub3A_848 = arith.subi %add3A_847, %mul3A_58 : vector<16xi32>
      %gather3A_849 = tpu.vector_load_idx %arg4[%sub3A_848] : memref<63504xf32, #tpu.memory_space<vmem>>[vector<16xi32>], vector<16xf32>,
      %add3A_850 = arith.constant 16 : i32
      %add3A_851 = arith.addi %mul3A_533, %add3A_850 : i32
      %swap3A_852 = arith.constant 7 : i32
      %swap3A_853 = arith.index_cast %swap3A_852 : i32 to index
      %swap3A_854 = arith.index_cast %add3A_851 : i32 to index
      %swap3A_855 = tpu.vector_load %arg5[%swap3A_853, %swap3A_854] {strides = array<i32>} : memref<16x2016xf32, #tpu.memory_space<vmem>>, vector<16xf32>,
      tpu.vector_store %arg5[%swap3A_853, %swap3A_854], %gather3A_849 {strides = array<i32>} : memref<16x2016xf32, #tpu.memory_space<vmem>>, vector<16xf32>,
      %add3A_856 = arith.constant 8 : i32
      %add3A_857 = arith.addi %mul3A_32, %add3A_856 : i32
      %broadcast_in_dim3A_858 = arith.constant 0 : i32
      %broadcast_in_dim3A_859 = vector.broadcast %broadcast_in_dim3A_858 : i32 to vector<16xi32>
      %sub3A_860 = arith.constant 0 : i32
      %sub3A_861 = arith.subi %add3A_857, %sub3A_860 : i32
      %add3A_862 = arith.constant 31 : i32
      %add3A_863 = arith.addi %sub3A_861, %add3A_862 : i32
      %mul3A_864 = arith.constant 16 : i32
      %mul3A_865 = arith.muli %add3A_863, %mul3A_864 : i32
      %add3A_866 = arith.addi %add3A_538, %mul3A_865 : i32
      %add3A_867 = vector.broadcast %add3A_866 : i32 to vector<16xi32>
      %add3A_868 = arith.addi %broadcast_in_dim3A_859, %add3A_867 : vector<16xi32>
      %sub3A_869 = arith.subi %add3A_868, %mul3A_58 : vector<16xi32>
      %gather3A_870 = tpu.vector_load_idx %arg4[%sub3A_869] : memref<63504xf32, #tpu.memory_space<vmem>>[vector<16xi32>], vector<16xf32>,
      %add3A_871 = arith.constant 0 : i32
      %add3A_872 = arith.addi %mul3A_533, %add3A_871 : i32
      %swap3A_873 = arith.constant 8 : i32
      %swap3A_874 = arith.index_cast %swap3A_873 : i32 to index
      %swap3A_875 = arith.index_cast %add3A_872 : i32 to index
      %swap3A_876 = tpu.vector_load %arg5[%swap3A_874, %swap3A_875] {strides = array<i32>} : memref<16x2016xf32, #tpu.memory_space<vmem>>, vector<16xf32>,
      tpu.vector_store %arg5[%swap3A_874, %swap3A_875], %gather3A_870 {strides = array<i32>} : memref<16x2016xf32, #tpu.memory_space<vmem>>, vector<16xf32>,
      %broadcast_in_dim3A_877 = arith.constant 0 : i32
      %broadcast_in_dim3A_878 = vector.broadcast %broadcast_in_dim3A_877 : i32 to vector<16xi32>
      %sub3A_879 = arith.constant 16 : i32
      %sub3A_880 = arith.subi %add3A_857, %sub3A_879 : i32
      %add3A_881 = arith.constant 31 : i32
      %add3A_882 = arith.addi %sub3A_880, %add3A_881 : i32
      %mul3A_883 = arith.constant 16 : i32
      %mul3A_884 = arith.muli %add3A_882, %mul3A_883 : i32
      %add3A_885 = arith.addi %add3A_538, %mul3A_884 : i32
      %add3A_886 = vector.broadcast %add3A_885 : i32 to vector<16xi32>
      %add3A_887 = arith.addi %broadcast_in_dim3A_878, %add3A_886 : vector<16xi32>
      %sub3A_888 = arith.subi %add3A_887, %mul3A_58 : vector<16xi32>
      %gather3A_889 = tpu.vector_load_idx %arg4[%sub3A_888] : memref<63504xf32, #tpu.memory_space<vmem>>[vector<16xi32>], vector<16xf32>,
      %add3A_890 = arith.constant 16 : i32
      %add3A_891 = arith.addi %mul3A_533, %add3A_890 : i32
      %swap3A_892 = arith.constant 8 : i32
      %swap3A_893 = arith.index_cast %swap3A_892 : i32 to index
      %swap3A_894 = arith.index_cast %add3A_891 : i32 to index
      %swap3A_895 = tpu.vector_load %arg5[%swap3A_893, %swap3A_894] {strides = array<i32>} : memref<16x2016xf32, #tpu.memory_space<vmem>>, vector<16xf32>,
      tpu.vector_store %arg5[%swap3A_893, %swap3A_894], %gather3A_889 {strides = array<i32>} : memref<16x2016xf32, #tpu.memory_space<vmem>>, vector<16xf32>,
      %add3A_896 = arith.constant 9 : i32
      %add3A_897 = arith.addi %mul3A_32, %add3A_896 : i32
      %broadcast_in_dim3A_898 = arith.constant 0 : i32
      %broadcast_in_dim3A_899 = vector.broadcast %broadcast_in_dim3A_898 : i32 to vector<16xi32>
      %sub3A_900 = arith.constant 0 : i32
      %sub3A_901 = arith.subi %add3A_897, %sub3A_900 : i32
      %add3A_902 = arith.constant 31 : i32
      %add3A_903 = arith.addi %sub3A_901, %add3A_902 : i32
      %mul3A_904 = arith.constant 16 : i32
      %mul3A_905 = arith.muli %add3A_903, %mul3A_904 : i32
      %add3A_906 = arith.addi %add3A_538, %mul3A_905 : i32
      %add3A_907 = vector.broadcast %add3A_906 : i32 to vector<16xi32>
      %add3A_908 = arith.addi %broadcast_in_dim3A_899, %add3A_907 : vector<16xi32>
      %sub3A_909 = arith.subi %add3A_908, %mul3A_58 : vector<16xi32>
      %gather3A_910 = tpu.vector_load_idx %arg4[%sub3A_909] : memref<63504xf32, #tpu.memory_space<vmem>>[vector<16xi32>], vector<16xf32>,
      %add3A_911 = arith.constant 0 : i32
      %add3A_912 = arith.addi %mul3A_533, %add3A_911 : i32
      %swap3A_913 = arith.constant 9 : i32
      %swap3A_914 = arith.index_cast %swap3A_913 : i32 to index
      %swap3A_915 = arith.index_cast %add3A_912 : i32 to index
      %swap3A_916 = tpu.vector_load %arg5[%swap3A_914, %swap3A_915] {strides = array<i32>} : memref<16x2016xf32, #tpu.memory_space<vmem>>, vector<16xf32>,
      tpu.vector_store %arg5[%swap3A_914, %swap3A_915], %gather3A_910 {strides = array<i32>} : memref<16x2016xf32, #tpu.memory_space<vmem>>, vector<16xf32>,
      %broadcast_in_dim3A_917 = arith.constant 0 : i32
      %broadcast_in_dim3A_918 = vector.broadcast %broadcast_in_dim3A_917 : i32 to vector<16xi32>
      %sub3A_919 = arith.constant 16 : i32
      %sub3A_920 = arith.subi %add3A_897, %sub3A_919 : i32
      %add3A_921 = arith.constant 31 : i32
      %add3A_922 = arith.addi %sub3A_920, %add3A_921 : i32
      %mul3A_923 = arith.constant 16 : i32
      %mul3A_924 = arith.muli %add3A_922, %mul3A_923 : i32
      %add3A_925 = arith.addi %add3A_538, %mul3A_924 : i32
      %add3A_926 = vector.broadcast %add3A_925 : i32 to vector<16xi32>
      %add3A_927 = arith.addi %broadcast_in_dim3A_918, %add3A_926 : vector<16xi32>
      %sub3A_928 = arith.subi %add3A_927, %mul3A_58 : vector<16xi32>
      %gather3A_929 = tpu.vector_load_idx %arg4[%sub3A_928] : memref<63504xf32, #tpu.memory_space<vmem>>[vector<16xi32>], vector<16xf32>,
      %add3A_930 = arith.constant 16 : i32
      %add3A_931 = arith.addi %mul3A_533, %add3A_930 : i32
      %swap3A_932 = arith.constant 9 : i32
      %swap3A_933 = arith.index_cast %swap3A_932 : i32 to index
      %swap3A_934 = arith.index_cast %add3A_931 : i32 to index
      %swap3A_935 = tpu.vector_load %arg5[%swap3A_933, %swap3A_934] {strides = array<i32>} : memref<16x2016xf32, #tpu.memory_space<vmem>>, vector<16xf32>,
      tpu.vector_store %arg5[%swap3A_933, %swap3A_934], %gather3A_929 {strides = array<i32>} : memref<16x2016xf32, #tpu.memory_space<vmem>>, vector<16xf32>,
      %add3A_936 = arith.constant 10 : i32
      %add3A_937 = arith.addi %mul3A_32, %add3A_936 : i32
      %broadcast_in_dim3A_938 = arith.constant 0 : i32
      %broadcast_in_dim3A_939 = vector.broadcast %broadcast_in_dim3A_938 : i32 to vector<16xi32>
      %sub3A_940 = arith.constant 0 : i32
      %sub3A_941 = arith.subi %add3A_937, %sub3A_940 : i32
      %add3A_942 = arith.constant 31 : i32
      %add3A_943 = arith.addi %sub3A_941, %add3A_942 : i32
      %mul3A_944 = arith.constant 16 : i32
      %mul3A_945 = arith.muli %add3A_943, %mul3A_944 : i32
      %add3A_946 = arith.addi %add3A_538, %mul3A_945 : i32
      %add3A_947 = vector.broadcast %add3A_946 : i32 to vector<16xi32>
      %add3A_948 = arith.addi %broadcast_in_dim3A_939, %add3A_947 : vector<16xi32>
      %sub3A_949 = arith.subi %add3A_948, %mul3A_58 : vector<16xi32>
      %gather3A_950 = tpu.vector_load_idx %arg4[%sub3A_949] : memref<63504xf32, #tpu.memory_space<vmem>>[vector<16xi32>], vector<16xf32>,
      %add3A_951 = arith.constant 0 : i32
      %add3A_952 = arith.addi %mul3A_533, %add3A_951 : i32
      %swap3A_953 = arith.constant 10 : i32
      %swap3A_954 = arith.index_cast %swap3A_953 : i32 to index
      %swap3A_955 = arith.index_cast %add3A_952 : i32 to index
      %swap3A_956 = tpu.vector_load %arg5[%swap3A_954, %swap3A_955] {strides = array<i32>} : memref<16x2016xf32, #tpu.memory_space<vmem>>, vector<16xf32>,
      tpu.vector_store %arg5[%swap3A_954, %swap3A_955], %gather3A_950 {strides = array<i32>} : memref<16x2016xf32, #tpu.memory_space<vmem>>, vector<16xf32>,
      %broadcast_in_dim3A_957 = arith.constant 0 : i32
      %broadcast_in_dim3A_958 = vector.broadcast %broadcast_in_dim3A_957 : i32 to vector<16xi32>
      %sub3A_959 = arith.constant 16 : i32
      %sub3A_960 = arith.subi %add3A_937, %sub3A_959 : i32
      %add3A_961 = arith.constant 31 : i32
      %add3A_962 = arith.addi %sub3A_960, %add3A_961 : i32
      %mul3A_963 = arith.constant 16 : i32
      %mul3A_964 = arith.muli %add3A_962, %mul3A_963 : i32
      %add3A_965 = arith.addi %add3A_538, %mul3A_964 : i32
      %add3A_966 = vector.broadcast %add3A_965 : i32 to vector<16xi32>
      %add3A_967 = arith.addi %broadcast_in_dim3A_958, %add3A_966 : vector<16xi32>
      %sub3A_968 = arith.subi %add3A_967, %mul3A_58 : vector<16xi32>
      %gather3A_969 = tpu.vector_load_idx %arg4[%sub3A_968] : memref<63504xf32, #tpu.memory_space<vmem>>[vector<16xi32>], vector<16xf32>,
      %add3A_970 = arith.constant 16 : i32
      %add3A_971 = arith.addi %mul3A_533, %add3A_970 : i32
      %swap3A_972 = arith.constant 10 : i32
      %swap3A_973 = arith.index_cast %swap3A_972 : i32 to index
      %swap3A_974 = arith.index_cast %add3A_971 : i32 to index
      %swap3A_975 = tpu.vector_load %arg5[%swap3A_973, %swap3A_974] {strides = array<i32>} : memref<16x2016xf32, #tpu.memory_space<vmem>>, vector<16xf32>,
      tpu.vector_store %arg5[%swap3A_973, %swap3A_974], %gather3A_969 {strides = array<i32>} : memref<16x2016xf32, #tpu.memory_space<vmem>>, vector<16xf32>,
      %add3A_976 = arith.constant 11 : i32
      %add3A_977 = arith.addi %mul3A_32, %add3A_976 : i32
      %broadcast_in_dim3A_978 = arith.constant 0 : i32
      %broadcast_in_dim3A_979 = vector.broadcast %broadcast_in_dim3A_978 : i32 to vector<16xi32>
      %sub3A_980 = arith.constant 0 : i32
      %sub3A_981 = arith.subi %add3A_977, %sub3A_980 : i32
      %add3A_982 = arith.constant 31 : i32
      %add3A_983 = arith.addi %sub3A_981, %add3A_982 : i32
      %mul3A_984 = arith.constant 16 : i32
      %mul3A_985 = arith.muli %add3A_983, %mul3A_984 : i32
      %add3A_986 = arith.addi %add3A_538, %mul3A_985 : i32
      %add3A_987 = vector.broadcast %add3A_986 : i32 to vector<16xi32>
      %add3A_988 = arith.addi %broadcast_in_dim3A_979, %add3A_987 : vector<16xi32>
      %sub3A_989 = arith.subi %add3A_988, %mul3A_58 : vector<16xi32>
      %gather3A_990 = tpu.vector_load_idx %arg4[%sub3A_989] : memref<63504xf32, #tpu.memory_space<vmem>>[vector<16xi32>], vector<16xf32>,
      %add3A_991 = arith.constant 0 : i32
      %add3A_992 = arith.addi %mul3A_533, %add3A_991 : i32
      %swap3A_993 = arith.constant 11 : i32
      %swap3A_994 = arith.index_cast %swap3A_993 : i32 to index
      %swap3A_995 = arith.index_cast %add3A_992 : i32 to index
      %swap3A_996 = tpu.vector_load %arg5[%swap3A_994, %swap3A_995] {strides = array<i32>} : memref<16x2016xf32, #tpu.memory_space<vmem>>, vector<16xf32>,
      tpu.vector_store %arg5[%swap3A_994, %swap3A_995], %gather3A_990 {strides = array<i32>} : memref<16x2016xf32, #tpu.memory_space<vmem>>, vector<16xf32>,
      %broadcast_in_dim3A_997 = arith.constant 0 : i32
      %broadcast_in_dim3A_998 = vector.broadcast %broadcast_in_dim3A_997 : i32 to vector<16xi32>
      %sub3A_999 = arith.constant 16 : i32
      %sub3A_1000 = arith.subi %add3A_977, %sub3A_999 : i32
      %add3A_1001 = arith.constant 31 : i32
      %add3A_1002 = arith.addi %sub3A_1000, %add3A_1001 : i32
      %mul3A_1003 = arith.constant 16 : i32
      %mul3A_1004 = arith.muli %add3A_1002, %mul3A_1003 : i32
      %add3A_1005 = arith.addi %add3A_538, %mul3A_1004 : i32
      %add3A_1006 = vector.broadcast %add3A_1005 : i32 to vector<16xi32>
      %add3A_1007 = arith.addi %broadcast_in_dim3A_998, %add3A_1006 : vector<16xi32>
      %sub3A_1008 = arith.subi %add3A_1007, %mul3A_58 : vector<16xi32>
      %gather3A_1009 = tpu.vector_load_idx %arg4[%sub3A_1008] : memref<63504xf32, #tpu.memory_space<vmem>>[vector<16xi32>], vector<16xf32>,
      %add3A_1010 = arith.constant 16 : i32
      %add3A_1011 = arith.addi %mul3A_533, %add3A_1010 : i32
      %swap3A_1012 = arith.constant 11 : i32
      %swap3A_1013 = arith.index_cast %swap3A_1012 : i32 to index
      %swap3A_1014 = arith.index_cast %add3A_1011 : i32 to index
      %swap3A_1015 = tpu.vector_load %arg5[%swap3A_1013, %swap3A_1014] {strides = array<i32>} : memref<16x2016xf32, #tpu.memory_space<vmem>>, vector<16xf32>,
      tpu.vector_store %arg5[%swap3A_1013, %swap3A_1014], %gather3A_1009 {strides = array<i32>} : memref<16x2016xf32, #tpu.memory_space<vmem>>, vector<16xf32>,
      %add3A_1016 = arith.constant 12 : i32
      %add3A_1017 = arith.addi %mul3A_32, %add3A_1016 : i32
      %broadcast_in_dim3A_1018 = arith.constant 0 : i32
      %broadcast_in_dim3A_1019 = vector.broadcast %broadcast_in_dim3A_1018 : i32 to vector<16xi32>
      %sub3A_1020 = arith.constant 0 : i32
      %sub3A_1021 = arith.subi %add3A_1017, %sub3A_1020 : i32
      %add3A_1022 = arith.constant 31 : i32
      %add3A_1023 = arith.addi %sub3A_1021, %add3A_1022 : i32
      %mul3A_1024 = arith.constant 16 : i32
      %mul3A_1025 = arith.muli %add3A_1023, %mul3A_1024 : i32
      %add3A_1026 = arith.addi %add3A_538, %mul3A_1025 : i32
      %add3A_1027 = vector.broadcast %add3A_1026 : i32 to vector<16xi32>
      %add3A_1028 = arith.addi %broadcast_in_dim3A_1019, %add3A_1027 : vector<16xi32>
      %sub3A_1029 = arith.subi %add3A_1028, %mul3A_58 : vector<16xi32>
      %gather3A_1030 = tpu.vector_load_idx %arg4[%sub3A_1029] : memref<63504xf32, #tpu.memory_space<vmem>>[vector<16xi32>], vector<16xf32>,
      %add3A_1031 = arith.constant 0 : i32
      %add3A_1032 = arith.addi %mul3A_533, %add3A_1031 : i32
      %swap3A_1033 = arith.constant 12 : i32
      %swap3A_1034 = arith.index_cast %swap3A_1033 : i32 to index
      %swap3A_1035 = arith.index_cast %add3A_1032 : i32 to index
      %swap3A_1036 = tpu.vector_load %arg5[%swap3A_1034, %swap3A_1035] {strides = array<i32>} : memref<16x2016xf32, #tpu.memory_space<vmem>>, vector<16xf32>,
      tpu.vector_store %arg5[%swap3A_1034, %swap3A_1035], %gather3A_1030 {strides = array<i32>} : memref<16x2016xf32, #tpu.memory_space<vmem>>, vector<16xf32>,
      %broadcast_in_dim3A_1037 = arith.constant 0 : i32
      %broadcast_in_dim3A_1038 = vector.broadcast %broadcast_in_dim3A_1037 : i32 to vector<16xi32>
      %sub3A_1039 = arith.constant 16 : i32
      %sub3A_1040 = arith.subi %add3A_1017, %sub3A_1039 : i32
      %add3A_1041 = arith.constant 31 : i32
      %add3A_1042 = arith.addi %sub3A_1040, %add3A_1041 : i32
      %mul3A_1043 = arith.constant 16 : i32
      %mul3A_1044 = arith.muli %add3A_1042, %mul3A_1043 : i32
      %add3A_1045 = arith.addi %add3A_538, %mul3A_1044 : i32
      %add3A_1046 = vector.broadcast %add3A_1045 : i32 to vector<16xi32>
      %add3A_1047 = arith.addi %broadcast_in_dim3A_1038, %add3A_1046 : vector<16xi32>
      %sub3A_1048 = arith.subi %add3A_1047, %mul3A_58 : vector<16xi32>
      %gather3A_1049 = tpu.vector_load_idx %arg4[%sub3A_1048] : memref<63504xf32, #tpu.memory_space<vmem>>[vector<16xi32>], vector<16xf32>,
      %add3A_1050 = arith.constant 16 : i32
      %add3A_1051 = arith.addi %mul3A_533, %add3A_1050 : i32
      %swap3A_1052 = arith.constant 12 : i32
      %swap3A_1053 = arith.index_cast %swap3A_1052 : i32 to index
      %swap3A_1054 = arith.index_cast %add3A_1051 : i32 to index
      %swap3A_1055 = tpu.vector_load %arg5[%swap3A_1053, %swap3A_1054] {strides = array<i32>} : memref<16x2016xf32, #tpu.memory_space<vmem>>, vector<16xf32>,
      tpu.vector_store %arg5[%swap3A_1053, %swap3A_1054], %gather3A_1049 {strides = array<i32>} : memref<16x2016xf32, #tpu.memory_space<vmem>>, vector<16xf32>,
      %add3A_1056 = arith.constant 13 : i32
      %add3A_1057 = arith.addi %mul3A_32, %add3A_1056 : i32
      %broadcast_in_dim3A_1058 = arith.constant 0 : i32
      %broadcast_in_dim3A_1059 = vector.broadcast %broadcast_in_dim3A_1058 : i32 to vector<16xi32>
      %sub3A_1060 = arith.constant 0 : i32
      %sub3A_1061 = arith.subi %add3A_1057, %sub3A_1060 : i32
      %add3A_1062 = arith.constant 31 : i32
      %add3A_1063 = arith.addi %sub3A_1061, %add3A_1062 : i32
      %mul3A_1064 = arith.constant 16 : i32
      %mul3A_1065 = arith.muli %add3A_1063, %mul3A_1064 : i32
      %add3A_1066 = arith.addi %add3A_538, %mul3A_1065 : i32
      %add3A_1067 = vector.broadcast %add3A_1066 : i32 to vector<16xi32>
      %add3A_1068 = arith.addi %broadcast_in_dim3A_1059, %add3A_1067 : vector<16xi32>
      %sub3A_1069 = arith.subi %add3A_1068, %mul3A_58 : vector<16xi32>
      %gather3A_1070 = tpu.vector_load_idx %arg4[%sub3A_1069] : memref<63504xf32, #tpu.memory_space<vmem>>[vector<16xi32>], vector<16xf32>,
      %add3A_1071 = arith.constant 0 : i32
      %add3A_1072 = arith.addi %mul3A_533, %add3A_1071 : i32
      %swap3A_1073 = arith.constant 13 : i32
      %swap3A_1074 = arith.index_cast %swap3A_1073 : i32 to index
      %swap3A_1075 = arith.index_cast %add3A_1072 : i32 to index
      %swap3A_1076 = tpu.vector_load %arg5[%swap3A_1074, %swap3A_1075] {strides = array<i32>} : memref<16x2016xf32, #tpu.memory_space<vmem>>, vector<16xf32>,
      tpu.vector_store %arg5[%swap3A_1074, %swap3A_1075], %gather3A_1070 {strides = array<i32>} : memref<16x2016xf32, #tpu.memory_space<vmem>>, vector<16xf32>,
      %broadcast_in_dim3A_1077 = arith.constant 0 : i32
      %broadcast_in_dim3A_1078 = vector.broadcast %broadcast_in_dim3A_1077 : i32 to vector<16xi32>
      %sub3A_1079 = arith.constant 16 : i32
      %sub3A_1080 = arith.subi %add3A_1057, %sub3A_1079 : i32
      %add3A_1081 = arith.constant 31 : i32
      %add3A_1082 = arith.addi %sub3A_1080, %add3A_1081 : i32
      %mul3A_1083 = arith.constant 16 : i32
      %mul3A_1084 = arith.muli %add3A_1082, %mul3A_1083 : i32
      %add3A_1085 = arith.addi %add3A_538, %mul3A_1084 : i32
      %add3A_1086 = vector.broadcast %add3A_1085 : i32 to vector<16xi32>
      %add3A_1087 = arith.addi %broadcast_in_dim3A_1078, %add3A_1086 : vector<16xi32>
      %sub3A_1088 = arith.subi %add3A_1087, %mul3A_58 : vector<16xi32>
      %gather3A_1089 = tpu.vector_load_idx %arg4[%sub3A_1088] : memref<63504xf32, #tpu.memory_space<vmem>>[vector<16xi32>], vector<16xf32>,
      %add3A_1090 = arith.constant 16 : i32
      %add3A_1091 = arith.addi %mul3A_533, %add3A_1090 : i32
      %swap3A_1092 = arith.constant 13 : i32
      %swap3A_1093 = arith.index_cast %swap3A_1092 : i32 to index
      %swap3A_1094 = arith.index_cast %add3A_1091 : i32 to index
      %swap3A_1095 = tpu.vector_load %arg5[%swap3A_1093, %swap3A_1094] {strides = array<i32>} : memref<16x2016xf32, #tpu.memory_space<vmem>>, vector<16xf32>,
      tpu.vector_store %arg5[%swap3A_1093, %swap3A_1094], %gather3A_1089 {strides = array<i32>} : memref<16x2016xf32, #tpu.memory_space<vmem>>, vector<16xf32>,
      %add3A_1096 = arith.constant 14 : i32
      %add3A_1097 = arith.addi %mul3A_32, %add3A_1096 : i32
      %broadcast_in_dim3A_1098 = arith.constant 0 : i32
      %broadcast_in_dim3A_1099 = vector.broadcast %broadcast_in_dim3A_1098 : i32 to vector<16xi32>
      %sub3A_1100 = arith.constant 0 : i32
      %sub3A_1101 = arith.subi %add3A_1097, %sub3A_1100 : i32
      %add3A_1102 = arith.constant 31 : i32
      %add3A_1103 = arith.addi %sub3A_1101, %add3A_1102 : i32
      %mul3A_1104 = arith.constant 16 : i32
      %mul3A_1105 = arith.muli %add3A_1103, %mul3A_1104 : i32
      %add3A_1106 = arith.addi %add3A_538, %mul3A_1105 : i32
      %add3A_1107 = vector.broadcast %add3A_1106 : i32 to vector<16xi32>
      %add3A_1108 = arith.addi %broadcast_in_dim3A_1099, %add3A_1107 : vector<16xi32>
      %sub3A_1109 = arith.subi %add3A_1108, %mul3A_58 : vector<16xi32>
      %gather3A_1110 = tpu.vector_load_idx %arg4[%sub3A_1109] : memref<63504xf32, #tpu.memory_space<vmem>>[vector<16xi32>], vector<16xf32>,
      %add3A_1111 = arith.constant 0 : i32
      %add3A_1112 = arith.addi %mul3A_533, %add3A_1111 : i32
      %swap3A_1113 = arith.constant 14 : i32
      %swap3A_1114 = arith.index_cast %swap3A_1113 : i32 to index
      %swap3A_1115 = arith.index_cast %add3A_1112 : i32 to index
      %swap3A_1116 = tpu.vector_load %arg5[%swap3A_1114, %swap3A_1115] {strides = array<i32>} : memref<16x2016xf32, #tpu.memory_space<vmem>>, vector<16xf32>,
      tpu.vector_store %arg5[%swap3A_1114, %swap3A_1115], %gather3A_1110 {strides = array<i32>} : memref<16x2016xf32, #tpu.memory_space<vmem>>, vector<16xf32>,
      %broadcast_in_dim3A_1117 = arith.constant 0 : i32
      %broadcast_in_dim3A_1118 = vector.broadcast %broadcast_in_dim3A_1117 : i32 to vector<16xi32>
      %sub3A_1119 = arith.constant 16 : i32
      %sub3A_1120 = arith.subi %add3A_1097, %sub3A_1119 : i32
      %add3A_1121 = arith.constant 31 : i32
      %add3A_1122 = arith.addi %sub3A_1120, %add3A_1121 : i32
      %mul3A_1123 = arith.constant 16 : i32
      %mul3A_1124 = arith.muli %add3A_1122, %mul3A_1123 : i32
      %add3A_1125 = arith.addi %add3A_538, %mul3A_1124 : i32
      %add3A_1126 = vector.broadcast %add3A_1125 : i32 to vector<16xi32>
      %add3A_1127 = arith.addi %broadcast_in_dim3A_1118, %add3A_1126 : vector<16xi32>
      %sub3A_1128 = arith.subi %add3A_1127, %mul3A_58 : vector<16xi32>
      %gather3A_1129 = tpu.vector_load_idx %arg4[%sub3A_1128] : memref<63504xf32, #tpu.memory_space<vmem>>[vector<16xi32>], vector<16xf32>,
      %add3A_1130 = arith.constant 16 : i32
      %add3A_1131 = arith.addi %mul3A_533, %add3A_1130 : i32
      %swap3A_1132 = arith.constant 14 : i32
      %swap3A_1133 = arith.index_cast %swap3A_1132 : i32 to index
      %swap3A_1134 = arith.index_cast %add3A_1131 : i32 to index
      %swap3A_1135 = tpu.vector_load %arg5[%swap3A_1133, %swap3A_1134] {strides = array<i32>} : memref<16x2016xf32, #tpu.memory_space<vmem>>, vector<16xf32>,
      tpu.vector_store %arg5[%swap3A_1133, %swap3A_1134], %gather3A_1129 {strides = array<i32>} : memref<16x2016xf32, #tpu.memory_space<vmem>>, vector<16xf32>,
      %add3A_1136 = arith.constant 15 : i32
      %add3A_1137 = arith.addi %mul3A_32, %add3A_1136 : i32
      %broadcast_in_dim3A_1138 = arith.constant 0 : i32
      %broadcast_in_dim3A_1139 = vector.broadcast %broadcast_in_dim3A_1138 : i32 to vector<16xi32>
      %sub3A_1140 = arith.constant 0 : i32
      %sub3A_1141 = arith.subi %add3A_1137, %sub3A_1140 : i32
      %add3A_1142 = arith.constant 31 : i32
      %add3A_1143 = arith.addi %sub3A_1141, %add3A_1142 : i32
      %mul3A_1144 = arith.constant 16 : i32
      %mul3A_1145 = arith.muli %add3A_1143, %mul3A_1144 : i32
      %add3A_1146 = arith.addi %add3A_538, %mul3A_1145 : i32
      %add3A_1147 = vector.broadcast %add3A_1146 : i32 to vector<16xi32>
      %add3A_1148 = arith.addi %broadcast_in_dim3A_1139, %add3A_1147 : vector<16xi32>
      %sub3A_1149 = arith.subi %add3A_1148, %mul3A_58 : vector<16xi32>
      %gather3A_1150 = tpu.vector_load_idx %arg4[%sub3A_1149] : memref<63504xf32, #tpu.memory_space<vmem>>[vector<16xi32>], vector<16xf32>,
      %add3A_1151 = arith.constant 0 : i32
      %add3A_1152 = arith.addi %mul3A_533, %add3A_1151 : i32
      %swap3A_1153 = arith.constant 15 : i32
      %swap3A_1154 = arith.index_cast %swap3A_1153 : i32 to index
      %swap3A_1155 = arith.index_cast %add3A_1152 : i32 to index
      %swap3A_1156 = tpu.vector_load %arg5[%swap3A_1154, %swap3A_1155] {strides = array<i32>} : memref<16x2016xf32, #tpu.memory_space<vmem>>, vector<16xf32>,
      tpu.vector_store %arg5[%swap3A_1154, %swap3A_1155], %gather3A_1150 {strides = array<i32>} : memref<16x2016xf32, #tpu.memory_space<vmem>>, vector<16xf32>,
      %broadcast_in_dim3A_1157 = arith.constant 0 : i32
      %broadcast_in_dim3A_1158 = vector.broadcast %broadcast_in_dim3A_1157 : i32 to vector<16xi32>
      %sub3A_1159 = arith.constant 16 : i32
      %sub3A_1160 = arith.subi %add3A_1137, %sub3A_1159 : i32
      %add3A_1161 = arith.constant 31 : i32
      %add3A_1162 = arith.addi %sub3A_1160, %add3A_1161 : i32
      %mul3A_1163 = arith.constant 16 : i32
      %mul3A_1164 = arith.muli %add3A_1162, %mul3A_1163 : i32
      %add3A_1165 = arith.addi %add3A_538, %mul3A_1164 : i32
      %add3A_1166 = vector.broadcast %add3A_1165 : i32 to vector<16xi32>
      %add3A_1167 = arith.addi %broadcast_in_dim3A_1158, %add3A_1166 : vector<16xi32>
      %sub3A_1168 = arith.subi %add3A_1167, %mul3A_58 : vector<16xi32>
      %gather3A_1169 = tpu.vector_load_idx %arg4[%sub3A_1168] : memref<63504xf32, #tpu.memory_space<vmem>>[vector<16xi32>], vector<16xf32>,
      %add3A_1170 = arith.constant 16 : i32
      %add3A_1171 = arith.addi %mul3A_533, %add3A_1170 : i32
      %swap3A_1172 = arith.constant 15 : i32
      %swap3A_1173 = arith.index_cast %swap3A_1172 : i32 to index
      %swap3A_1174 = arith.index_cast %add3A_1171 : i32 to index
      %swap3A_1175 = tpu.vector_load %arg5[%swap3A_1173, %swap3A_1174] {strides = array<i32>} : memref<16x2016xf32, #tpu.memory_space<vmem>>, vector<16xf32>,
      tpu.vector_store %arg5[%swap3A_1173, %swap3A_1174], %gather3A_1169 {strides = array<i32>} : memref<16x2016xf32, #tpu.memory_space<vmem>>, vector<16xf32>,
    }
    %scan3A_70 = arith.constant 8 : i32
    %dma_wait3A_71 = arith.constant 8064 : i32
    %dma_wait3A_72 = tpu.memref_slice %arg4[%dma_wait3A_71] : memref<63504xf32, #tpu.memory_space<vmem>> -> memref<24192xf32, #tpu.memory_space<vmem>>
    %dma_wait3A_73 = arith.constant 8064 : i32
    %dma_wait3A_74 = tpu.memref_slice %arg2[%dma_wait3A_73] : memref<63504xf32, #tpu.memory_space<hbm>> -> memref<24192xf32, #tpu.memory_space<hbm>>
    %dma_wait3A_75 = arith.constant 8064 : i32
    %dma_wait3A_76 = tpu.memref_slice %arg4[%dma_wait3A_75] : memref<63504xf32, #tpu.memory_space<vmem>> -> memref<24192xf32, #tpu.memory_space<vmem>>
    %dma_wait3A_77 = arith.constant 8064 : i32
    %dma_wait3A_78 = tpu.memref_slice %arg2[%dma_wait3A_77] : memref<63504xf32, #tpu.memory_space<hbm>> -> memref<24192xf32, #tpu.memory_space<hbm>>
    tpu.wait_dma2 semaphore(%arg7 : memref<!tpu.dma_semaphore, #tpu.memory_space<semaphore_mem>>) src(%dma_wait3A_78 : memref<24192xf32, #tpu.memory_space<hbm>>) dst(%dma_wait3A_76 : memref<24192xf32, #tpu.memory_space<vmem>>)
    %scan3A_79 = arith.constant 0 : i32
    %scan3A_80 = arith.constant 8 : i32
    %scan3A_81 = arith.constant 24 : i32
    %scan3A_82 = arith.addi %scan3A_80, %scan3A_81 : i32
    %scan3A_83 = arith.constant 1 : i32
    scf.for %scan3A_529 = %scan3A_80 to %scan3A_82 step %scan3A_83  : i32 {
      %sub3A_530 = arith.constant 62 : i32
      %sub3A_531 = arith.subi %sub3A_530, %scan3A_529 : i32
      %mul3A_532 = arith.constant 32 : i32
      %mul3A_533 = arith.muli %sub3A_531, %mul3A_532 : i32
      %mul3A_534 = arith.constant 63 : i32
      %mul3A_535 = arith.muli %scan3A_529, %mul3A_534 : i32
      %mul3A_536 = arith.constant 16 : i32
      %mul3A_537 = arith.muli %mul3A_535, %mul3A_536 : i32
      %add3A_538 = arith.addi %mul3A_537, %select_n3A : i32
      %add3A_539 = arith.constant 0 : i32
      %add3A_540 = arith.addi %mul3A_32, %add3A_539 : i32
      %broadcast_in_dim3A = arith.constant 0 : i32
      %broadcast_in_dim3A_541 = vector.broadcast %broadcast_in_dim3A : i32 to vector<16xi32>
      %sub3A_542 = arith.constant 0 : i32
      %sub3A_543 = arith.subi %add3A_540, %sub3A_542 : i32
      %add3A_544 = arith.constant 31 : i32
      %add3A_545 = arith.addi %sub3A_543, %add3A_544 : i32
      %mul3A_546 = arith.constant 16 : i32
      %mul3A_547 = arith.muli %add3A_545, %mul3A_546 : i32
      %add3A_548 = arith.addi %add3A_538, %mul3A_547 : i32
      %add3A_549 = vector.broadcast %add3A_548 : i32 to vector<16xi32>
      %add3A_550 = arith.addi %broadcast_in_dim3A_541, %add3A_549 : vector<16xi32>
      %sub3A_551 = arith.subi %add3A_550, %mul3A_58 : vector<16xi32>
      %gather3A = tpu.vector_load_idx %arg4[%sub3A_551] : memref<63504xf32, #tpu.memory_space<vmem>>[vector<16xi32>], vector<16xf32>,
      %add3A_552 = arith.constant 0 : i32
      %add3A_553 = arith.addi %mul3A_533, %add3A_552 : i32
      %swap3A = arith.constant 0 : i32
      %swap3A_554 = arith.index_cast %swap3A : i32 to index
      %swap3A_555 = arith.index_cast %add3A_553 : i32 to index
      %swap3A_556 = tpu.vector_load %arg5[%swap3A_554, %swap3A_555] {strides = array<i32>} : memref<16x2016xf32, #tpu.memory_space<vmem>>, vector<16xf32>,
      tpu.vector_store %arg5[%swap3A_554, %swap3A_555], %gather3A {strides = array<i32>} : memref<16x2016xf32, #tpu.memory_space<vmem>>, vector<16xf32>,
      %broadcast_in_dim3A_557 = arith.constant 0 : i32
      %broadcast_in_dim3A_558 = vector.broadcast %broadcast_in_dim3A_557 : i32 to vector<16xi32>
      %sub3A_559 = arith.constant 16 : i32
      %sub3A_560 = arith.subi %add3A_540, %sub3A_559 : i32
      %add3A_561 = arith.constant 31 : i32
      %add3A_562 = arith.addi %sub3A_560, %add3A_561 : i32
      %mul3A_563 = arith.constant 16 : i32
      %mul3A_564 = arith.muli %add3A_562, %mul3A_563 : i32
      %add3A_565 = arith.addi %add3A_538, %mul3A_564 : i32
      %add3A_566 = vector.broadcast %add3A_565 : i32 to vector<16xi32>
      %add3A_567 = arith.addi %broadcast_in_dim3A_558, %add3A_566 : vector<16xi32>
      %sub3A_568 = arith.subi %add3A_567, %mul3A_58 : vector<16xi32>
      %gather3A_569 = tpu.vector_load_idx %arg4[%sub3A_568] : memref<63504xf32, #tpu.memory_space<vmem>>[vector<16xi32>], vector<16xf32>,
      %add3A_570 = arith.constant 16 : i32
      %add3A_571 = arith.addi %mul3A_533, %add3A_570 : i32
      %swap3A_572 = arith.constant 0 : i32
      %swap3A_573 = arith.index_cast %swap3A_572 : i32 to index
      %swap3A_574 = arith.index_cast %add3A_571 : i32 to index
      %swap3A_575 = tpu.vector_load %arg5[%swap3A_573, %swap3A_574] {strides = array<i32>} : memref<16x2016xf32, #tpu.memory_space<vmem>>, vector<16xf32>,
      tpu.vector_store %arg5[%swap3A_573, %swap3A_574], %gather3A_569 {strides = array<i32>} : memref<16x2016xf32, #tpu.memory_space<vmem>>, vector<16xf32>,
      %add3A_576 = arith.constant 1 : i32
      %add3A_577 = arith.addi %mul3A_32, %add3A_576 : i32
      %broadcast_in_dim3A_578 = arith.constant 0 : i32
      %broadcast_in_dim3A_579 = vector.broadcast %broadcast_in_dim3A_578 : i32 to vector<16xi32>
      %sub3A_580 = arith.constant 0 : i32
      %sub3A_581 = arith.subi %add3A_577, %sub3A_580 : i32
      %add3A_582 = arith.constant 31 : i32
      %add3A_583 = arith.addi %sub3A_581, %add3A_582 : i32
      %mul3A_584 = arith.constant 16 : i32
      %mul3A_585 = arith.muli %add3A_583, %mul3A_584 : i32
      %add3A_586 = arith.addi %add3A_538, %mul3A_585 : i32
      %add3A_587 = vector.broadcast %add3A_586 : i32 to vector<16xi32>
      %add3A_588 = arith.addi %broadcast_in_dim3A_579, %add3A_587 : vector<16xi32>
      %sub3A_589 = arith.subi %add3A_588, %mul3A_58 : vector<16xi32>
      %gather3A_590 = tpu.vector_load_idx %arg4[%sub3A_589] : memref<63504xf32, #tpu.memory_space<vmem>>[vector<16xi32>], vector<16xf32>,
      %add3A_591 = arith.constant 0 : i32
      %add3A_592 = arith.addi %mul3A_533, %add3A_591 : i32
      %swap3A_593 = arith.constant 1 : i32
      %swap3A_594 = arith.index_cast %swap3A_593 : i32 to index
      %swap3A_595 = arith.index_cast %add3A_592 : i32 to index
      %swap3A_596 = tpu.vector_load %arg5[%swap3A_594, %swap3A_595] {strides = array<i32>} : memref<16x2016xf32, #tpu.memory_space<vmem>>, vector<16xf32>,
      tpu.vector_store %arg5[%swap3A_594, %swap3A_595], %gather3A_590 {strides = array<i32>} : memref<16x2016xf32, #tpu.memory_space<vmem>>, vector<16xf32>,
      %broadcast_in_dim3A_597 = arith.constant 0 : i32
      %broadcast_in_dim3A_598 = vector.broadcast %broadcast_in_dim3A_597 : i32 to vector<16xi32>
      %sub3A_599 = arith.constant 16 : i32
      %sub3A_600 = arith.subi %add3A_577, %sub3A_599 : i32
      %add3A_601 = arith.constant 31 : i32
      %add3A_602 = arith.addi %sub3A_600, %add3A_601 : i32
      %mul3A_603 = arith.constant 16 : i32
      %mul3A_604 = arith.muli %add3A_602, %mul3A_603 : i32
      %add3A_605 = arith.addi %add3A_538, %mul3A_604 : i32
      %add3A_606 = vector.broadcast %add3A_605 : i32 to vector<16xi32>
      %add3A_607 = arith.addi %broadcast_in_dim3A_598, %add3A_606 : vector<16xi32>
      %sub3A_608 = arith.subi %add3A_607, %mul3A_58 : vector<16xi32>
      %gather3A_609 = tpu.vector_load_idx %arg4[%sub3A_608] : memref<63504xf32, #tpu.memory_space<vmem>>[vector<16xi32>], vector<16xf32>,
      %add3A_610 = arith.constant 16 : i32
      %add3A_611 = arith.addi %mul3A_533, %add3A_610 : i32
      %swap3A_612 = arith.constant 1 : i32
      %swap3A_613 = arith.index_cast %swap3A_612 : i32 to index
      %swap3A_614 = arith.index_cast %add3A_611 : i32 to index
      %swap3A_615 = tpu.vector_load %arg5[%swap3A_613, %swap3A_614] {strides = array<i32>} : memref<16x2016xf32, #tpu.memory_space<vmem>>, vector<16xf32>,
      tpu.vector_store %arg5[%swap3A_613, %swap3A_614], %gather3A_609 {strides = array<i32>} : memref<16x2016xf32, #tpu.memory_space<vmem>>, vector<16xf32>,
      %add3A_616 = arith.constant 2 : i32
      %add3A_617 = arith.addi %mul3A_32, %add3A_616 : i32
      %broadcast_in_dim3A_618 = arith.constant 0 : i32
      %broadcast_in_dim3A_619 = vector.broadcast %broadcast_in_dim3A_618 : i32 to vector<16xi32>
      %sub3A_620 = arith.constant 0 : i32
      %sub3A_621 = arith.subi %add3A_617, %sub3A_620 : i32
      %add3A_622 = arith.constant 31 : i32
      %add3A_623 = arith.addi %sub3A_621, %add3A_622 : i32
      %mul3A_624 = arith.constant 16 : i32
      %mul3A_625 = arith.muli %add3A_623, %mul3A_624 : i32
      %add3A_626 = arith.addi %add3A_538, %mul3A_625 : i32
      %add3A_627 = vector.broadcast %add3A_626 : i32 to vector<16xi32>
      %add3A_628 = arith.addi %broadcast_in_dim3A_619, %add3A_627 : vector<16xi32>
      %sub3A_629 = arith.subi %add3A_628, %mul3A_58 : vector<16xi32>
      %gather3A_630 = tpu.vector_load_idx %arg4[%sub3A_629] : memref<63504xf32, #tpu.memory_space<vmem>>[vector<16xi32>], vector<16xf32>,
      %add3A_631 = arith.constant 0 : i32
      %add3A_632 = arith.addi %mul3A_533, %add3A_631 : i32
      %swap3A_633 = arith.constant 2 : i32
      %swap3A_634 = arith.index_cast %swap3A_633 : i32 to index
      %swap3A_635 = arith.index_cast %add3A_632 : i32 to index
      %swap3A_636 = tpu.vector_load %arg5[%swap3A_634, %swap3A_635] {strides = array<i32>} : memref<16x2016xf32, #tpu.memory_space<vmem>>, vector<16xf32>,
      tpu.vector_store %arg5[%swap3A_634, %swap3A_635], %gather3A_630 {strides = array<i32>} : memref<16x2016xf32, #tpu.memory_space<vmem>>, vector<16xf32>,
      %broadcast_in_dim3A_637 = arith.constant 0 : i32
      %broadcast_in_dim3A_638 = vector.broadcast %broadcast_in_dim3A_637 : i32 to vector<16xi32>
      %sub3A_639 = arith.constant 16 : i32
      %sub3A_640 = arith.subi %add3A_617, %sub3A_639 : i32
      %add3A_641 = arith.constant 31 : i32
      %add3A_642 = arith.addi %sub3A_640, %add3A_641 : i32
      %mul3A_643 = arith.constant 16 : i32
      %mul3A_644 = arith.muli %add3A_642, %mul3A_643 : i32
      %add3A_645 = arith.addi %add3A_538, %mul3A_644 : i32
      %add3A_646 = vector.broadcast %add3A_645 : i32 to vector<16xi32>
      %add3A_647 = arith.addi %broadcast_in_dim3A_638, %add3A_646 : vector<16xi32>
      %sub3A_648 = arith.subi %add3A_647, %mul3A_58 : vector<16xi32>
      %gather3A_649 = tpu.vector_load_idx %arg4[%sub3A_648] : memref<63504xf32, #tpu.memory_space<vmem>>[vector<16xi32>], vector<16xf32>,
      %add3A_650 = arith.constant 16 : i32
      %add3A_651 = arith.addi %mul3A_533, %add3A_650 : i32
      %swap3A_652 = arith.constant 2 : i32
      %swap3A_653 = arith.index_cast %swap3A_652 : i32 to index
      %swap3A_654 = arith.index_cast %add3A_651 : i32 to index
      %swap3A_655 = tpu.vector_load %arg5[%swap3A_653, %swap3A_654] {strides = array<i32>} : memref<16x2016xf32, #tpu.memory_space<vmem>>, vector<16xf32>,
      tpu.vector_store %arg5[%swap3A_653, %swap3A_654], %gather3A_649 {strides = array<i32>} : memref<16x2016xf32, #tpu.memory_space<vmem>>, vector<16xf32>,
      %add3A_656 = arith.constant 3 : i32
      %add3A_657 = arith.addi %mul3A_32, %add3A_656 : i32
      %broadcast_in_dim3A_658 = arith.constant 0 : i32
      %broadcast_in_dim3A_659 = vector.broadcast %broadcast_in_dim3A_658 : i32 to vector<16xi32>
      %sub3A_660 = arith.constant 0 : i32
      %sub3A_661 = arith.subi %add3A_657, %sub3A_660 : i32
      %add3A_662 = arith.constant 31 : i32
      %add3A_663 = arith.addi %sub3A_661, %add3A_662 : i32
      %mul3A_664 = arith.constant 16 : i32
      %mul3A_665 = arith.muli %add3A_663, %mul3A_664 : i32
      %add3A_666 = arith.addi %add3A_538, %mul3A_665 : i32
      %add3A_667 = vector.broadcast %add3A_666 : i32 to vector<16xi32>
      %add3A_668 = arith.addi %broadcast_in_dim3A_659, %add3A_667 : vector<16xi32>
      %sub3A_669 = arith.subi %add3A_668, %mul3A_58 : vector<16xi32>
      %gather3A_670 = tpu.vector_load_idx %arg4[%sub3A_669] : memref<63504xf32, #tpu.memory_space<vmem>>[vector<16xi32>], vector<16xf32>,
      %add3A_671 = arith.constant 0 : i32
      %add3A_672 = arith.addi %mul3A_533, %add3A_671 : i32
      %swap3A_673 = arith.constant 3 : i32
      %swap3A_674 = arith.index_cast %swap3A_673 : i32 to index
      %swap3A_675 = arith.index_cast %add3A_672 : i32 to index
      %swap3A_676 = tpu.vector_load %arg5[%swap3A_674, %swap3A_675] {strides = array<i32>} : memref<16x2016xf32, #tpu.memory_space<vmem>>, vector<16xf32>,
      tpu.vector_store %arg5[%swap3A_674, %swap3A_675], %gather3A_670 {strides = array<i32>} : memref<16x2016xf32, #tpu.memory_space<vmem>>, vector<16xf32>,
      %broadcast_in_dim3A_677 = arith.constant 0 : i32
      %broadcast_in_dim3A_678 = vector.broadcast %broadcast_in_dim3A_677 : i32 to vector<16xi32>
      %sub3A_679 = arith.constant 16 : i32
      %sub3A_680 = arith.subi %add3A_657, %sub3A_679 : i32
      %add3A_681 = arith.constant 31 : i32
      %add3A_682 = arith.addi %sub3A_680, %add3A_681 : i32
      %mul3A_683 = arith.constant 16 : i32
      %mul3A_684 = arith.muli %add3A_682, %mul3A_683 : i32
      %add3A_685 = arith.addi %add3A_538, %mul3A_684 : i32
      %add3A_686 = vector.broadcast %add3A_685 : i32 to vector<16xi32>
      %add3A_687 = arith.addi %broadcast_in_dim3A_678, %add3A_686 : vector<16xi32>
      %sub3A_688 = arith.subi %add3A_687, %mul3A_58 : vector<16xi32>
      %gather3A_689 = tpu.vector_load_idx %arg4[%sub3A_688] : memref<63504xf32, #tpu.memory_space<vmem>>[vector<16xi32>], vector<16xf32>,
      %add3A_690 = arith.constant 16 : i32
      %add3A_691 = arith.addi %mul3A_533, %add3A_690 : i32
      %swap3A_692 = arith.constant 3 : i32
      %swap3A_693 = arith.index_cast %swap3A_692 : i32 to index
      %swap3A_694 = arith.index_cast %add3A_691 : i32 to index
      %swap3A_695 = tpu.vector_load %arg5[%swap3A_693, %swap3A_694] {strides = array<i32>} : memref<16x2016xf32, #tpu.memory_space<vmem>>, vector<16xf32>,
      tpu.vector_store %arg5[%swap3A_693, %swap3A_694], %gather3A_689 {strides = array<i32>} : memref<16x2016xf32, #tpu.memory_space<vmem>>, vector<16xf32>,
      %add3A_696 = arith.constant 4 : i32
      %add3A_697 = arith.addi %mul3A_32, %add3A_696 : i32
      %broadcast_in_dim3A_698 = arith.constant 0 : i32
      %broadcast_in_dim3A_699 = vector.broadcast %broadcast_in_dim3A_698 : i32 to vector<16xi32>
      %sub3A_700 = arith.constant 0 : i32
      %sub3A_701 = arith.subi %add3A_697, %sub3A_700 : i32
      %add3A_702 = arith.constant 31 : i32
      %add3A_703 = arith.addi %sub3A_701, %add3A_702 : i32
      %mul3A_704 = arith.constant 16 : i32
      %mul3A_705 = arith.muli %add3A_703, %mul3A_704 : i32
      %add3A_706 = arith.addi %add3A_538, %mul3A_705 : i32
      %add3A_707 = vector.broadcast %add3A_706 : i32 to vector<16xi32>
      %add3A_708 = arith.addi %broadcast_in_dim3A_699, %add3A_707 : vector<16xi32>
      %sub3A_709 = arith.subi %add3A_708, %mul3A_58 : vector<16xi32>
      %gather3A_710 = tpu.vector_load_idx %arg4[%sub3A_709] : memref<63504xf32, #tpu.memory_space<vmem>>[vector<16xi32>], vector<16xf32>,
      %add3A_711 = arith.constant 0 : i32
      %add3A_712 = arith.addi %mul3A_533, %add3A_711 : i32
      %swap3A_713 = arith.constant 4 : i32
      %swap3A_714 = arith.index_cast %swap3A_713 : i32 to index
      %swap3A_715 = arith.index_cast %add3A_712 : i32 to index
      %swap3A_716 = tpu.vector_load %arg5[%swap3A_714, %swap3A_715] {strides = array<i32>} : memref<16x2016xf32, #tpu.memory_space<vmem>>, vector<16xf32>,
      tpu.vector_store %arg5[%swap3A_714, %swap3A_715], %gather3A_710 {strides = array<i32>} : memref<16x2016xf32, #tpu.memory_space<vmem>>, vector<16xf32>,
      %broadcast_in_dim3A_717 = arith.constant 0 : i32
      %broadcast_in_dim3A_718 = vector.broadcast %broadcast_in_dim3A_717 : i32 to vector<16xi32>
      %sub3A_719 = arith.constant 16 : i32
      %sub3A_720 = arith.subi %add3A_697, %sub3A_719 : i32
      %add3A_721 = arith.constant 31 : i32
      %add3A_722 = arith.addi %sub3A_720, %add3A_721 : i32
      %mul3A_723 = arith.constant 16 : i32
      %mul3A_724 = arith.muli %add3A_722, %mul3A_723 : i32
      %add3A_725 = arith.addi %add3A_538, %mul3A_724 : i32
      %add3A_726 = vector.broadcast %add3A_725 : i32 to vector<16xi32>
      %add3A_727 = arith.addi %broadcast_in_dim3A_718, %add3A_726 : vector<16xi32>
      %sub3A_728 = arith.subi %add3A_727, %mul3A_58 : vector<16xi32>
      %gather3A_729 = tpu.vector_load_idx %arg4[%sub3A_728] : memref<63504xf32, #tpu.memory_space<vmem>>[vector<16xi32>], vector<16xf32>,
      %add3A_730 = arith.constant 16 : i32
      %add3A_731 = arith.addi %mul3A_533, %add3A_730 : i32
      %swap3A_732 = arith.constant 4 : i32
      %swap3A_733 = arith.index_cast %swap3A_732 : i32 to index
      %swap3A_734 = arith.index_cast %add3A_731 : i32 to index
      %swap3A_735 = tpu.vector_load %arg5[%swap3A_733, %swap3A_734] {strides = array<i32>} : memref<16x2016xf32, #tpu.memory_space<vmem>>, vector<16xf32>,
      tpu.vector_store %arg5[%swap3A_733, %swap3A_734], %gather3A_729 {strides = array<i32>} : memref<16x2016xf32, #tpu.memory_space<vmem>>, vector<16xf32>,
      %add3A_736 = arith.constant 5 : i32
      %add3A_737 = arith.addi %mul3A_32, %add3A_736 : i32
      %broadcast_in_dim3A_738 = arith.constant 0 : i32
      %broadcast_in_dim3A_739 = vector.broadcast %broadcast_in_dim3A_738 : i32 to vector<16xi32>
      %sub3A_740 = arith.constant 0 : i32
      %sub3A_741 = arith.subi %add3A_737, %sub3A_740 : i32
      %add3A_742 = arith.constant 31 : i32
      %add3A_743 = arith.addi %sub3A_741, %add3A_742 : i32
      %mul3A_744 = arith.constant 16 : i32
      %mul3A_745 = arith.muli %add3A_743, %mul3A_744 : i32
      %add3A_746 = arith.addi %add3A_538, %mul3A_745 : i32
      %add3A_747 = vector.broadcast %add3A_746 : i32 to vector<16xi32>
      %add3A_748 = arith.addi %broadcast_in_dim3A_739, %add3A_747 : vector<16xi32>
      %sub3A_749 = arith.subi %add3A_748, %mul3A_58 : vector<16xi32>
      %gather3A_750 = tpu.vector_load_idx %arg4[%sub3A_749] : memref<63504xf32, #tpu.memory_space<vmem>>[vector<16xi32>], vector<16xf32>,
      %add3A_751 = arith.constant 0 : i32
      %add3A_752 = arith.addi %mul3A_533, %add3A_751 : i32
      %swap3A_753 = arith.constant 5 : i32
      %swap3A_754 = arith.index_cast %swap3A_753 : i32 to index
      %swap3A_755 = arith.index_cast %add3A_752 : i32 to index
      %swap3A_756 = tpu.vector_load %arg5[%swap3A_754, %swap3A_755] {strides = array<i32>} : memref<16x2016xf32, #tpu.memory_space<vmem>>, vector<16xf32>,
      tpu.vector_store %arg5[%swap3A_754, %swap3A_755], %gather3A_750 {strides = array<i32>} : memref<16x2016xf32, #tpu.memory_space<vmem>>, vector<16xf32>,
      %broadcast_in_dim3A_757 = arith.constant 0 : i32
      %broadcast_in_dim3A_758 = vector.broadcast %broadcast_in_dim3A_757 : i32 to vector<16xi32>
      %sub3A_759 = arith.constant 16 : i32
      %sub3A_760 = arith.subi %add3A_737, %sub3A_759 : i32
      %add3A_761 = arith.constant 31 : i32
      %add3A_762 = arith.addi %sub3A_760, %add3A_761 : i32
      %mul3A_763 = arith.constant 16 : i32
      %mul3A_764 = arith.muli %add3A_762, %mul3A_763 : i32
      %add3A_765 = arith.addi %add3A_538, %mul3A_764 : i32
      %add3A_766 = vector.broadcast %add3A_765 : i32 to vector<16xi32>
      %add3A_767 = arith.addi %broadcast_in_dim3A_758, %add3A_766 : vector<16xi32>
      %sub3A_768 = arith.subi %add3A_767, %mul3A_58 : vector<16xi32>
      %gather3A_769 = tpu.vector_load_idx %arg4[%sub3A_768] : memref<63504xf32, #tpu.memory_space<vmem>>[vector<16xi32>], vector<16xf32>,
      %add3A_770 = arith.constant 16 : i32
      %add3A_771 = arith.addi %mul3A_533, %add3A_770 : i32
      %swap3A_772 = arith.constant 5 : i32
      %swap3A_773 = arith.index_cast %swap3A_772 : i32 to index
      %swap3A_774 = arith.index_cast %add3A_771 : i32 to index
      %swap3A_775 = tpu.vector_load %arg5[%swap3A_773, %swap3A_774] {strides = array<i32>} : memref<16x2016xf32, #tpu.memory_space<vmem>>, vector<16xf32>,
      tpu.vector_store %arg5[%swap3A_773, %swap3A_774], %gather3A_769 {strides = array<i32>} : memref<16x2016xf32, #tpu.memory_space<vmem>>, vector<16xf32>,
      %add3A_776 = arith.constant 6 : i32
      %add3A_777 = arith.addi %mul3A_32, %add3A_776 : i32
      %broadcast_in_dim3A_778 = arith.constant 0 : i32
      %broadcast_in_dim3A_779 = vector.broadcast %broadcast_in_dim3A_778 : i32 to vector<16xi32>
      %sub3A_780 = arith.constant 0 : i32
      %sub3A_781 = arith.subi %add3A_777, %sub3A_780 : i32
      %add3A_782 = arith.constant 31 : i32
      %add3A_783 = arith.addi %sub3A_781, %add3A_782 : i32
      %mul3A_784 = arith.constant 16 : i32
      %mul3A_785 = arith.muli %add3A_783, %mul3A_784 : i32
      %add3A_786 = arith.addi %add3A_538, %mul3A_785 : i32
      %add3A_787 = vector.broadcast %add3A_786 : i32 to vector<16xi32>
      %add3A_788 = arith.addi %broadcast_in_dim3A_779, %add3A_787 : vector<16xi32>
      %sub3A_789 = arith.subi %add3A_788, %mul3A_58 : vector<16xi32>
      %gather3A_790 = tpu.vector_load_idx %arg4[%sub3A_789] : memref<63504xf32, #tpu.memory_space<vmem>>[vector<16xi32>], vector<16xf32>,
      %add3A_791 = arith.constant 0 : i32
      %add3A_792 = arith.addi %mul3A_533, %add3A_791 : i32
      %swap3A_793 = arith.constant 6 : i32
      %swap3A_794 = arith.index_cast %swap3A_793 : i32 to index
      %swap3A_795 = arith.index_cast %add3A_792 : i32 to index
      %swap3A_796 = tpu.vector_load %arg5[%swap3A_794, %swap3A_795] {strides = array<i32>} : memref<16x2016xf32, #tpu.memory_space<vmem>>, vector<16xf32>,
      tpu.vector_store %arg5[%swap3A_794, %swap3A_795], %gather3A_790 {strides = array<i32>} : memref<16x2016xf32, #tpu.memory_space<vmem>>, vector<16xf32>,
      %broadcast_in_dim3A_797 = arith.constant 0 : i32
      %broadcast_in_dim3A_798 = vector.broadcast %broadcast_in_dim3A_797 : i32 to vector<16xi32>
      %sub3A_799 = arith.constant 16 : i32
      %sub3A_800 = arith.subi %add3A_777, %sub3A_799 : i32
      %add3A_801 = arith.constant 31 : i32
      %add3A_802 = arith.addi %sub3A_800, %add3A_801 : i32
      %mul3A_803 = arith.constant 16 : i32
      %mul3A_804 = arith.muli %add3A_802, %mul3A_803 : i32
      %add3A_805 = arith.addi %add3A_538, %mul3A_804 : i32
      %add3A_806 = vector.broadcast %add3A_805 : i32 to vector<16xi32>
      %add3A_807 = arith.addi %broadcast_in_dim3A_798, %add3A_806 : vector<16xi32>
      %sub3A_808 = arith.subi %add3A_807, %mul3A_58 : vector<16xi32>
      %gather3A_809 = tpu.vector_load_idx %arg4[%sub3A_808] : memref<63504xf32, #tpu.memory_space<vmem>>[vector<16xi32>], vector<16xf32>,
      %add3A_810 = arith.constant 16 : i32
      %add3A_811 = arith.addi %mul3A_533, %add3A_810 : i32
      %swap3A_812 = arith.constant 6 : i32
      %swap3A_813 = arith.index_cast %swap3A_812 : i32 to index
      %swap3A_814 = arith.index_cast %add3A_811 : i32 to index
      %swap3A_815 = tpu.vector_load %arg5[%swap3A_813, %swap3A_814] {strides = array<i32>} : memref<16x2016xf32, #tpu.memory_space<vmem>>, vector<16xf32>,
      tpu.vector_store %arg5[%swap3A_813, %swap3A_814], %gather3A_809 {strides = array<i32>} : memref<16x2016xf32, #tpu.memory_space<vmem>>, vector<16xf32>,
      %add3A_816 = arith.constant 7 : i32
      %add3A_817 = arith.addi %mul3A_32, %add3A_816 : i32
      %broadcast_in_dim3A_818 = arith.constant 0 : i32
      %broadcast_in_dim3A_819 = vector.broadcast %broadcast_in_dim3A_818 : i32 to vector<16xi32>
      %sub3A_820 = arith.constant 0 : i32
      %sub3A_821 = arith.subi %add3A_817, %sub3A_820 : i32
      %add3A_822 = arith.constant 31 : i32
      %add3A_823 = arith.addi %sub3A_821, %add3A_822 : i32
      %mul3A_824 = arith.constant 16 : i32
      %mul3A_825 = arith.muli %add3A_823, %mul3A_824 : i32
      %add3A_826 = arith.addi %add3A_538, %mul3A_825 : i32
      %add3A_827 = vector.broadcast %add3A_826 : i32 to vector<16xi32>
      %add3A_828 = arith.addi %broadcast_in_dim3A_819, %add3A_827 : vector<16xi32>
      %sub3A_829 = arith.subi %add3A_828, %mul3A_58 : vector<16xi32>
      %gather3A_830 = tpu.vector_load_idx %arg4[%sub3A_829] : memref<63504xf32, #tpu.memory_space<vmem>>[vector<16xi32>], vector<16xf32>,
      %add3A_831 = arith.constant 0 : i32
      %add3A_832 = arith.addi %mul3A_533, %add3A_831 : i32
      %swap3A_833 = arith.constant 7 : i32
      %swap3A_834 = arith.index_cast %swap3A_833 : i32 to index
      %swap3A_835 = arith.index_cast %add3A_832 : i32 to index
      %swap3A_836 = tpu.vector_load %arg5[%swap3A_834, %swap3A_835] {strides = array<i32>} : memref<16x2016xf32, #tpu.memory_space<vmem>>, vector<16xf32>,
      tpu.vector_store %arg5[%swap3A_834, %swap3A_835], %gather3A_830 {strides = array<i32>} : memref<16x2016xf32, #tpu.memory_space<vmem>>, vector<16xf32>,
      %broadcast_in_dim3A_837 = arith.constant 0 : i32
      %broadcast_in_dim3A_838 = vector.broadcast %broadcast_in_dim3A_837 : i32 to vector<16xi32>
      %sub3A_839 = arith.constant 16 : i32
      %sub3A_840 = arith.subi %add3A_817, %sub3A_839 : i32
      %add3A_841 = arith.constant 31 : i32
      %add3A_842 = arith.addi %sub3A_840, %add3A_841 : i32
      %mul3A_843 = arith.constant 16 : i32
      %mul3A_844 = arith.muli %add3A_842, %mul3A_843 : i32
      %add3A_845 = arith.addi %add3A_538, %mul3A_844 : i32
      %add3A_846 = vector.broadcast %add3A_845 : i32 to vector<16xi32>
      %add3A_847 = arith.addi %broadcast_in_dim3A_838, %add3A_846 : vector<16xi32>
      %sub3A_848 = arith.subi %add3A_847, %mul3A_58 : vector<16xi32>
      %gather3A_849 = tpu.vector_load_idx %arg4[%sub3A_848] : memref<63504xf32, #tpu.memory_space<vmem>>[vector<16xi32>], vector<16xf32>,
      %add3A_850 = arith.constant 16 : i32
      %add3A_851 = arith.addi %mul3A_533, %add3A_850 : i32
      %swap3A_852 = arith.constant 7 : i32
      %swap3A_853 = arith.index_cast %swap3A_852 : i32 to index
      %swap3A_854 = arith.index_cast %add3A_851 : i32 to index
      %swap3A_855 = tpu.vector_load %arg5[%swap3A_853, %swap3A_854] {strides = array<i32>} : memref<16x2016xf32, #tpu.memory_space<vmem>>, vector<16xf32>,
      tpu.vector_store %arg5[%swap3A_853, %swap3A_854], %gather3A_849 {strides = array<i32>} : memref<16x2016xf32, #tpu.memory_space<vmem>>, vector<16xf32>,
      %add3A_856 = arith.constant 8 : i32
      %add3A_857 = arith.addi %mul3A_32, %add3A_856 : i32
      %broadcast_in_dim3A_858 = arith.constant 0 : i32
      %broadcast_in_dim3A_859 = vector.broadcast %broadcast_in_dim3A_858 : i32 to vector<16xi32>
      %sub3A_860 = arith.constant 0 : i32
      %sub3A_861 = arith.subi %add3A_857, %sub3A_860 : i32
      %add3A_862 = arith.constant 31 : i32
      %add3A_863 = arith.addi %sub3A_861, %add3A_862 : i32
      %mul3A_864 = arith.constant 16 : i32
      %mul3A_865 = arith.muli %add3A_863, %mul3A_864 : i32
      %add3A_866 = arith.addi %add3A_538, %mul3A_865 : i32
      %add3A_867 = vector.broadcast %add3A_866 : i32 to vector<16xi32>
      %add3A_868 = arith.addi %broadcast_in_dim3A_859, %add3A_867 : vector<16xi32>
      %sub3A_869 = arith.subi %add3A_868, %mul3A_58 : vector<16xi32>
      %gather3A_870 = tpu.vector_load_idx %arg4[%sub3A_869] : memref<63504xf32, #tpu.memory_space<vmem>>[vector<16xi32>], vector<16xf32>,
      %add3A_871 = arith.constant 0 : i32
      %add3A_872 = arith.addi %mul3A_533, %add3A_871 : i32
      %swap3A_873 = arith.constant 8 : i32
      %swap3A_874 = arith.index_cast %swap3A_873 : i32 to index
      %swap3A_875 = arith.index_cast %add3A_872 : i32 to index
      %swap3A_876 = tpu.vector_load %arg5[%swap3A_874, %swap3A_875] {strides = array<i32>} : memref<16x2016xf32, #tpu.memory_space<vmem>>, vector<16xf32>,
      tpu.vector_store %arg5[%swap3A_874, %swap3A_875], %gather3A_870 {strides = array<i32>} : memref<16x2016xf32, #tpu.memory_space<vmem>>, vector<16xf32>,
      %broadcast_in_dim3A_877 = arith.constant 0 : i32
      %broadcast_in_dim3A_878 = vector.broadcast %broadcast_in_dim3A_877 : i32 to vector<16xi32>
      %sub3A_879 = arith.constant 16 : i32
      %sub3A_880 = arith.subi %add3A_857, %sub3A_879 : i32
      %add3A_881 = arith.constant 31 : i32
      %add3A_882 = arith.addi %sub3A_880, %add3A_881 : i32
      %mul3A_883 = arith.constant 16 : i32
      %mul3A_884 = arith.muli %add3A_882, %mul3A_883 : i32
      %add3A_885 = arith.addi %add3A_538, %mul3A_884 : i32
      %add3A_886 = vector.broadcast %add3A_885 : i32 to vector<16xi32>
      %add3A_887 = arith.addi %broadcast_in_dim3A_878, %add3A_886 : vector<16xi32>
      %sub3A_888 = arith.subi %add3A_887, %mul3A_58 : vector<16xi32>
      %gather3A_889 = tpu.vector_load_idx %arg4[%sub3A_888] : memref<63504xf32, #tpu.memory_space<vmem>>[vector<16xi32>], vector<16xf32>,
      %add3A_890 = arith.constant 16 : i32
      %add3A_891 = arith.addi %mul3A_533, %add3A_890 : i32
      %swap3A_892 = arith.constant 8 : i32
      %swap3A_893 = arith.index_cast %swap3A_892 : i32 to index
      %swap3A_894 = arith.index_cast %add3A_891 : i32 to index
      %swap3A_895 = tpu.vector_load %arg5[%swap3A_893, %swap3A_894] {strides = array<i32>} : memref<16x2016xf32, #tpu.memory_space<vmem>>, vector<16xf32>,
      tpu.vector_store %arg5[%swap3A_893, %swap3A_894], %gather3A_889 {strides = array<i32>} : memref<16x2016xf32, #tpu.memory_space<vmem>>, vector<16xf32>,
      %add3A_896 = arith.constant 9 : i32
      %add3A_897 = arith.addi %mul3A_32, %add3A_896 : i32
      %broadcast_in_dim3A_898 = arith.constant 0 : i32
      %broadcast_in_dim3A_899 = vector.broadcast %broadcast_in_dim3A_898 : i32 to vector<16xi32>
      %sub3A_900 = arith.constant 0 : i32
      %sub3A_901 = arith.subi %add3A_897, %sub3A_900 : i32
      %add3A_902 = arith.constant 31 : i32
      %add3A_903 = arith.addi %sub3A_901, %add3A_902 : i32
      %mul3A_904 = arith.constant 16 : i32
      %mul3A_905 = arith.muli %add3A_903, %mul3A_904 : i32
      %add3A_906 = arith.addi %add3A_538, %mul3A_905 : i32
      %add3A_907 = vector.broadcast %add3A_906 : i32 to vector<16xi32>
      %add3A_908 = arith.addi %broadcast_in_dim3A_899, %add3A_907 : vector<16xi32>
      %sub3A_909 = arith.subi %add3A_908, %mul3A_58 : vector<16xi32>
      %gather3A_910 = tpu.vector_load_idx %arg4[%sub3A_909] : memref<63504xf32, #tpu.memory_space<vmem>>[vector<16xi32>], vector<16xf32>,
      %add3A_911 = arith.constant 0 : i32
      %add3A_912 = arith.addi %mul3A_533, %add3A_911 : i32
      %swap3A_913 = arith.constant 9 : i32
      %swap3A_914 = arith.index_cast %swap3A_913 : i32 to index
      %swap3A_915 = arith.index_cast %add3A_912 : i32 to index
      %swap3A_916 = tpu.vector_load %arg5[%swap3A_914, %swap3A_915] {strides = array<i32>} : memref<16x2016xf32, #tpu.memory_space<vmem>>, vector<16xf32>,
      tpu.vector_store %arg5[%swap3A_914, %swap3A_915], %gather3A_910 {strides = array<i32>} : memref<16x2016xf32, #tpu.memory_space<vmem>>, vector<16xf32>,
      %broadcast_in_dim3A_917 = arith.constant 0 : i32
      %broadcast_in_dim3A_918 = vector.broadcast %broadcast_in_dim3A_917 : i32 to vector<16xi32>
      %sub3A_919 = arith.constant 16 : i32
      %sub3A_920 = arith.subi %add3A_897, %sub3A_919 : i32
      %add3A_921 = arith.constant 31 : i32
      %add3A_922 = arith.addi %sub3A_920, %add3A_921 : i32
      %mul3A_923 = arith.constant 16 : i32
      %mul3A_924 = arith.muli %add3A_922, %mul3A_923 : i32
      %add3A_925 = arith.addi %add3A_538, %mul3A_924 : i32
      %add3A_926 = vector.broadcast %add3A_925 : i32 to vector<16xi32>
      %add3A_927 = arith.addi %broadcast_in_dim3A_918, %add3A_926 : vector<16xi32>
      %sub3A_928 = arith.subi %add3A_927, %mul3A_58 : vector<16xi32>
      %gather3A_929 = tpu.vector_load_idx %arg4[%sub3A_928] : memref<63504xf32, #tpu.memory_space<vmem>>[vector<16xi32>], vector<16xf32>,
      %add3A_930 = arith.constant 16 : i32
      %add3A_931 = arith.addi %mul3A_533, %add3A_930 : i32
      %swap3A_932 = arith.constant 9 : i32
      %swap3A_933 = arith.index_cast %swap3A_932 : i32 to index
      %swap3A_934 = arith.index_cast %add3A_931 : i32 to index
      %swap3A_935 = tpu.vector_load %arg5[%swap3A_933, %swap3A_934] {strides = array<i32>} : memref<16x2016xf32, #tpu.memory_space<vmem>>, vector<16xf32>,
      tpu.vector_store %arg5[%swap3A_933, %swap3A_934], %gather3A_929 {strides = array<i32>} : memref<16x2016xf32, #tpu.memory_space<vmem>>, vector<16xf32>,
      %add3A_936 = arith.constant 10 : i32
      %add3A_937 = arith.addi %mul3A_32, %add3A_936 : i32
      %broadcast_in_dim3A_938 = arith.constant 0 : i32
      %broadcast_in_dim3A_939 = vector.broadcast %broadcast_in_dim3A_938 : i32 to vector<16xi32>
      %sub3A_940 = arith.constant 0 : i32
      %sub3A_941 = arith.subi %add3A_937, %sub3A_940 : i32
      %add3A_942 = arith.constant 31 : i32
      %add3A_943 = arith.addi %sub3A_941, %add3A_942 : i32
      %mul3A_944 = arith.constant 16 : i32
      %mul3A_945 = arith.muli %add3A_943, %mul3A_944 : i32
      %add3A_946 = arith.addi %add3A_538, %mul3A_945 : i32
      %add3A_947 = vector.broadcast %add3A_946 : i32 to vector<16xi32>
      %add3A_948 = arith.addi %broadcast_in_dim3A_939, %add3A_947 : vector<16xi32>
      %sub3A_949 = arith.subi %add3A_948, %mul3A_58 : vector<16xi32>
      %gather3A_950 = tpu.vector_load_idx %arg4[%sub3A_949] : memref<63504xf32, #tpu.memory_space<vmem>>[vector<16xi32>], vector<16xf32>,
      %add3A_951 = arith.constant 0 : i32
      %add3A_952 = arith.addi %mul3A_533, %add3A_951 : i32
      %swap3A_953 = arith.constant 10 : i32
      %swap3A_954 = arith.index_cast %swap3A_953 : i32 to index
      %swap3A_955 = arith.index_cast %add3A_952 : i32 to index
      %swap3A_956 = tpu.vector_load %arg5[%swap3A_954, %swap3A_955] {strides = array<i32>} : memref<16x2016xf32, #tpu.memory_space<vmem>>, vector<16xf32>,
      tpu.vector_store %arg5[%swap3A_954, %swap3A_955], %gather3A_950 {strides = array<i32>} : memref<16x2016xf32, #tpu.memory_space<vmem>>, vector<16xf32>,
      %broadcast_in_dim3A_957 = arith.constant 0 : i32
      %broadcast_in_dim3A_958 = vector.broadcast %broadcast_in_dim3A_957 : i32 to vector<16xi32>
      %sub3A_959 = arith.constant 16 : i32
      %sub3A_960 = arith.subi %add3A_937, %sub3A_959 : i32
      %add3A_961 = arith.constant 31 : i32
      %add3A_962 = arith.addi %sub3A_960, %add3A_961 : i32
      %mul3A_963 = arith.constant 16 : i32
      %mul3A_964 = arith.muli %add3A_962, %mul3A_963 : i32
      %add3A_965 = arith.addi %add3A_538, %mul3A_964 : i32
      %add3A_966 = vector.broadcast %add3A_965 : i32 to vector<16xi32>
      %add3A_967 = arith.addi %broadcast_in_dim3A_958, %add3A_966 : vector<16xi32>
      %sub3A_968 = arith.subi %add3A_967, %mul3A_58 : vector<16xi32>
      %gather3A_969 = tpu.vector_load_idx %arg4[%sub3A_968] : memref<63504xf32, #tpu.memory_space<vmem>>[vector<16xi32>], vector<16xf32>,
      %add3A_970 = arith.constant 16 : i32
      %add3A_971 = arith.addi %mul3A_533, %add3A_970 : i32
      %swap3A_972 = arith.constant 10 : i32
      %swap3A_973 = arith.index_cast %swap3A_972 : i32 to index
      %swap3A_974 = arith.index_cast %add3A_971 : i32 to index
      %swap3A_975 = tpu.vector_load %arg5[%swap3A_973, %swap3A_974] {strides = array<i32>} : memref<16x2016xf32, #tpu.memory_space<vmem>>, vector<16xf32>,
      tpu.vector_store %arg5[%swap3A_973, %swap3A_974], %gather3A_969 {strides = array<i32>} : memref<16x2016xf32, #tpu.memory_space<vmem>>, vector<16xf32>,
      %add3A_976 = arith.constant 11 : i32
      %add3A_977 = arith.addi %mul3A_32, %add3A_976 : i32
      %broadcast_in_dim3A_978 = arith.constant 0 : i32
      %broadcast_in_dim3A_979 = vector.broadcast %broadcast_in_dim3A_978 : i32 to vector<16xi32>
      %sub3A_980 = arith.constant 0 : i32
      %sub3A_981 = arith.subi %add3A_977, %sub3A_980 : i32
      %add3A_982 = arith.constant 31 : i32
      %add3A_983 = arith.addi %sub3A_981, %add3A_982 : i32
      %mul3A_984 = arith.constant 16 : i32
      %mul3A_985 = arith.muli %add3A_983, %mul3A_984 : i32
      %add3A_986 = arith.addi %add3A_538, %mul3A_985 : i32
      %add3A_987 = vector.broadcast %add3A_986 : i32 to vector<16xi32>
      %add3A_988 = arith.addi %broadcast_in_dim3A_979, %add3A_987 : vector<16xi32>
      %sub3A_989 = arith.subi %add3A_988, %mul3A_58 : vector<16xi32>
      %gather3A_990 = tpu.vector_load_idx %arg4[%sub3A_989] : memref<63504xf32, #tpu.memory_space<vmem>>[vector<16xi32>], vector<16xf32>,
      %add3A_991 = arith.constant 0 : i32
      %add3A_992 = arith.addi %mul3A_533, %add3A_991 : i32
      %swap3A_993 = arith.constant 11 : i32
      %swap3A_994 = arith.index_cast %swap3A_993 : i32 to index
      %swap3A_995 = arith.index_cast %add3A_992 : i32 to index
      %swap3A_996 = tpu.vector_load %arg5[%swap3A_994, %swap3A_995] {strides = array<i32>} : memref<16x2016xf32, #tpu.memory_space<vmem>>, vector<16xf32>,
      tpu.vector_store %arg5[%swap3A_994, %swap3A_995], %gather3A_990 {strides = array<i32>} : memref<16x2016xf32, #tpu.memory_space<vmem>>, vector<16xf32>,
      %broadcast_in_dim3A_997 = arith.constant 0 : i32
      %broadcast_in_dim3A_998 = vector.broadcast %broadcast_in_dim3A_997 : i32 to vector<16xi32>
      %sub3A_999 = arith.constant 16 : i32
      %sub3A_1000 = arith.subi %add3A_977, %sub3A_999 : i32
      %add3A_1001 = arith.constant 31 : i32
      %add3A_1002 = arith.addi %sub3A_1000, %add3A_1001 : i32
      %mul3A_1003 = arith.constant 16 : i32
      %mul3A_1004 = arith.muli %add3A_1002, %mul3A_1003 : i32
      %add3A_1005 = arith.addi %add3A_538, %mul3A_1004 : i32
      %add3A_1006 = vector.broadcast %add3A_1005 : i32 to vector<16xi32>
      %add3A_1007 = arith.addi %broadcast_in_dim3A_998, %add3A_1006 : vector<16xi32>
      %sub3A_1008 = arith.subi %add3A_1007, %mul3A_58 : vector<16xi32>
      %gather3A_1009 = tpu.vector_load_idx %arg4[%sub3A_1008] : memref<63504xf32, #tpu.memory_space<vmem>>[vector<16xi32>], vector<16xf32>,
      %add3A_1010 = arith.constant 16 : i32
      %add3A_1011 = arith.addi %mul3A_533, %add3A_1010 : i32
      %swap3A_1012 = arith.constant 11 : i32
      %swap3A_1013 = arith.index_cast %swap3A_1012 : i32 to index
      %swap3A_1014 = arith.index_cast %add3A_1011 : i32 to index
      %swap3A_1015 = tpu.vector_load %arg5[%swap3A_1013, %swap3A_1014] {strides = array<i32>} : memref<16x2016xf32, #tpu.memory_space<vmem>>, vector<16xf32>,
      tpu.vector_store %arg5[%swap3A_1013, %swap3A_1014], %gather3A_1009 {strides = array<i32>} : memref<16x2016xf32, #tpu.memory_space<vmem>>, vector<16xf32>,
      %add3A_1016 = arith.constant 12 : i32
      %add3A_1017 = arith.addi %mul3A_32, %add3A_1016 : i32
      %broadcast_in_dim3A_1018 = arith.constant 0 : i32
      %broadcast_in_dim3A_1019 = vector.broadcast %broadcast_in_dim3A_1018 : i32 to vector<16xi32>
      %sub3A_1020 = arith.constant 0 : i32
      %sub3A_1021 = arith.subi %add3A_1017, %sub3A_1020 : i32
      %add3A_1022 = arith.constant 31 : i32
      %add3A_1023 = arith.addi %sub3A_1021, %add3A_1022 : i32
      %mul3A_1024 = arith.constant 16 : i32
      %mul3A_1025 = arith.muli %add3A_1023, %mul3A_1024 : i32
      %add3A_1026 = arith.addi %add3A_538, %mul3A_1025 : i32
      %add3A_1027 = vector.broadcast %add3A_1026 : i32 to vector<16xi32>
      %add3A_1028 = arith.addi %broadcast_in_dim3A_1019, %add3A_1027 : vector<16xi32>
      %sub3A_1029 = arith.subi %add3A_1028, %mul3A_58 : vector<16xi32>
      %gather3A_1030 = tpu.vector_load_idx %arg4[%sub3A_1029] : memref<63504xf32, #tpu.memory_space<vmem>>[vector<16xi32>], vector<16xf32>,
      %add3A_1031 = arith.constant 0 : i32
      %add3A_1032 = arith.addi %mul3A_533, %add3A_1031 : i32
      %swap3A_1033 = arith.constant 12 : i32
      %swap3A_1034 = arith.index_cast %swap3A_1033 : i32 to index
      %swap3A_1035 = arith.index_cast %add3A_1032 : i32 to index
      %swap3A_1036 = tpu.vector_load %arg5[%swap3A_1034, %swap3A_1035] {strides = array<i32>} : memref<16x2016xf32, #tpu.memory_space<vmem>>, vector<16xf32>,
      tpu.vector_store %arg5[%swap3A_1034, %swap3A_1035], %gather3A_1030 {strides = array<i32>} : memref<16x2016xf32, #tpu.memory_space<vmem>>, vector<16xf32>,
      %broadcast_in_dim3A_1037 = arith.constant 0 : i32
      %broadcast_in_dim3A_1038 = vector.broadcast %broadcast_in_dim3A_1037 : i32 to vector<16xi32>
      %sub3A_1039 = arith.constant 16 : i32
      %sub3A_1040 = arith.subi %add3A_1017, %sub3A_1039 : i32
      %add3A_1041 = arith.constant 31 : i32
      %add3A_1042 = arith.addi %sub3A_1040, %add3A_1041 : i32
      %mul3A_1043 = arith.constant 16 : i32
      %mul3A_1044 = arith.muli %add3A_1042, %mul3A_1043 : i32
      %add3A_1045 = arith.addi %add3A_538, %mul3A_1044 : i32
      %add3A_1046 = vector.broadcast %add3A_1045 : i32 to vector<16xi32>
      %add3A_1047 = arith.addi %broadcast_in_dim3A_1038, %add3A_1046 : vector<16xi32>
      %sub3A_1048 = arith.subi %add3A_1047, %mul3A_58 : vector<16xi32>
      %gather3A_1049 = tpu.vector_load_idx %arg4[%sub3A_1048] : memref<63504xf32, #tpu.memory_space<vmem>>[vector<16xi32>], vector<16xf32>,
      %add3A_1050 = arith.constant 16 : i32
      %add3A_1051 = arith.addi %mul3A_533, %add3A_1050 : i32
      %swap3A_1052 = arith.constant 12 : i32
      %swap3A_1053 = arith.index_cast %swap3A_1052 : i32 to index
      %swap3A_1054 = arith.index_cast %add3A_1051 : i32 to index
      %swap3A_1055 = tpu.vector_load %arg5[%swap3A_1053, %swap3A_1054] {strides = array<i32>} : memref<16x2016xf32, #tpu.memory_space<vmem>>, vector<16xf32>,
      tpu.vector_store %arg5[%swap3A_1053, %swap3A_1054], %gather3A_1049 {strides = array<i32>} : memref<16x2016xf32, #tpu.memory_space<vmem>>, vector<16xf32>,
      %add3A_1056 = arith.constant 13 : i32
      %add3A_1057 = arith.addi %mul3A_32, %add3A_1056 : i32
      %broadcast_in_dim3A_1058 = arith.constant 0 : i32
      %broadcast_in_dim3A_1059 = vector.broadcast %broadcast_in_dim3A_1058 : i32 to vector<16xi32>
      %sub3A_1060 = arith.constant 0 : i32
      %sub3A_1061 = arith.subi %add3A_1057, %sub3A_1060 : i32
      %add3A_1062 = arith.constant 31 : i32
      %add3A_1063 = arith.addi %sub3A_1061, %add3A_1062 : i32
      %mul3A_1064 = arith.constant 16 : i32
      %mul3A_1065 = arith.muli %add3A_1063, %mul3A_1064 : i32
      %add3A_1066 = arith.addi %add3A_538, %mul3A_1065 : i32
      %add3A_1067 = vector.broadcast %add3A_1066 : i32 to vector<16xi32>
      %add3A_1068 = arith.addi %broadcast_in_dim3A_1059, %add3A_1067 : vector<16xi32>
      %sub3A_1069 = arith.subi %add3A_1068, %mul3A_58 : vector<16xi32>
      %gather3A_1070 = tpu.vector_load_idx %arg4[%sub3A_1069] : memref<63504xf32, #tpu.memory_space<vmem>>[vector<16xi32>], vector<16xf32>,
      %add3A_1071 = arith.constant 0 : i32
      %add3A_1072 = arith.addi %mul3A_533, %add3A_1071 : i32
      %swap3A_1073 = arith.constant 13 : i32
      %swap3A_1074 = arith.index_cast %swap3A_1073 : i32 to index
      %swap3A_1075 = arith.index_cast %add3A_1072 : i32 to index
      %swap3A_1076 = tpu.vector_load %arg5[%swap3A_1074, %swap3A_1075] {strides = array<i32>} : memref<16x2016xf32, #tpu.memory_space<vmem>>, vector<16xf32>,
      tpu.vector_store %arg5[%swap3A_1074, %swap3A_1075], %gather3A_1070 {strides = array<i32>} : memref<16x2016xf32, #tpu.memory_space<vmem>>, vector<16xf32>,
      %broadcast_in_dim3A_1077 = arith.constant 0 : i32
      %broadcast_in_dim3A_1078 = vector.broadcast %broadcast_in_dim3A_1077 : i32 to vector<16xi32>
      %sub3A_1079 = arith.constant 16 : i32
      %sub3A_1080 = arith.subi %add3A_1057, %sub3A_1079 : i32
      %add3A_1081 = arith.constant 31 : i32
      %add3A_1082 = arith.addi %sub3A_1080, %add3A_1081 : i32
      %mul3A_1083 = arith.constant 16 : i32
      %mul3A_1084 = arith.muli %add3A_1082, %mul3A_1083 : i32
      %add3A_1085 = arith.addi %add3A_538, %mul3A_1084 : i32
      %add3A_1086 = vector.broadcast %add3A_1085 : i32 to vector<16xi32>
      %add3A_1087 = arith.addi %broadcast_in_dim3A_1078, %add3A_1086 : vector<16xi32>
      %sub3A_1088 = arith.subi %add3A_1087, %mul3A_58 : vector<16xi32>
      %gather3A_1089 = tpu.vector_load_idx %arg4[%sub3A_1088] : memref<63504xf32, #tpu.memory_space<vmem>>[vector<16xi32>], vector<16xf32>,
      %add3A_1090 = arith.constant 16 : i32
      %add3A_1091 = arith.addi %mul3A_533, %add3A_1090 : i32
      %swap3A_1092 = arith.constant 13 : i32
      %swap3A_1093 = arith.index_cast %swap3A_1092 : i32 to index
      %swap3A_1094 = arith.index_cast %add3A_1091 : i32 to index
      %swap3A_1095 = tpu.vector_load %arg5[%swap3A_1093, %swap3A_1094] {strides = array<i32>} : memref<16x2016xf32, #tpu.memory_space<vmem>>, vector<16xf32>,
      tpu.vector_store %arg5[%swap3A_1093, %swap3A_1094], %gather3A_1089 {strides = array<i32>} : memref<16x2016xf32, #tpu.memory_space<vmem>>, vector<16xf32>,
      %add3A_1096 = arith.constant 14 : i32
      %add3A_1097 = arith.addi %mul3A_32, %add3A_1096 : i32
      %broadcast_in_dim3A_1098 = arith.constant 0 : i32
      %broadcast_in_dim3A_1099 = vector.broadcast %broadcast_in_dim3A_1098 : i32 to vector<16xi32>
      %sub3A_1100 = arith.constant 0 : i32
      %sub3A_1101 = arith.subi %add3A_1097, %sub3A_1100 : i32
      %add3A_1102 = arith.constant 31 : i32
      %add3A_1103 = arith.addi %sub3A_1101, %add3A_1102 : i32
      %mul3A_1104 = arith.constant 16 : i32
      %mul3A_1105 = arith.muli %add3A_1103, %mul3A_1104 : i32
      %add3A_1106 = arith.addi %add3A_538, %mul3A_1105 : i32
      %add3A_1107 = vector.broadcast %add3A_1106 : i32 to vector<16xi32>
      %add3A_1108 = arith.addi %broadcast_in_dim3A_1099, %add3A_1107 : vector<16xi32>
      %sub3A_1109 = arith.subi %add3A_1108, %mul3A_58 : vector<16xi32>
      %gather3A_1110 = tpu.vector_load_idx %arg4[%sub3A_1109] : memref<63504xf32, #tpu.memory_space<vmem>>[vector<16xi32>], vector<16xf32>,
      %add3A_1111 = arith.constant 0 : i32
      %add3A_1112 = arith.addi %mul3A_533, %add3A_1111 : i32
      %swap3A_1113 = arith.constant 14 : i32
      %swap3A_1114 = arith.index_cast %swap3A_1113 : i32 to index
      %swap3A_1115 = arith.index_cast %add3A_1112 : i32 to index
      %swap3A_1116 = tpu.vector_load %arg5[%swap3A_1114, %swap3A_1115] {strides = array<i32>} : memref<16x2016xf32, #tpu.memory_space<vmem>>, vector<16xf32>,
      tpu.vector_store %arg5[%swap3A_1114, %swap3A_1115], %gather3A_1110 {strides = array<i32>} : memref<16x2016xf32, #tpu.memory_space<vmem>>, vector<16xf32>,
      %broadcast_in_dim3A_1117 = arith.constant 0 : i32
      %broadcast_in_dim3A_1118 = vector.broadcast %broadcast_in_dim3A_1117 : i32 to vector<16xi32>
      %sub3A_1119 = arith.constant 16 : i32
      %sub3A_1120 = arith.subi %add3A_1097, %sub3A_1119 : i32
      %add3A_1121 = arith.constant 31 : i32
      %add3A_1122 = arith.addi %sub3A_1120, %add3A_1121 : i32
      %mul3A_1123 = arith.constant 16 : i32
      %mul3A_1124 = arith.muli %add3A_1122, %mul3A_1123 : i32
      %add3A_1125 = arith.addi %add3A_538, %mul3A_1124 : i32
      %add3A_1126 = vector.broadcast %add3A_1125 : i32 to vector<16xi32>
      %add3A_1127 = arith.addi %broadcast_in_dim3A_1118, %add3A_1126 : vector<16xi32>
      %sub3A_1128 = arith.subi %add3A_1127, %mul3A_58 : vector<16xi32>
      %gather3A_1129 = tpu.vector_load_idx %arg4[%sub3A_1128] : memref<63504xf32, #tpu.memory_space<vmem>>[vector<16xi32>], vector<16xf32>,
      %add3A_1130 = arith.constant 16 : i32
      %add3A_1131 = arith.addi %mul3A_533, %add3A_1130 : i32
      %swap3A_1132 = arith.constant 14 : i32
      %swap3A_1133 = arith.index_cast %swap3A_1132 : i32 to index
      %swap3A_1134 = arith.index_cast %add3A_1131 : i32 to index
      %swap3A_1135 = tpu.vector_load %arg5[%swap3A_1133, %swap3A_1134] {strides = array<i32>} : memref<16x2016xf32, #tpu.memory_space<vmem>>, vector<16xf32>,
      tpu.vector_store %arg5[%swap3A_1133, %swap3A_1134], %gather3A_1129 {strides = array<i32>} : memref<16x2016xf32, #tpu.memory_space<vmem>>, vector<16xf32>,
      %add3A_1136 = arith.constant 15 : i32
      %add3A_1137 = arith.addi %mul3A_32, %add3A_1136 : i32
      %broadcast_in_dim3A_1138 = arith.constant 0 : i32
      %broadcast_in_dim3A_1139 = vector.broadcast %broadcast_in_dim3A_1138 : i32 to vector<16xi32>
      %sub3A_1140 = arith.constant 0 : i32
      %sub3A_1141 = arith.subi %add3A_1137, %sub3A_1140 : i32
      %add3A_1142 = arith.constant 31 : i32
      %add3A_1143 = arith.addi %sub3A_1141, %add3A_1142 : i32
      %mul3A_1144 = arith.constant 16 : i32
      %mul3A_1145 = arith.muli %add3A_1143, %mul3A_1144 : i32
      %add3A_1146 = arith.addi %add3A_538, %mul3A_1145 : i32
      %add3A_1147 = vector.broadcast %add3A_1146 : i32 to vector<16xi32>
      %add3A_1148 = arith.addi %broadcast_in_dim3A_1139, %add3A_1147 : vector<16xi32>
      %sub3A_1149 = arith.subi %add3A_1148, %mul3A_58 : vector<16xi32>
      %gather3A_1150 = tpu.vector_load_idx %arg4[%sub3A_1149] : memref<63504xf32, #tpu.memory_space<vmem>>[vector<16xi32>], vector<16xf32>,
      %add3A_1151 = arith.constant 0 : i32
      %add3A_1152 = arith.addi %mul3A_533, %add3A_1151 : i32
      %swap3A_1153 = arith.constant 15 : i32
      %swap3A_1154 = arith.index_cast %swap3A_1153 : i32 to index
      %swap3A_1155 = arith.index_cast %add3A_1152 : i32 to index
      %swap3A_1156 = tpu.vector_load %arg5[%swap3A_1154, %swap3A_1155] {strides = array<i32>} : memref<16x2016xf32, #tpu.memory_space<vmem>>, vector<16xf32>,
      tpu.vector_store %arg5[%swap3A_1154, %swap3A_1155], %gather3A_1150 {strides = array<i32>} : memref<16x2016xf32, #tpu.memory_space<vmem>>, vector<16xf32>,
      %broadcast_in_dim3A_1157 = arith.constant 0 : i32
      %broadcast_in_dim3A_1158 = vector.broadcast %broadcast_in_dim3A_1157 : i32 to vector<16xi32>
      %sub3A_1159 = arith.constant 16 : i32
      %sub3A_1160 = arith.subi %add3A_1137, %sub3A_1159 : i32
      %add3A_1161 = arith.constant 31 : i32
      %add3A_1162 = arith.addi %sub3A_1160, %add3A_1161 : i32
      %mul3A_1163 = arith.constant 16 : i32
      %mul3A_1164 = arith.muli %add3A_1162, %mul3A_1163 : i32
      %add3A_1165 = arith.addi %add3A_538, %mul3A_1164 : i32
      %add3A_1166 = vector.broadcast %add3A_1165 : i32 to vector<16xi32>
      %add3A_1167 = arith.addi %broadcast_in_dim3A_1158, %add3A_1166 : vector<16xi32>
      %sub3A_1168 = arith.subi %add3A_1167, %mul3A_58 : vector<16xi32>
      %gather3A_1169 = tpu.vector_load_idx %arg4[%sub3A_1168] : memref<63504xf32, #tpu.memory_space<vmem>>[vector<16xi32>], vector<16xf32>,
      %add3A_1170 = arith.constant 16 : i32
      %add3A_1171 = arith.addi %mul3A_533, %add3A_1170 : i32
      %swap3A_1172 = arith.constant 15 : i32
      %swap3A_1173 = arith.index_cast %swap3A_1172 : i32 to index
      %swap3A_1174 = arith.index_cast %add3A_1171 : i32 to index
      %swap3A_1175 = tpu.vector_load %arg5[%swap3A_1173, %swap3A_1174] {strides = array<i32>} : memref<16x2016xf32, #tpu.memory_space<vmem>>, vector<16xf32>,
      tpu.vector_store %arg5[%swap3A_1173, %swap3A_1174], %gather3A_1169 {strides = array<i32>} : memref<16x2016xf32, #tpu.memory_space<vmem>>, vector<16xf32>,
    }
    %scan3A_84 = arith.constant 24 : i32
    %add3A_85 = arith.constant 0 : i32
    %add3A_86 = arith.addi %add3A_85, %mul3A_32 : i32
    %dma_start3A_87 = arith.constant 0 : i32
    %dma_start3A_88 = arith.constant 992 : i32
    %dma_start3A_89 = tpu.memref_slice %arg5[%dma_start3A_87, %dma_start3A_88] : memref<16x2016xf32, #tpu.memory_space<vmem>> -> memref<16x1024xf32, #tpu.memory_space<vmem>>
    %dma_start3A_90 = arith.constant 0 : i32
    %dma_start3A_91 = tpu.memref_slice %arg3[%select_n3A, %add3A_86, %dma_start3A_90] : memref<16x1024x1024xf32, #tpu.memory_space<hbm>> -> memref<1x16x1024xf32, #tpu.memory_space<hbm>>
    %dma_start3A_92 = tpu.memref_squeeze %dma_start3A_91 : memref<1x16x1024xf32, #tpu.memory_space<hbm>> -> memref<16x1024xf32, #tpu.memory_space<hbm>>
    %dma_start3A_93 = arith.constant 0 : i32
    %dma_start3A_94 = tpu.memref_slice %arg3[%select_n3A, %add3A_86, %dma_start3A_93] : memref<16x1024x1024xf32, #tpu.memory_space<hbm>> -> memref<1x16x1024xf32, #tpu.memory_space<hbm>>
    %dma_start3A_95 = tpu.memref_squeeze %dma_start3A_94 : memref<1x16x1024xf32, #tpu.memory_space<hbm>> -> memref<16x1024xf32, #tpu.memory_space<hbm>>
    %dma_start3A_96 = arith.constant 0 : i32
    %dma_start3A_97 = arith.constant 992 : i32
    %dma_start3A_98 = tpu.memref_slice %arg5[%dma_start3A_96, %dma_start3A_97] : memref<16x2016xf32, #tpu.memory_space<vmem>> -> memref<16x1024xf32, #tpu.memory_space<vmem>>
    tpu.enqueue_dma source(%dma_start3A_98 : memref<16x1024xf32, #tpu.memory_space<vmem>>) target(%dma_start3A_95 : memref<16x1024xf32, #tpu.memory_space<hbm>>) target_semaphore(%arg9 : memref<!tpu.dma_semaphore, #tpu.memory_space<semaphore_mem>>)
    %dma_wait3A_99 = arith.constant 32256 : i32
    %dma_wait3A_100 = tpu.memref_slice %arg4[%dma_wait3A_99] : memref<63504xf32, #tpu.memory_space<vmem>> -> memref<31248xf32, #tpu.memory_space<vmem>>
    %dma_wait3A_101 = arith.constant 32256 : i32
    %dma_wait3A_102 = tpu.memref_slice %arg2[%dma_wait3A_101] : memref<63504xf32, #tpu.memory_space<hbm>> -> memref<31248xf32, #tpu.memory_space<hbm>>
    %dma_wait3A_103 = arith.constant 32256 : i32
    %dma_wait3A_104 = tpu.memref_slice %arg4[%dma_wait3A_103] : memref<63504xf32, #tpu.memory_space<vmem>> -> memref<31248xf32, #tpu.memory_space<vmem>>
    %dma_wait3A_105 = arith.constant 32256 : i32
    %dma_wait3A_106 = tpu.memref_slice %arg2[%dma_wait3A_105] : memref<63504xf32, #tpu.memory_space<hbm>> -> memref<31248xf32, #tpu.memory_space<hbm>>
    tpu.wait_dma2 semaphore(%arg8 : memref<!tpu.dma_semaphore, #tpu.memory_space<semaphore_mem>>) src(%dma_wait3A_106 : memref<31248xf32, #tpu.memory_space<hbm>>) dst(%dma_wait3A_104 : memref<31248xf32, #tpu.memory_space<vmem>>)
    %scan3A_107 = arith.constant 0 : i32
    %scan3A_108 = arith.constant 32 : i32
    %scan3A_109 = arith.constant 31 : i32
    %scan3A_110 = arith.addi %scan3A_108, %scan3A_109 : i32
    %scan3A_111 = arith.constant 1 : i32
    scf.for %scan3A_529 = %scan3A_108 to %scan3A_110 step %scan3A_111  : i32 {
      %sub3A_530 = arith.constant 62 : i32
      %sub3A_531 = arith.subi %sub3A_530, %scan3A_529 : i32
      %mul3A_532 = arith.constant 32 : i32
      %mul3A_533 = arith.muli %sub3A_531, %mul3A_532 : i32
      %mul3A_534 = arith.constant 63 : i32
      %mul3A_535 = arith.muli %scan3A_529, %mul3A_534 : i32
      %mul3A_536 = arith.constant 16 : i32
      %mul3A_537 = arith.muli %mul3A_535, %mul3A_536 : i32
      %add3A_538 = arith.addi %mul3A_537, %select_n3A : i32
      %add3A_539 = arith.constant 0 : i32
      %add3A_540 = arith.addi %mul3A_32, %add3A_539 : i32
      %broadcast_in_dim3A = arith.constant 0 : i32
      %broadcast_in_dim3A_541 = vector.broadcast %broadcast_in_dim3A : i32 to vector<16xi32>
      %sub3A_542 = arith.constant 0 : i32
      %sub3A_543 = arith.subi %add3A_540, %sub3A_542 : i32
      %add3A_544 = arith.constant 31 : i32
      %add3A_545 = arith.addi %sub3A_543, %add3A_544 : i32
      %mul3A_546 = arith.constant 16 : i32
      %mul3A_547 = arith.muli %add3A_545, %mul3A_546 : i32
      %add3A_548 = arith.addi %add3A_538, %mul3A_547 : i32
      %add3A_549 = vector.broadcast %add3A_548 : i32 to vector<16xi32>
      %add3A_550 = arith.addi %broadcast_in_dim3A_541, %add3A_549 : vector<16xi32>
      %sub3A_551 = arith.subi %add3A_550, %mul3A_58 : vector<16xi32>
      %gather3A = tpu.vector_load_idx %arg4[%sub3A_551] : memref<63504xf32, #tpu.memory_space<vmem>>[vector<16xi32>], vector<16xf32>,
      %add3A_552 = arith.constant 0 : i32
      %add3A_553 = arith.addi %mul3A_533, %add3A_552 : i32
      %swap3A = arith.constant 0 : i32
      %swap3A_554 = arith.index_cast %swap3A : i32 to index
      %swap3A_555 = arith.index_cast %add3A_553 : i32 to index
      %swap3A_556 = tpu.vector_load %arg5[%swap3A_554, %swap3A_555] {strides = array<i32>} : memref<16x2016xf32, #tpu.memory_space<vmem>>, vector<16xf32>,
      tpu.vector_store %arg5[%swap3A_554, %swap3A_555], %gather3A {strides = array<i32>} : memref<16x2016xf32, #tpu.memory_space<vmem>>, vector<16xf32>,
      %broadcast_in_dim3A_557 = arith.constant 0 : i32
      %broadcast_in_dim3A_558 = vector.broadcast %broadcast_in_dim3A_557 : i32 to vector<16xi32>
      %sub3A_559 = arith.constant 16 : i32
      %sub3A_560 = arith.subi %add3A_540, %sub3A_559 : i32
      %add3A_561 = arith.constant 31 : i32
      %add3A_562 = arith.addi %sub3A_560, %add3A_561 : i32
      %mul3A_563 = arith.constant 16 : i32
      %mul3A_564 = arith.muli %add3A_562, %mul3A_563 : i32
      %add3A_565 = arith.addi %add3A_538, %mul3A_564 : i32
      %add3A_566 = vector.broadcast %add3A_565 : i32 to vector<16xi32>
      %add3A_567 = arith.addi %broadcast_in_dim3A_558, %add3A_566 : vector<16xi32>
      %sub3A_568 = arith.subi %add3A_567, %mul3A_58 : vector<16xi32>
      %gather3A_569 = tpu.vector_load_idx %arg4[%sub3A_568] : memref<63504xf32, #tpu.memory_space<vmem>>[vector<16xi32>], vector<16xf32>,
      %add3A_570 = arith.constant 16 : i32
      %add3A_571 = arith.addi %mul3A_533, %add3A_570 : i32
      %swap3A_572 = arith.constant 0 : i32
      %swap3A_573 = arith.index_cast %swap3A_572 : i32 to index
      %swap3A_574 = arith.index_cast %add3A_571 : i32 to index
      %swap3A_575 = tpu.vector_load %arg5[%swap3A_573, %swap3A_574] {strides = array<i32>} : memref<16x2016xf32, #tpu.memory_space<vmem>>, vector<16xf32>,
      tpu.vector_store %arg5[%swap3A_573, %swap3A_574], %gather3A_569 {strides = array<i32>} : memref<16x2016xf32, #tpu.memory_space<vmem>>, vector<16xf32>,
      %add3A_576 = arith.constant 1 : i32
      %add3A_577 = arith.addi %mul3A_32, %add3A_576 : i32
      %broadcast_in_dim3A_578 = arith.constant 0 : i32
      %broadcast_in_dim3A_579 = vector.broadcast %broadcast_in_dim3A_578 : i32 to vector<16xi32>
      %sub3A_580 = arith.constant 0 : i32
      %sub3A_581 = arith.subi %add3A_577, %sub3A_580 : i32
      %add3A_582 = arith.constant 31 : i32
      %add3A_583 = arith.addi %sub3A_581, %add3A_582 : i32
      %mul3A_584 = arith.constant 16 : i32
      %mul3A_585 = arith.muli %add3A_583, %mul3A_584 : i32
      %add3A_586 = arith.addi %add3A_538, %mul3A_585 : i32
      %add3A_587 = vector.broadcast %add3A_586 : i32 to vector<16xi32>
      %add3A_588 = arith.addi %broadcast_in_dim3A_579, %add3A_587 : vector<16xi32>
      %sub3A_589 = arith.subi %add3A_588, %mul3A_58 : vector<16xi32>
      %gather3A_590 = tpu.vector_load_idx %arg4[%sub3A_589] : memref<63504xf32, #tpu.memory_space<vmem>>[vector<16xi32>], vector<16xf32>,
      %add3A_591 = arith.constant 0 : i32
      %add3A_592 = arith.addi %mul3A_533, %add3A_591 : i32
      %swap3A_593 = arith.constant 1 : i32
      %swap3A_594 = arith.index_cast %swap3A_593 : i32 to index
      %swap3A_595 = arith.index_cast %add3A_592 : i32 to index
      %swap3A_596 = tpu.vector_load %arg5[%swap3A_594, %swap3A_595] {strides = array<i32>} : memref<16x2016xf32, #tpu.memory_space<vmem>>, vector<16xf32>,
      tpu.vector_store %arg5[%swap3A_594, %swap3A_595], %gather3A_590 {strides = array<i32>} : memref<16x2016xf32, #tpu.memory_space<vmem>>, vector<16xf32>,
      %broadcast_in_dim3A_597 = arith.constant 0 : i32
      %broadcast_in_dim3A_598 = vector.broadcast %broadcast_in_dim3A_597 : i32 to vector<16xi32>
      %sub3A_599 = arith.constant 16 : i32
      %sub3A_600 = arith.subi %add3A_577, %sub3A_599 : i32
      %add3A_601 = arith.constant 31 : i32
      %add3A_602 = arith.addi %sub3A_600, %add3A_601 : i32
      %mul3A_603 = arith.constant 16 : i32
      %mul3A_604 = arith.muli %add3A_602, %mul3A_603 : i32
      %add3A_605 = arith.addi %add3A_538, %mul3A_604 : i32
      %add3A_606 = vector.broadcast %add3A_605 : i32 to vector<16xi32>
      %add3A_607 = arith.addi %broadcast_in_dim3A_598, %add3A_606 : vector<16xi32>
      %sub3A_608 = arith.subi %add3A_607, %mul3A_58 : vector<16xi32>
      %gather3A_609 = tpu.vector_load_idx %arg4[%sub3A_608] : memref<63504xf32, #tpu.memory_space<vmem>>[vector<16xi32>], vector<16xf32>,
      %add3A_610 = arith.constant 16 : i32
      %add3A_611 = arith.addi %mul3A_533, %add3A_610 : i32
      %swap3A_612 = arith.constant 1 : i32
      %swap3A_613 = arith.index_cast %swap3A_612 : i32 to index
      %swap3A_614 = arith.index_cast %add3A_611 : i32 to index
      %swap3A_615 = tpu.vector_load %arg5[%swap3A_613, %swap3A_614] {strides = array<i32>} : memref<16x2016xf32, #tpu.memory_space<vmem>>, vector<16xf32>,
      tpu.vector_store %arg5[%swap3A_613, %swap3A_614], %gather3A_609 {strides = array<i32>} : memref<16x2016xf32, #tpu.memory_space<vmem>>, vector<16xf32>,
      %add3A_616 = arith.constant 2 : i32
      %add3A_617 = arith.addi %mul3A_32, %add3A_616 : i32
      %broadcast_in_dim3A_618 = arith.constant 0 : i32
      %broadcast_in_dim3A_619 = vector.broadcast %broadcast_in_dim3A_618 : i32 to vector<16xi32>
      %sub3A_620 = arith.constant 0 : i32
      %sub3A_621 = arith.subi %add3A_617, %sub3A_620 : i32
      %add3A_622 = arith.constant 31 : i32
      %add3A_623 = arith.addi %sub3A_621, %add3A_622 : i32
      %mul3A_624 = arith.constant 16 : i32
      %mul3A_625 = arith.muli %add3A_623, %mul3A_624 : i32
      %add3A_626 = arith.addi %add3A_538, %mul3A_625 : i32
      %add3A_627 = vector.broadcast %add3A_626 : i32 to vector<16xi32>
      %add3A_628 = arith.addi %broadcast_in_dim3A_619, %add3A_627 : vector<16xi32>
      %sub3A_629 = arith.subi %add3A_628, %mul3A_58 : vector<16xi32>
      %gather3A_630 = tpu.vector_load_idx %arg4[%sub3A_629] : memref<63504xf32, #tpu.memory_space<vmem>>[vector<16xi32>], vector<16xf32>,
      %add3A_631 = arith.constant 0 : i32
      %add3A_632 = arith.addi %mul3A_533, %add3A_631 : i32
      %swap3A_633 = arith.constant 2 : i32
      %swap3A_634 = arith.index_cast %swap3A_633 : i32 to index
      %swap3A_635 = arith.index_cast %add3A_632 : i32 to index
      %swap3A_636 = tpu.vector_load %arg5[%swap3A_634, %swap3A_635] {strides = array<i32>} : memref<16x2016xf32, #tpu.memory_space<vmem>>, vector<16xf32>,
      tpu.vector_store %arg5[%swap3A_634, %swap3A_635], %gather3A_630 {strides = array<i32>} : memref<16x2016xf32, #tpu.memory_space<vmem>>, vector<16xf32>,
      %broadcast_in_dim3A_637 = arith.constant 0 : i32
      %broadcast_in_dim3A_638 = vector.broadcast %broadcast_in_dim3A_637 : i32 to vector<16xi32>
      %sub3A_639 = arith.constant 16 : i32
      %sub3A_640 = arith.subi %add3A_617, %sub3A_639 : i32
      %add3A_641 = arith.constant 31 : i32
      %add3A_642 = arith.addi %sub3A_640, %add3A_641 : i32
      %mul3A_643 = arith.constant 16 : i32
      %mul3A_644 = arith.muli %add3A_642, %mul3A_643 : i32
      %add3A_645 = arith.addi %add3A_538, %mul3A_644 : i32
      %add3A_646 = vector.broadcast %add3A_645 : i32 to vector<16xi32>
      %add3A_647 = arith.addi %broadcast_in_dim3A_638, %add3A_646 : vector<16xi32>
      %sub3A_648 = arith.subi %add3A_647, %mul3A_58 : vector<16xi32>
      %gather3A_649 = tpu.vector_load_idx %arg4[%sub3A_648] : memref<63504xf32, #tpu.memory_space<vmem>>[vector<16xi32>], vector<16xf32>,
      %add3A_650 = arith.constant 16 : i32
      %add3A_651 = arith.addi %mul3A_533, %add3A_650 : i32
      %swap3A_652 = arith.constant 2 : i32
      %swap3A_653 = arith.index_cast %swap3A_652 : i32 to index
      %swap3A_654 = arith.index_cast %add3A_651 : i32 to index
      %swap3A_655 = tpu.vector_load %arg5[%swap3A_653, %swap3A_654] {strides = array<i32>} : memref<16x2016xf32, #tpu.memory_space<vmem>>, vector<16xf32>,
      tpu.vector_store %arg5[%swap3A_653, %swap3A_654], %gather3A_649 {strides = array<i32>} : memref<16x2016xf32, #tpu.memory_space<vmem>>, vector<16xf32>,
      %add3A_656 = arith.constant 3 : i32
      %add3A_657 = arith.addi %mul3A_32, %add3A_656 : i32
      %broadcast_in_dim3A_658 = arith.constant 0 : i32
      %broadcast_in_dim3A_659 = vector.broadcast %broadcast_in_dim3A_658 : i32 to vector<16xi32>
      %sub3A_660 = arith.constant 0 : i32
      %sub3A_661 = arith.subi %add3A_657, %sub3A_660 : i32
      %add3A_662 = arith.constant 31 : i32
      %add3A_663 = arith.addi %sub3A_661, %add3A_662 : i32
      %mul3A_664 = arith.constant 16 : i32
      %mul3A_665 = arith.muli %add3A_663, %mul3A_664 : i32
      %add3A_666 = arith.addi %add3A_538, %mul3A_665 : i32
      %add3A_667 = vector.broadcast %add3A_666 : i32 to vector<16xi32>
      %add3A_668 = arith.addi %broadcast_in_dim3A_659, %add3A_667 : vector<16xi32>
      %sub3A_669 = arith.subi %add3A_668, %mul3A_58 : vector<16xi32>
      %gather3A_670 = tpu.vector_load_idx %arg4[%sub3A_669] : memref<63504xf32, #tpu.memory_space<vmem>>[vector<16xi32>], vector<16xf32>,
      %add3A_671 = arith.constant 0 : i32
      %add3A_672 = arith.addi %mul3A_533, %add3A_671 : i32
      %swap3A_673 = arith.constant 3 : i32
      %swap3A_674 = arith.index_cast %swap3A_673 : i32 to index
      %swap3A_675 = arith.index_cast %add3A_672 : i32 to index
      %swap3A_676 = tpu.vector_load %arg5[%swap3A_674, %swap3A_675] {strides = array<i32>} : memref<16x2016xf32, #tpu.memory_space<vmem>>, vector<16xf32>,
      tpu.vector_store %arg5[%swap3A_674, %swap3A_675], %gather3A_670 {strides = array<i32>} : memref<16x2016xf32, #tpu.memory_space<vmem>>, vector<16xf32>,
      %broadcast_in_dim3A_677 = arith.constant 0 : i32
      %broadcast_in_dim3A_678 = vector.broadcast %broadcast_in_dim3A_677 : i32 to vector<16xi32>
      %sub3A_679 = arith.constant 16 : i32
      %sub3A_680 = arith.subi %add3A_657, %sub3A_679 : i32
      %add3A_681 = arith.constant 31 : i32
      %add3A_682 = arith.addi %sub3A_680, %add3A_681 : i32
      %mul3A_683 = arith.constant 16 : i32
      %mul3A_684 = arith.muli %add3A_682, %mul3A_683 : i32
      %add3A_685 = arith.addi %add3A_538, %mul3A_684 : i32
      %add3A_686 = vector.broadcast %add3A_685 : i32 to vector<16xi32>
      %add3A_687 = arith.addi %broadcast_in_dim3A_678, %add3A_686 : vector<16xi32>
      %sub3A_688 = arith.subi %add3A_687, %mul3A_58 : vector<16xi32>
      %gather3A_689 = tpu.vector_load_idx %arg4[%sub3A_688] : memref<63504xf32, #tpu.memory_space<vmem>>[vector<16xi32>], vector<16xf32>,
      %add3A_690 = arith.constant 16 : i32
      %add3A_691 = arith.addi %mul3A_533, %add3A_690 : i32
      %swap3A_692 = arith.constant 3 : i32
      %swap3A_693 = arith.index_cast %swap3A_692 : i32 to index
      %swap3A_694 = arith.index_cast %add3A_691 : i32 to index
      %swap3A_695 = tpu.vector_load %arg5[%swap3A_693, %swap3A_694] {strides = array<i32>} : memref<16x2016xf32, #tpu.memory_space<vmem>>, vector<16xf32>,
      tpu.vector_store %arg5[%swap3A_693, %swap3A_694], %gather3A_689 {strides = array<i32>} : memref<16x2016xf32, #tpu.memory_space<vmem>>, vector<16xf32>,
      %add3A_696 = arith.constant 4 : i32
      %add3A_697 = arith.addi %mul3A_32, %add3A_696 : i32
      %broadcast_in_dim3A_698 = arith.constant 0 : i32
      %broadcast_in_dim3A_699 = vector.broadcast %broadcast_in_dim3A_698 : i32 to vector<16xi32>
      %sub3A_700 = arith.constant 0 : i32
      %sub3A_701 = arith.subi %add3A_697, %sub3A_700 : i32
      %add3A_702 = arith.constant 31 : i32
      %add3A_703 = arith.addi %sub3A_701, %add3A_702 : i32
      %mul3A_704 = arith.constant 16 : i32
      %mul3A_705 = arith.muli %add3A_703, %mul3A_704 : i32
      %add3A_706 = arith.addi %add3A_538, %mul3A_705 : i32
      %add3A_707 = vector.broadcast %add3A_706 : i32 to vector<16xi32>
      %add3A_708 = arith.addi %broadcast_in_dim3A_699, %add3A_707 : vector<16xi32>
      %sub3A_709 = arith.subi %add3A_708, %mul3A_58 : vector<16xi32>
      %gather3A_710 = tpu.vector_load_idx %arg4[%sub3A_709] : memref<63504xf32, #tpu.memory_space<vmem>>[vector<16xi32>], vector<16xf32>,
      %add3A_711 = arith.constant 0 : i32
      %add3A_712 = arith.addi %mul3A_533, %add3A_711 : i32
      %swap3A_713 = arith.constant 4 : i32
      %swap3A_714 = arith.index_cast %swap3A_713 : i32 to index
      %swap3A_715 = arith.index_cast %add3A_712 : i32 to index
      %swap3A_716 = tpu.vector_load %arg5[%swap3A_714, %swap3A_715] {strides = array<i32>} : memref<16x2016xf32, #tpu.memory_space<vmem>>, vector<16xf32>,
      tpu.vector_store %arg5[%swap3A_714, %swap3A_715], %gather3A_710 {strides = array<i32>} : memref<16x2016xf32, #tpu.memory_space<vmem>>, vector<16xf32>,
      %broadcast_in_dim3A_717 = arith.constant 0 : i32
      %broadcast_in_dim3A_718 = vector.broadcast %broadcast_in_dim3A_717 : i32 to vector<16xi32>
      %sub3A_719 = arith.constant 16 : i32
      %sub3A_720 = arith.subi %add3A_697, %sub3A_719 : i32
      %add3A_721 = arith.constant 31 : i32
      %add3A_722 = arith.addi %sub3A_720, %add3A_721 : i32
      %mul3A_723 = arith.constant 16 : i32
      %mul3A_724 = arith.muli %add3A_722, %mul3A_723 : i32
      %add3A_725 = arith.addi %add3A_538, %mul3A_724 : i32
      %add3A_726 = vector.broadcast %add3A_725 : i32 to vector<16xi32>
      %add3A_727 = arith.addi %broadcast_in_dim3A_718, %add3A_726 : vector<16xi32>
      %sub3A_728 = arith.subi %add3A_727, %mul3A_58 : vector<16xi32>
      %gather3A_729 = tpu.vector_load_idx %arg4[%sub3A_728] : memref<63504xf32, #tpu.memory_space<vmem>>[vector<16xi32>], vector<16xf32>,
      %add3A_730 = arith.constant 16 : i32
      %add3A_731 = arith.addi %mul3A_533, %add3A_730 : i32
      %swap3A_732 = arith.constant 4 : i32
      %swap3A_733 = arith.index_cast %swap3A_732 : i32 to index
      %swap3A_734 = arith.index_cast %add3A_731 : i32 to index
      %swap3A_735 = tpu.vector_load %arg5[%swap3A_733, %swap3A_734] {strides = array<i32>} : memref<16x2016xf32, #tpu.memory_space<vmem>>, vector<16xf32>,
      tpu.vector_store %arg5[%swap3A_733, %swap3A_734], %gather3A_729 {strides = array<i32>} : memref<16x2016xf32, #tpu.memory_space<vmem>>, vector<16xf32>,
      %add3A_736 = arith.constant 5 : i32
      %add3A_737 = arith.addi %mul3A_32, %add3A_736 : i32
      %broadcast_in_dim3A_738 = arith.constant 0 : i32
      %broadcast_in_dim3A_739 = vector.broadcast %broadcast_in_dim3A_738 : i32 to vector<16xi32>
      %sub3A_740 = arith.constant 0 : i32
      %sub3A_741 = arith.subi %add3A_737, %sub3A_740 : i32
      %add3A_742 = arith.constant 31 : i32
      %add3A_743 = arith.addi %sub3A_741, %add3A_742 : i32
      %mul3A_744 = arith.constant 16 : i32
      %mul3A_745 = arith.muli %add3A_743, %mul3A_744 : i32
      %add3A_746 = arith.addi %add3A_538, %mul3A_745 : i32
      %add3A_747 = vector.broadcast %add3A_746 : i32 to vector<16xi32>
      %add3A_748 = arith.addi %broadcast_in_dim3A_739, %add3A_747 : vector<16xi32>
      %sub3A_749 = arith.subi %add3A_748, %mul3A_58 : vector<16xi32>
      %gather3A_750 = tpu.vector_load_idx %arg4[%sub3A_749] : memref<63504xf32, #tpu.memory_space<vmem>>[vector<16xi32>], vector<16xf32>,
      %add3A_751 = arith.constant 0 : i32
      %add3A_752 = arith.addi %mul3A_533, %add3A_751 : i32
      %swap3A_753 = arith.constant 5 : i32
      %swap3A_754 = arith.index_cast %swap3A_753 : i32 to index
      %swap3A_755 = arith.index_cast %add3A_752 : i32 to index
      %swap3A_756 = tpu.vector_load %arg5[%swap3A_754, %swap3A_755] {strides = array<i32>} : memref<16x2016xf32, #tpu.memory_space<vmem>>, vector<16xf32>,
      tpu.vector_store %arg5[%swap3A_754, %swap3A_755], %gather3A_750 {strides = array<i32>} : memref<16x2016xf32, #tpu.memory_space<vmem>>, vector<16xf32>,
      %broadcast_in_dim3A_757 = arith.constant 0 : i32
      %broadcast_in_dim3A_758 = vector.broadcast %broadcast_in_dim3A_757 : i32 to vector<16xi32>
      %sub3A_759 = arith.constant 16 : i32
      %sub3A_760 = arith.subi %add3A_737, %sub3A_759 : i32
      %add3A_761 = arith.constant 31 : i32
      %add3A_762 = arith.addi %sub3A_760, %add3A_761 : i32
      %mul3A_763 = arith.constant 16 : i32
      %mul3A_764 = arith.muli %add3A_762, %mul3A_763 : i32
      %add3A_765 = arith.addi %add3A_538, %mul3A_764 : i32
      %add3A_766 = vector.broadcast %add3A_765 : i32 to vector<16xi32>
      %add3A_767 = arith.addi %broadcast_in_dim3A_758, %add3A_766 : vector<16xi32>
      %sub3A_768 = arith.subi %add3A_767, %mul3A_58 : vector<16xi32>
      %gather3A_769 = tpu.vector_load_idx %arg4[%sub3A_768] : memref<63504xf32, #tpu.memory_space<vmem>>[vector<16xi32>], vector<16xf32>,
      %add3A_770 = arith.constant 16 : i32
      %add3A_771 = arith.addi %mul3A_533, %add3A_770 : i32
      %swap3A_772 = arith.constant 5 : i32
      %swap3A_773 = arith.index_cast %swap3A_772 : i32 to index
      %swap3A_774 = arith.index_cast %add3A_771 : i32 to index
      %swap3A_775 = tpu.vector_load %arg5[%swap3A_773, %swap3A_774] {strides = array<i32>} : memref<16x2016xf32, #tpu.memory_space<vmem>>, vector<16xf32>,
      tpu.vector_store %arg5[%swap3A_773, %swap3A_774], %gather3A_769 {strides = array<i32>} : memref<16x2016xf32, #tpu.memory_space<vmem>>, vector<16xf32>,
      %add3A_776 = arith.constant 6 : i32
      %add3A_777 = arith.addi %mul3A_32, %add3A_776 : i32
      %broadcast_in_dim3A_778 = arith.constant 0 : i32
      %broadcast_in_dim3A_779 = vector.broadcast %broadcast_in_dim3A_778 : i32 to vector<16xi32>
      %sub3A_780 = arith.constant 0 : i32
      %sub3A_781 = arith.subi %add3A_777, %sub3A_780 : i32
      %add3A_782 = arith.constant 31 : i32
      %add3A_783 = arith.addi %sub3A_781, %add3A_782 : i32
      %mul3A_784 = arith.constant 16 : i32
      %mul3A_785 = arith.muli %add3A_783, %mul3A_784 : i32
      %add3A_786 = arith.addi %add3A_538, %mul3A_785 : i32
      %add3A_787 = vector.broadcast %add3A_786 : i32 to vector<16xi32>
      %add3A_788 = arith.addi %broadcast_in_dim3A_779, %add3A_787 : vector<16xi32>
      %sub3A_789 = arith.subi %add3A_788, %mul3A_58 : vector<16xi32>
      %gather3A_790 = tpu.vector_load_idx %arg4[%sub3A_789] : memref<63504xf32, #tpu.memory_space<vmem>>[vector<16xi32>], vector<16xf32>,
      %add3A_791 = arith.constant 0 : i32
      %add3A_792 = arith.addi %mul3A_533, %add3A_791 : i32
      %swap3A_793 = arith.constant 6 : i32
      %swap3A_794 = arith.index_cast %swap3A_793 : i32 to index
      %swap3A_795 = arith.index_cast %add3A_792 : i32 to index
      %swap3A_796 = tpu.vector_load %arg5[%swap3A_794, %swap3A_795] {strides = array<i32>} : memref<16x2016xf32, #tpu.memory_space<vmem>>, vector<16xf32>,
      tpu.vector_store %arg5[%swap3A_794, %swap3A_795], %gather3A_790 {strides = array<i32>} : memref<16x2016xf32, #tpu.memory_space<vmem>>, vector<16xf32>,
      %broadcast_in_dim3A_797 = arith.constant 0 : i32
      %broadcast_in_dim3A_798 = vector.broadcast %broadcast_in_dim3A_797 : i32 to vector<16xi32>
      %sub3A_799 = arith.constant 16 : i32
      %sub3A_800 = arith.subi %add3A_777, %sub3A_799 : i32
      %add3A_801 = arith.constant 31 : i32
      %add3A_802 = arith.addi %sub3A_800, %add3A_801 : i32
      %mul3A_803 = arith.constant 16 : i32
      %mul3A_804 = arith.muli %add3A_802, %mul3A_803 : i32
      %add3A_805 = arith.addi %add3A_538, %mul3A_804 : i32
      %add3A_806 = vector.broadcast %add3A_805 : i32 to vector<16xi32>
      %add3A_807 = arith.addi %broadcast_in_dim3A_798, %add3A_806 : vector<16xi32>
      %sub3A_808 = arith.subi %add3A_807, %mul3A_58 : vector<16xi32>
      %gather3A_809 = tpu.vector_load_idx %arg4[%sub3A_808] : memref<63504xf32, #tpu.memory_space<vmem>>[vector<16xi32>], vector<16xf32>,
      %add3A_810 = arith.constant 16 : i32
      %add3A_811 = arith.addi %mul3A_533, %add3A_810 : i32
      %swap3A_812 = arith.constant 6 : i32
      %swap3A_813 = arith.index_cast %swap3A_812 : i32 to index
      %swap3A_814 = arith.index_cast %add3A_811 : i32 to index
      %swap3A_815 = tpu.vector_load %arg5[%swap3A_813, %swap3A_814] {strides = array<i32>} : memref<16x2016xf32, #tpu.memory_space<vmem>>, vector<16xf32>,
      tpu.vector_store %arg5[%swap3A_813, %swap3A_814], %gather3A_809 {strides = array<i32>} : memref<16x2016xf32, #tpu.memory_space<vmem>>, vector<16xf32>,
      %add3A_816 = arith.constant 7 : i32
      %add3A_817 = arith.addi %mul3A_32, %add3A_816 : i32
      %broadcast_in_dim3A_818 = arith.constant 0 : i32
      %broadcast_in_dim3A_819 = vector.broadcast %broadcast_in_dim3A_818 : i32 to vector<16xi32>
      %sub3A_820 = arith.constant 0 : i32
      %sub3A_821 = arith.subi %add3A_817, %sub3A_820 : i32
      %add3A_822 = arith.constant 31 : i32
      %add3A_823 = arith.addi %sub3A_821, %add3A_822 : i32
      %mul3A_824 = arith.constant 16 : i32
      %mul3A_825 = arith.muli %add3A_823, %mul3A_824 : i32
      %add3A_826 = arith.addi %add3A_538, %mul3A_825 : i32
      %add3A_827 = vector.broadcast %add3A_826 : i32 to vector<16xi32>
      %add3A_828 = arith.addi %broadcast_in_dim3A_819, %add3A_827 : vector<16xi32>
      %sub3A_829 = arith.subi %add3A_828, %mul3A_58 : vector<16xi32>
      %gather3A_830 = tpu.vector_load_idx %arg4[%sub3A_829] : memref<63504xf32, #tpu.memory_space<vmem>>[vector<16xi32>], vector<16xf32>,
      %add3A_831 = arith.constant 0 : i32
      %add3A_832 = arith.addi %mul3A_533, %add3A_831 : i32
      %swap3A_833 = arith.constant 7 : i32
      %swap3A_834 = arith.index_cast %swap3A_833 : i32 to index
      %swap3A_835 = arith.index_cast %add3A_832 : i32 to index
      %swap3A_836 = tpu.vector_load %arg5[%swap3A_834, %swap3A_835] {strides = array<i32>} : memref<16x2016xf32, #tpu.memory_space<vmem>>, vector<16xf32>,
      tpu.vector_store %arg5[%swap3A_834, %swap3A_835], %gather3A_830 {strides = array<i32>} : memref<16x2016xf32, #tpu.memory_space<vmem>>, vector<16xf32>,
      %broadcast_in_dim3A_837 = arith.constant 0 : i32
      %broadcast_in_dim3A_838 = vector.broadcast %broadcast_in_dim3A_837 : i32 to vector<16xi32>
      %sub3A_839 = arith.constant 16 : i32
      %sub3A_840 = arith.subi %add3A_817, %sub3A_839 : i32
      %add3A_841 = arith.constant 31 : i32
      %add3A_842 = arith.addi %sub3A_840, %add3A_841 : i32
      %mul3A_843 = arith.constant 16 : i32
      %mul3A_844 = arith.muli %add3A_842, %mul3A_843 : i32
      %add3A_845 = arith.addi %add3A_538, %mul3A_844 : i32
      %add3A_846 = vector.broadcast %add3A_845 : i32 to vector<16xi32>
      %add3A_847 = arith.addi %broadcast_in_dim3A_838, %add3A_846 : vector<16xi32>
      %sub3A_848 = arith.subi %add3A_847, %mul3A_58 : vector<16xi32>
      %gather3A_849 = tpu.vector_load_idx %arg4[%sub3A_848] : memref<63504xf32, #tpu.memory_space<vmem>>[vector<16xi32>], vector<16xf32>,
      %add3A_850 = arith.constant 16 : i32
      %add3A_851 = arith.addi %mul3A_533, %add3A_850 : i32
      %swap3A_852 = arith.constant 7 : i32
      %swap3A_853 = arith.index_cast %swap3A_852 : i32 to index
      %swap3A_854 = arith.index_cast %add3A_851 : i32 to index
      %swap3A_855 = tpu.vector_load %arg5[%swap3A_853, %swap3A_854] {strides = array<i32>} : memref<16x2016xf32, #tpu.memory_space<vmem>>, vector<16xf32>,
      tpu.vector_store %arg5[%swap3A_853, %swap3A_854], %gather3A_849 {strides = array<i32>} : memref<16x2016xf32, #tpu.memory_space<vmem>>, vector<16xf32>,
      %add3A_856 = arith.constant 8 : i32
      %add3A_857 = arith.addi %mul3A_32, %add3A_856 : i32
      %broadcast_in_dim3A_858 = arith.constant 0 : i32
      %broadcast_in_dim3A_859 = vector.broadcast %broadcast_in_dim3A_858 : i32 to vector<16xi32>
      %sub3A_860 = arith.constant 0 : i32
      %sub3A_861 = arith.subi %add3A_857, %sub3A_860 : i32
      %add3A_862 = arith.constant 31 : i32
      %add3A_863 = arith.addi %sub3A_861, %add3A_862 : i32
      %mul3A_864 = arith.constant 16 : i32
      %mul3A_865 = arith.muli %add3A_863, %mul3A_864 : i32
      %add3A_866 = arith.addi %add3A_538, %mul3A_865 : i32
      %add3A_867 = vector.broadcast %add3A_866 : i32 to vector<16xi32>
      %add3A_868 = arith.addi %broadcast_in_dim3A_859, %add3A_867 : vector<16xi32>
      %sub3A_869 = arith.subi %add3A_868, %mul3A_58 : vector<16xi32>
      %gather3A_870 = tpu.vector_load_idx %arg4[%sub3A_869] : memref<63504xf32, #tpu.memory_space<vmem>>[vector<16xi32>], vector<16xf32>,
      %add3A_871 = arith.constant 0 : i32
      %add3A_872 = arith.addi %mul3A_533, %add3A_871 : i32
      %swap3A_873 = arith.constant 8 : i32
      %swap3A_874 = arith.index_cast %swap3A_873 : i32 to index
      %swap3A_875 = arith.index_cast %add3A_872 : i32 to index
      %swap3A_876 = tpu.vector_load %arg5[%swap3A_874, %swap3A_875] {strides = array<i32>} : memref<16x2016xf32, #tpu.memory_space<vmem>>, vector<16xf32>,
      tpu.vector_store %arg5[%swap3A_874, %swap3A_875], %gather3A_870 {strides = array<i32>} : memref<16x2016xf32, #tpu.memory_space<vmem>>, vector<16xf32>,
      %broadcast_in_dim3A_877 = arith.constant 0 : i32
      %broadcast_in_dim3A_878 = vector.broadcast %broadcast_in_dim3A_877 : i32 to vector<16xi32>
      %sub3A_879 = arith.constant 16 : i32
      %sub3A_880 = arith.subi %add3A_857, %sub3A_879 : i32
      %add3A_881 = arith.constant 31 : i32
      %add3A_882 = arith.addi %sub3A_880, %add3A_881 : i32
      %mul3A_883 = arith.constant 16 : i32
      %mul3A_884 = arith.muli %add3A_882, %mul3A_883 : i32
      %add3A_885 = arith.addi %add3A_538, %mul3A_884 : i32
      %add3A_886 = vector.broadcast %add3A_885 : i32 to vector<16xi32>
      %add3A_887 = arith.addi %broadcast_in_dim3A_878, %add3A_886 : vector<16xi32>
      %sub3A_888 = arith.subi %add3A_887, %mul3A_58 : vector<16xi32>
      %gather3A_889 = tpu.vector_load_idx %arg4[%sub3A_888] : memref<63504xf32, #tpu.memory_space<vmem>>[vector<16xi32>], vector<16xf32>,
      %add3A_890 = arith.constant 16 : i32
      %add3A_891 = arith.addi %mul3A_533, %add3A_890 : i32
      %swap3A_892 = arith.constant 8 : i32
      %swap3A_893 = arith.index_cast %swap3A_892 : i32 to index
      %swap3A_894 = arith.index_cast %add3A_891 : i32 to index
      %swap3A_895 = tpu.vector_load %arg5[%swap3A_893, %swap3A_894] {strides = array<i32>} : memref<16x2016xf32, #tpu.memory_space<vmem>>, vector<16xf32>,
      tpu.vector_store %arg5[%swap3A_893, %swap3A_894], %gather3A_889 {strides = array<i32>} : memref<16x2016xf32, #tpu.memory_space<vmem>>, vector<16xf32>,
      %add3A_896 = arith.constant 9 : i32
      %add3A_897 = arith.addi %mul3A_32, %add3A_896 : i32
      %broadcast_in_dim3A_898 = arith.constant 0 : i32
      %broadcast_in_dim3A_899 = vector.broadcast %broadcast_in_dim3A_898 : i32 to vector<16xi32>
      %sub3A_900 = arith.constant 0 : i32
      %sub3A_901 = arith.subi %add3A_897, %sub3A_900 : i32
      %add3A_902 = arith.constant 31 : i32
      %add3A_903 = arith.addi %sub3A_901, %add3A_902 : i32
      %mul3A_904 = arith.constant 16 : i32
      %mul3A_905 = arith.muli %add3A_903, %mul3A_904 : i32
      %add3A_906 = arith.addi %add3A_538, %mul3A_905 : i32
      %add3A_907 = vector.broadcast %add3A_906 : i32 to vector<16xi32>
      %add3A_908 = arith.addi %broadcast_in_dim3A_899, %add3A_907 : vector<16xi32>
      %sub3A_909 = arith.subi %add3A_908, %mul3A_58 : vector<16xi32>
      %gather3A_910 = tpu.vector_load_idx %arg4[%sub3A_909] : memref<63504xf32, #tpu.memory_space<vmem>>[vector<16xi32>], vector<16xf32>,
      %add3A_911 = arith.constant 0 : i32
      %add3A_912 = arith.addi %mul3A_533, %add3A_911 : i32
      %swap3A_913 = arith.constant 9 : i32
      %swap3A_914 = arith.index_cast %swap3A_913 : i32 to index
      %swap3A_915 = arith.index_cast %add3A_912 : i32 to index
      %swap3A_916 = tpu.vector_load %arg5[%swap3A_914, %swap3A_915] {strides = array<i32>} : memref<16x2016xf32, #tpu.memory_space<vmem>>, vector<16xf32>,
      tpu.vector_store %arg5[%swap3A_914, %swap3A_915], %gather3A_910 {strides = array<i32>} : memref<16x2016xf32, #tpu.memory_space<vmem>>, vector<16xf32>,
      %broadcast_in_dim3A_917 = arith.constant 0 : i32
      %broadcast_in_dim3A_918 = vector.broadcast %broadcast_in_dim3A_917 : i32 to vector<16xi32>
      %sub3A_919 = arith.constant 16 : i32
      %sub3A_920 = arith.subi %add3A_897, %sub3A_919 : i32
      %add3A_921 = arith.constant 31 : i32
      %add3A_922 = arith.addi %sub3A_920, %add3A_921 : i32
      %mul3A_923 = arith.constant 16 : i32
      %mul3A_924 = arith.muli %add3A_922, %mul3A_923 : i32
      %add3A_925 = arith.addi %add3A_538, %mul3A_924 : i32
      %add3A_926 = vector.broadcast %add3A_925 : i32 to vector<16xi32>
      %add3A_927 = arith.addi %broadcast_in_dim3A_918, %add3A_926 : vector<16xi32>
      %sub3A_928 = arith.subi %add3A_927, %mul3A_58 : vector<16xi32>
      %gather3A_929 = tpu.vector_load_idx %arg4[%sub3A_928] : memref<63504xf32, #tpu.memory_space<vmem>>[vector<16xi32>], vector<16xf32>,
      %add3A_930 = arith.constant 16 : i32
      %add3A_931 = arith.addi %mul3A_533, %add3A_930 : i32
      %swap3A_932 = arith.constant 9 : i32
      %swap3A_933 = arith.index_cast %swap3A_932 : i32 to index
      %swap3A_934 = arith.index_cast %add3A_931 : i32 to index
      %swap3A_935 = tpu.vector_load %arg5[%swap3A_933, %swap3A_934] {strides = array<i32>} : memref<16x2016xf32, #tpu.memory_space<vmem>>, vector<16xf32>,
      tpu.vector_store %arg5[%swap3A_933, %swap3A_934], %gather3A_929 {strides = array<i32>} : memref<16x2016xf32, #tpu.memory_space<vmem>>, vector<16xf32>,
      %add3A_936 = arith.constant 10 : i32
      %add3A_937 = arith.addi %mul3A_32, %add3A_936 : i32
      %broadcast_in_dim3A_938 = arith.constant 0 : i32
      %broadcast_in_dim3A_939 = vector.broadcast %broadcast_in_dim3A_938 : i32 to vector<16xi32>
      %sub3A_940 = arith.constant 0 : i32
      %sub3A_941 = arith.subi %add3A_937, %sub3A_940 : i32
      %add3A_942 = arith.constant 31 : i32
      %add3A_943 = arith.addi %sub3A_941, %add3A_942 : i32
      %mul3A_944 = arith.constant 16 : i32
      %mul3A_945 = arith.muli %add3A_943, %mul3A_944 : i32
      %add3A_946 = arith.addi %add3A_538, %mul3A_945 : i32
      %add3A_947 = vector.broadcast %add3A_946 : i32 to vector<16xi32>
      %add3A_948 = arith.addi %broadcast_in_dim3A_939, %add3A_947 : vector<16xi32>
      %sub3A_949 = arith.subi %add3A_948, %mul3A_58 : vector<16xi32>
      %gather3A_950 = tpu.vector_load_idx %arg4[%sub3A_949] : memref<63504xf32, #tpu.memory_space<vmem>>[vector<16xi32>], vector<16xf32>,
      %add3A_951 = arith.constant 0 : i32
      %add3A_952 = arith.addi %mul3A_533, %add3A_951 : i32
      %swap3A_953 = arith.constant 10 : i32
      %swap3A_954 = arith.index_cast %swap3A_953 : i32 to index
      %swap3A_955 = arith.index_cast %add3A_952 : i32 to index
      %swap3A_956 = tpu.vector_load %arg5[%swap3A_954, %swap3A_955] {strides = array<i32>} : memref<16x2016xf32, #tpu.memory_space<vmem>>, vector<16xf32>,
      tpu.vector_store %arg5[%swap3A_954, %swap3A_955], %gather3A_950 {strides = array<i32>} : memref<16x2016xf32, #tpu.memory_space<vmem>>, vector<16xf32>,
      %broadcast_in_dim3A_957 = arith.constant 0 : i32
      %broadcast_in_dim3A_958 = vector.broadcast %broadcast_in_dim3A_957 : i32 to vector<16xi32>
      %sub3A_959 = arith.constant 16 : i32
      %sub3A_960 = arith.subi %add3A_937, %sub3A_959 : i32
      %add3A_961 = arith.constant 31 : i32
      %add3A_962 = arith.addi %sub3A_960, %add3A_961 : i32
      %mul3A_963 = arith.constant 16 : i32
      %mul3A_964 = arith.muli %add3A_962, %mul3A_963 : i32
      %add3A_965 = arith.addi %add3A_538, %mul3A_964 : i32
      %add3A_966 = vector.broadcast %add3A_965 : i32 to vector<16xi32>
      %add3A_967 = arith.addi %broadcast_in_dim3A_958, %add3A_966 : vector<16xi32>
      %sub3A_968 = arith.subi %add3A_967, %mul3A_58 : vector<16xi32>
      %gather3A_969 = tpu.vector_load_idx %arg4[%sub3A_968] : memref<63504xf32, #tpu.memory_space<vmem>>[vector<16xi32>], vector<16xf32>,
      %add3A_970 = arith.constant 16 : i32
      %add3A_971 = arith.addi %mul3A_533, %add3A_970 : i32
      %swap3A_972 = arith.constant 10 : i32
      %swap3A_973 = arith.index_cast %swap3A_972 : i32 to index
      %swap3A_974 = arith.index_cast %add3A_971 : i32 to index
      %swap3A_975 = tpu.vector_load %arg5[%swap3A_973, %swap3A_974] {strides = array<i32>} : memref<16x2016xf32, #tpu.memory_space<vmem>>, vector<16xf32>,
      tpu.vector_store %arg5[%swap3A_973, %swap3A_974], %gather3A_969 {strides = array<i32>} : memref<16x2016xf32, #tpu.memory_space<vmem>>, vector<16xf32>,
      %add3A_976 = arith.constant 11 : i32
      %add3A_977 = arith.addi %mul3A_32, %add3A_976 : i32
      %broadcast_in_dim3A_978 = arith.constant 0 : i32
      %broadcast_in_dim3A_979 = vector.broadcast %broadcast_in_dim3A_978 : i32 to vector<16xi32>
      %sub3A_980 = arith.constant 0 : i32
      %sub3A_981 = arith.subi %add3A_977, %sub3A_980 : i32
      %add3A_982 = arith.constant 31 : i32
      %add3A_983 = arith.addi %sub3A_981, %add3A_982 : i32
      %mul3A_984 = arith.constant 16 : i32
      %mul3A_985 = arith.muli %add3A_983, %mul3A_984 : i32
      %add3A_986 = arith.addi %add3A_538, %mul3A_985 : i32
      %add3A_987 = vector.broadcast %add3A_986 : i32 to vector<16xi32>
      %add3A_988 = arith.addi %broadcast_in_dim3A_979, %add3A_987 : vector<16xi32>
      %sub3A_989 = arith.subi %add3A_988, %mul3A_58 : vector<16xi32>
      %gather3A_990 = tpu.vector_load_idx %arg4[%sub3A_989] : memref<63504xf32, #tpu.memory_space<vmem>>[vector<16xi32>], vector<16xf32>,
      %add3A_991 = arith.constant 0 : i32
      %add3A_992 = arith.addi %mul3A_533, %add3A_991 : i32
      %swap3A_993 = arith.constant 11 : i32
      %swap3A_994 = arith.index_cast %swap3A_993 : i32 to index
      %swap3A_995 = arith.index_cast %add3A_992 : i32 to index
      %swap3A_996 = tpu.vector_load %arg5[%swap3A_994, %swap3A_995] {strides = array<i32>} : memref<16x2016xf32, #tpu.memory_space<vmem>>, vector<16xf32>,
      tpu.vector_store %arg5[%swap3A_994, %swap3A_995], %gather3A_990 {strides = array<i32>} : memref<16x2016xf32, #tpu.memory_space<vmem>>, vector<16xf32>,
      %broadcast_in_dim3A_997 = arith.constant 0 : i32
      %broadcast_in_dim3A_998 = vector.broadcast %broadcast_in_dim3A_997 : i32 to vector<16xi32>
      %sub3A_999 = arith.constant 16 : i32
      %sub3A_1000 = arith.subi %add3A_977, %sub3A_999 : i32
      %add3A_1001 = arith.constant 31 : i32
      %add3A_1002 = arith.addi %sub3A_1000, %add3A_1001 : i32
      %mul3A_1003 = arith.constant 16 : i32
      %mul3A_1004 = arith.muli %add3A_1002, %mul3A_1003 : i32
      %add3A_1005 = arith.addi %add3A_538, %mul3A_1004 : i32
      %add3A_1006 = vector.broadcast %add3A_1005 : i32 to vector<16xi32>
      %add3A_1007 = arith.addi %broadcast_in_dim3A_998, %add3A_1006 : vector<16xi32>
      %sub3A_1008 = arith.subi %add3A_1007, %mul3A_58 : vector<16xi32>
      %gather3A_1009 = tpu.vector_load_idx %arg4[%sub3A_1008] : memref<63504xf32, #tpu.memory_space<vmem>>[vector<16xi32>], vector<16xf32>,
      %add3A_1010 = arith.constant 16 : i32
      %add3A_1011 = arith.addi %mul3A_533, %add3A_1010 : i32
      %swap3A_1012 = arith.constant 11 : i32
      %swap3A_1013 = arith.index_cast %swap3A_1012 : i32 to index
      %swap3A_1014 = arith.index_cast %add3A_1011 : i32 to index
      %swap3A_1015 = tpu.vector_load %arg5[%swap3A_1013, %swap3A_1014] {strides = array<i32>} : memref<16x2016xf32, #tpu.memory_space<vmem>>, vector<16xf32>,
      tpu.vector_store %arg5[%swap3A_1013, %swap3A_1014], %gather3A_1009 {strides = array<i32>} : memref<16x2016xf32, #tpu.memory_space<vmem>>, vector<16xf32>,
      %add3A_1016 = arith.constant 12 : i32
      %add3A_1017 = arith.addi %mul3A_32, %add3A_1016 : i32
      %broadcast_in_dim3A_1018 = arith.constant 0 : i32
      %broadcast_in_dim3A_1019 = vector.broadcast %broadcast_in_dim3A_1018 : i32 to vector<16xi32>
      %sub3A_1020 = arith.constant 0 : i32
      %sub3A_1021 = arith.subi %add3A_1017, %sub3A_1020 : i32
      %add3A_1022 = arith.constant 31 : i32
      %add3A_1023 = arith.addi %sub3A_1021, %add3A_1022 : i32
      %mul3A_1024 = arith.constant 16 : i32
      %mul3A_1025 = arith.muli %add3A_1023, %mul3A_1024 : i32
      %add3A_1026 = arith.addi %add3A_538, %mul3A_1025 : i32
      %add3A_1027 = vector.broadcast %add3A_1026 : i32 to vector<16xi32>
      %add3A_1028 = arith.addi %broadcast_in_dim3A_1019, %add3A_1027 : vector<16xi32>
      %sub3A_1029 = arith.subi %add3A_1028, %mul3A_58 : vector<16xi32>
      %gather3A_1030 = tpu.vector_load_idx %arg4[%sub3A_1029] : memref<63504xf32, #tpu.memory_space<vmem>>[vector<16xi32>], vector<16xf32>,
      %add3A_1031 = arith.constant 0 : i32
      %add3A_1032 = arith.addi %mul3A_533, %add3A_1031 : i32
      %swap3A_1033 = arith.constant 12 : i32
      %swap3A_1034 = arith.index_cast %swap3A_1033 : i32 to index
      %swap3A_1035 = arith.index_cast %add3A_1032 : i32 to index
      %swap3A_1036 = tpu.vector_load %arg5[%swap3A_1034, %swap3A_1035] {strides = array<i32>} : memref<16x2016xf32, #tpu.memory_space<vmem>>, vector<16xf32>,
      tpu.vector_store %arg5[%swap3A_1034, %swap3A_1035], %gather3A_1030 {strides = array<i32>} : memref<16x2016xf32, #tpu.memory_space<vmem>>, vector<16xf32>,
      %broadcast_in_dim3A_1037 = arith.constant 0 : i32
      %broadcast_in_dim3A_1038 = vector.broadcast %broadcast_in_dim3A_1037 : i32 to vector<16xi32>
      %sub3A_1039 = arith.constant 16 : i32
      %sub3A_1040 = arith.subi %add3A_1017, %sub3A_1039 : i32
      %add3A_1041 = arith.constant 31 : i32
      %add3A_1042 = arith.addi %sub3A_1040, %add3A_1041 : i32
      %mul3A_1043 = arith.constant 16 : i32
      %mul3A_1044 = arith.muli %add3A_1042, %mul3A_1043 : i32
      %add3A_1045 = arith.addi %add3A_538, %mul3A_1044 : i32
      %add3A_1046 = vector.broadcast %add3A_1045 : i32 to vector<16xi32>
      %add3A_1047 = arith.addi %broadcast_in_dim3A_1038, %add3A_1046 : vector<16xi32>
      %sub3A_1048 = arith.subi %add3A_1047, %mul3A_58 : vector<16xi32>
      %gather3A_1049 = tpu.vector_load_idx %arg4[%sub3A_1048] : memref<63504xf32, #tpu.memory_space<vmem>>[vector<16xi32>], vector<16xf32>,
      %add3A_1050 = arith.constant 16 : i32
      %add3A_1051 = arith.addi %mul3A_533, %add3A_1050 : i32
      %swap3A_1052 = arith.constant 12 : i32
      %swap3A_1053 = arith.index_cast %swap3A_1052 : i32 to index
      %swap3A_1054 = arith.index_cast %add3A_1051 : i32 to index
      %swap3A_1055 = tpu.vector_load %arg5[%swap3A_1053, %swap3A_1054] {strides = array<i32>} : memref<16x2016xf32, #tpu.memory_space<vmem>>, vector<16xf32>,
      tpu.vector_store %arg5[%swap3A_1053, %swap3A_1054], %gather3A_1049 {strides = array<i32>} : memref<16x2016xf32, #tpu.memory_space<vmem>>, vector<16xf32>,
      %add3A_1056 = arith.constant 13 : i32
      %add3A_1057 = arith.addi %mul3A_32, %add3A_1056 : i32
      %broadcast_in_dim3A_1058 = arith.constant 0 : i32
      %broadcast_in_dim3A_1059 = vector.broadcast %broadcast_in_dim3A_1058 : i32 to vector<16xi32>
      %sub3A_1060 = arith.constant 0 : i32
      %sub3A_1061 = arith.subi %add3A_1057, %sub3A_1060 : i32
      %add3A_1062 = arith.constant 31 : i32
      %add3A_1063 = arith.addi %sub3A_1061, %add3A_1062 : i32
      %mul3A_1064 = arith.constant 16 : i32
      %mul3A_1065 = arith.muli %add3A_1063, %mul3A_1064 : i32
      %add3A_1066 = arith.addi %add3A_538, %mul3A_1065 : i32
      %add3A_1067 = vector.broadcast %add3A_1066 : i32 to vector<16xi32>
      %add3A_1068 = arith.addi %broadcast_in_dim3A_1059, %add3A_1067 : vector<16xi32>
      %sub3A_1069 = arith.subi %add3A_1068, %mul3A_58 : vector<16xi32>
      %gather3A_1070 = tpu.vector_load_idx %arg4[%sub3A_1069] : memref<63504xf32, #tpu.memory_space<vmem>>[vector<16xi32>], vector<16xf32>,
      %add3A_1071 = arith.constant 0 : i32
      %add3A_1072 = arith.addi %mul3A_533, %add3A_1071 : i32
      %swap3A_1073 = arith.constant 13 : i32
      %swap3A_1074 = arith.index_cast %swap3A_1073 : i32 to index
      %swap3A_1075 = arith.index_cast %add3A_1072 : i32 to index
      %swap3A_1076 = tpu.vector_load %arg5[%swap3A_1074, %swap3A_1075] {strides = array<i32>} : memref<16x2016xf32, #tpu.memory_space<vmem>>, vector<16xf32>,
      tpu.vector_store %arg5[%swap3A_1074, %swap3A_1075], %gather3A_1070 {strides = array<i32>} : memref<16x2016xf32, #tpu.memory_space<vmem>>, vector<16xf32>,
      %broadcast_in_dim3A_1077 = arith.constant 0 : i32
      %broadcast_in_dim3A_1078 = vector.broadcast %broadcast_in_dim3A_1077 : i32 to vector<16xi32>
      %sub3A_1079 = arith.constant 16 : i32
      %sub3A_1080 = arith.subi %add3A_1057, %sub3A_1079 : i32
      %add3A_1081 = arith.constant 31 : i32
      %add3A_1082 = arith.addi %sub3A_1080, %add3A_1081 : i32
      %mul3A_1083 = arith.constant 16 : i32
      %mul3A_1084 = arith.muli %add3A_1082, %mul3A_1083 : i32
      %add3A_1085 = arith.addi %add3A_538, %mul3A_1084 : i32
      %add3A_1086 = vector.broadcast %add3A_1085 : i32 to vector<16xi32>
      %add3A_1087 = arith.addi %broadcast_in_dim3A_1078, %add3A_1086 : vector<16xi32>
      %sub3A_1088 = arith.subi %add3A_1087, %mul3A_58 : vector<16xi32>
      %gather3A_1089 = tpu.vector_load_idx %arg4[%sub3A_1088] : memref<63504xf32, #tpu.memory_space<vmem>>[vector<16xi32>], vector<16xf32>,
      %add3A_1090 = arith.constant 16 : i32
      %add3A_1091 = arith.addi %mul3A_533, %add3A_1090 : i32
      %swap3A_1092 = arith.constant 13 : i32
      %swap3A_1093 = arith.index_cast %swap3A_1092 : i32 to index
      %swap3A_1094 = arith.index_cast %add3A_1091 : i32 to index
      %swap3A_1095 = tpu.vector_load %arg5[%swap3A_1093, %swap3A_1094] {strides = array<i32>} : memref<16x2016xf32, #tpu.memory_space<vmem>>, vector<16xf32>,
      tpu.vector_store %arg5[%swap3A_1093, %swap3A_1094], %gather3A_1089 {strides = array<i32>} : memref<16x2016xf32, #tpu.memory_space<vmem>>, vector<16xf32>,
      %add3A_1096 = arith.constant 14 : i32
      %add3A_1097 = arith.addi %mul3A_32, %add3A_1096 : i32
      %broadcast_in_dim3A_1098 = arith.constant 0 : i32
      %broadcast_in_dim3A_1099 = vector.broadcast %broadcast_in_dim3A_1098 : i32 to vector<16xi32>
      %sub3A_1100 = arith.constant 0 : i32
      %sub3A_1101 = arith.subi %add3A_1097, %sub3A_1100 : i32
      %add3A_1102 = arith.constant 31 : i32
      %add3A_1103 = arith.addi %sub3A_1101, %add3A_1102 : i32
      %mul3A_1104 = arith.constant 16 : i32
      %mul3A_1105 = arith.muli %add3A_1103, %mul3A_1104 : i32
      %add3A_1106 = arith.addi %add3A_538, %mul3A_1105 : i32
      %add3A_1107 = vector.broadcast %add3A_1106 : i32 to vector<16xi32>
      %add3A_1108 = arith.addi %broadcast_in_dim3A_1099, %add3A_1107 : vector<16xi32>
      %sub3A_1109 = arith.subi %add3A_1108, %mul3A_58 : vector<16xi32>
      %gather3A_1110 = tpu.vector_load_idx %arg4[%sub3A_1109] : memref<63504xf32, #tpu.memory_space<vmem>>[vector<16xi32>], vector<16xf32>,
      %add3A_1111 = arith.constant 0 : i32
      %add3A_1112 = arith.addi %mul3A_533, %add3A_1111 : i32
      %swap3A_1113 = arith.constant 14 : i32
      %swap3A_1114 = arith.index_cast %swap3A_1113 : i32 to index
      %swap3A_1115 = arith.index_cast %add3A_1112 : i32 to index
      %swap3A_1116 = tpu.vector_load %arg5[%swap3A_1114, %swap3A_1115] {strides = array<i32>} : memref<16x2016xf32, #tpu.memory_space<vmem>>, vector<16xf32>,
      tpu.vector_store %arg5[%swap3A_1114, %swap3A_1115], %gather3A_1110 {strides = array<i32>} : memref<16x2016xf32, #tpu.memory_space<vmem>>, vector<16xf32>,
      %broadcast_in_dim3A_1117 = arith.constant 0 : i32
      %broadcast_in_dim3A_1118 = vector.broadcast %broadcast_in_dim3A_1117 : i32 to vector<16xi32>
      %sub3A_1119 = arith.constant 16 : i32
      %sub3A_1120 = arith.subi %add3A_1097, %sub3A_1119 : i32
      %add3A_1121 = arith.constant 31 : i32
      %add3A_1122 = arith.addi %sub3A_1120, %add3A_1121 : i32
      %mul3A_1123 = arith.constant 16 : i32
      %mul3A_1124 = arith.muli %add3A_1122, %mul3A_1123 : i32
      %add3A_1125 = arith.addi %add3A_538, %mul3A_1124 : i32
      %add3A_1126 = vector.broadcast %add3A_1125 : i32 to vector<16xi32>
      %add3A_1127 = arith.addi %broadcast_in_dim3A_1118, %add3A_1126 : vector<16xi32>
      %sub3A_1128 = arith.subi %add3A_1127, %mul3A_58 : vector<16xi32>
      %gather3A_1129 = tpu.vector_load_idx %arg4[%sub3A_1128] : memref<63504xf32, #tpu.memory_space<vmem>>[vector<16xi32>], vector<16xf32>,
      %add3A_1130 = arith.constant 16 : i32
      %add3A_1131 = arith.addi %mul3A_533, %add3A_1130 : i32
      %swap3A_1132 = arith.constant 14 : i32
      %swap3A_1133 = arith.index_cast %swap3A_1132 : i32 to index
      %swap3A_1134 = arith.index_cast %add3A_1131 : i32 to index
      %swap3A_1135 = tpu.vector_load %arg5[%swap3A_1133, %swap3A_1134] {strides = array<i32>} : memref<16x2016xf32, #tpu.memory_space<vmem>>, vector<16xf32>,
      tpu.vector_store %arg5[%swap3A_1133, %swap3A_1134], %gather3A_1129 {strides = array<i32>} : memref<16x2016xf32, #tpu.memory_space<vmem>>, vector<16xf32>,
      %add3A_1136 = arith.constant 15 : i32
      %add3A_1137 = arith.addi %mul3A_32, %add3A_1136 : i32
      %broadcast_in_dim3A_1138 = arith.constant 0 : i32
      %broadcast_in_dim3A_1139 = vector.broadcast %broadcast_in_dim3A_1138 : i32 to vector<16xi32>
      %sub3A_1140 = arith.constant 0 : i32
      %sub3A_1141 = arith.subi %add3A_1137, %sub3A_1140 : i32
      %add3A_1142 = arith.constant 31 : i32
      %add3A_1143 = arith.addi %sub3A_1141, %add3A_1142 : i32
      %mul3A_1144 = arith.constant 16 : i32
      %mul3A_1145 = arith.muli %add3A_1143, %mul3A_1144 : i32
      %add3A_1146 = arith.addi %add3A_538, %mul3A_1145 : i32
      %add3A_1147 = vector.broadcast %add3A_1146 : i32 to vector<16xi32>
      %add3A_1148 = arith.addi %broadcast_in_dim3A_1139, %add3A_1147 : vector<16xi32>
      %sub3A_1149 = arith.subi %add3A_1148, %mul3A_58 : vector<16xi32>
      %gather3A_1150 = tpu.vector_load_idx %arg4[%sub3A_1149] : memref<63504xf32, #tpu.memory_space<vmem>>[vector<16xi32>], vector<16xf32>,
      %add3A_1151 = arith.constant 0 : i32
      %add3A_1152 = arith.addi %mul3A_533, %add3A_1151 : i32
      %swap3A_1153 = arith.constant 15 : i32
      %swap3A_1154 = arith.index_cast %swap3A_1153 : i32 to index
      %swap3A_1155 = arith.index_cast %add3A_1152 : i32 to index
      %swap3A_1156 = tpu.vector_load %arg5[%swap3A_1154, %swap3A_1155] {strides = array<i32>} : memref<16x2016xf32, #tpu.memory_space<vmem>>, vector<16xf32>,
      tpu.vector_store %arg5[%swap3A_1154, %swap3A_1155], %gather3A_1150 {strides = array<i32>} : memref<16x2016xf32, #tpu.memory_space<vmem>>, vector<16xf32>,
      %broadcast_in_dim3A_1157 = arith.constant 0 : i32
      %broadcast_in_dim3A_1158 = vector.broadcast %broadcast_in_dim3A_1157 : i32 to vector<16xi32>
      %sub3A_1159 = arith.constant 16 : i32
      %sub3A_1160 = arith.subi %add3A_1137, %sub3A_1159 : i32
      %add3A_1161 = arith.constant 31 : i32
      %add3A_1162 = arith.addi %sub3A_1160, %add3A_1161 : i32
      %mul3A_1163 = arith.constant 16 : i32
      %mul3A_1164 = arith.muli %add3A_1162, %mul3A_1163 : i32
      %add3A_1165 = arith.addi %add3A_538, %mul3A_1164 : i32
      %add3A_1166 = vector.broadcast %add3A_1165 : i32 to vector<16xi32>
      %add3A_1167 = arith.addi %broadcast_in_dim3A_1158, %add3A_1166 : vector<16xi32>
      %sub3A_1168 = arith.subi %add3A_1167, %mul3A_58 : vector<16xi32>
      %gather3A_1169 = tpu.vector_load_idx %arg4[%sub3A_1168] : memref<63504xf32, #tpu.memory_space<vmem>>[vector<16xi32>], vector<16xf32>,
      %add3A_1170 = arith.constant 16 : i32
      %add3A_1171 = arith.addi %mul3A_533, %add3A_1170 : i32
      %swap3A_1172 = arith.constant 15 : i32
      %swap3A_1173 = arith.index_cast %swap3A_1172 : i32 to index
      %swap3A_1174 = arith.index_cast %add3A_1171 : i32 to index
      %swap3A_1175 = tpu.vector_load %arg5[%swap3A_1173, %swap3A_1174] {strides = array<i32>} : memref<16x2016xf32, #tpu.memory_space<vmem>>, vector<16xf32>,
      tpu.vector_store %arg5[%swap3A_1173, %swap3A_1174], %gather3A_1169 {strides = array<i32>} : memref<16x2016xf32, #tpu.memory_space<vmem>>, vector<16xf32>,
      %sub3A_1176 = arith.constant 31 : i32
      %sub3A_1177 = arith.subi %scan3A_529, %sub3A_1176 : i32
      %sub3A_1178 = arith.constant 62 : i32
      %sub3A_1179 = arith.subi %sub3A_1178, %scan3A_529 : i32
      %mul3A_1180 = arith.constant 32 : i32
      %mul3A_1181 = arith.muli %sub3A_1179, %mul3A_1180 : i32
      %mul3A_1182 = arith.constant 32 : i32
      %mul3A_1183 = arith.muli %sub3A_1177, %mul3A_1182 : i32
      %add3A_1184 = arith.addi %mul3A_1183, %mul3A_32 : i32
      %dma_start3A_1185 = arith.constant 0 : i32
      %dma_start3A_1186 = tpu.memref_slice %arg5[%dma_start3A_1185, %mul3A_1181] : memref<16x2016xf32, #tpu.memory_space<vmem>> -> memref<16x1024xf32, #tpu.memory_space<vmem>>
      %dma_start3A_1187 = arith.constant 0 : i32
      %dma_start3A_1188 = tpu.memref_slice %arg3[%select_n3A, %add3A_1184, %dma_start3A_1187] : memref<16x1024x1024xf32, #tpu.memory_space<hbm>> -> memref<1x16x1024xf32, #tpu.memory_space<hbm>>
      %dma_start3A_1189 = tpu.memref_squeeze %dma_start3A_1188 : memref<1x16x1024xf32, #tpu.memory_space<hbm>> -> memref<16x1024xf32, #tpu.memory_space<hbm>>
      %dma_start3A_1190 = arith.constant 0 : i32
      %dma_start3A_1191 = tpu.memref_slice %arg3[%select_n3A, %add3A_1184, %dma_start3A_1190] : memref<16x1024x1024xf32, #tpu.memory_space<hbm>> -> memref<1x16x1024xf32, #tpu.memory_space<hbm>>
      %dma_start3A_1192 = tpu.memref_squeeze %dma_start3A_1191 : memref<1x16x1024xf32, #tpu.memory_space<hbm>> -> memref<16x1024xf32, #tpu.memory_space<hbm>>
      %dma_start3A_1193 = arith.constant 0 : i32
      %dma_start3A_1194 = tpu.memref_slice %arg5[%dma_start3A_1193, %mul3A_1181] : memref<16x2016xf32, #tpu.memory_space<vmem>> -> memref<16x1024xf32, #tpu.memory_space<vmem>>
      tpu.enqueue_dma source(%dma_start3A_1194 : memref<16x1024xf32, #tpu.memory_space<vmem>>) target(%dma_start3A_1192 : memref<16x1024xf32, #tpu.memory_space<hbm>>) target_semaphore(%arg9 : memref<!tpu.dma_semaphore, #tpu.memory_space<semaphore_mem>>)
    }
    %scan3A_112 = arith.constant 31 : i32
    %dma_wait3A_113 = arith.constant 0 : i32
    %dma_wait3A_114 = arith.constant 0 : i32
    %dma_wait3A_115 = arith.constant 0 : i32
    %dma_wait3A_116 = tpu.memref_slice %arg5[%dma_wait3A_114, %dma_wait3A_115] : memref<16x2016xf32, #tpu.memory_space<vmem>> -> memref<16x1024xf32, #tpu.memory_space<vmem>>
    %dma_wait3A_117 = arith.constant 0 : i32
    %dma_wait3A_118 = tpu.memref_slice %arg3[%dma_wait3A_113, %mul3A_32, %dma_wait3A_117] : memref<16x1024x1024xf32, #tpu.memory_space<hbm>> -> memref<1x16x1024xf32, #tpu.memory_space<hbm>>
    %dma_wait3A_119 = tpu.memref_squeeze %dma_wait3A_118 : memref<1x16x1024xf32, #tpu.memory_space<hbm>> -> memref<16x1024xf32, #tpu.memory_space<hbm>>
    %dma_wait3A_120 = arith.constant 0 : i32
    %dma_wait3A_121 = tpu.memref_slice %arg3[%dma_wait3A_113, %mul3A_32, %dma_wait3A_120] : memref<16x1024x1024xf32, #tpu.memory_space<hbm>> -> memref<1x16x1024xf32, #tpu.memory_space<hbm>>
    %dma_wait3A_122 = tpu.memref_squeeze %dma_wait3A_121 : memref<1x16x1024xf32, #tpu.memory_space<hbm>> -> memref<16x1024xf32, #tpu.memory_space<hbm>>
    %dma_wait3A_123 = arith.constant 0 : i32
    %dma_wait3A_124 = arith.constant 0 : i32
    %dma_wait3A_125 = tpu.memref_slice %arg5[%dma_wait3A_123, %dma_wait3A_124] : memref<16x2016xf32, #tpu.memory_space<vmem>> -> memref<16x1024xf32, #tpu.memory_space<vmem>>
    tpu.wait_dma2 semaphore(%arg9 : memref<!tpu.dma_semaphore, #tpu.memory_space<semaphore_mem>>) src(%dma_wait3A_125 : memref<16x1024xf32, #tpu.memory_space<vmem>>) dst(%dma_wait3A_122 : memref<16x1024xf32, #tpu.memory_space<hbm>>)
    %dma_wait3A_126 = arith.constant 0 : i32
    %dma_wait3A_127 = arith.constant 0 : i32
    %dma_wait3A_128 = arith.constant 0 : i32
    %dma_wait3A_129 = tpu.memref_slice %arg5[%dma_wait3A_127, %dma_wait3A_128] : memref<16x2016xf32, #tpu.memory_space<vmem>> -> memref<16x1024xf32, #tpu.memory_space<vmem>>
    %dma_wait3A_130 = arith.constant 0 : i32
    %dma_wait3A_131 = tpu.memref_slice %arg3[%dma_wait3A_126, %mul3A_32, %dma_wait3A_130] : memref<16x1024x1024xf32, #tpu.memory_space<hbm>> -> memref<1x16x1024xf32, #tpu.memory_space<hbm>>
    %dma_wait3A_132 = tpu.memref_squeeze %dma_wait3A_131 : memref<1x16x1024xf32, #tpu.memory_space<hbm>> -> memref<16x1024xf32, #tpu.memory_space<hbm>>
    %dma_wait3A_133 = arith.constant 0 : i32
    %dma_wait3A_134 = tpu.memref_slice %arg3[%dma_wait3A_126, %mul3A_32, %dma_wait3A_133] : memref<16x1024x1024xf32, #tpu.memory_space<hbm>> -> memref<1x16x1024xf32, #tpu.memory_space<hbm>>
    %dma_wait3A_135 = tpu.memref_squeeze %dma_wait3A_134 : memref<1x16x1024xf32, #tpu.memory_space<hbm>> -> memref<16x1024xf32, #tpu.memory_space<hbm>>
    %dma_wait3A_136 = arith.constant 0 : i32
    %dma_wait3A_137 = arith.constant 0 : i32
    %dma_wait3A_138 = tpu.memref_slice %arg5[%dma_wait3A_136, %dma_wait3A_137] : memref<16x2016xf32, #tpu.memory_space<vmem>> -> memref<16x1024xf32, #tpu.memory_space<vmem>>
    tpu.wait_dma2 semaphore(%arg9 : memref<!tpu.dma_semaphore, #tpu.memory_space<semaphore_mem>>) src(%dma_wait3A_138 : memref<16x1024xf32, #tpu.memory_space<vmem>>) dst(%dma_wait3A_135 : memref<16x1024xf32, #tpu.memory_space<hbm>>)
    %dma_wait3A_139 = arith.constant 0 : i32
    %dma_wait3A_140 = arith.constant 0 : i32
    %dma_wait3A_141 = arith.constant 0 : i32
    %dma_wait3A_142 = tpu.memref_slice %arg5[%dma_wait3A_140, %dma_wait3A_141] : memref<16x2016xf32, #tpu.memory_space<vmem>> -> memref<16x1024xf32, #tpu.memory_space<vmem>>
    %dma_wait3A_143 = arith.constant 0 : i32
    %dma_wait3A_144 = tpu.memref_slice %arg3[%dma_wait3A_139, %mul3A_32, %dma_wait3A_143] : memref<16x1024x1024xf32, #tpu.memory_space<hbm>> -> memref<1x16x1024xf32, #tpu.memory_space<hbm>>
    %dma_wait3A_145 = tpu.memref_squeeze %dma_wait3A_144 : memref<1x16x1024xf32, #tpu.memory_space<hbm>> -> memref<16x1024xf32, #tpu.memory_space<hbm>>
    %dma_wait3A_146 = arith.constant 0 : i32
    %dma_wait3A_147 = tpu.memref_slice %arg3[%dma_wait3A_139, %mul3A_32, %dma_wait3A_146] : memref<16x1024x1024xf32, #tpu.memory_space<hbm>> -> memref<1x16x1024xf32, #tpu.memory_space<hbm>>
    %dma_wait3A_148 = tpu.memref_squeeze %dma_wait3A_147 : memref<1x16x1024xf32, #tpu.memory_space<hbm>> -> memref<16x1024xf32, #tpu.memory_space<hbm>>
    %dma_wait3A_149 = arith.constant 0 : i32
    %dma_wait3A_150 = arith.constant 0 : i32
    %dma_wait3A_151 = tpu.memref_slice %arg5[%dma_wait3A_149, %dma_wait3A_150] : memref<16x2016xf32, #tpu.memory_space<vmem>> -> memref<16x1024xf32, #tpu.memory_space<vmem>>
    tpu.wait_dma2 semaphore(%arg9 : memref<!tpu.dma_semaphore, #tpu.memory_space<semaphore_mem>>) src(%dma_wait3A_151 : memref<16x1024xf32, #tpu.memory_space<vmem>>) dst(%dma_wait3A_148 : memref<16x1024xf32, #tpu.memory_space<hbm>>)
    %dma_wait3A_152 = arith.constant 0 : i32
    %dma_wait3A_153 = arith.constant 0 : i32
    %dma_wait3A_154 = arith.constant 0 : i32
    %dma_wait3A_155 = tpu.memref_slice %arg5[%dma_wait3A_153, %dma_wait3A_154] : memref<16x2016xf32, #tpu.memory_space<vmem>> -> memref<16x1024xf32, #tpu.memory_space<vmem>>
    %dma_wait3A_156 = arith.constant 0 : i32
    %dma_wait3A_157 = tpu.memref_slice %arg3[%dma_wait3A_152, %mul3A_32, %dma_wait3A_156] : memref<16x1024x1024xf32, #tpu.memory_space<hbm>> -> memref<1x16x1024xf32, #tpu.memory_space<hbm>>
    %dma_wait3A_158 = tpu.memref_squeeze %dma_wait3A_157 : memref<1x16x1024xf32, #tpu.memory_space<hbm>> -> memref<16x1024xf32, #tpu.memory_space<hbm>>
    %dma_wait3A_159 = arith.constant 0 : i32
    %dma_wait3A_160 = tpu.memref_slice %arg3[%dma_wait3A_152, %mul3A_32, %dma_wait3A_159] : memref<16x1024x1024xf32, #tpu.memory_space<hbm>> -> memref<1x16x1024xf32, #tpu.memory_space<hbm>>
    %dma_wait3A_161 = tpu.memref_squeeze %dma_wait3A_160 : memref<1x16x1024xf32, #tpu.memory_space<hbm>> -> memref<16x1024xf32, #tpu.memory_space<hbm>>
    %dma_wait3A_162 = arith.constant 0 : i32
    %dma_wait3A_163 = arith.constant 0 : i32
    %dma_wait3A_164 = tpu.memref_slice %arg5[%dma_wait3A_162, %dma_wait3A_163] : memref<16x2016xf32, #tpu.memory_space<vmem>> -> memref<16x1024xf32, #tpu.memory_space<vmem>>
    tpu.wait_dma2 semaphore(%arg9 : memref<!tpu.dma_semaphore, #tpu.memory_space<semaphore_mem>>) src(%dma_wait3A_164 : memref<16x1024xf32, #tpu.memory_space<vmem>>) dst(%dma_wait3A_161 : memref<16x1024xf32, #tpu.memory_space<hbm>>)
    %dma_wait3A_165 = arith.constant 0 : i32
    %dma_wait3A_166 = arith.constant 0 : i32
    %dma_wait3A_167 = arith.constant 0 : i32
    %dma_wait3A_168 = tpu.memref_slice %arg5[%dma_wait3A_166, %dma_wait3A_167] : memref<16x2016xf32, #tpu.memory_space<vmem>> -> memref<16x1024xf32, #tpu.memory_space<vmem>>
    %dma_wait3A_169 = arith.constant 0 : i32
    %dma_wait3A_170 = tpu.memref_slice %arg3[%dma_wait3A_165, %mul3A_32, %dma_wait3A_169] : memref<16x1024x1024xf32, #tpu.memory_space<hbm>> -> memref<1x16x1024xf32, #tpu.memory_space<hbm>>
    %dma_wait3A_171 = tpu.memref_squeeze %dma_wait3A_170 : memref<1x16x1024xf32, #tpu.memory_space<hbm>> -> memref<16x1024xf32, #tpu.memory_space<hbm>>
    %dma_wait3A_172 = arith.constant 0 : i32
    %dma_wait3A_173 = tpu.memref_slice %arg3[%dma_wait3A_165, %mul3A_32, %dma_wait3A_172] : memref<16x1024x1024xf32, #tpu.memory_space<hbm>> -> memref<1x16x1024xf32, #tpu.memory_space<hbm>>
    %dma_wait3A_174 = tpu.memref_squeeze %dma_wait3A_173 : memref<1x16x1024xf32, #tpu.memory_space<hbm>> -> memref<16x1024xf32, #tpu.memory_space<hbm>>
    %dma_wait3A_175 = arith.constant 0 : i32
    %dma_wait3A_176 = arith.constant 0 : i32
    %dma_wait3A_177 = tpu.memref_slice %arg5[%dma_wait3A_175, %dma_wait3A_176] : memref<16x2016xf32, #tpu.memory_space<vmem>> -> memref<16x1024xf32, #tpu.memory_space<vmem>>
    tpu.wait_dma2 semaphore(%arg9 : memref<!tpu.dma_semaphore, #tpu.memory_space<semaphore_mem>>) src(%dma_wait3A_177 : memref<16x1024xf32, #tpu.memory_space<vmem>>) dst(%dma_wait3A_174 : memref<16x1024xf32, #tpu.memory_space<hbm>>)
    %dma_wait3A_178 = arith.constant 0 : i32
    %dma_wait3A_179 = arith.constant 0 : i32
    %dma_wait3A_180 = arith.constant 0 : i32
    %dma_wait3A_181 = tpu.memref_slice %arg5[%dma_wait3A_179, %dma_wait3A_180] : memref<16x2016xf32, #tpu.memory_space<vmem>> -> memref<16x1024xf32, #tpu.memory_space<vmem>>
    %dma_wait3A_182 = arith.constant 0 : i32
    %dma_wait3A_183 = tpu.memref_slice %arg3[%dma_wait3A_178, %mul3A_32, %dma_wait3A_182] : memref<16x1024x1024xf32, #tpu.memory_space<hbm>> -> memref<1x16x1024xf32, #tpu.memory_space<hbm>>
    %dma_wait3A_184 = tpu.memref_squeeze %dma_wait3A_183 : memref<1x16x1024xf32, #tpu.memory_space<hbm>> -> memref<16x1024xf32, #tpu.memory_space<hbm>>
    %dma_wait3A_185 = arith.constant 0 : i32
    %dma_wait3A_186 = tpu.memref_slice %arg3[%dma_wait3A_178, %mul3A_32, %dma_wait3A_185] : memref<16x1024x1024xf32, #tpu.memory_space<hbm>> -> memref<1x16x1024xf32, #tpu.memory_space<hbm>>
    %dma_wait3A_187 = tpu.memref_squeeze %dma_wait3A_186 : memref<1x16x1024xf32, #tpu.memory_space<hbm>> -> memref<16x1024xf32, #tpu.memory_space<hbm>>
    %dma_wait3A_188 = arith.constant 0 : i32
    %dma_wait3A_189 = arith.constant 0 : i32
    %dma_wait3A_190 = tpu.memref_slice %arg5[%dma_wait3A_188, %dma_wait3A_189] : memref<16x2016xf32, #tpu.memory_space<vmem>> -> memref<16x1024xf32, #tpu.memory_space<vmem>>
    tpu.wait_dma2 semaphore(%arg9 : memref<!tpu.dma_semaphore, #tpu.memory_space<semaphore_mem>>) src(%dma_wait3A_190 : memref<16x1024xf32, #tpu.memory_space<vmem>>) dst(%dma_wait3A_187 : memref<16x1024xf32, #tpu.memory_space<hbm>>)
    %dma_wait3A_191 = arith.constant 0 : i32
    %dma_wait3A_192 = arith.constant 0 : i32
    %dma_wait3A_193 = arith.constant 0 : i32
    %dma_wait3A_194 = tpu.memref_slice %arg5[%dma_wait3A_192, %dma_wait3A_193] : memref<16x2016xf32, #tpu.memory_space<vmem>> -> memref<16x1024xf32, #tpu.memory_space<vmem>>
    %dma_wait3A_195 = arith.constant 0 : i32
    %dma_wait3A_196 = tpu.memref_slice %arg3[%dma_wait3A_191, %mul3A_32, %dma_wait3A_195] : memref<16x1024x1024xf32, #tpu.memory_space<hbm>> -> memref<1x16x1024xf32, #tpu.memory_space<hbm>>
    %dma_wait3A_197 = tpu.memref_squeeze %dma_wait3A_196 : memref<1x16x1024xf32, #tpu.memory_space<hbm>> -> memref<16x1024xf32, #tpu.memory_space<hbm>>
    %dma_wait3A_198 = arith.constant 0 : i32
    %dma_wait3A_199 = tpu.memref_slice %arg3[%dma_wait3A_191, %mul3A_32, %dma_wait3A_198] : memref<16x1024x1024xf32, #tpu.memory_space<hbm>> -> memref<1x16x1024xf32, #tpu.memory_space<hbm>>
    %dma_wait3A_200 = tpu.memref_squeeze %dma_wait3A_199 : memref<1x16x1024xf32, #tpu.memory_space<hbm>> -> memref<16x1024xf32, #tpu.memory_space<hbm>>
    %dma_wait3A_201 = arith.constant 0 : i32
    %dma_wait3A_202 = arith.constant 0 : i32
    %dma_wait3A_203 = tpu.memref_slice %arg5[%dma_wait3A_201, %dma_wait3A_202] : memref<16x2016xf32, #tpu.memory_space<vmem>> -> memref<16x1024xf32, #tpu.memory_space<vmem>>
    tpu.wait_dma2 semaphore(%arg9 : memref<!tpu.dma_semaphore, #tpu.memory_space<semaphore_mem>>) src(%dma_wait3A_203 : memref<16x1024xf32, #tpu.memory_space<vmem>>) dst(%dma_wait3A_200 : memref<16x1024xf32, #tpu.memory_space<hbm>>)
    %dma_wait3A_204 = arith.constant 0 : i32
    %dma_wait3A_205 = arith.constant 0 : i32
    %dma_wait3A_206 = arith.constant 0 : i32
    %dma_wait3A_207 = tpu.memref_slice %arg5[%dma_wait3A_205, %dma_wait3A_206] : memref<16x2016xf32, #tpu.memory_space<vmem>> -> memref<16x1024xf32, #tpu.memory_space<vmem>>
    %dma_wait3A_208 = arith.constant 0 : i32
    %dma_wait3A_209 = tpu.memref_slice %arg3[%dma_wait3A_204, %mul3A_32, %dma_wait3A_208] : memref<16x1024x1024xf32, #tpu.memory_space<hbm>> -> memref<1x16x1024xf32, #tpu.memory_space<hbm>>
    %dma_wait3A_210 = tpu.memref_squeeze %dma_wait3A_209 : memref<1x16x1024xf32, #tpu.memory_space<hbm>> -> memref<16x1024xf32, #tpu.memory_space<hbm>>
    %dma_wait3A_211 = arith.constant 0 : i32
    %dma_wait3A_212 = tpu.memref_slice %arg3[%dma_wait3A_204, %mul3A_32, %dma_wait3A_211] : memref<16x1024x1024xf32, #tpu.memory_space<hbm>> -> memref<1x16x1024xf32, #tpu.memory_space<hbm>>
    %dma_wait3A_213 = tpu.memref_squeeze %dma_wait3A_212 : memref<1x16x1024xf32, #tpu.memory_space<hbm>> -> memref<16x1024xf32, #tpu.memory_space<hbm>>
    %dma_wait3A_214 = arith.constant 0 : i32
    %dma_wait3A_215 = arith.constant 0 : i32
    %dma_wait3A_216 = tpu.memref_slice %arg5[%dma_wait3A_214, %dma_wait3A_215] : memref<16x2016xf32, #tpu.memory_space<vmem>> -> memref<16x1024xf32, #tpu.memory_space<vmem>>
    tpu.wait_dma2 semaphore(%arg9 : memref<!tpu.dma_semaphore, #tpu.memory_space<semaphore_mem>>) src(%dma_wait3A_216 : memref<16x1024xf32, #tpu.memory_space<vmem>>) dst(%dma_wait3A_213 : memref<16x1024xf32, #tpu.memory_space<hbm>>)
    %dma_wait3A_217 = arith.constant 0 : i32
    %dma_wait3A_218 = arith.constant 0 : i32
    %dma_wait3A_219 = arith.constant 0 : i32
    %dma_wait3A_220 = tpu.memref_slice %arg5[%dma_wait3A_218, %dma_wait3A_219] : memref<16x2016xf32, #tpu.memory_space<vmem>> -> memref<16x1024xf32, #tpu.memory_space<vmem>>
    %dma_wait3A_221 = arith.constant 0 : i32
    %dma_wait3A_222 = tpu.memref_slice %arg3[%dma_wait3A_217, %mul3A_32, %dma_wait3A_221] : memref<16x1024x1024xf32, #tpu.memory_space<hbm>> -> memref<1x16x1024xf32, #tpu.memory_space<hbm>>
    %dma_wait3A_223 = tpu.memref_squeeze %dma_wait3A_222 : memref<1x16x1024xf32, #tpu.memory_space<hbm>> -> memref<16x1024xf32, #tpu.memory_space<hbm>>
    %dma_wait3A_224 = arith.constant 0 : i32
    %dma_wait3A_225 = tpu.memref_slice %arg3[%dma_wait3A_217, %mul3A_32, %dma_wait3A_224] : memref<16x1024x1024xf32, #tpu.memory_space<hbm>> -> memref<1x16x1024xf32, #tpu.memory_space<hbm>>
    %dma_wait3A_226 = tpu.memref_squeeze %dma_wait3A_225 : memref<1x16x1024xf32, #tpu.memory_space<hbm>> -> memref<16x1024xf32, #tpu.memory_space<hbm>>
    %dma_wait3A_227 = arith.constant 0 : i32
    %dma_wait3A_228 = arith.constant 0 : i32
    %dma_wait3A_229 = tpu.memref_slice %arg5[%dma_wait3A_227, %dma_wait3A_228] : memref<16x2016xf32, #tpu.memory_space<vmem>> -> memref<16x1024xf32, #tpu.memory_space<vmem>>
    tpu.wait_dma2 semaphore(%arg9 : memref<!tpu.dma_semaphore, #tpu.memory_space<semaphore_mem>>) src(%dma_wait3A_229 : memref<16x1024xf32, #tpu.memory_space<vmem>>) dst(%dma_wait3A_226 : memref<16x1024xf32, #tpu.memory_space<hbm>>)
    %dma_wait3A_230 = arith.constant 0 : i32
    %dma_wait3A_231 = arith.constant 0 : i32
    %dma_wait3A_232 = arith.constant 0 : i32
    %dma_wait3A_233 = tpu.memref_slice %arg5[%dma_wait3A_231, %dma_wait3A_232] : memref<16x2016xf32, #tpu.memory_space<vmem>> -> memref<16x1024xf32, #tpu.memory_space<vmem>>
    %dma_wait3A_234 = arith.constant 0 : i32
    %dma_wait3A_235 = tpu.memref_slice %arg3[%dma_wait3A_230, %mul3A_32, %dma_wait3A_234] : memref<16x1024x1024xf32, #tpu.memory_space<hbm>> -> memref<1x16x1024xf32, #tpu.memory_space<hbm>>
    %dma_wait3A_236 = tpu.memref_squeeze %dma_wait3A_235 : memref<1x16x1024xf32, #tpu.memory_space<hbm>> -> memref<16x1024xf32, #tpu.memory_space<hbm>>
    %dma_wait3A_237 = arith.constant 0 : i32
    %dma_wait3A_238 = tpu.memref_slice %arg3[%dma_wait3A_230, %mul3A_32, %dma_wait3A_237] : memref<16x1024x1024xf32, #tpu.memory_space<hbm>> -> memref<1x16x1024xf32, #tpu.memory_space<hbm>>
    %dma_wait3A_239 = tpu.memref_squeeze %dma_wait3A_238 : memref<1x16x1024xf32, #tpu.memory_space<hbm>> -> memref<16x1024xf32, #tpu.memory_space<hbm>>
    %dma_wait3A_240 = arith.constant 0 : i32
    %dma_wait3A_241 = arith.constant 0 : i32
    %dma_wait3A_242 = tpu.memref_slice %arg5[%dma_wait3A_240, %dma_wait3A_241] : memref<16x2016xf32, #tpu.memory_space<vmem>> -> memref<16x1024xf32, #tpu.memory_space<vmem>>
    tpu.wait_dma2 semaphore(%arg9 : memref<!tpu.dma_semaphore, #tpu.memory_space<semaphore_mem>>) src(%dma_wait3A_242 : memref<16x1024xf32, #tpu.memory_space<vmem>>) dst(%dma_wait3A_239 : memref<16x1024xf32, #tpu.memory_space<hbm>>)
    %dma_wait3A_243 = arith.constant 0 : i32
    %dma_wait3A_244 = arith.constant 0 : i32
    %dma_wait3A_245 = arith.constant 0 : i32
    %dma_wait3A_246 = tpu.memref_slice %arg5[%dma_wait3A_244, %dma_wait3A_245] : memref<16x2016xf32, #tpu.memory_space<vmem>> -> memref<16x1024xf32, #tpu.memory_space<vmem>>
    %dma_wait3A_247 = arith.constant 0 : i32
    %dma_wait3A_248 = tpu.memref_slice %arg3[%dma_wait3A_243, %mul3A_32, %dma_wait3A_247] : memref<16x1024x1024xf32, #tpu.memory_space<hbm>> -> memref<1x16x1024xf32, #tpu.memory_space<hbm>>
    %dma_wait3A_249 = tpu.memref_squeeze %dma_wait3A_248 : memref<1x16x1024xf32, #tpu.memory_space<hbm>> -> memref<16x1024xf32, #tpu.memory_space<hbm>>
    %dma_wait3A_250 = arith.constant 0 : i32
    %dma_wait3A_251 = tpu.memref_slice %arg3[%dma_wait3A_243, %mul3A_32, %dma_wait3A_250] : memref<16x1024x1024xf32, #tpu.memory_space<hbm>> -> memref<1x16x1024xf32, #tpu.memory_space<hbm>>
    %dma_wait3A_252 = tpu.memref_squeeze %dma_wait3A_251 : memref<1x16x1024xf32, #tpu.memory_space<hbm>> -> memref<16x1024xf32, #tpu.memory_space<hbm>>
    %dma_wait3A_253 = arith.constant 0 : i32
    %dma_wait3A_254 = arith.constant 0 : i32
    %dma_wait3A_255 = tpu.memref_slice %arg5[%dma_wait3A_253, %dma_wait3A_254] : memref<16x2016xf32, #tpu.memory_space<vmem>> -> memref<16x1024xf32, #tpu.memory_space<vmem>>
    tpu.wait_dma2 semaphore(%arg9 : memref<!tpu.dma_semaphore, #tpu.memory_space<semaphore_mem>>) src(%dma_wait3A_255 : memref<16x1024xf32, #tpu.memory_space<vmem>>) dst(%dma_wait3A_252 : memref<16x1024xf32, #tpu.memory_space<hbm>>)
    %dma_wait3A_256 = arith.constant 0 : i32
    %dma_wait3A_257 = arith.constant 0 : i32
    %dma_wait3A_258 = arith.constant 0 : i32
    %dma_wait3A_259 = tpu.memref_slice %arg5[%dma_wait3A_257, %dma_wait3A_258] : memref<16x2016xf32, #tpu.memory_space<vmem>> -> memref<16x1024xf32, #tpu.memory_space<vmem>>
    %dma_wait3A_260 = arith.constant 0 : i32
    %dma_wait3A_261 = tpu.memref_slice %arg3[%dma_wait3A_256, %mul3A_32, %dma_wait3A_260] : memref<16x1024x1024xf32, #tpu.memory_space<hbm>> -> memref<1x16x1024xf32, #tpu.memory_space<hbm>>
    %dma_wait3A_262 = tpu.memref_squeeze %dma_wait3A_261 : memref<1x16x1024xf32, #tpu.memory_space<hbm>> -> memref<16x1024xf32, #tpu.memory_space<hbm>>
    %dma_wait3A_263 = arith.constant 0 : i32
    %dma_wait3A_264 = tpu.memref_slice %arg3[%dma_wait3A_256, %mul3A_32, %dma_wait3A_263] : memref<16x1024x1024xf32, #tpu.memory_space<hbm>> -> memref<1x16x1024xf32, #tpu.memory_space<hbm>>
    %dma_wait3A_265 = tpu.memref_squeeze %dma_wait3A_264 : memref<1x16x1024xf32, #tpu.memory_space<hbm>> -> memref<16x1024xf32, #tpu.memory_space<hbm>>
    %dma_wait3A_266 = arith.constant 0 : i32
    %dma_wait3A_267 = arith.constant 0 : i32
    %dma_wait3A_268 = tpu.memref_slice %arg5[%dma_wait3A_266, %dma_wait3A_267] : memref<16x2016xf32, #tpu.memory_space<vmem>> -> memref<16x1024xf32, #tpu.memory_space<vmem>>
    tpu.wait_dma2 semaphore(%arg9 : memref<!tpu.dma_semaphore, #tpu.memory_space<semaphore_mem>>) src(%dma_wait3A_268 : memref<16x1024xf32, #tpu.memory_space<vmem>>) dst(%dma_wait3A_265 : memref<16x1024xf32, #tpu.memory_space<hbm>>)
    %dma_wait3A_269 = arith.constant 0 : i32
    %dma_wait3A_270 = arith.constant 0 : i32
    %dma_wait3A_271 = arith.constant 0 : i32
    %dma_wait3A_272 = tpu.memref_slice %arg5[%dma_wait3A_270, %dma_wait3A_271] : memref<16x2016xf32, #tpu.memory_space<vmem>> -> memref<16x1024xf32, #tpu.memory_space<vmem>>
    %dma_wait3A_273 = arith.constant 0 : i32
    %dma_wait3A_274 = tpu.memref_slice %arg3[%dma_wait3A_269, %mul3A_32, %dma_wait3A_273] : memref<16x1024x1024xf32, #tpu.memory_space<hbm>> -> memref<1x16x1024xf32, #tpu.memory_space<hbm>>
    %dma_wait3A_275 = tpu.memref_squeeze %dma_wait3A_274 : memref<1x16x1024xf32, #tpu.memory_space<hbm>> -> memref<16x1024xf32, #tpu.memory_space<hbm>>
    %dma_wait3A_276 = arith.constant 0 : i32
    %dma_wait3A_277 = tpu.memref_slice %arg3[%dma_wait3A_269, %mul3A_32, %dma_wait3A_276] : memref<16x1024x1024xf32, #tpu.memory_space<hbm>> -> memref<1x16x1024xf32, #tpu.memory_space<hbm>>
    %dma_wait3A_278 = tpu.memref_squeeze %dma_wait3A_277 : memref<1x16x1024xf32, #tpu.memory_space<hbm>> -> memref<16x1024xf32, #tpu.memory_space<hbm>>
    %dma_wait3A_279 = arith.constant 0 : i32
    %dma_wait3A_280 = arith.constant 0 : i32
    %dma_wait3A_281 = tpu.memref_slice %arg5[%dma_wait3A_279, %dma_wait3A_280] : memref<16x2016xf32, #tpu.memory_space<vmem>> -> memref<16x1024xf32, #tpu.memory_space<vmem>>
    tpu.wait_dma2 semaphore(%arg9 : memref<!tpu.dma_semaphore, #tpu.memory_space<semaphore_mem>>) src(%dma_wait3A_281 : memref<16x1024xf32, #tpu.memory_space<vmem>>) dst(%dma_wait3A_278 : memref<16x1024xf32, #tpu.memory_space<hbm>>)
    %dma_wait3A_282 = arith.constant 0 : i32
    %dma_wait3A_283 = arith.constant 0 : i32
    %dma_wait3A_284 = arith.constant 0 : i32
    %dma_wait3A_285 = tpu.memref_slice %arg5[%dma_wait3A_283, %dma_wait3A_284] : memref<16x2016xf32, #tpu.memory_space<vmem>> -> memref<16x1024xf32, #tpu.memory_space<vmem>>
    %dma_wait3A_286 = arith.constant 0 : i32
    %dma_wait3A_287 = tpu.memref_slice %arg3[%dma_wait3A_282, %mul3A_32, %dma_wait3A_286] : memref<16x1024x1024xf32, #tpu.memory_space<hbm>> -> memref<1x16x1024xf32, #tpu.memory_space<hbm>>
    %dma_wait3A_288 = tpu.memref_squeeze %dma_wait3A_287 : memref<1x16x1024xf32, #tpu.memory_space<hbm>> -> memref<16x1024xf32, #tpu.memory_space<hbm>>
    %dma_wait3A_289 = arith.constant 0 : i32
    %dma_wait3A_290 = tpu.memref_slice %arg3[%dma_wait3A_282, %mul3A_32, %dma_wait3A_289] : memref<16x1024x1024xf32, #tpu.memory_space<hbm>> -> memref<1x16x1024xf32, #tpu.memory_space<hbm>>
    %dma_wait3A_291 = tpu.memref_squeeze %dma_wait3A_290 : memref<1x16x1024xf32, #tpu.memory_space<hbm>> -> memref<16x1024xf32, #tpu.memory_space<hbm>>
    %dma_wait3A_292 = arith.constant 0 : i32
    %dma_wait3A_293 = arith.constant 0 : i32
    %dma_wait3A_294 = tpu.memref_slice %arg5[%dma_wait3A_292, %dma_wait3A_293] : memref<16x2016xf32, #tpu.memory_space<vmem>> -> memref<16x1024xf32, #tpu.memory_space<vmem>>
    tpu.wait_dma2 semaphore(%arg9 : memref<!tpu.dma_semaphore, #tpu.memory_space<semaphore_mem>>) src(%dma_wait3A_294 : memref<16x1024xf32, #tpu.memory_space<vmem>>) dst(%dma_wait3A_291 : memref<16x1024xf32, #tpu.memory_space<hbm>>)
    %dma_wait3A_295 = arith.constant 0 : i32
    %dma_wait3A_296 = arith.constant 0 : i32
    %dma_wait3A_297 = arith.constant 0 : i32
    %dma_wait3A_298 = tpu.memref_slice %arg5[%dma_wait3A_296, %dma_wait3A_297] : memref<16x2016xf32, #tpu.memory_space<vmem>> -> memref<16x1024xf32, #tpu.memory_space<vmem>>
    %dma_wait3A_299 = arith.constant 0 : i32
    %dma_wait3A_300 = tpu.memref_slice %arg3[%dma_wait3A_295, %mul3A_32, %dma_wait3A_299] : memref<16x1024x1024xf32, #tpu.memory_space<hbm>> -> memref<1x16x1024xf32, #tpu.memory_space<hbm>>
    %dma_wait3A_301 = tpu.memref_squeeze %dma_wait3A_300 : memref<1x16x1024xf32, #tpu.memory_space<hbm>> -> memref<16x1024xf32, #tpu.memory_space<hbm>>
    %dma_wait3A_302 = arith.constant 0 : i32
    %dma_wait3A_303 = tpu.memref_slice %arg3[%dma_wait3A_295, %mul3A_32, %dma_wait3A_302] : memref<16x1024x1024xf32, #tpu.memory_space<hbm>> -> memref<1x16x1024xf32, #tpu.memory_space<hbm>>
    %dma_wait3A_304 = tpu.memref_squeeze %dma_wait3A_303 : memref<1x16x1024xf32, #tpu.memory_space<hbm>> -> memref<16x1024xf32, #tpu.memory_space<hbm>>
    %dma_wait3A_305 = arith.constant 0 : i32
    %dma_wait3A_306 = arith.constant 0 : i32
    %dma_wait3A_307 = tpu.memref_slice %arg5[%dma_wait3A_305, %dma_wait3A_306] : memref<16x2016xf32, #tpu.memory_space<vmem>> -> memref<16x1024xf32, #tpu.memory_space<vmem>>
    tpu.wait_dma2 semaphore(%arg9 : memref<!tpu.dma_semaphore, #tpu.memory_space<semaphore_mem>>) src(%dma_wait3A_307 : memref<16x1024xf32, #tpu.memory_space<vmem>>) dst(%dma_wait3A_304 : memref<16x1024xf32, #tpu.memory_space<hbm>>)
    %dma_wait3A_308 = arith.constant 0 : i32
    %dma_wait3A_309 = arith.constant 0 : i32
    %dma_wait3A_310 = arith.constant 0 : i32
    %dma_wait3A_311 = tpu.memref_slice %arg5[%dma_wait3A_309, %dma_wait3A_310] : memref<16x2016xf32, #tpu.memory_space<vmem>> -> memref<16x1024xf32, #tpu.memory_space<vmem>>
    %dma_wait3A_312 = arith.constant 0 : i32
    %dma_wait3A_313 = tpu.memref_slice %arg3[%dma_wait3A_308, %mul3A_32, %dma_wait3A_312] : memref<16x1024x1024xf32, #tpu.memory_space<hbm>> -> memref<1x16x1024xf32, #tpu.memory_space<hbm>>
    %dma_wait3A_314 = tpu.memref_squeeze %dma_wait3A_313 : memref<1x16x1024xf32, #tpu.memory_space<hbm>> -> memref<16x1024xf32, #tpu.memory_space<hbm>>
    %dma_wait3A_315 = arith.constant 0 : i32
    %dma_wait3A_316 = tpu.memref_slice %arg3[%dma_wait3A_308, %mul3A_32, %dma_wait3A_315] : memref<16x1024x1024xf32, #tpu.memory_space<hbm>> -> memref<1x16x1024xf32, #tpu.memory_space<hbm>>
    %dma_wait3A_317 = tpu.memref_squeeze %dma_wait3A_316 : memref<1x16x1024xf32, #tpu.memory_space<hbm>> -> memref<16x1024xf32, #tpu.memory_space<hbm>>
    %dma_wait3A_318 = arith.constant 0 : i32
    %dma_wait3A_319 = arith.constant 0 : i32
    %dma_wait3A_320 = tpu.memref_slice %arg5[%dma_wait3A_318, %dma_wait3A_319] : memref<16x2016xf32, #tpu.memory_space<vmem>> -> memref<16x1024xf32, #tpu.memory_space<vmem>>
    tpu.wait_dma2 semaphore(%arg9 : memref<!tpu.dma_semaphore, #tpu.memory_space<semaphore_mem>>) src(%dma_wait3A_320 : memref<16x1024xf32, #tpu.memory_space<vmem>>) dst(%dma_wait3A_317 : memref<16x1024xf32, #tpu.memory_space<hbm>>)
    %dma_wait3A_321 = arith.constant 0 : i32
    %dma_wait3A_322 = arith.constant 0 : i32
    %dma_wait3A_323 = arith.constant 0 : i32
    %dma_wait3A_324 = tpu.memref_slice %arg5[%dma_wait3A_322, %dma_wait3A_323] : memref<16x2016xf32, #tpu.memory_space<vmem>> -> memref<16x1024xf32, #tpu.memory_space<vmem>>
    %dma_wait3A_325 = arith.constant 0 : i32
    %dma_wait3A_326 = tpu.memref_slice %arg3[%dma_wait3A_321, %mul3A_32, %dma_wait3A_325] : memref<16x1024x1024xf32, #tpu.memory_space<hbm>> -> memref<1x16x1024xf32, #tpu.memory_space<hbm>>
    %dma_wait3A_327 = tpu.memref_squeeze %dma_wait3A_326 : memref<1x16x1024xf32, #tpu.memory_space<hbm>> -> memref<16x1024xf32, #tpu.memory_space<hbm>>
    %dma_wait3A_328 = arith.constant 0 : i32
    %dma_wait3A_329 = tpu.memref_slice %arg3[%dma_wait3A_321, %mul3A_32, %dma_wait3A_328] : memref<16x1024x1024xf32, #tpu.memory_space<hbm>> -> memref<1x16x1024xf32, #tpu.memory_space<hbm>>
    %dma_wait3A_330 = tpu.memref_squeeze %dma_wait3A_329 : memref<1x16x1024xf32, #tpu.memory_space<hbm>> -> memref<16x1024xf32, #tpu.memory_space<hbm>>
    %dma_wait3A_331 = arith.constant 0 : i32
    %dma_wait3A_332 = arith.constant 0 : i32
    %dma_wait3A_333 = tpu.memref_slice %arg5[%dma_wait3A_331, %dma_wait3A_332] : memref<16x2016xf32, #tpu.memory_space<vmem>> -> memref<16x1024xf32, #tpu.memory_space<vmem>>
    tpu.wait_dma2 semaphore(%arg9 : memref<!tpu.dma_semaphore, #tpu.memory_space<semaphore_mem>>) src(%dma_wait3A_333 : memref<16x1024xf32, #tpu.memory_space<vmem>>) dst(%dma_wait3A_330 : memref<16x1024xf32, #tpu.memory_space<hbm>>)
    %dma_wait3A_334 = arith.constant 0 : i32
    %dma_wait3A_335 = arith.constant 0 : i32
    %dma_wait3A_336 = arith.constant 0 : i32
    %dma_wait3A_337 = tpu.memref_slice %arg5[%dma_wait3A_335, %dma_wait3A_336] : memref<16x2016xf32, #tpu.memory_space<vmem>> -> memref<16x1024xf32, #tpu.memory_space<vmem>>
    %dma_wait3A_338 = arith.constant 0 : i32
    %dma_wait3A_339 = tpu.memref_slice %arg3[%dma_wait3A_334, %mul3A_32, %dma_wait3A_338] : memref<16x1024x1024xf32, #tpu.memory_space<hbm>> -> memref<1x16x1024xf32, #tpu.memory_space<hbm>>
    %dma_wait3A_340 = tpu.memref_squeeze %dma_wait3A_339 : memref<1x16x1024xf32, #tpu.memory_space<hbm>> -> memref<16x1024xf32, #tpu.memory_space<hbm>>
    %dma_wait3A_341 = arith.constant 0 : i32
    %dma_wait3A_342 = tpu.memref_slice %arg3[%dma_wait3A_334, %mul3A_32, %dma_wait3A_341] : memref<16x1024x1024xf32, #tpu.memory_space<hbm>> -> memref<1x16x1024xf32, #tpu.memory_space<hbm>>
    %dma_wait3A_343 = tpu.memref_squeeze %dma_wait3A_342 : memref<1x16x1024xf32, #tpu.memory_space<hbm>> -> memref<16x1024xf32, #tpu.memory_space<hbm>>
    %dma_wait3A_344 = arith.constant 0 : i32
    %dma_wait3A_345 = arith.constant 0 : i32
    %dma_wait3A_346 = tpu.memref_slice %arg5[%dma_wait3A_344, %dma_wait3A_345] : memref<16x2016xf32, #tpu.memory_space<vmem>> -> memref<16x1024xf32, #tpu.memory_space<vmem>>
    tpu.wait_dma2 semaphore(%arg9 : memref<!tpu.dma_semaphore, #tpu.memory_space<semaphore_mem>>) src(%dma_wait3A_346 : memref<16x1024xf32, #tpu.memory_space<vmem>>) dst(%dma_wait3A_343 : memref<16x1024xf32, #tpu.memory_space<hbm>>)
    %dma_wait3A_347 = arith.constant 0 : i32
    %dma_wait3A_348 = arith.constant 0 : i32
    %dma_wait3A_349 = arith.constant 0 : i32
    %dma_wait3A_350 = tpu.memref_slice %arg5[%dma_wait3A_348, %dma_wait3A_349] : memref<16x2016xf32, #tpu.memory_space<vmem>> -> memref<16x1024xf32, #tpu.memory_space<vmem>>
    %dma_wait3A_351 = arith.constant 0 : i32
    %dma_wait3A_352 = tpu.memref_slice %arg3[%dma_wait3A_347, %mul3A_32, %dma_wait3A_351] : memref<16x1024x1024xf32, #tpu.memory_space<hbm>> -> memref<1x16x1024xf32, #tpu.memory_space<hbm>>
    %dma_wait3A_353 = tpu.memref_squeeze %dma_wait3A_352 : memref<1x16x1024xf32, #tpu.memory_space<hbm>> -> memref<16x1024xf32, #tpu.memory_space<hbm>>
    %dma_wait3A_354 = arith.constant 0 : i32
    %dma_wait3A_355 = tpu.memref_slice %arg3[%dma_wait3A_347, %mul3A_32, %dma_wait3A_354] : memref<16x1024x1024xf32, #tpu.memory_space<hbm>> -> memref<1x16x1024xf32, #tpu.memory_space<hbm>>
    %dma_wait3A_356 = tpu.memref_squeeze %dma_wait3A_355 : memref<1x16x1024xf32, #tpu.memory_space<hbm>> -> memref<16x1024xf32, #tpu.memory_space<hbm>>
    %dma_wait3A_357 = arith.constant 0 : i32
    %dma_wait3A_358 = arith.constant 0 : i32
    %dma_wait3A_359 = tpu.memref_slice %arg5[%dma_wait3A_357, %dma_wait3A_358] : memref<16x2016xf32, #tpu.memory_space<vmem>> -> memref<16x1024xf32, #tpu.memory_space<vmem>>
    tpu.wait_dma2 semaphore(%arg9 : memref<!tpu.dma_semaphore, #tpu.memory_space<semaphore_mem>>) src(%dma_wait3A_359 : memref<16x1024xf32, #tpu.memory_space<vmem>>) dst(%dma_wait3A_356 : memref<16x1024xf32, #tpu.memory_space<hbm>>)
    %dma_wait3A_360 = arith.constant 0 : i32
    %dma_wait3A_361 = arith.constant 0 : i32
    %dma_wait3A_362 = arith.constant 0 : i32
    %dma_wait3A_363 = tpu.memref_slice %arg5[%dma_wait3A_361, %dma_wait3A_362] : memref<16x2016xf32, #tpu.memory_space<vmem>> -> memref<16x1024xf32, #tpu.memory_space<vmem>>
    %dma_wait3A_364 = arith.constant 0 : i32
    %dma_wait3A_365 = tpu.memref_slice %arg3[%dma_wait3A_360, %mul3A_32, %dma_wait3A_364] : memref<16x1024x1024xf32, #tpu.memory_space<hbm>> -> memref<1x16x1024xf32, #tpu.memory_space<hbm>>
    %dma_wait3A_366 = tpu.memref_squeeze %dma_wait3A_365 : memref<1x16x1024xf32, #tpu.memory_space<hbm>> -> memref<16x1024xf32, #tpu.memory_space<hbm>>
    %dma_wait3A_367 = arith.constant 0 : i32
    %dma_wait3A_368 = tpu.memref_slice %arg3[%dma_wait3A_360, %mul3A_32, %dma_wait3A_367] : memref<16x1024x1024xf32, #tpu.memory_space<hbm>> -> memref<1x16x1024xf32, #tpu.memory_space<hbm>>
    %dma_wait3A_369 = tpu.memref_squeeze %dma_wait3A_368 : memref<1x16x1024xf32, #tpu.memory_space<hbm>> -> memref<16x1024xf32, #tpu.memory_space<hbm>>
    %dma_wait3A_370 = arith.constant 0 : i32
    %dma_wait3A_371 = arith.constant 0 : i32
    %dma_wait3A_372 = tpu.memref_slice %arg5[%dma_wait3A_370, %dma_wait3A_371] : memref<16x2016xf32, #tpu.memory_space<vmem>> -> memref<16x1024xf32, #tpu.memory_space<vmem>>
    tpu.wait_dma2 semaphore(%arg9 : memref<!tpu.dma_semaphore, #tpu.memory_space<semaphore_mem>>) src(%dma_wait3A_372 : memref<16x1024xf32, #tpu.memory_space<vmem>>) dst(%dma_wait3A_369 : memref<16x1024xf32, #tpu.memory_space<hbm>>)
    %dma_wait3A_373 = arith.constant 0 : i32
    %dma_wait3A_374 = arith.constant 0 : i32
    %dma_wait3A_375 = arith.constant 0 : i32
    %dma_wait3A_376 = tpu.memref_slice %arg5[%dma_wait3A_374, %dma_wait3A_375] : memref<16x2016xf32, #tpu.memory_space<vmem>> -> memref<16x1024xf32, #tpu.memory_space<vmem>>
    %dma_wait3A_377 = arith.constant 0 : i32
    %dma_wait3A_378 = tpu.memref_slice %arg3[%dma_wait3A_373, %mul3A_32, %dma_wait3A_377] : memref<16x1024x1024xf32, #tpu.memory_space<hbm>> -> memref<1x16x1024xf32, #tpu.memory_space<hbm>>
    %dma_wait3A_379 = tpu.memref_squeeze %dma_wait3A_378 : memref<1x16x1024xf32, #tpu.memory_space<hbm>> -> memref<16x1024xf32, #tpu.memory_space<hbm>>
    %dma_wait3A_380 = arith.constant 0 : i32
    %dma_wait3A_381 = tpu.memref_slice %arg3[%dma_wait3A_373, %mul3A_32, %dma_wait3A_380] : memref<16x1024x1024xf32, #tpu.memory_space<hbm>> -> memref<1x16x1024xf32, #tpu.memory_space<hbm>>
    %dma_wait3A_382 = tpu.memref_squeeze %dma_wait3A_381 : memref<1x16x1024xf32, #tpu.memory_space<hbm>> -> memref<16x1024xf32, #tpu.memory_space<hbm>>
    %dma_wait3A_383 = arith.constant 0 : i32
    %dma_wait3A_384 = arith.constant 0 : i32
    %dma_wait3A_385 = tpu.memref_slice %arg5[%dma_wait3A_383, %dma_wait3A_384] : memref<16x2016xf32, #tpu.memory_space<vmem>> -> memref<16x1024xf32, #tpu.memory_space<vmem>>
    tpu.wait_dma2 semaphore(%arg9 : memref<!tpu.dma_semaphore, #tpu.memory_space<semaphore_mem>>) src(%dma_wait3A_385 : memref<16x1024xf32, #tpu.memory_space<vmem>>) dst(%dma_wait3A_382 : memref<16x1024xf32, #tpu.memory_space<hbm>>)
    %dma_wait3A_386 = arith.constant 0 : i32
    %dma_wait3A_387 = arith.constant 0 : i32
    %dma_wait3A_388 = arith.constant 0 : i32
    %dma_wait3A_389 = tpu.memref_slice %arg5[%dma_wait3A_387, %dma_wait3A_388] : memref<16x2016xf32, #tpu.memory_space<vmem>> -> memref<16x1024xf32, #tpu.memory_space<vmem>>
    %dma_wait3A_390 = arith.constant 0 : i32
    %dma_wait3A_391 = tpu.memref_slice %arg3[%dma_wait3A_386, %mul3A_32, %dma_wait3A_390] : memref<16x1024x1024xf32, #tpu.memory_space<hbm>> -> memref<1x16x1024xf32, #tpu.memory_space<hbm>>
    %dma_wait3A_392 = tpu.memref_squeeze %dma_wait3A_391 : memref<1x16x1024xf32, #tpu.memory_space<hbm>> -> memref<16x1024xf32, #tpu.memory_space<hbm>>
    %dma_wait3A_393 = arith.constant 0 : i32
    %dma_wait3A_394 = tpu.memref_slice %arg3[%dma_wait3A_386, %mul3A_32, %dma_wait3A_393] : memref<16x1024x1024xf32, #tpu.memory_space<hbm>> -> memref<1x16x1024xf32, #tpu.memory_space<hbm>>
    %dma_wait3A_395 = tpu.memref_squeeze %dma_wait3A_394 : memref<1x16x1024xf32, #tpu.memory_space<hbm>> -> memref<16x1024xf32, #tpu.memory_space<hbm>>
    %dma_wait3A_396 = arith.constant 0 : i32
    %dma_wait3A_397 = arith.constant 0 : i32
    %dma_wait3A_398 = tpu.memref_slice %arg5[%dma_wait3A_396, %dma_wait3A_397] : memref<16x2016xf32, #tpu.memory_space<vmem>> -> memref<16x1024xf32, #tpu.memory_space<vmem>>
    tpu.wait_dma2 semaphore(%arg9 : memref<!tpu.dma_semaphore, #tpu.memory_space<semaphore_mem>>) src(%dma_wait3A_398 : memref<16x1024xf32, #tpu.memory_space<vmem>>) dst(%dma_wait3A_395 : memref<16x1024xf32, #tpu.memory_space<hbm>>)
    %dma_wait3A_399 = arith.constant 0 : i32
    %dma_wait3A_400 = arith.constant 0 : i32
    %dma_wait3A_401 = arith.constant 0 : i32
    %dma_wait3A_402 = tpu.memref_slice %arg5[%dma_wait3A_400, %dma_wait3A_401] : memref<16x2016xf32, #tpu.memory_space<vmem>> -> memref<16x1024xf32, #tpu.memory_space<vmem>>
    %dma_wait3A_403 = arith.constant 0 : i32
    %dma_wait3A_404 = tpu.memref_slice %arg3[%dma_wait3A_399, %mul3A_32, %dma_wait3A_403] : memref<16x1024x1024xf32, #tpu.memory_space<hbm>> -> memref<1x16x1024xf32, #tpu.memory_space<hbm>>
    %dma_wait3A_405 = tpu.memref_squeeze %dma_wait3A_404 : memref<1x16x1024xf32, #tpu.memory_space<hbm>> -> memref<16x1024xf32, #tpu.memory_space<hbm>>
    %dma_wait3A_406 = arith.constant 0 : i32
    %dma_wait3A_407 = tpu.memref_slice %arg3[%dma_wait3A_399, %mul3A_32, %dma_wait3A_406] : memref<16x1024x1024xf32, #tpu.memory_space<hbm>> -> memref<1x16x1024xf32, #tpu.memory_space<hbm>>
    %dma_wait3A_408 = tpu.memref_squeeze %dma_wait3A_407 : memref<1x16x1024xf32, #tpu.memory_space<hbm>> -> memref<16x1024xf32, #tpu.memory_space<hbm>>
    %dma_wait3A_409 = arith.constant 0 : i32
    %dma_wait3A_410 = arith.constant 0 : i32
    %dma_wait3A_411 = tpu.memref_slice %arg5[%dma_wait3A_409, %dma_wait3A_410] : memref<16x2016xf32, #tpu.memory_space<vmem>> -> memref<16x1024xf32, #tpu.memory_space<vmem>>
    tpu.wait_dma2 semaphore(%arg9 : memref<!tpu.dma_semaphore, #tpu.memory_space<semaphore_mem>>) src(%dma_wait3A_411 : memref<16x1024xf32, #tpu.memory_space<vmem>>) dst(%dma_wait3A_408 : memref<16x1024xf32, #tpu.memory_space<hbm>>)
    %dma_wait3A_412 = arith.constant 0 : i32
    %dma_wait3A_413 = arith.constant 0 : i32
    %dma_wait3A_414 = arith.constant 0 : i32
    %dma_wait3A_415 = tpu.memref_slice %arg5[%dma_wait3A_413, %dma_wait3A_414] : memref<16x2016xf32, #tpu.memory_space<vmem>> -> memref<16x1024xf32, #tpu.memory_space<vmem>>
    %dma_wait3A_416 = arith.constant 0 : i32
    %dma_wait3A_417 = tpu.memref_slice %arg3[%dma_wait3A_412, %mul3A_32, %dma_wait3A_416] : memref<16x1024x1024xf32, #tpu.memory_space<hbm>> -> memref<1x16x1024xf32, #tpu.memory_space<hbm>>
    %dma_wait3A_418 = tpu.memref_squeeze %dma_wait3A_417 : memref<1x16x1024xf32, #tpu.memory_space<hbm>> -> memref<16x1024xf32, #tpu.memory_space<hbm>>
    %dma_wait3A_419 = arith.constant 0 : i32
    %dma_wait3A_420 = tpu.memref_slice %arg3[%dma_wait3A_412, %mul3A_32, %dma_wait3A_419] : memref<16x1024x1024xf32, #tpu.memory_space<hbm>> -> memref<1x16x1024xf32, #tpu.memory_space<hbm>>
    %dma_wait3A_421 = tpu.memref_squeeze %dma_wait3A_420 : memref<1x16x1024xf32, #tpu.memory_space<hbm>> -> memref<16x1024xf32, #tpu.memory_space<hbm>>
    %dma_wait3A_422 = arith.constant 0 : i32
    %dma_wait3A_423 = arith.constant 0 : i32
    %dma_wait3A_424 = tpu.memref_slice %arg5[%dma_wait3A_422, %dma_wait3A_423] : memref<16x2016xf32, #tpu.memory_space<vmem>> -> memref<16x1024xf32, #tpu.memory_space<vmem>>
    tpu.wait_dma2 semaphore(%arg9 : memref<!tpu.dma_semaphore, #tpu.memory_space<semaphore_mem>>) src(%dma_wait3A_424 : memref<16x1024xf32, #tpu.memory_space<vmem>>) dst(%dma_wait3A_421 : memref<16x1024xf32, #tpu.memory_space<hbm>>)
    %dma_wait3A_425 = arith.constant 0 : i32
    %dma_wait3A_426 = arith.constant 0 : i32
    %dma_wait3A_427 = arith.constant 0 : i32
    %dma_wait3A_428 = tpu.memref_slice %arg5[%dma_wait3A_426, %dma_wait3A_427] : memref<16x2016xf32, #tpu.memory_space<vmem>> -> memref<16x1024xf32, #tpu.memory_space<vmem>>
    %dma_wait3A_429 = arith.constant 0 : i32
    %dma_wait3A_430 = tpu.memref_slice %arg3[%dma_wait3A_425, %mul3A_32, %dma_wait3A_429] : memref<16x1024x1024xf32, #tpu.memory_space<hbm>> -> memref<1x16x1024xf32, #tpu.memory_space<hbm>>
    %dma_wait3A_431 = tpu.memref_squeeze %dma_wait3A_430 : memref<1x16x1024xf32, #tpu.memory_space<hbm>> -> memref<16x1024xf32, #tpu.memory_space<hbm>>
    %dma_wait3A_432 = arith.constant 0 : i32
    %dma_wait3A_433 = tpu.memref_slice %arg3[%dma_wait3A_425, %mul3A_32, %dma_wait3A_432] : memref<16x1024x1024xf32, #tpu.memory_space<hbm>> -> memref<1x16x1024xf32, #tpu.memory_space<hbm>>
    %dma_wait3A_434 = tpu.memref_squeeze %dma_wait3A_433 : memref<1x16x1024xf32, #tpu.memory_space<hbm>> -> memref<16x1024xf32, #tpu.memory_space<hbm>>
    %dma_wait3A_435 = arith.constant 0 : i32
    %dma_wait3A_436 = arith.constant 0 : i32
    %dma_wait3A_437 = tpu.memref_slice %arg5[%dma_wait3A_435, %dma_wait3A_436] : memref<16x2016xf32, #tpu.memory_space<vmem>> -> memref<16x1024xf32, #tpu.memory_space<vmem>>
    tpu.wait_dma2 semaphore(%arg9 : memref<!tpu.dma_semaphore, #tpu.memory_space<semaphore_mem>>) src(%dma_wait3A_437 : memref<16x1024xf32, #tpu.memory_space<vmem>>) dst(%dma_wait3A_434 : memref<16x1024xf32, #tpu.memory_space<hbm>>)
    %dma_wait3A_438 = arith.constant 0 : i32
    %dma_wait3A_439 = arith.constant 0 : i32
    %dma_wait3A_440 = arith.constant 0 : i32
    %dma_wait3A_441 = tpu.memref_slice %arg5[%dma_wait3A_439, %dma_wait3A_440] : memref<16x2016xf32, #tpu.memory_space<vmem>> -> memref<16x1024xf32, #tpu.memory_space<vmem>>
    %dma_wait3A_442 = arith.constant 0 : i32
    %dma_wait3A_443 = tpu.memref_slice %arg3[%dma_wait3A_438, %mul3A_32, %dma_wait3A_442] : memref<16x1024x1024xf32, #tpu.memory_space<hbm>> -> memref<1x16x1024xf32, #tpu.memory_space<hbm>>
    %dma_wait3A_444 = tpu.memref_squeeze %dma_wait3A_443 : memref<1x16x1024xf32, #tpu.memory_space<hbm>> -> memref<16x1024xf32, #tpu.memory_space<hbm>>
    %dma_wait3A_445 = arith.constant 0 : i32
    %dma_wait3A_446 = tpu.memref_slice %arg3[%dma_wait3A_438, %mul3A_32, %dma_wait3A_445] : memref<16x1024x1024xf32, #tpu.memory_space<hbm>> -> memref<1x16x1024xf32, #tpu.memory_space<hbm>>
    %dma_wait3A_447 = tpu.memref_squeeze %dma_wait3A_446 : memref<1x16x1024xf32, #tpu.memory_space<hbm>> -> memref<16x1024xf32, #tpu.memory_space<hbm>>
    %dma_wait3A_448 = arith.constant 0 : i32
    %dma_wait3A_449 = arith.constant 0 : i32
    %dma_wait3A_450 = tpu.memref_slice %arg5[%dma_wait3A_448, %dma_wait3A_449] : memref<16x2016xf32, #tpu.memory_space<vmem>> -> memref<16x1024xf32, #tpu.memory_space<vmem>>
    tpu.wait_dma2 semaphore(%arg9 : memref<!tpu.dma_semaphore, #tpu.memory_space<semaphore_mem>>) src(%dma_wait3A_450 : memref<16x1024xf32, #tpu.memory_space<vmem>>) dst(%dma_wait3A_447 : memref<16x1024xf32, #tpu.memory_space<hbm>>)
    %dma_wait3A_451 = arith.constant 0 : i32
    %dma_wait3A_452 = arith.constant 0 : i32
    %dma_wait3A_453 = arith.constant 0 : i32
    %dma_wait3A_454 = tpu.memref_slice %arg5[%dma_wait3A_452, %dma_wait3A_453] : memref<16x2016xf32, #tpu.memory_space<vmem>> -> memref<16x1024xf32, #tpu.memory_space<vmem>>
    %dma_wait3A_455 = arith.constant 0 : i32
    %dma_wait3A_456 = tpu.memref_slice %arg3[%dma_wait3A_451, %mul3A_32, %dma_wait3A_455] : memref<16x1024x1024xf32, #tpu.memory_space<hbm>> -> memref<1x16x1024xf32, #tpu.memory_space<hbm>>
    %dma_wait3A_457 = tpu.memref_squeeze %dma_wait3A_456 : memref<1x16x1024xf32, #tpu.memory_space<hbm>> -> memref<16x1024xf32, #tpu.memory_space<hbm>>
    %dma_wait3A_458 = arith.constant 0 : i32
    %dma_wait3A_459 = tpu.memref_slice %arg3[%dma_wait3A_451, %mul3A_32, %dma_wait3A_458] : memref<16x1024x1024xf32, #tpu.memory_space<hbm>> -> memref<1x16x1024xf32, #tpu.memory_space<hbm>>
    %dma_wait3A_460 = tpu.memref_squeeze %dma_wait3A_459 : memref<1x16x1024xf32, #tpu.memory_space<hbm>> -> memref<16x1024xf32, #tpu.memory_space<hbm>>
    %dma_wait3A_461 = arith.constant 0 : i32
    %dma_wait3A_462 = arith.constant 0 : i32
    %dma_wait3A_463 = tpu.memref_slice %arg5[%dma_wait3A_461, %dma_wait3A_462] : memref<16x2016xf32, #tpu.memory_space<vmem>> -> memref<16x1024xf32, #tpu.memory_space<vmem>>
    tpu.wait_dma2 semaphore(%arg9 : memref<!tpu.dma_semaphore, #tpu.memory_space<semaphore_mem>>) src(%dma_wait3A_463 : memref<16x1024xf32, #tpu.memory_space<vmem>>) dst(%dma_wait3A_460 : memref<16x1024xf32, #tpu.memory_space<hbm>>)
    %dma_wait3A_464 = arith.constant 0 : i32
    %dma_wait3A_465 = arith.constant 0 : i32
    %dma_wait3A_466 = arith.constant 0 : i32
    %dma_wait3A_467 = tpu.memref_slice %arg5[%dma_wait3A_465, %dma_wait3A_466] : memref<16x2016xf32, #tpu.memory_space<vmem>> -> memref<16x1024xf32, #tpu.memory_space<vmem>>
    %dma_wait3A_468 = arith.constant 0 : i32
    %dma_wait3A_469 = tpu.memref_slice %arg3[%dma_wait3A_464, %mul3A_32, %dma_wait3A_468] : memref<16x1024x1024xf32, #tpu.memory_space<hbm>> -> memref<1x16x1024xf32, #tpu.memory_space<hbm>>
    %dma_wait3A_470 = tpu.memref_squeeze %dma_wait3A_469 : memref<1x16x1024xf32, #tpu.memory_space<hbm>> -> memref<16x1024xf32, #tpu.memory_space<hbm>>
    %dma_wait3A_471 = arith.constant 0 : i32
    %dma_wait3A_472 = tpu.memref_slice %arg3[%dma_wait3A_464, %mul3A_32, %dma_wait3A_471] : memref<16x1024x1024xf32, #tpu.memory_space<hbm>> -> memref<1x16x1024xf32, #tpu.memory_space<hbm>>
    %dma_wait3A_473 = tpu.memref_squeeze %dma_wait3A_472 : memref<1x16x1024xf32, #tpu.memory_space<hbm>> -> memref<16x1024xf32, #tpu.memory_space<hbm>>
    %dma_wait3A_474 = arith.constant 0 : i32
    %dma_wait3A_475 = arith.constant 0 : i32
    %dma_wait3A_476 = tpu.memref_slice %arg5[%dma_wait3A_474, %dma_wait3A_475] : memref<16x2016xf32, #tpu.memory_space<vmem>> -> memref<16x1024xf32, #tpu.memory_space<vmem>>
    tpu.wait_dma2 semaphore(%arg9 : memref<!tpu.dma_semaphore, #tpu.memory_space<semaphore_mem>>) src(%dma_wait3A_476 : memref<16x1024xf32, #tpu.memory_space<vmem>>) dst(%dma_wait3A_473 : memref<16x1024xf32, #tpu.memory_space<hbm>>)
    %dma_wait3A_477 = arith.constant 0 : i32
    %dma_wait3A_478 = arith.constant 0 : i32
    %dma_wait3A_479 = arith.constant 0 : i32
    %dma_wait3A_480 = tpu.memref_slice %arg5[%dma_wait3A_478, %dma_wait3A_479] : memref<16x2016xf32, #tpu.memory_space<vmem>> -> memref<16x1024xf32, #tpu.memory_space<vmem>>
    %dma_wait3A_481 = arith.constant 0 : i32
    %dma_wait3A_482 = tpu.memref_slice %arg3[%dma_wait3A_477, %mul3A_32, %dma_wait3A_481] : memref<16x1024x1024xf32, #tpu.memory_space<hbm>> -> memref<1x16x1024xf32, #tpu.memory_space<hbm>>
    %dma_wait3A_483 = tpu.memref_squeeze %dma_wait3A_482 : memref<1x16x1024xf32, #tpu.memory_space<hbm>> -> memref<16x1024xf32, #tpu.memory_space<hbm>>
    %dma_wait3A_484 = arith.constant 0 : i32
    %dma_wait3A_485 = tpu.memref_slice %arg3[%dma_wait3A_477, %mul3A_32, %dma_wait3A_484] : memref<16x1024x1024xf32, #tpu.memory_space<hbm>> -> memref<1x16x1024xf32, #tpu.memory_space<hbm>>
    %dma_wait3A_486 = tpu.memref_squeeze %dma_wait3A_485 : memref<1x16x1024xf32, #tpu.memory_space<hbm>> -> memref<16x1024xf32, #tpu.memory_space<hbm>>
    %dma_wait3A_487 = arith.constant 0 : i32
    %dma_wait3A_488 = arith.constant 0 : i32
    %dma_wait3A_489 = tpu.memref_slice %arg5[%dma_wait3A_487, %dma_wait3A_488] : memref<16x2016xf32, #tpu.memory_space<vmem>> -> memref<16x1024xf32, #tpu.memory_space<vmem>>
    tpu.wait_dma2 semaphore(%arg9 : memref<!tpu.dma_semaphore, #tpu.memory_space<semaphore_mem>>) src(%dma_wait3A_489 : memref<16x1024xf32, #tpu.memory_space<vmem>>) dst(%dma_wait3A_486 : memref<16x1024xf32, #tpu.memory_space<hbm>>)
    %dma_wait3A_490 = arith.constant 0 : i32
    %dma_wait3A_491 = arith.constant 0 : i32
    %dma_wait3A_492 = arith.constant 0 : i32
    %dma_wait3A_493 = tpu.memref_slice %arg5[%dma_wait3A_491, %dma_wait3A_492] : memref<16x2016xf32, #tpu.memory_space<vmem>> -> memref<16x1024xf32, #tpu.memory_space<vmem>>
    %dma_wait3A_494 = arith.constant 0 : i32
    %dma_wait3A_495 = tpu.memref_slice %arg3[%dma_wait3A_490, %mul3A_32, %dma_wait3A_494] : memref<16x1024x1024xf32, #tpu.memory_space<hbm>> -> memref<1x16x1024xf32, #tpu.memory_space<hbm>>
    %dma_wait3A_496 = tpu.memref_squeeze %dma_wait3A_495 : memref<1x16x1024xf32, #tpu.memory_space<hbm>> -> memref<16x1024xf32, #tpu.memory_space<hbm>>
    %dma_wait3A_497 = arith.constant 0 : i32
    %dma_wait3A_498 = tpu.memref_slice %arg3[%dma_wait3A_490, %mul3A_32, %dma_wait3A_497] : memref<16x1024x1024xf32, #tpu.memory_space<hbm>> -> memref<1x16x1024xf32, #tpu.memory_space<hbm>>
    %dma_wait3A_499 = tpu.memref_squeeze %dma_wait3A_498 : memref<1x16x1024xf32, #tpu.memory_space<hbm>> -> memref<16x1024xf32, #tpu.memory_space<hbm>>
    %dma_wait3A_500 = arith.constant 0 : i32
    %dma_wait3A_501 = arith.constant 0 : i32
    %dma_wait3A_502 = tpu.memref_slice %arg5[%dma_wait3A_500, %dma_wait3A_501] : memref<16x2016xf32, #tpu.memory_space<vmem>> -> memref<16x1024xf32, #tpu.memory_space<vmem>>
    tpu.wait_dma2 semaphore(%arg9 : memref<!tpu.dma_semaphore, #tpu.memory_space<semaphore_mem>>) src(%dma_wait3A_502 : memref<16x1024xf32, #tpu.memory_space<vmem>>) dst(%dma_wait3A_499 : memref<16x1024xf32, #tpu.memory_space<hbm>>)
    %dma_wait3A_503 = arith.constant 0 : i32
    %dma_wait3A_504 = arith.constant 0 : i32
    %dma_wait3A_505 = arith.constant 0 : i32
    %dma_wait3A_506 = tpu.memref_slice %arg5[%dma_wait3A_504, %dma_wait3A_505] : memref<16x2016xf32, #tpu.memory_space<vmem>> -> memref<16x1024xf32, #tpu.memory_space<vmem>>
    %dma_wait3A_507 = arith.constant 0 : i32
    %dma_wait3A_508 = tpu.memref_slice %arg3[%dma_wait3A_503, %mul3A_32, %dma_wait3A_507] : memref<16x1024x1024xf32, #tpu.memory_space<hbm>> -> memref<1x16x1024xf32, #tpu.memory_space<hbm>>
    %dma_wait3A_509 = tpu.memref_squeeze %dma_wait3A_508 : memref<1x16x1024xf32, #tpu.memory_space<hbm>> -> memref<16x1024xf32, #tpu.memory_space<hbm>>
    %dma_wait3A_510 = arith.constant 0 : i32
    %dma_wait3A_511 = tpu.memref_slice %arg3[%dma_wait3A_503, %mul3A_32, %dma_wait3A_510] : memref<16x1024x1024xf32, #tpu.memory_space<hbm>> -> memref<1x16x1024xf32, #tpu.memory_space<hbm>>
    %dma_wait3A_512 = tpu.memref_squeeze %dma_wait3A_511 : memref<1x16x1024xf32, #tpu.memory_space<hbm>> -> memref<16x1024xf32, #tpu.memory_space<hbm>>
    %dma_wait3A_513 = arith.constant 0 : i32
    %dma_wait3A_514 = arith.constant 0 : i32
    %dma_wait3A_515 = tpu.memref_slice %arg5[%dma_wait3A_513, %dma_wait3A_514] : memref<16x2016xf32, #tpu.memory_space<vmem>> -> memref<16x1024xf32, #tpu.memory_space<vmem>>
    tpu.wait_dma2 semaphore(%arg9 : memref<!tpu.dma_semaphore, #tpu.memory_space<semaphore_mem>>) src(%dma_wait3A_515 : memref<16x1024xf32, #tpu.memory_space<vmem>>) dst(%dma_wait3A_512 : memref<16x1024xf32, #tpu.memory_space<hbm>>)
    %dma_wait3A_516 = arith.constant 0 : i32
    %dma_wait3A_517 = arith.constant 0 : i32
    %dma_wait3A_518 = arith.constant 0 : i32
    %dma_wait3A_519 = tpu.memref_slice %arg5[%dma_wait3A_517, %dma_wait3A_518] : memref<16x2016xf32, #tpu.memory_space<vmem>> -> memref<16x1024xf32, #tpu.memory_space<vmem>>
    %dma_wait3A_520 = arith.constant 0 : i32
    %dma_wait3A_521 = tpu.memref_slice %arg3[%dma_wait3A_516, %mul3A_32, %dma_wait3A_520] : memref<16x1024x1024xf32, #tpu.memory_space<hbm>> -> memref<1x16x1024xf32, #tpu.memory_space<hbm>>
    %dma_wait3A_522 = tpu.memref_squeeze %dma_wait3A_521 : memref<1x16x1024xf32, #tpu.memory_space<hbm>> -> memref<16x1024xf32, #tpu.memory_space<hbm>>
    %dma_wait3A_523 = arith.constant 0 : i32
    %dma_wait3A_524 = tpu.memref_slice %arg3[%dma_wait3A_516, %mul3A_32, %dma_wait3A_523] : memref<16x1024x1024xf32, #tpu.memory_space<hbm>> -> memref<1x16x1024xf32, #tpu.memory_space<hbm>>
    %dma_wait3A_525 = tpu.memref_squeeze %dma_wait3A_524 : memref<1x16x1024xf32, #tpu.memory_space<hbm>> -> memref<16x1024xf32, #tpu.memory_space<hbm>>
    %dma_wait3A_526 = arith.constant 0 : i32
    %dma_wait3A_527 = arith.constant 0 : i32
    %dma_wait3A_528 = tpu.memref_slice %arg5[%dma_wait3A_526, %dma_wait3A_527] : memref<16x2016xf32, #tpu.memory_space<vmem>> -> memref<16x1024xf32, #tpu.memory_space<vmem>>
    tpu.wait_dma2 semaphore(%arg9 : memref<!tpu.dma_semaphore, #tpu.memory_space<semaphore_mem>>) src(%dma_wait3A_528 : memref<16x1024xf32, #tpu.memory_space<vmem>>) dst(%dma_wait3A_525 : memref<16x1024xf32, #tpu.memory_space<hbm>>)
    return
  }
}

</mosaic_0001>

<sc_bundles>
// kernel: kernel.3.cloned.1.call-start
scs
__scs_entry_jumppad:
0x0: {  	(pc) =	sbr.rel $0x88, $3  }
0x1: {  	(tag) =	ssettag $0x0;
	lr =	simm.s32 $0x1  }
0x2: {  	[smem:$0x3FA0] =	sst lr;
	_ =	strace $0xD0000000  }
0x3: {  	_ = 	snop  }
0x4: {  	_ = 	snop  }
0x5: {  	_ = 	snop  }
0x6: {  	_ = 	snop  }
0x7: {  	_ = 	snop  }
__scs_overlays_trampoline_lowered:
0x8: {  	[smem:$0x3FAF] =	sst s0  }
0x9: {  	[smem:$0x3FB0] =	sst s1  }
0xa: {  	[smem:$0x3FB1] =	sst s2  }
0xb: {  	[smem:$0x3FB2] =	sst s3  }
0xc: {  	[smem:$0x3FB3] =	sst s4  }
0xd: {  	[smem:$0x3FB4] =	sst s5  }
0xe: {  	[smem:$0x3FB5] =	sst s6  }
0xf: {  	[smem:$0x3FB6] =	sst s7  }
0x10: {  	[smem:$0x3FB7] =	sst s8  }
0x11: {  	[smem:$0x3FB8] =	sst s9;
	s0 =	simm.s32 @!p0 $0x0  }
0x12: {  	s1 =	sld [smem:$0x3F9E];
	s0 =	simm.s32 @p0 $0x1  }
0x13: {  	[smem:$0x3FB9] =	sst s0;
	s0 =	simm.s32 @!p1 $0x0  }
0x14: {  	s2 =	sld [smem:$0x3F9D];
	s0 =	simm.s32 @p1 $0x1  }
0x15: {  	[smem:$0x3FBA] =	sst s0;
	s0 =	simm.s32 @!p2 $0x0  }
0x16: {  	s3 =	sld [smem:$0x3FDB];
	s0 =	simm.s32 @p2 $0x1  }
0x17: {  	s4 =	simm.s32 $0x1BF5;
	[smem:$0x3FBC] =	sst s0  }
0x18: {  	s0 =	sld [smem:$0x3F9F];
	_ =	swait.ge [sflag:s4], $0x0  }
0x19: {  	s7 =	sld [smem:$0x3FA0]  }
0x1a: {  	s8 =	sadd.s32 $0xFFFFE003, lr  }
0x1b: {  	s9 =	sadd.s32 $0xFFFFFEF7, lr;
	s5 =	simm.s32 $0xFFFFFFFF;
	p2 =	slt.u32 s8, $0xFFFFF086  }
0x1c: {  	p1 =	slt.u32 s9, $0xF7A;
	s5 =	simm.s32 @!p2 $0x0  }
0x1d: {  	s5 =	simm.s32 @p1 $0x1;
	p0 =	seq.s32 s7, s2  }
0x1e: {  	s7 =	smul.u32 @!p0 $0xF7A, s2;
	p2 =	seq.s32 @!p0 s5, $0x0  }
0x1f: {  	s9 =	smul.u32 $0xF7A, s1;
	s8 =	simm.s32 @!p0 $0x1BF5;
	p2 =	por !p2, p0  }
0x20: {  	[sflag:s8] =	ssyncset.s32 @!p0 $0xFFFFF086;
	s6 =	sadd.s32 @!p0 s3, s7;
	s7 =	simm.s32 @!p0 $0x108  }
0x21: {  	s3 =	sadd.s32 s3, s9;
	s6 =	sadd.s32 @!p0 $0x88, s6;
	s7 =	simm.s32 @p2 $0x1082  }
0x22: {  	[simem:s7], [sflag:s8] =	dma.local @!p0 [hbm:s6], $0xF7A  }
0x23: {  	s9 =	sor.u32 $0xD0000000, s2;
	s6 =	simm.s32 $0x108;
	_ =	swait.ge @!p0 [sflag:s8], $0x0  }
0x24: {  	s3 =	sadd.s32 $0x88, s3;
	s6 =	simm.s32 @!p1 $0x1082;
	[sflag:s4] =	ssyncset.s32 $0xFFFFF086  }
0x25: {  	[simem:s6], [sflag:s4] =	dma.local [hbm:s3], $0xF7A  }
0x26: {  	[smem:$0x3FA0] =	sst s1;
	(tag) =	ssettag s2;
	_ =	strace s9  }
0x27: {  	s1 =	sld [smem:$0x3FB0]  }
0x28: {  	s2 =	sld [smem:$0x3FB1]  }
0x29: {  	s4 =	sld [smem:$0x3FB3]  }
0x2a: {  	p0 =	seq.s32 s5, $0x0;
	s5 =	sld [smem:$0x3FB4]  }
0x2b: {  	s6 =	sld [smem:$0x3FB5]  }
0x2c: {  	s7 =	sld [smem:$0x3FB6]  }
0x2d: {  	s3 =	simm.s32 $0x108;
	s8 =	sld [smem:$0x3FB7]  }
0x2e: {  	s3 =	simm.s32 @!p0 $0x1082;
	s9 =	sld [smem:$0x3FB8]  }
0x2f: {  	lr =	sadd.s32 s0, s3;
	s0 =	sld [smem:$0x3FAF]  }
0x30: {  	s3 =	sld [smem:$0x3FB2]  }
0x31: {  	[smem:$0x3FBB] =	sst s10  }
0x32: {  	s10 =	sld [smem:$0x3FB9];
	_ =	sdelay $0x3  }
0x33: {  	p0 =	seq.s32 s10, $0x1;
	s10 =	sld [smem:$0x3FBB];
	_ =	sdelay $0x3  }
0x34: {  	[smem:$0x3FBB] =	sst s10  }
0x35: {  	s10 =	sld [smem:$0x3FBA];
	_ =	sdelay $0x3  }
0x36: {  	p1 =	seq.s32 s10, $0x1;
	s10 =	sld [smem:$0x3FBB];
	_ =	sdelay $0x3  }
0x37: {  	[smem:$0x3FBB] =	sst s10  }
0x38: {  	s10 =	sld [smem:$0x3FBC]  }
0x39: {  	_ = 	snop;
	(pc) =	sbr.ind lr, $3  }
0x3a: {  	_ = 	snop  }
0x3b: {  	_ = 	snop  }
0x3c: {  	p2 =	seq.s32 s10, $0x1;
	s10 =	sld [smem:$0x3FBB]  }
0x3d: {  	_ =	shalt  }
0x3e: {  	_ =	shalt  }
0x3f: {  	_ =	shalt  }
0x40: {  	_ =	shalt  }
0x41: {  	_ =	shalt  }
0x42: {  	_ =	shalt  }
0x43: {  	_ =	shalt  }
0x44: {  	_ =	shalt  }
0x45: {  	_ =	shalt  }
0x46: {  	_ =	shalt  }
0x47: {  	_ =	shalt  }
0x48: {  	_ =	shalt  }
0x49: {  	_ =	shalt  }
0x4a: {  	_ =	shalt  }
0x4b: {  	_ =	shalt  }
0x4c: {  	_ =	shalt  }
0x4d: {  	_ =	shalt  }
0x4e: {  	_ =	shalt  }
0x4f: {  	_ =	shalt  }
0x50: {  	_ =	shalt  }
0x51: {  	_ =	shalt  }
0x52: {  	_ =	shalt  }
0x53: {  	_ =	shalt  }
0x54: {  	_ =	shalt  }
0x55: {  	_ =	shalt  }
0x56: {  	_ =	shalt  }
0x57: {  	_ =	shalt  }
0x58: {  	_ =	shalt  }
0x59: {  	_ =	shalt  }
0x5a: {  	_ =	shalt  }
0x5b: {  	_ =	shalt  }
0x5c: {  	_ =	shalt  }
0x5d: {  	_ =	shalt  }
0x5e: {  	_ =	shalt  }
0x5f: {  	_ =	shalt  }
0x60: {  	_ =	shalt  }
0x61: {  	_ =	shalt  }
0x62: {  	_ =	shalt  }
0x63: {  	_ =	shalt  }
0x64: {  	_ =	shalt  }
0x65: {  	_ =	shalt  }
0x66: {  	_ =	shalt  }
0x67: {  	_ =	shalt  }
0x68: {  	_ =	shalt  }
0x69: {  	_ =	shalt  }
0x6a: {  	_ =	shalt  }
0x6b: {  	_ =	shalt  }
0x6c: {  	_ =	shalt  }
0x6d: {  	_ =	shalt  }
0x6e: {  	_ =	shalt  }
0x6f: {  	_ =	shalt  }
0x70: {  	_ =	shalt  }
0x71: {  	_ =	shalt  }
0x72: {  	_ =	shalt  }
0x73: {  	_ =	shalt  }
0x74: {  	_ =	shalt  }
0x75: {  	_ =	shalt  }
0x76: {  	_ =	shalt  }
0x77: {  	_ =	shalt  }
0x78: {  	_ =	shalt  }
0x79: {  	_ =	shalt  }
0x7a: {  	_ =	shalt  }
0x7b: {  	_ =	shalt  }
0x7c: {  	_ =	shalt  }
0x7d: {  	_ =	shalt  }
0x7e: {  	_ =	shalt  }
0x7f: {  	_ =	shalt  }
0x80: {  	_ =	shalt  }
0x81: {  	_ =	shalt  }
0x82: {  	_ =	shalt  }
0x83: {  	_ =	shalt  }
0x84: {  	_ =	shalt  }
0x85: {  	_ =	shalt  }
0x86: {  	_ =	shalt  }
0x87: {  	_ =	shalt  }
.Lfunc_end0:
.L_simem_size_0:
called_computation_lowered:
.L_overlay_start_0:
0x88: {  	s2 =	sld [smem:$0x3FD9]  }
0x89: {  	s3 =	sld [smem:$0x3FFE];
	_ =	sdelay $0x1  }
0x8a: {  	s1 =	srdreg.scid  }
0x8b: {  	s0 =	sand.u32 $0x1, s1  }
0x8c: {  	s17 =	sshll.u32 s0, $0xA;
	s2 =	sadd.s32 s3, s2  }
0x8d: {  	s2 =	sadd.s32 s2, s17  }
0x8e: {  	[smem:$0x3FC7] =	sst s2  }
0x8f: {  	_ = 	snop  }
0x90: {  	s2 =	sld [smem:$0x3FD0];
	(tm) =	ssettm $0x1  }
0x91: {  	s18 =	sld [smem:$0x3FFB];
	_ =	sdelay $0x3  }
0x92: {  	_ =	strace s18  }
0x93: {  	s3 =	sld [smem:$0x3FFC];
	_ =	sdelay $0x3  }
0x94: {  	_ =	strace s3  }
0x95: {  	s3 =	sld [smem:$0x3FFD];
	_ =	sdelay $0x3  }
0x96: {  	_ =	strace s3  }
0x97: {  	_ =	strace $0x8FFFFFFF  }
0x98: {  	s19 =	sld [smem:$0x3FDB];
	_ =	sdelay $0x1  }
0x99: {  	s4 =	simm.s32 $_scs_section_size  }
0x9a: {  	s5 =	simm.s32 $_size__tile_overlayer_lowered;
	s6 =	simm.s32 $_tile_overlayer_lowered  }
0x9b: {  	s22 =	simm.s32 $0x1BFF;
	s21 =	sshll.u32 s6, $0x1;
	s3 =	sadd.s32 s4, s19  }
0x9c: {  	s7 =	simm.s32 $0x0;
	s20 =	sshll.u32 s5, $0x1;
	s5 =	sadd.s32 s21, s3  }
0x9d: {  	[timem:s7], [sflag:s22] =	dma.local [hbm:s5], s20  }
0x9e: {  	_ =	swait.ge [sflag:s22], s20  }
0x9f: {  	s4 =	ssub.s32 $0x0, s20;
	[sflag:s22] =	ssyncset.done $0x0  }
0xa0: {  	[sflag:s22] =	ssyncadd.s32 s4;
	_ =	sdelay $0x1  }
0xa1: {  	s23 =	simm.s32 $0x1B8B  }
0xa2: {  	_ =	swait.ge [sflag:s23], $0x1  }
0xa3: {  	[sflag:s23] =	ssyncset.done $0x0  }
0xa4: {  	s25 =	simm.s32 $0x1B8E;
	s24 =	sld [smem:$0x3FFE];
	[sflag:s23] =	ssyncadd.s32 $0xFFFFFFFF  }
0xa5: {  	s26 =	simm.s32 $execute0_lowered;
	[smem:$0x3FD2] =	sst s25  }
0xa6: {  	s5 =	sshll.u32 s26, $0x1;
	_ =	strace $0x80000046;
	[dreg:$0x1] =	wrdreg $0xFFFFFFFF  }
0xa7: {  	s28 =	simm.s32 $_size_execute0_lowered;
	s3 =	sadd.s32 s3, s5;
	[dreg:$0x0] =	wrdreg $0x0  }
0xa8: {  	s5 =	sshll.u32 s28, $0x1;
	[dreg:$0x2] =	wrdreg s3  }
0xa9: {  	[dreg:$0x3] =	wrdreg s5  }
0xaa: {  	[dreg:$0x4] =	wrdreg $0xC0  }
0xab: {  	_ =	task [dreg:s7], $0x5FFFF  }
0xac: {  	[dreg:$0x1] =	wrdreg $0xFFFFFFFF  }
0xad: {  	[dreg:$0x0] =	wrdreg $0x60  }
0xae: {  	[dreg:$0x2] =	wrdreg s24  }
0xaf: {  	[dreg:$0x3] =	wrdreg s2  }
0xb0: {  	[dreg:$0x4] =	wrdreg $0x9  }
0xb1: {  	_ =	task.clear_ibuf [dreg:s7], $0x5FFFF;
	_ =	strace $0x90000046  }
0xb2: {  	s29 =	simm.s32 $0x9;
	_ =	strace $0x80000048  }
0xb3: {  	_ =	swait.ge [sflag:s29], $0x1  }
0xb4: {  	[sflag:s29] =	ssyncadd.s32 $0xFFFFFFFF  }
0xb5: {  	_ =	strace $0x90000048  }
0xb6: {  	_ =	sfence  }
0xb7: {  	s30 =	sld [smem:$0x0];
	_ =	sdelay $0x2  }
0xb8: {  	s31 =	sshll.u32 s1, $0xD;
	s1 =	sshrl.u32 s1, $0x2  }
0xb9: {  	s3 =	sand.u32 $0x4000, s31;
	s1 =	sadd.s32 s1, s30  }
0xba: {  	s0 =	sor.u32 s3, s0;
	s1 =	sshll.u32 s1, $0x11  }
0xbb: {  	s0 =	sor.u32 s1, s0  }
0xbc: {  	s0 =	sadd.s32 $0x8F2B, s0  }
0xbd: {  	[sflag:s0] =	ssyncadd.remote.s32 $0x1  }
0xbe: {  	_ =	sfence.sel $0xFFFF  }
0xbf: {  	[dreg:$0x0] =	wrdreg $0xFFFFFFFF;
	(pc) =	sbr.abs _section_cstart, $3  }
0xc0: {  	[dreg:$0x1] =	wrdreg $0xFFFFFFFF  }
0xc1: {  	_ =	task.clear_ibuf [dreg:s7], $0x2FFFF;
	_ =	strace $0x9FFFFFFF  }
0xc2: {  	(tm) =	ssettm $0x7FFFFFFF  }
0xc3: {  	_ =	shalt  }
tec
execute0_lowered:
.L_overlay_start_1:
0x0: {  	(tag) =	ssettag $0x1  }
0x1: {  	s0 =	srdreg.scid  }
0x2: {  	s5 =	stileid.u32;
	s1 =	rddreg [dreg:$0x0]  }
0x3: {  	s11 =	rddreg [dreg:$0x1];
	s3 =	simm.s32 $0x0;
	s0 =	sand.u32 $0x1, s0  }
0x4: {  	[smem:$0x7FF] =	sst s3;
	s2 =	sor.u32 s0, s5  }
0x5: {  	s4 =	sadd.s32 $0x400, s1;
	p1 =	seq.s32 s0, $0x1;
	p0 =	seq.s32 s2, $0x0  }
0x6: {  	s28 =	sadd.s32 $0x7F0, s1;
	s1 =	sadd.s32 $0x13C0, s1;
	p0 =	por !p0, !p1  }
0x7: {  	_ =	strace $0x80000047;
	s2 =	simm.s32 $0x1;
	p0 =	por !p0, !p0  }
0x8: {  	[dreg:$0xb] =	wrdreg s4;
	s24 =	ssub.s32 $0x2, s0;
	s2 =	simm.s32 @!p0 $0x0  }
0x9: {  	s7 =	sshll.u32 s0, $0xE;
	s25 =	sshrl.u32 s24, $0x1;
	s2 =	ssub.s32 s5, s2  }
0xa: {  	[dreg:$0xc] =	wrdreg s28;
	s4 =	ssub.s32 s24, s25;
	s6 =	sshll.u32 s2, $0x14  }
0xb: {  	[dreg:$0xd] =	wrdreg s1;
	s30 =	smax.u32 s4, $0x1;
	s26 =	sor.u32 s7, s6  }
0xc: {  	[dreg:$0xf] =	wrdreg s30;
	s29 =	sshrl.u32 s26, $0x3;
	s31 =	sor.u32 $0x8000, s26  }
0xd: {  	v0 =	vlaneseq.u32;
	s0 =	sshll.u32 s0, $0x8;
	s1 =	sadd.s32 s11, s29;
	[dreg:$0x10] =	wrdreg s31  }
0xe: {  	v0 =	vmul.u32 $0xFFFFFFF0, v0;
	s12 =	sadd.s32 s0, s2;
	s2 =	simm.s32 $0x0;
	[dreg:$0xe] =	wrdreg s1  }
.LBB2_1:
0xf: {  	s0 =	rddreg [dreg:$0xb]  }
0x10: {  	[tilespmem:s3], [sflag:$0x1] =	stream.linear.gather [hbm4b:s0+s3], $0x1F80, $0x38;
	[tilespmem:$0x17610] =	vst v63  }
0x11: {  	s20 =	rddreg [dreg:$0xc];
	s1 =	simm.s32 $0x1F80  }
0x12: {  	[tilespmem:s1], [sflag:$0x2] =	stream.linear.gather [hbm4b:s20+s3], $0x5E80, $0x38;
	[tilespmem:$0x17610] =	vst v63  }
0x13: {  	s1 =	sadd.s32 $0x0, s12  }
0x14: {  	[dreg:$0x11] =	wrdreg s2;
	s21 =	sadd.s32 $0x1F0, s1  }
0x15: {  	s22 =	rddreg [dreg:$0xd];
	s23 =	simm.s32 $0x7E00;
	s24 =	simm.s32 $0x1;
	v1 =	vadd.s32 s21, v0  }
0x16: {  	[tilespmem:s23], [sflag:$0x3] =	stream.linear.gather [hbm4b:s22+s3], $0x7A10, $0x38;
	[tilespmem:$0x17610] =	vst v63  }
0x17: {  	_ =	swait.ge [sflag:s24], $0x1F80  }
0x18: {  	[sflag:s24] =	ssyncset.done $0x0  }
0x19: {  	[sflag:s24] =	ssyncadd.s32 $0xFFFFE080  }
0x1a: {  	s25 =	sadd.s32 $0xF0, s1;
	v1 =	vld.idx.msk [tilespmem:v1+s3+$0x0], $0xffff  }
0x1b: {  	v2 =	vadd.s32 s25, v0;
	_ =	sdelay $0x2  }
0x1c: {  	s13 =	simm.s32 $0x17600  }
0x1d: {  	[tilespmem:s13+$0xFFFF89D0] =	vst v1  }
0x1e: {  	s26 =	sadd.s32 $0x200, s1;
	v1 =	vld.idx.msk [tilespmem:v2+s3+$0x0], $0xffff  }
0x1f: {  	v2 =	vadd.s32 s26, v0;
	_ =	sdelay $0x3  }
0x20: {  	[tilespmem:s13+$0xFFFF89E0] =	vst v1  }
0x21: {  	s28 =	sadd.s32 $0x100, s1;
	v1 =	vld.idx.msk [tilespmem:v2+s3+$0x0], $0xffff  }
0x22: {  	v2 =	vadd.s32 s28, v0;
	_ =	sdelay $0x3  }
0x23: {  	[tilespmem:s13+$0xFFFF91B0] =	vst v1  }
0x24: {  	s29 =	sadd.s32 $0x210, s1;
	v1 =	vld.idx.msk [tilespmem:v2+s3+$0x0], $0xffff  }
0x25: {  	v2 =	vadd.s32 s29, v0;
	_ =	sdelay $0x3  }
0x26: {  	[tilespmem:s13+$0xFFFF91C0] =	vst v1  }
0x27: {  	s30 =	sadd.s32 $0x110, s1;
	v1 =	vld.idx.msk [tilespmem:v2+s3+$0x0], $0xffff  }
0x28: {  	v2 =	vadd.s32 s30, v0;
	_ =	sdelay $0x3  }
0x29: {  	[tilespmem:s13+$0xFFFF9990] =	vst v1  }
0x2a: {  	s31 =	sadd.s32 $0x220, s1;
	v1 =	vld.idx.msk [tilespmem:v2+s3+$0x0], $0xffff  }
0x2b: {  	v2 =	vadd.s32 s31, v0;
	_ =	sdelay $0x3  }
0x2c: {  	[tilespmem:s13+$0xFFFF99A0] =	vst v1  }
0x2d: {  	s2 =	sadd.s32 $0x120, s1;
	v1 =	vld.idx.msk [tilespmem:v2+s3+$0x0], $0xffff  }
0x2e: {  	v2 =	vadd.s32 s2, v0;
	_ =	sdelay $0x3  }
0x2f: {  	[tilespmem:s13+$0xFFFFA170] =	vst v1  }
0x30: {  	s4 =	sadd.s32 $0x230, s1;
	v1 =	vld.idx.msk [tilespmem:v2+s3+$0x0], $0xffff  }
0x31: {  	v2 =	vadd.s32 s4, v0;
	_ =	sdelay $0x3  }
0x32: {  	[tilespmem:s13+$0xFFFFA180] =	vst v1  }
0x33: {  	s5 =	sadd.s32 $0x130, s1;
	v1 =	vld.idx.msk [tilespmem:v2+s3+$0x0], $0xffff  }
0x34: {  	v2 =	vadd.s32 s5, v0;
	_ =	sdelay $0x3  }
0x35: {  	[tilespmem:s13+$0xFFFFA950] =	vst v1  }
0x36: {  	s6 =	sadd.s32 $0x240, s1;
	v1 =	vld.idx.msk [tilespmem:v2+s3+$0x0], $0xffff  }
0x37: {  	v2 =	vadd.s32 s6, v0;
	_ =	sdelay $0x3  }
0x38: {  	[tilespmem:s13+$0xFFFFA960] =	vst v1  }
0x39: {  	s7 =	sadd.s32 $0x140, s1;
	v1 =	vld.idx.msk [tilespmem:v2+s3+$0x0], $0xffff  }
0x3a: {  	v2 =	vadd.s32 s7, v0;
	_ =	sdelay $0x3  }
0x3b: {  	[tilespmem:s13+$0xFFFFB130] =	vst v1  }
0x3c: {  	s8 =	sadd.s32 $0x250, s1;
	v1 =	vld.idx.msk [tilespmem:v2+s3+$0x0], $0xffff  }
0x3d: {  	v2 =	vadd.s32 s8, v0;
	_ =	sdelay $0x3  }
0x3e: {  	[tilespmem:s13+$0xFFFFB140] =	vst v1  }
0x3f: {  	s9 =	sadd.s32 $0x150, s1;
	v1 =	vld.idx.msk [tilespmem:v2+s3+$0x0], $0xffff  }
0x40: {  	v2 =	vadd.s32 s9, v0;
	_ =	sdelay $0x3  }
0x41: {  	[tilespmem:s13+$0xFFFFB910] =	vst v1  }
0x42: {  	s10 =	sadd.s32 $0x260, s1;
	v1 =	vld.idx.msk [tilespmem:v2+s3+$0x0], $0xffff  }
0x43: {  	v2 =	vadd.s32 s10, v0;
	_ =	sdelay $0x3  }
0x44: {  	[tilespmem:s13+$0xFFFFB920] =	vst v1  }
0x45: {  	s14 =	sadd.s32 $0x160, s1;
	v1 =	vld.idx.msk [tilespmem:v2+s3+$0x0], $0xffff  }
0x46: {  	v2 =	vadd.s32 s14, v0;
	_ =	sdelay $0x3  }
0x47: {  	[tilespmem:s13+$0xFFFFC0F0] =	vst v1  }
0x48: {  	s15 =	sadd.s32 $0x270, s1;
	v1 =	vld.idx.msk [tilespmem:v2+s3+$0x0], $0xffff  }
0x49: {  	v2 =	vadd.s32 s15, v0;
	_ =	sdelay $0x3  }
0x4a: {  	[tilespmem:s13+$0xFFFFC100] =	vst v1  }
0x4b: {  	s16 =	sadd.s32 $0x170, s1;
	v1 =	vld.idx.msk [tilespmem:v2+s3+$0x0], $0xffff  }
0x4c: {  	v2 =	vadd.s32 s16, v0;
	_ =	sdelay $0x3  }
0x4d: {  	[tilespmem:s13+$0xFFFFC8D0] =	vst v1  }
0x4e: {  	s17 =	sadd.s32 $0x280, s1;
	v1 =	vld.idx.msk [tilespmem:v2+s3+$0x0], $0xffff  }
0x4f: {  	v2 =	vadd.s32 s17, v0;
	_ =	sdelay $0x3  }
0x50: {  	[tilespmem:s13+$0xFFFFC8E0] =	vst v1  }
0x51: {  	s18 =	sadd.s32 $0x180, s1;
	v1 =	vld.idx.msk [tilespmem:v2+s3+$0x0], $0xffff  }
0x52: {  	v2 =	vadd.s32 s18, v0;
	_ =	sdelay $0x3  }
0x53: {  	[tilespmem:s13+$0xFFFFD0B0] =	vst v1  }
0x54: {  	s19 =	sadd.s32 $0x290, s1;
	v1 =	vld.idx.msk [tilespmem:v2+s3+$0x0], $0xffff  }
0x55: {  	v2 =	vadd.s32 s19, v0;
	_ =	sdelay $0x3  }
0x56: {  	[tilespmem:s13+$0xFFFFD0C0] =	vst v1  }
0x57: {  	s20 =	sadd.s32 $0x190, s1;
	v1 =	vld.idx.msk [tilespmem:v2+s3+$0x0], $0xffff  }
0x58: {  	v2 =	vadd.s32 s20, v0;
	_ =	sdelay $0x3  }
0x59: {  	[tilespmem:s13+$0xFFFFD890] =	vst v1  }
0x5a: {  	s21 =	sadd.s32 $0x2A0, s1;
	v1 =	vld.idx.msk [tilespmem:v2+s3+$0x0], $0xffff  }
0x5b: {  	v2 =	vadd.s32 s21, v0;
	_ =	sdelay $0x3  }
0x5c: {  	[tilespmem:s13+$0xFFFFD8A0] =	vst v1  }
0x5d: {  	s22 =	sadd.s32 $0x1A0, s1;
	v1 =	vld.idx.msk [tilespmem:v2+s3+$0x0], $0xffff  }
0x5e: {  	v2 =	vadd.s32 s22, v0;
	_ =	sdelay $0x3  }
0x5f: {  	[tilespmem:s13+$0xFFFFE070] =	vst v1  }
0x60: {  	s23 =	sadd.s32 $0x2B0, s1;
	v1 =	vld.idx.msk [tilespmem:v2+s3+$0x0], $0xffff  }
0x61: {  	v2 =	vadd.s32 s23, v0;
	_ =	sdelay $0x3  }
0x62: {  	[tilespmem:s13+$0xFFFFE080] =	vst v1  }
0x63: {  	s24 =	sadd.s32 $0x1B0, s1;
	v1 =	vld.idx.msk [tilespmem:v2+s3+$0x0], $0xffff  }
0x64: {  	v2 =	vadd.s32 s24, v0;
	_ =	sdelay $0x3  }
0x65: {  	[tilespmem:s13+$0xFFFFE850] =	vst v1  }
0x66: {  	s25 =	sadd.s32 $0x2C0, s1;
	v1 =	vld.idx.msk [tilespmem:v2+s3+$0x0], $0xffff  }
0x67: {  	v2 =	vadd.s32 s25, v0;
	_ =	sdelay $0x3  }
0x68: {  	[tilespmem:s13+$0xFFFFE860] =	vst v1  }
0x69: {  	s26 =	sadd.s32 $0x1C0, s1;
	v1 =	vld.idx.msk [tilespmem:v2+s3+$0x0], $0xffff  }
0x6a: {  	v2 =	vadd.s32 s26, v0;
	_ =	sdelay $0x3  }
0x6b: {  	[tilespmem:s13+$0xFFFFF030] =	vst v1  }
0x6c: {  	s28 =	sadd.s32 $0x2D0, s1;
	v1 =	vld.idx.msk [tilespmem:v2+s3+$0x0], $0xffff  }
0x6d: {  	v2 =	vadd.s32 s28, v0;
	_ =	sdelay $0x3  }
0x6e: {  	[tilespmem:s13+$0xFFFFF040] =	vst v1  }
0x6f: {  	s29 =	sadd.s32 $0x1D0, s1;
	v1 =	vld.idx.msk [tilespmem:v2+s3+$0x0], $0xffff  }
0x70: {  	v2 =	vadd.s32 s29, v0;
	_ =	sdelay $0x3  }
0x71: {  	[tilespmem:s13+$0xFFFFF810] =	vst v1  }
0x72: {  	s30 =	sadd.s32 $0x2E0, s1;
	v1 =	vld.idx.msk [tilespmem:v2+s3+$0x0], $0xffff  }
0x73: {  	v2 =	vadd.s32 s30, v0;
	_ =	sdelay $0x3  }
0x74: {  	[tilespmem:s13+$0xFFFFF820] =	vst v1  }
0x75: {  	s31 =	sadd.s32 $0x1E0, s1;
	v1 =	vld.idx.msk [tilespmem:v2+s3+$0x0], $0xffff  }
0x76: {  	v2 =	vadd.s32 s31, v0;
	_ =	sdelay $0x3  }
0x77: {  	[tilespmem:s13+$0xFFFFFFF0] =	vst v1  }
0x78: {  	s15 =	sadd.s32 $0x3F0, s12;
	s16 =	simm.s32 $0x7E0;
	v1 =	vld.idx.msk [tilespmem:v2+s3+$0x0], $0xffff  }
.LBB2_2:
0x79: {  	p0 =	sne.s32 s16, $0x1B90;
	s0 =	sadd.s32 $0x1F0, s15  }
0x7a: {  	v2 =	vadd.s32 s0, v0;
	_ =	sdelay $0x3  }
0x7b: {  	[tilespmem:s13+$0x0] =	vst v1  }
0x7c: {  	v1 =	vld.idx.msk [tilespmem:v2+s3+$0x0], $0xffff  }
0x7d: {  	s0 =	sadd.s32 $0xF0, s15  }
0x7e: {  	v2 =	vadd.s32 s0, v0;
	_ =	sdelay $0x2  }
0x7f: {  	s13 =	sadd.s32 $0xFFFFFFE0, s13  }
0x80: {  	[tilespmem:s13+$0xFFFF89D0] =	vst v1  }
0x81: {  	v1 =	vld.idx.msk [tilespmem:v2+s3+$0x0], $0xffff  }
0x82: {  	s0 =	sadd.s32 $0x200, s15  }
0x83: {  	v2 =	vadd.s32 s0, v0;
	_ =	sdelay $0x3  }
0x84: {  	[tilespmem:s13+$0xFFFF89E0] =	vst v1  }
0x85: {  	v1 =	vld.idx.msk [tilespmem:v2+s3+$0x0], $0xffff  }
0x86: {  	s0 =	sadd.s32 $0x100, s15  }
0x87: {  	v2 =	vadd.s32 s0, v0;
	_ =	sdelay $0x3  }
0x88: {  	[tilespmem:s13+$0xFFFF91B0] =	vst v1  }
0x89: {  	v1 =	vld.idx.msk [tilespmem:v2+s3+$0x0], $0xffff  }
0x8a: {  	s0 =	sadd.s32 $0x210, s15  }
0x8b: {  	v2 =	vadd.s32 s0, v0;
	_ =	sdelay $0x3  }
0x8c: {  	[tilespmem:s13+$0xFFFF91C0] =	vst v1  }
0x8d: {  	v1 =	vld.idx.msk [tilespmem:v2+s3+$0x0], $0xffff  }
0x8e: {  	s0 =	sadd.s32 $0x110, s15  }
0x8f: {  	v2 =	vadd.s32 s0, v0;
	_ =	sdelay $0x3  }
0x90: {  	[tilespmem:s13+$0xFFFF9990] =	vst v1  }
0x91: {  	v1 =	vld.idx.msk [tilespmem:v2+s3+$0x0], $0xffff  }
0x92: {  	s0 =	sadd.s32 $0x220, s15  }
0x93: {  	v2 =	vadd.s32 s0, v0;
	_ =	sdelay $0x3  }
0x94: {  	[tilespmem:s13+$0xFFFF99A0] =	vst v1  }
0x95: {  	v1 =	vld.idx.msk [tilespmem:v2+s3+$0x0], $0xffff  }
0x96: {  	s0 =	sadd.s32 $0x120, s15  }
0x97: {  	v2 =	vadd.s32 s0, v0;
	_ =	sdelay $0x3  }
0x98: {  	[tilespmem:s13+$0xFFFFA170] =	vst v1  }
0x99: {  	v1 =	vld.idx.msk [tilespmem:v2+s3+$0x0], $0xffff  }
0x9a: {  	s0 =	sadd.s32 $0x230, s15  }
0x9b: {  	v2 =	vadd.s32 s0, v0;
	_ =	sdelay $0x3  }
0x9c: {  	[tilespmem:s13+$0xFFFFA180] =	vst v1  }
0x9d: {  	v1 =	vld.idx.msk [tilespmem:v2+s3+$0x0], $0xffff  }
0x9e: {  	s0 =	sadd.s32 $0x130, s15  }
0x9f: {  	v2 =	vadd.s32 s0, v0;
	_ =	sdelay $0x3  }
0xa0: {  	[tilespmem:s13+$0xFFFFA950] =	vst v1  }
0xa1: {  	v1 =	vld.idx.msk [tilespmem:v2+s3+$0x0], $0xffff  }
0xa2: {  	s0 =	sadd.s32 $0x240, s15  }
0xa3: {  	v2 =	vadd.s32 s0, v0;
	_ =	sdelay $0x3  }
0xa4: {  	[tilespmem:s13+$0xFFFFA960] =	vst v1  }
0xa5: {  	v1 =	vld.idx.msk [tilespmem:v2+s3+$0x0], $0xffff  }
0xa6: {  	s0 =	sadd.s32 $0x140, s15  }
0xa7: {  	v2 =	vadd.s32 s0, v0;
	_ =	sdelay $0x3  }
0xa8: {  	[tilespmem:s13+$0xFFFFB130] =	vst v1  }
0xa9: {  	v1 =	vld.idx.msk [tilespmem:v2+s3+$0x0], $0xffff  }
0xaa: {  	s0 =	sadd.s32 $0x250, s15  }
0xab: {  	v2 =	vadd.s32 s0, v0;
	_ =	sdelay $0x3  }
0xac: {  	[tilespmem:s13+$0xFFFFB140] =	vst v1  }
0xad: {  	v1 =	vld.idx.msk [tilespmem:v2+s3+$0x0], $0xffff  }
0xae: {  	s0 =	sadd.s32 $0x150, s15  }
0xaf: {  	v2 =	vadd.s32 s0, v0;
	_ =	sdelay $0x3  }
0xb0: {  	[tilespmem:s13+$0xFFFFB910] =	vst v1  }
0xb1: {  	v1 =	vld.idx.msk [tilespmem:v2+s3+$0x0], $0xffff  }
0xb2: {  	s0 =	sadd.s32 $0x260, s15  }
0xb3: {  	v2 =	vadd.s32 s0, v0;
	_ =	sdelay $0x3  }
0xb4: {  	[tilespmem:s13+$0xFFFFB920] =	vst v1  }
0xb5: {  	v1 =	vld.idx.msk [tilespmem:v2+s3+$0x0], $0xffff  }
0xb6: {  	s0 =	sadd.s32 $0x160, s15  }
0xb7: {  	v2 =	vadd.s32 s0, v0;
	_ =	sdelay $0x3  }
0xb8: {  	[tilespmem:s13+$0xFFFFC0F0] =	vst v1  }
0xb9: {  	v1 =	vld.idx.msk [tilespmem:v2+s3+$0x0], $0xffff  }
0xba: {  	s0 =	sadd.s32 $0x270, s15  }
0xbb: {  	v2 =	vadd.s32 s0, v0;
	_ =	sdelay $0x3  }
0xbc: {  	[tilespmem:s13+$0xFFFFC100] =	vst v1  }
0xbd: {  	v1 =	vld.idx.msk [tilespmem:v2+s3+$0x0], $0xffff  }
0xbe: {  	s0 =	sadd.s32 $0x170, s15  }
0xbf: {  	v2 =	vadd.s32 s0, v0;
	_ =	sdelay $0x3  }
0xc0: {  	[tilespmem:s13+$0xFFFFC8D0] =	vst v1  }
0xc1: {  	v1 =	vld.idx.msk [tilespmem:v2+s3+$0x0], $0xffff  }
0xc2: {  	s0 =	sadd.s32 $0x280, s15  }
0xc3: {  	v2 =	vadd.s32 s0, v0;
	_ =	sdelay $0x3  }
0xc4: {  	[tilespmem:s13+$0xFFFFC8E0] =	vst v1  }
0xc5: {  	v1 =	vld.idx.msk [tilespmem:v2+s3+$0x0], $0xffff  }
0xc6: {  	s0 =	sadd.s32 $0x180, s15  }
0xc7: {  	v2 =	vadd.s32 s0, v0;
	_ =	sdelay $0x3  }
0xc8: {  	[tilespmem:s13+$0xFFFFD0B0] =	vst v1  }
0xc9: {  	v1 =	vld.idx.msk [tilespmem:v2+s3+$0x0], $0xffff  }
0xca: {  	s0 =	sadd.s32 $0x290, s15  }
0xcb: {  	v2 =	vadd.s32 s0, v0;
	_ =	sdelay $0x3  }
0xcc: {  	[tilespmem:s13+$0xFFFFD0C0] =	vst v1  }
0xcd: {  	v1 =	vld.idx.msk [tilespmem:v2+s3+$0x0], $0xffff  }
0xce: {  	s0 =	sadd.s32 $0x190, s15  }
0xcf: {  	v2 =	vadd.s32 s0, v0;
	_ =	sdelay $0x3  }
0xd0: {  	[tilespmem:s13+$0xFFFFD890] =	vst v1  }
0xd1: {  	v1 =	vld.idx.msk [tilespmem:v2+s3+$0x0], $0xffff  }
0xd2: {  	s0 =	sadd.s32 $0x2A0, s15  }
0xd3: {  	v2 =	vadd.s32 s0, v0;
	_ =	sdelay $0x3  }
0xd4: {  	[tilespmem:s13+$0xFFFFD8A0] =	vst v1  }
0xd5: {  	v1 =	vld.idx.msk [tilespmem:v2+s3+$0x0], $0xffff  }
0xd6: {  	s0 =	sadd.s32 $0x1A0, s15  }
0xd7: {  	v2 =	vadd.s32 s0, v0;
	_ =	sdelay $0x3  }
0xd8: {  	[tilespmem:s13+$0xFFFFE070] =	vst v1  }
0xd9: {  	v1 =	vld.idx.msk [tilespmem:v2+s3+$0x0], $0xffff  }
0xda: {  	s0 =	sadd.s32 $0x2B0, s15  }
0xdb: {  	v2 =	vadd.s32 s0, v0;
	_ =	sdelay $0x3  }
0xdc: {  	[tilespmem:s13+$0xFFFFE080] =	vst v1  }
0xdd: {  	v1 =	vld.idx.msk [tilespmem:v2+s3+$0x0], $0xffff  }
0xde: {  	s0 =	sadd.s32 $0x1B0, s15  }
0xdf: {  	v2 =	vadd.s32 s0, v0;
	_ =	sdelay $0x3  }
0xe0: {  	[tilespmem:s13+$0xFFFFE850] =	vst v1  }
0xe1: {  	v1 =	vld.idx.msk [tilespmem:v2+s3+$0x0], $0xffff  }
0xe2: {  	s0 =	sadd.s32 $0x2C0, s15  }
0xe3: {  	v2 =	vadd.s32 s0, v0;
	_ =	sdelay $0x3  }
0xe4: {  	[tilespmem:s13+$0xFFFFE860] =	vst v1  }
0xe5: {  	v1 =	vld.idx.msk [tilespmem:v2+s3+$0x0], $0xffff  }
0xe6: {  	s0 =	sadd.s32 $0x1C0, s15  }
0xe7: {  	v2 =	vadd.s32 s0, v0;
	_ =	sdelay $0x3  }
0xe8: {  	[tilespmem:s13+$0xFFFFF030] =	vst v1  }
0xe9: {  	v1 =	vld.idx.msk [tilespmem:v2+s3+$0x0], $0xffff  }
0xea: {  	s0 =	sadd.s32 $0x2D0, s15  }
0xeb: {  	v2 =	vadd.s32 s0, v0;
	_ =	sdelay $0x3  }
0xec: {  	[tilespmem:s13+$0xFFFFF040] =	vst v1  }
0xed: {  	v1 =	vld.idx.msk [tilespmem:v2+s3+$0x0], $0xffff  }
0xee: {  	s0 =	sadd.s32 $0x1D0, s15  }
0xef: {  	v2 =	vadd.s32 s0, v0;
	_ =	sdelay $0x3  }
0xf0: {  	[tilespmem:s13+$0xFFFFF810] =	vst v1  }
0xf1: {  	v1 =	vld.idx.msk [tilespmem:v2+s3+$0x0], $0xffff  }
0xf2: {  	s0 =	sadd.s32 $0x2E0, s15  }
0xf3: {  	v2 =	vadd.s32 s0, v0;
	_ =	sdelay $0x3  }
0xf4: {  	[tilespmem:s13+$0xFFFFF820] =	vst v1  }
0xf5: {  	v1 =	vld.idx.msk [tilespmem:v2+s3+$0x0], $0xffff  }
0xf6: {  	s0 =	sadd.s32 $0x1E0, s15  }
0xf7: {  	v2 =	vadd.s32 s0, v0  }
.Ltmp0:
0xf8: {  	(pc) =	sbr.rel @p0 .LBB2_2-.Ltmp0, $3  }
0xf9: {  	_ =	sdelay $0x1  }
0xfa: {  	[tilespmem:s13+$0xFFFFFFF0] =	vst v1  }
0xfb: {  	s15 =	sadd.s32 s16, s12;
	s16 =	sadd.s32 $0x3F0, s16;
	v1 =	vld.idx.msk [tilespmem:v2+s3+$0x0], $0xffff  }
0xfc: {  	s0 =	sadd.s32 $0x1F0, s15  }
0xfd: {  	v2 =	vadd.s32 s0, v0;
	_ =	sdelay $0x3  }
0xfe: {  	[tilespmem:s13+$0x0] =	vst v1  }
0xff: {  	s17 =	sadd.s32 $0xF0, s15;
	v1 =	vld.idx.msk [tilespmem:v2+s3+$0x0], $0xffff  }
0x100: {  	v2 =	vadd.s32 s17, v0;
	_ =	sdelay $0x2  }
0x101: {  	s4 =	sadd.s32 $0xFFFFFFE0, s13  }
0x102: {  	[tilespmem:s4+$0xFFFF89D0] =	vst v1  }
0x103: {  	s18 =	sadd.s32 $0x200, s15;
	v1 =	vld.idx.msk [tilespmem:v2+s3+$0x0], $0xffff  }
0x104: {  	v2 =	vadd.s32 s18, v0;
	_ =	sdelay $0x3  }
0x105: {  	[tilespmem:s4+$0xFFFF89E0] =	vst v1  }
0x106: {  	s19 =	sadd.s32 $0x100, s15;
	v1 =	vld.idx.msk [tilespmem:v2+s3+$0x0], $0xffff  }
0x107: {  	v2 =	vadd.s32 s19, v0;
	_ =	sdelay $0x3  }
0x108: {  	[tilespmem:s4+$0xFFFF91B0] =	vst v1  }
0x109: {  	s20 =	sadd.s32 $0x210, s15;
	v1 =	vld.idx.msk [tilespmem:v2+s3+$0x0], $0xffff  }
0x10a: {  	v2 =	vadd.s32 s20, v0;
	_ =	sdelay $0x3  }
0x10b: {  	[tilespmem:s4+$0xFFFF91C0] =	vst v1  }
0x10c: {  	s21 =	sadd.s32 $0x110, s15;
	v1 =	vld.idx.msk [tilespmem:v2+s3+$0x0], $0xffff  }
0x10d: {  	v2 =	vadd.s32 s21, v0;
	_ =	sdelay $0x3  }
0x10e: {  	[tilespmem:s4+$0xFFFF9990] =	vst v1  }
0x10f: {  	s22 =	sadd.s32 $0x220, s15;
	v1 =	vld.idx.msk [tilespmem:v2+s3+$0x0], $0xffff  }
0x110: {  	v2 =	vadd.s32 s22, v0;
	_ =	sdelay $0x3  }
0x111: {  	[tilespmem:s4+$0xFFFF99A0] =	vst v1  }
0x112: {  	s23 =	sadd.s32 $0x120, s15;
	v1 =	vld.idx.msk [tilespmem:v2+s3+$0x0], $0xffff  }
0x113: {  	v2 =	vadd.s32 s23, v0;
	_ =	sdelay $0x3  }
0x114: {  	[tilespmem:s4+$0xFFFFA170] =	vst v1  }
0x115: {  	s24 =	sadd.s32 $0x230, s15;
	v1 =	vld.idx.msk [tilespmem:v2+s3+$0x0], $0xffff  }
0x116: {  	v2 =	vadd.s32 s24, v0;
	_ =	sdelay $0x3  }
0x117: {  	[tilespmem:s4+$0xFFFFA180] =	vst v1  }
0x118: {  	s25 =	sadd.s32 $0x130, s15;
	v1 =	vld.idx.msk [tilespmem:v2+s3+$0x0], $0xffff  }
0x119: {  	v2 =	vadd.s32 s25, v0;
	_ =	sdelay $0x3  }
0x11a: {  	[tilespmem:s4+$0xFFFFA950] =	vst v1  }
0x11b: {  	s26 =	sadd.s32 $0x240, s15;
	v1 =	vld.idx.msk [tilespmem:v2+s3+$0x0], $0xffff  }
0x11c: {  	v2 =	vadd.s32 s26, v0;
	_ =	sdelay $0x3  }
0x11d: {  	[tilespmem:s4+$0xFFFFA960] =	vst v1  }
0x11e: {  	s28 =	sadd.s32 $0x140, s15;
	v1 =	vld.idx.msk [tilespmem:v2+s3+$0x0], $0xffff  }
0x11f: {  	v2 =	vadd.s32 s28, v0;
	_ =	sdelay $0x3  }
0x120: {  	[tilespmem:s4+$0xFFFFB130] =	vst v1  }
0x121: {  	s29 =	sadd.s32 $0x250, s15;
	v1 =	vld.idx.msk [tilespmem:v2+s3+$0x0], $0xffff  }
0x122: {  	v2 =	vadd.s32 s29, v0;
	_ =	sdelay $0x3  }
0x123: {  	[tilespmem:s4+$0xFFFFB140] =	vst v1  }
0x124: {  	s30 =	sadd.s32 $0x150, s15;
	v1 =	vld.idx.msk [tilespmem:v2+s3+$0x0], $0xffff  }
0x125: {  	v2 =	vadd.s32 s30, v0;
	_ =	sdelay $0x3  }
0x126: {  	[tilespmem:s4+$0xFFFFB910] =	vst v1  }
0x127: {  	s31 =	sadd.s32 $0x260, s15;
	v1 =	vld.idx.msk [tilespmem:v2+s3+$0x0], $0xffff  }
0x128: {  	v2 =	vadd.s32 s31, v0;
	_ =	sdelay $0x3  }
0x129: {  	[tilespmem:s4+$0xFFFFB920] =	vst v1  }
0x12a: {  	s1 =	sadd.s32 $0x160, s15;
	v1 =	vld.idx.msk [tilespmem:v2+s3+$0x0], $0xffff  }
0x12b: {  	v2 =	vadd.s32 s1, v0;
	_ =	sdelay $0x3  }
0x12c: {  	[tilespmem:s4+$0xFFFFC0F0] =	vst v1  }
0x12d: {  	s2 =	sadd.s32 $0x270, s15;
	v1 =	vld.idx.msk [tilespmem:v2+s3+$0x0], $0xffff  }
0x12e: {  	v2 =	vadd.s32 s2, v0;
	_ =	sdelay $0x3  }
0x12f: {  	[tilespmem:s4+$0xFFFFC100] =	vst v1  }
0x130: {  	s5 =	sadd.s32 $0x170, s15;
	v1 =	vld.idx.msk [tilespmem:v2+s3+$0x0], $0xffff  }
0x131: {  	v2 =	vadd.s32 s5, v0;
	_ =	sdelay $0x3  }
0x132: {  	[tilespmem:s4+$0xFFFFC8D0] =	vst v1  }
0x133: {  	s6 =	sadd.s32 $0x280, s15;
	v1 =	vld.idx.msk [tilespmem:v2+s3+$0x0], $0xffff  }
0x134: {  	v2 =	vadd.s32 s6, v0;
	_ =	sdelay $0x3  }
0x135: {  	[tilespmem:s4+$0xFFFFC8E0] =	vst v1  }
0x136: {  	s7 =	sadd.s32 $0x180, s15;
	v1 =	vld.idx.msk [tilespmem:v2+s3+$0x0], $0xffff  }
0x137: {  	v2 =	vadd.s32 s7, v0;
	_ =	sdelay $0x3  }
0x138: {  	[tilespmem:s4+$0xFFFFD0B0] =	vst v1  }
0x139: {  	s8 =	sadd.s32 $0x290, s15;
	v1 =	vld.idx.msk [tilespmem:v2+s3+$0x0], $0xffff  }
0x13a: {  	v2 =	vadd.s32 s8, v0;
	_ =	sdelay $0x3  }
0x13b: {  	[tilespmem:s4+$0xFFFFD0C0] =	vst v1  }
0x13c: {  	s9 =	sadd.s32 $0x190, s15;
	v1 =	vld.idx.msk [tilespmem:v2+s3+$0x0], $0xffff  }
0x13d: {  	v2 =	vadd.s32 s9, v0;
	_ =	sdelay $0x3  }
0x13e: {  	[tilespmem:s4+$0xFFFFD890] =	vst v1  }
0x13f: {  	s10 =	sadd.s32 $0x2A0, s15;
	v1 =	vld.idx.msk [tilespmem:v2+s3+$0x0], $0xffff  }
0x140: {  	v2 =	vadd.s32 s10, v0;
	_ =	sdelay $0x3  }
0x141: {  	[tilespmem:s4+$0xFFFFD8A0] =	vst v1  }
0x142: {  	s13 =	sadd.s32 $0x1A0, s15;
	v1 =	vld.idx.msk [tilespmem:v2+s3+$0x0], $0xffff  }
0x143: {  	v2 =	vadd.s32 s13, v0;
	_ =	sdelay $0x3  }
0x144: {  	[tilespmem:s4+$0xFFFFE070] =	vst v1  }
0x145: {  	s14 =	sadd.s32 $0x2B0, s15;
	v1 =	vld.idx.msk [tilespmem:v2+s3+$0x0], $0xffff  }
0x146: {  	v2 =	vadd.s32 s14, v0;
	_ =	sdelay $0x3  }
0x147: {  	[tilespmem:s4+$0xFFFFE080] =	vst v1  }
0x148: {  	s16 =	sadd.s32 $0x1B0, s15;
	v1 =	vld.idx.msk [tilespmem:v2+s3+$0x0], $0xffff  }
0x149: {  	v2 =	vadd.s32 s16, v0;
	_ =	sdelay $0x3  }
0x14a: {  	[tilespmem:s4+$0xFFFFE850] =	vst v1  }
0x14b: {  	s17 =	sadd.s32 $0x2C0, s15;
	v1 =	vld.idx.msk [tilespmem:v2+s3+$0x0], $0xffff  }
0x14c: {  	v2 =	vadd.s32 s17, v0;
	_ =	sdelay $0x3  }
0x14d: {  	[tilespmem:s4+$0xFFFFE860] =	vst v1  }
0x14e: {  	s18 =	sadd.s32 $0x1C0, s15;
	v1 =	vld.idx.msk [tilespmem:v2+s3+$0x0], $0xffff  }
0x14f: {  	v2 =	vadd.s32 s18, v0;
	_ =	sdelay $0x3  }
0x150: {  	[tilespmem:s4+$0xFFFFF030] =	vst v1  }
0x151: {  	s19 =	sadd.s32 $0x2D0, s15;
	v1 =	vld.idx.msk [tilespmem:v2+s3+$0x0], $0xffff  }
0x152: {  	v2 =	vadd.s32 s19, v0;
	_ =	sdelay $0x3  }
0x153: {  	[tilespmem:s4+$0xFFFFF040] =	vst v1  }
0x154: {  	s20 =	sadd.s32 $0x1D0, s15;
	v1 =	vld.idx.msk [tilespmem:v2+s3+$0x0], $0xffff  }
0x155: {  	v2 =	vadd.s32 s20, v0;
	_ =	sdelay $0x3  }
0x156: {  	[tilespmem:s4+$0xFFFFF810] =	vst v1  }
0x157: {  	s21 =	sadd.s32 $0x2E0, s15;
	v1 =	vld.idx.msk [tilespmem:v2+s3+$0x0], $0xffff  }
0x158: {  	v2 =	vadd.s32 s21, v0;
	_ =	sdelay $0x3  }
0x159: {  	[tilespmem:s4+$0xFFFFF820] =	vst v1  }
0x15a: {  	s22 =	sadd.s32 $0x1E0, s15;
	v1 =	vld.idx.msk [tilespmem:v2+s3+$0x0], $0xffff  }
0x15b: {  	v2 =	vadd.s32 s22, v0;
	_ =	sdelay $0x3  }
0x15c: {  	[tilespmem:s4+$0xFFFFFFF0] =	vst v1  }
0x15d: {  	v1 =	vld.idx.msk [tilespmem:v2+s3+$0x0], $0xffff;
	_ =	sdelay $0x1  }
0x15e: {  	s1 =	sadd.s32 $0x0, s12  }
0x15f: {  	s23 =	sadd.s32 $0x2170, s1  }
0x160: {  	v2 =	vadd.s32 s23, v0  }
0x161: {  	s24 =	simm.s32 $0x2;
	[tilespmem:s4+$0x0] =	vst v1  }
0x162: {  	_ =	swait.ge [sflag:s24], $0x5E80  }
0x163: {  	[sflag:s24] =	ssyncset.done $0x0  }
0x164: {  	[sflag:s24] =	ssyncadd.s32 $0xFFFFA180  }
0x165: {  	s25 =	sadd.s32 $0x2070, s1;
	v1 =	vld.idx.msk [tilespmem:v2+s3+$0x0], $0xffff  }
0x166: {  	v2 =	vadd.s32 s25, v0;
	_ =	sdelay $0x2  }
0x167: {  	s13 =	simm.s32 $0x17500  }
0x168: {  	[tilespmem:s13+$0xFFFF89D0] =	vst v1  }
0x169: {  	s26 =	sadd.s32 $0x2180, s1;
	v1 =	vld.idx.msk [tilespmem:v2+s3+$0x0], $0xffff  }
0x16a: {  	v2 =	vadd.s32 s26, v0;
	_ =	sdelay $0x3  }
0x16b: {  	[tilespmem:s13+$0xFFFF89E0] =	vst v1  }
0x16c: {  	s28 =	sadd.s32 $0x2080, s1;
	v1 =	vld.idx.msk [tilespmem:v2+s3+$0x0], $0xffff  }
0x16d: {  	v2 =	vadd.s32 s28, v0;
	_ =	sdelay $0x3  }
0x16e: {  	[tilespmem:s13+$0xFFFF91B0] =	vst v1  }
0x16f: {  	s29 =	sadd.s32 $0x2190, s1;
	v1 =	vld.idx.msk [tilespmem:v2+s3+$0x0], $0xffff  }
0x170: {  	v2 =	vadd.s32 s29, v0;
	_ =	sdelay $0x3  }
0x171: {  	[tilespmem:s13+$0xFFFF91C0] =	vst v1  }
0x172: {  	s30 =	sadd.s32 $0x2090, s1;
	v1 =	vld.idx.msk [tilespmem:v2+s3+$0x0], $0xffff  }
0x173: {  	v2 =	vadd.s32 s30, v0;
	_ =	sdelay $0x3  }
0x174: {  	[tilespmem:s13+$0xFFFF9990] =	vst v1  }
0x175: {  	s31 =	sadd.s32 $0x21A0, s1;
	v1 =	vld.idx.msk [tilespmem:v2+s3+$0x0], $0xffff  }
0x176: {  	v2 =	vadd.s32 s31, v0;
	_ =	sdelay $0x3  }
0x177: {  	[tilespmem:s13+$0xFFFF99A0] =	vst v1  }
0x178: {  	s2 =	sadd.s32 $0x20A0, s1;
	v1 =	vld.idx.msk [tilespmem:v2+s3+$0x0], $0xffff  }
0x179: {  	v2 =	vadd.s32 s2, v0;
	_ =	sdelay $0x3  }
0x17a: {  	[tilespmem:s13+$0xFFFFA170] =	vst v1  }
0x17b: {  	s4 =	sadd.s32 $0x21B0, s1;
	v1 =	vld.idx.msk [tilespmem:v2+s3+$0x0], $0xffff  }
0x17c: {  	v2 =	vadd.s32 s4, v0;
	_ =	sdelay $0x3  }
0x17d: {  	[tilespmem:s13+$0xFFFFA180] =	vst v1  }
0x17e: {  	s5 =	sadd.s32 $0x20B0, s1;
	v1 =	vld.idx.msk [tilespmem:v2+s3+$0x0], $0xffff  }
0x17f: {  	v2 =	vadd.s32 s5, v0;
	_ =	sdelay $0x3  }
0x180: {  	[tilespmem:s13+$0xFFFFA950] =	vst v1  }
0x181: {  	s6 =	sadd.s32 $0x21C0, s1;
	v1 =	vld.idx.msk [tilespmem:v2+s3+$0x0], $0xffff  }
0x182: {  	v2 =	vadd.s32 s6, v0;
	_ =	sdelay $0x3  }
0x183: {  	[tilespmem:s13+$0xFFFFA960] =	vst v1  }
0x184: {  	s7 =	sadd.s32 $0x20C0, s1;
	v1 =	vld.idx.msk [tilespmem:v2+s3+$0x0], $0xffff  }
0x185: {  	v2 =	vadd.s32 s7, v0;
	_ =	sdelay $0x3  }
0x186: {  	[tilespmem:s13+$0xFFFFB130] =	vst v1  }
0x187: {  	s8 =	sadd.s32 $0x21D0, s1;
	v1 =	vld.idx.msk [tilespmem:v2+s3+$0x0], $0xffff  }
0x188: {  	v2 =	vadd.s32 s8, v0;
	_ =	sdelay $0x3  }
0x189: {  	[tilespmem:s13+$0xFFFFB140] =	vst v1  }
0x18a: {  	s9 =	sadd.s32 $0x20D0, s1;
	v1 =	vld.idx.msk [tilespmem:v2+s3+$0x0], $0xffff  }
0x18b: {  	v2 =	vadd.s32 s9, v0;
	_ =	sdelay $0x3  }
0x18c: {  	[tilespmem:s13+$0xFFFFB910] =	vst v1  }
0x18d: {  	s10 =	sadd.s32 $0x21E0, s1;
	v1 =	vld.idx.msk [tilespmem:v2+s3+$0x0], $0xffff  }
0x18e: {  	v2 =	vadd.s32 s10, v0;
	_ =	sdelay $0x3  }
0x18f: {  	[tilespmem:s13+$0xFFFFB920] =	vst v1  }
0x190: {  	s14 =	sadd.s32 $0x20E0, s1;
	v1 =	vld.idx.msk [tilespmem:v2+s3+$0x0], $0xffff  }
0x191: {  	v2 =	vadd.s32 s14, v0;
	_ =	sdelay $0x3  }
0x192: {  	[tilespmem:s13+$0xFFFFC0F0] =	vst v1  }
0x193: {  	s15 =	sadd.s32 $0x21F0, s1;
	v1 =	vld.idx.msk [tilespmem:v2+s3+$0x0], $0xffff  }
0x194: {  	v2 =	vadd.s32 s15, v0;
	_ =	sdelay $0x3  }
0x195: {  	[tilespmem:s13+$0xFFFFC100] =	vst v1  }
0x196: {  	s16 =	sadd.s32 $0x20F0, s1;
	v1 =	vld.idx.msk [tilespmem:v2+s3+$0x0], $0xffff  }
0x197: {  	v2 =	vadd.s32 s16, v0;
	_ =	sdelay $0x3  }
0x198: {  	[tilespmem:s13+$0xFFFFC8D0] =	vst v1  }
0x199: {  	s17 =	sadd.s32 $0x2200, s1;
	v1 =	vld.idx.msk [tilespmem:v2+s3+$0x0], $0xffff  }
0x19a: {  	v2 =	vadd.s32 s17, v0;
	_ =	sdelay $0x3  }
0x19b: {  	[tilespmem:s13+$0xFFFFC8E0] =	vst v1  }
0x19c: {  	s18 =	sadd.s32 $0x2100, s1;
	v1 =	vld.idx.msk [tilespmem:v2+s3+$0x0], $0xffff  }
0x19d: {  	v2 =	vadd.s32 s18, v0;
	_ =	sdelay $0x3  }
0x19e: {  	[tilespmem:s13+$0xFFFFD0B0] =	vst v1  }
0x19f: {  	s19 =	sadd.s32 $0x2210, s1;
	v1 =	vld.idx.msk [tilespmem:v2+s3+$0x0], $0xffff  }
0x1a0: {  	v2 =	vadd.s32 s19, v0;
	_ =	sdelay $0x3  }
0x1a1: {  	[tilespmem:s13+$0xFFFFD0C0] =	vst v1  }
0x1a2: {  	s20 =	sadd.s32 $0x2110, s1;
	v1 =	vld.idx.msk [tilespmem:v2+s3+$0x0], $0xffff  }
0x1a3: {  	v2 =	vadd.s32 s20, v0;
	_ =	sdelay $0x3  }
0x1a4: {  	[tilespmem:s13+$0xFFFFD890] =	vst v1  }
0x1a5: {  	s21 =	sadd.s32 $0x2220, s1;
	v1 =	vld.idx.msk [tilespmem:v2+s3+$0x0], $0xffff  }
0x1a6: {  	v2 =	vadd.s32 s21, v0;
	_ =	sdelay $0x3  }
0x1a7: {  	[tilespmem:s13+$0xFFFFD8A0] =	vst v1  }
0x1a8: {  	s22 =	sadd.s32 $0x2120, s1;
	v1 =	vld.idx.msk [tilespmem:v2+s3+$0x0], $0xffff  }
0x1a9: {  	v2 =	vadd.s32 s22, v0;
	_ =	sdelay $0x3  }
0x1aa: {  	[tilespmem:s13+$0xFFFFE070] =	vst v1  }
0x1ab: {  	s23 =	sadd.s32 $0x2230, s1;
	v1 =	vld.idx.msk [tilespmem:v2+s3+$0x0], $0xffff  }
0x1ac: {  	v2 =	vadd.s32 s23, v0;
	_ =	sdelay $0x3  }
0x1ad: {  	[tilespmem:s13+$0xFFFFE080] =	vst v1  }
0x1ae: {  	s24 =	sadd.s32 $0x2130, s1;
	v1 =	vld.idx.msk [tilespmem:v2+s3+$0x0], $0xffff  }
0x1af: {  	v2 =	vadd.s32 s24, v0;
	_ =	sdelay $0x3  }
0x1b0: {  	[tilespmem:s13+$0xFFFFE850] =	vst v1  }
0x1b1: {  	s25 =	sadd.s32 $0x2240, s1;
	v1 =	vld.idx.msk [tilespmem:v2+s3+$0x0], $0xffff  }
0x1b2: {  	v2 =	vadd.s32 s25, v0;
	_ =	sdelay $0x3  }
0x1b3: {  	[tilespmem:s13+$0xFFFFE860] =	vst v1  }
0x1b4: {  	s26 =	sadd.s32 $0x2140, s1;
	v1 =	vld.idx.msk [tilespmem:v2+s3+$0x0], $0xffff  }
0x1b5: {  	v2 =	vadd.s32 s26, v0;
	_ =	sdelay $0x3  }
0x1b6: {  	[tilespmem:s13+$0xFFFFF030] =	vst v1  }
0x1b7: {  	s28 =	sadd.s32 $0x2250, s1;
	v1 =	vld.idx.msk [tilespmem:v2+s3+$0x0], $0xffff  }
0x1b8: {  	v2 =	vadd.s32 s28, v0;
	_ =	sdelay $0x3  }
0x1b9: {  	[tilespmem:s13+$0xFFFFF040] =	vst v1  }
0x1ba: {  	s29 =	sadd.s32 $0x2150, s1;
	v1 =	vld.idx.msk [tilespmem:v2+s3+$0x0], $0xffff  }
0x1bb: {  	v2 =	vadd.s32 s29, v0;
	_ =	sdelay $0x3  }
0x1bc: {  	[tilespmem:s13+$0xFFFFF810] =	vst v1  }
0x1bd: {  	s30 =	sadd.s32 $0x2260, s1;
	v1 =	vld.idx.msk [tilespmem:v2+s3+$0x0], $0xffff  }
0x1be: {  	v2 =	vadd.s32 s30, v0;
	_ =	sdelay $0x3  }
0x1bf: {  	[tilespmem:s13+$0xFFFFF820] =	vst v1  }
0x1c0: {  	s31 =	sadd.s32 $0x2160, s1;
	v1 =	vld.idx.msk [tilespmem:v2+s3+$0x0], $0xffff  }
0x1c1: {  	v2 =	vadd.s32 s31, v0;
	_ =	sdelay $0x3  }
0x1c2: {  	[tilespmem:s13+$0xFFFFFFF0] =	vst v1  }
0x1c3: {  	s15 =	sadd.s32 $0x3F0, s12;
	s16 =	simm.s32 $0x7E0;
	v1 =	vld.idx.msk [tilespmem:v2+s3+$0x0], $0xffff  }
.LBB2_4:
0x1c4: {  	p0 =	sne.s32 s16, $0x5A90;
	s0 =	sadd.s32 $0x2170, s15  }
0x1c5: {  	v2 =	vadd.s32 s0, v0;
	_ =	sdelay $0x3  }
0x1c6: {  	[tilespmem:s13+$0x0] =	vst v1  }
0x1c7: {  	v1 =	vld.idx.msk [tilespmem:v2+s3+$0x0], $0xffff  }
0x1c8: {  	s0 =	sadd.s32 $0x2070, s15  }
0x1c9: {  	v2 =	vadd.s32 s0, v0;
	_ =	sdelay $0x2  }
0x1ca: {  	s13 =	sadd.s32 $0xFFFFFFE0, s13  }
0x1cb: {  	[tilespmem:s13+$0xFFFF89D0] =	vst v1  }
0x1cc: {  	v1 =	vld.idx.msk [tilespmem:v2+s3+$0x0], $0xffff  }
0x1cd: {  	s0 =	sadd.s32 $0x2180, s15  }
0x1ce: {  	v2 =	vadd.s32 s0, v0;
	_ =	sdelay $0x3  }
0x1cf: {  	[tilespmem:s13+$0xFFFF89E0] =	vst v1  }
0x1d0: {  	v1 =	vld.idx.msk [tilespmem:v2+s3+$0x0], $0xffff  }
0x1d1: {  	s0 =	sadd.s32 $0x2080, s15  }
0x1d2: {  	v2 =	vadd.s32 s0, v0;
	_ =	sdelay $0x3  }
0x1d3: {  	[tilespmem:s13+$0xFFFF91B0] =	vst v1  }
0x1d4: {  	v1 =	vld.idx.msk [tilespmem:v2+s3+$0x0], $0xffff  }
0x1d5: {  	s0 =	sadd.s32 $0x2190, s15  }
0x1d6: {  	v2 =	vadd.s32 s0, v0;
	_ =	sdelay $0x3  }
0x1d7: {  	[tilespmem:s13+$0xFFFF91C0] =	vst v1  }
0x1d8: {  	v1 =	vld.idx.msk [tilespmem:v2+s3+$0x0], $0xffff  }
0x1d9: {  	s0 =	sadd.s32 $0x2090, s15  }
0x1da: {  	v2 =	vadd.s32 s0, v0;
	_ =	sdelay $0x3  }
0x1db: {  	[tilespmem:s13+$0xFFFF9990] =	vst v1  }
0x1dc: {  	v1 =	vld.idx.msk [tilespmem:v2+s3+$0x0], $0xffff  }
0x1dd: {  	s0 =	sadd.s32 $0x21A0, s15  }
0x1de: {  	v2 =	vadd.s32 s0, v0;
	_ =	sdelay $0x3  }
0x1df: {  	[tilespmem:s13+$0xFFFF99A0] =	vst v1  }
0x1e0: {  	v1 =	vld.idx.msk [tilespmem:v2+s3+$0x0], $0xffff  }
0x1e1: {  	s0 =	sadd.s32 $0x20A0, s15  }
0x1e2: {  	v2 =	vadd.s32 s0, v0;
	_ =	sdelay $0x3  }
0x1e3: {  	[tilespmem:s13+$0xFFFFA170] =	vst v1  }
0x1e4: {  	v1 =	vld.idx.msk [tilespmem:v2+s3+$0x0], $0xffff  }
0x1e5: {  	s0 =	sadd.s32 $0x21B0, s15  }
0x1e6: {  	v2 =	vadd.s32 s0, v0;
	_ =	sdelay $0x3  }
0x1e7: {  	[tilespmem:s13+$0xFFFFA180] =	vst v1  }
0x1e8: {  	v1 =	vld.idx.msk [tilespmem:v2+s3+$0x0], $0xffff  }
0x1e9: {  	s0 =	sadd.s32 $0x20B0, s15  }
0x1ea: {  	v2 =	vadd.s32 s0, v0;
	_ =	sdelay $0x3  }
0x1eb: {  	[tilespmem:s13+$0xFFFFA950] =	vst v1  }
0x1ec: {  	v1 =	vld.idx.msk [tilespmem:v2+s3+$0x0], $0xffff  }
0x1ed: {  	s0 =	sadd.s32 $0x21C0, s15  }
0x1ee: {  	v2 =	vadd.s32 s0, v0;
	_ =	sdelay $0x3  }
0x1ef: {  	[tilespmem:s13+$0xFFFFA960] =	vst v1  }
0x1f0: {  	v1 =	vld.idx.msk [tilespmem:v2+s3+$0x0], $0xffff  }
0x1f1: {  	s0 =	sadd.s32 $0x20C0, s15  }
0x1f2: {  	v2 =	vadd.s32 s0, v0;
	_ =	sdelay $0x3  }
0x1f3: {  	[tilespmem:s13+$0xFFFFB130] =	vst v1  }
0x1f4: {  	v1 =	vld.idx.msk [tilespmem:v2+s3+$0x0], $0xffff  }
0x1f5: {  	s0 =	sadd.s32 $0x21D0, s15  }
0x1f6: {  	v2 =	vadd.s32 s0, v0;
	_ =	sdelay $0x3  }
0x1f7: {  	[tilespmem:s13+$0xFFFFB140] =	vst v1  }
0x1f8: {  	v1 =	vld.idx.msk [tilespmem:v2+s3+$0x0], $0xffff  }
0x1f9: {  	s0 =	sadd.s32 $0x20D0, s15  }
0x1fa: {  	v2 =	vadd.s32 s0, v0;
	_ =	sdelay $0x3  }
0x1fb: {  	[tilespmem:s13+$0xFFFFB910] =	vst v1  }
0x1fc: {  	v1 =	vld.idx.msk [tilespmem:v2+s3+$0x0], $0xffff  }
0x1fd: {  	s0 =	sadd.s32 $0x21E0, s15  }
0x1fe: {  	v2 =	vadd.s32 s0, v0;
	_ =	sdelay $0x3  }
0x1ff: {  	[tilespmem:s13+$0xFFFFB920] =	vst v1  }
0x200: {  	v1 =	vld.idx.msk [tilespmem:v2+s3+$0x0], $0xffff  }
0x201: {  	s0 =	sadd.s32 $0x20E0, s15  }
0x202: {  	v2 =	vadd.s32 s0, v0;
	_ =	sdelay $0x3  }
0x203: {  	[tilespmem:s13+$0xFFFFC0F0] =	vst v1  }
0x204: {  	v1 =	vld.idx.msk [tilespmem:v2+s3+$0x0], $0xffff  }
0x205: {  	s0 =	sadd.s32 $0x21F0, s15  }
0x206: {  	v2 =	vadd.s32 s0, v0;
	_ =	sdelay $0x3  }
0x207: {  	[tilespmem:s13+$0xFFFFC100] =	vst v1  }
0x208: {  	v1 =	vld.idx.msk [tilespmem:v2+s3+$0x0], $0xffff  }
0x209: {  	s0 =	sadd.s32 $0x20F0, s15  }
0x20a: {  	v2 =	vadd.s32 s0, v0;
	_ =	sdelay $0x3  }
0x20b: {  	[tilespmem:s13+$0xFFFFC8D0] =	vst v1  }
0x20c: {  	v1 =	vld.idx.msk [tilespmem:v2+s3+$0x0], $0xffff  }
0x20d: {  	s0 =	sadd.s32 $0x2200, s15  }
0x20e: {  	v2 =	vadd.s32 s0, v0;
	_ =	sdelay $0x3  }
0x20f: {  	[tilespmem:s13+$0xFFFFC8E0] =	vst v1  }
0x210: {  	v1 =	vld.idx.msk [tilespmem:v2+s3+$0x0], $0xffff  }
0x211: {  	s0 =	sadd.s32 $0x2100, s15  }
0x212: {  	v2 =	vadd.s32 s0, v0;
	_ =	sdelay $0x3  }
0x213: {  	[tilespmem:s13+$0xFFFFD0B0] =	vst v1  }
0x214: {  	v1 =	vld.idx.msk [tilespmem:v2+s3+$0x0], $0xffff  }
0x215: {  	s0 =	sadd.s32 $0x2210, s15  }
0x216: {  	v2 =	vadd.s32 s0, v0;
	_ =	sdelay $0x3  }
0x217: {  	[tilespmem:s13+$0xFFFFD0C0] =	vst v1  }
0x218: {  	v1 =	vld.idx.msk [tilespmem:v2+s3+$0x0], $0xffff  }
0x219: {  	s0 =	sadd.s32 $0x2110, s15  }
0x21a: {  	v2 =	vadd.s32 s0, v0;
	_ =	sdelay $0x3  }
0x21b: {  	[tilespmem:s13+$0xFFFFD890] =	vst v1  }
0x21c: {  	v1 =	vld.idx.msk [tilespmem:v2+s3+$0x0], $0xffff  }
0x21d: {  	s0 =	sadd.s32 $0x2220, s15  }
0x21e: {  	v2 =	vadd.s32 s0, v0;
	_ =	sdelay $0x3  }
0x21f: {  	[tilespmem:s13+$0xFFFFD8A0] =	vst v1  }
0x220: {  	v1 =	vld.idx.msk [tilespmem:v2+s3+$0x0], $0xffff  }
0x221: {  	s0 =	sadd.s32 $0x2120, s15  }
0x222: {  	v2 =	vadd.s32 s0, v0;
	_ =	sdelay $0x3  }
0x223: {  	[tilespmem:s13+$0xFFFFE070] =	vst v1  }
0x224: {  	v1 =	vld.idx.msk [tilespmem:v2+s3+$0x0], $0xffff  }
0x225: {  	s0 =	sadd.s32 $0x2230, s15  }
0x226: {  	v2 =	vadd.s32 s0, v0;
	_ =	sdelay $0x3  }
0x227: {  	[tilespmem:s13+$0xFFFFE080] =	vst v1  }
0x228: {  	v1 =	vld.idx.msk [tilespmem:v2+s3+$0x0], $0xffff  }
0x229: {  	s0 =	sadd.s32 $0x2130, s15  }
0x22a: {  	v2 =	vadd.s32 s0, v0;
	_ =	sdelay $0x3  }
0x22b: {  	[tilespmem:s13+$0xFFFFE850] =	vst v1  }
0x22c: {  	v1 =	vld.idx.msk [tilespmem:v2+s3+$0x0], $0xffff  }
0x22d: {  	s0 =	sadd.s32 $0x2240, s15  }
0x22e: {  	v2 =	vadd.s32 s0, v0;
	_ =	sdelay $0x3  }
0x22f: {  	[tilespmem:s13+$0xFFFFE860] =	vst v1  }
0x230: {  	v1 =	vld.idx.msk [tilespmem:v2+s3+$0x0], $0xffff  }
0x231: {  	s0 =	sadd.s32 $0x2140, s15  }
0x232: {  	v2 =	vadd.s32 s0, v0;
	_ =	sdelay $0x3  }
0x233: {  	[tilespmem:s13+$0xFFFFF030] =	vst v1  }
0x234: {  	v1 =	vld.idx.msk [tilespmem:v2+s3+$0x0], $0xffff  }
0x235: {  	s0 =	sadd.s32 $0x2250, s15  }
0x236: {  	v2 =	vadd.s32 s0, v0;
	_ =	sdelay $0x3  }
0x237: {  	[tilespmem:s13+$0xFFFFF040] =	vst v1  }
0x238: {  	v1 =	vld.idx.msk [tilespmem:v2+s3+$0x0], $0xffff  }
0x239: {  	s0 =	sadd.s32 $0x2150, s15  }
0x23a: {  	v2 =	vadd.s32 s0, v0;
	_ =	sdelay $0x3  }
0x23b: {  	[tilespmem:s13+$0xFFFFF810] =	vst v1  }
0x23c: {  	v1 =	vld.idx.msk [tilespmem:v2+s3+$0x0], $0xffff  }
0x23d: {  	s0 =	sadd.s32 $0x2260, s15  }
0x23e: {  	v2 =	vadd.s32 s0, v0;
	_ =	sdelay $0x3  }
0x23f: {  	[tilespmem:s13+$0xFFFFF820] =	vst v1  }
0x240: {  	v1 =	vld.idx.msk [tilespmem:v2+s3+$0x0], $0xffff  }
0x241: {  	s0 =	sadd.s32 $0x2160, s15  }
0x242: {  	v2 =	vadd.s32 s0, v0  }
.Ltmp1:
0x243: {  	(pc) =	sbr.rel @p0 .LBB2_4-.Ltmp1, $3  }
0x244: {  	_ =	sdelay $0x1  }
0x245: {  	[tilespmem:s13+$0xFFFFFFF0] =	vst v1  }
0x246: {  	s15 =	sadd.s32 s16, s12;
	s16 =	sadd.s32 $0x3F0, s16;
	v1 =	vld.idx.msk [tilespmem:v2+s3+$0x0], $0xffff  }
0x247: {  	s0 =	sadd.s32 $0x2170, s15  }
0x248: {  	v2 =	vadd.s32 s0, v0;
	_ =	sdelay $0x3  }
0x249: {  	[tilespmem:s13+$0x0] =	vst v1  }
0x24a: {  	s2 =	sadd.s32 $0x2070, s15;
	v1 =	vld.idx.msk [tilespmem:v2+s3+$0x0], $0xffff  }
0x24b: {  	v2 =	vadd.s32 s2, v0;
	_ =	sdelay $0x2  }
0x24c: {  	s1 =	sadd.s32 $0xFFFFFFE0, s13  }
0x24d: {  	[tilespmem:s1+$0xFFFF89D0] =	vst v1  }
0x24e: {  	s4 =	sadd.s32 $0x2180, s15;
	v1 =	vld.idx.msk [tilespmem:v2+s3+$0x0], $0xffff  }
0x24f: {  	v2 =	vadd.s32 s4, v0;
	_ =	sdelay $0x3  }
0x250: {  	[tilespmem:s1+$0xFFFF89E0] =	vst v1  }
0x251: {  	s5 =	sadd.s32 $0x2080, s15;
	v1 =	vld.idx.msk [tilespmem:v2+s3+$0x0], $0xffff  }
0x252: {  	v2 =	vadd.s32 s5, v0;
	_ =	sdelay $0x3  }
0x253: {  	[tilespmem:s1+$0xFFFF91B0] =	vst v1  }
0x254: {  	s6 =	sadd.s32 $0x2190, s15;
	v1 =	vld.idx.msk [tilespmem:v2+s3+$0x0], $0xffff  }
0x255: {  	v2 =	vadd.s32 s6, v0;
	_ =	sdelay $0x3  }
0x256: {  	[tilespmem:s1+$0xFFFF91C0] =	vst v1  }
0x257: {  	s7 =	sadd.s32 $0x2090, s15;
	v1 =	vld.idx.msk [tilespmem:v2+s3+$0x0], $0xffff  }
0x258: {  	v2 =	vadd.s32 s7, v0;
	_ =	sdelay $0x3  }
0x259: {  	[tilespmem:s1+$0xFFFF9990] =	vst v1  }
0x25a: {  	s8 =	sadd.s32 $0x21A0, s15;
	v1 =	vld.idx.msk [tilespmem:v2+s3+$0x0], $0xffff  }
0x25b: {  	v2 =	vadd.s32 s8, v0;
	_ =	sdelay $0x3  }
0x25c: {  	[tilespmem:s1+$0xFFFF99A0] =	vst v1  }
0x25d: {  	s9 =	sadd.s32 $0x20A0, s15;
	v1 =	vld.idx.msk [tilespmem:v2+s3+$0x0], $0xffff  }
0x25e: {  	v2 =	vadd.s32 s9, v0;
	_ =	sdelay $0x3  }
0x25f: {  	[tilespmem:s1+$0xFFFFA170] =	vst v1  }
0x260: {  	s10 =	sadd.s32 $0x21B0, s15;
	v1 =	vld.idx.msk [tilespmem:v2+s3+$0x0], $0xffff  }
0x261: {  	v2 =	vadd.s32 s10, v0;
	_ =	sdelay $0x3  }
0x262: {  	[tilespmem:s1+$0xFFFFA180] =	vst v1  }
0x263: {  	s13 =	sadd.s32 $0x20B0, s15;
	v1 =	vld.idx.msk [tilespmem:v2+s3+$0x0], $0xffff  }
0x264: {  	v2 =	vadd.s32 s13, v0;
	_ =	sdelay $0x3  }
0x265: {  	[tilespmem:s1+$0xFFFFA950] =	vst v1  }
0x266: {  	s14 =	sadd.s32 $0x21C0, s15;
	v1 =	vld.idx.msk [tilespmem:v2+s3+$0x0], $0xffff  }
0x267: {  	v2 =	vadd.s32 s14, v0;
	_ =	sdelay $0x3  }
0x268: {  	[tilespmem:s1+$0xFFFFA960] =	vst v1  }
0x269: {  	s16 =	sadd.s32 $0x20C0, s15;
	v1 =	vld.idx.msk [tilespmem:v2+s3+$0x0], $0xffff  }
0x26a: {  	v2 =	vadd.s32 s16, v0;
	_ =	sdelay $0x3  }
0x26b: {  	[tilespmem:s1+$0xFFFFB130] =	vst v1  }
0x26c: {  	s17 =	sadd.s32 $0x21D0, s15;
	v1 =	vld.idx.msk [tilespmem:v2+s3+$0x0], $0xffff  }
0x26d: {  	v2 =	vadd.s32 s17, v0;
	_ =	sdelay $0x3  }
0x26e: {  	[tilespmem:s1+$0xFFFFB140] =	vst v1  }
0x26f: {  	s18 =	sadd.s32 $0x20D0, s15;
	v1 =	vld.idx.msk [tilespmem:v2+s3+$0x0], $0xffff  }
0x270: {  	v2 =	vadd.s32 s18, v0;
	_ =	sdelay $0x3  }
0x271: {  	[tilespmem:s1+$0xFFFFB910] =	vst v1  }
0x272: {  	s19 =	sadd.s32 $0x21E0, s15;
	v1 =	vld.idx.msk [tilespmem:v2+s3+$0x0], $0xffff  }
0x273: {  	v2 =	vadd.s32 s19, v0;
	_ =	sdelay $0x3  }
0x274: {  	[tilespmem:s1+$0xFFFFB920] =	vst v1  }
0x275: {  	s20 =	sadd.s32 $0x20E0, s15;
	v1 =	vld.idx.msk [tilespmem:v2+s3+$0x0], $0xffff  }
0x276: {  	v2 =	vadd.s32 s20, v0;
	_ =	sdelay $0x3  }
0x277: {  	[tilespmem:s1+$0xFFFFC0F0] =	vst v1  }
0x278: {  	s21 =	sadd.s32 $0x21F0, s15;
	v1 =	vld.idx.msk [tilespmem:v2+s3+$0x0], $0xffff  }
0x279: {  	v2 =	vadd.s32 s21, v0;
	_ =	sdelay $0x3  }
0x27a: {  	[tilespmem:s1+$0xFFFFC100] =	vst v1  }
0x27b: {  	s22 =	sadd.s32 $0x20F0, s15;
	v1 =	vld.idx.msk [tilespmem:v2+s3+$0x0], $0xffff  }
0x27c: {  	v2 =	vadd.s32 s22, v0;
	_ =	sdelay $0x3  }
0x27d: {  	[tilespmem:s1+$0xFFFFC8D0] =	vst v1  }
0x27e: {  	s23 =	sadd.s32 $0x2200, s15;
	v1 =	vld.idx.msk [tilespmem:v2+s3+$0x0], $0xffff  }
0x27f: {  	v2 =	vadd.s32 s23, v0;
	_ =	sdelay $0x3  }
0x280: {  	[tilespmem:s1+$0xFFFFC8E0] =	vst v1  }
0x281: {  	s24 =	sadd.s32 $0x2100, s15;
	v1 =	vld.idx.msk [tilespmem:v2+s3+$0x0], $0xffff  }
0x282: {  	v2 =	vadd.s32 s24, v0;
	_ =	sdelay $0x3  }
0x283: {  	[tilespmem:s1+$0xFFFFD0B0] =	vst v1  }
0x284: {  	s25 =	sadd.s32 $0x2210, s15;
	v1 =	vld.idx.msk [tilespmem:v2+s3+$0x0], $0xffff  }
0x285: {  	v2 =	vadd.s32 s25, v0;
	_ =	sdelay $0x3  }
0x286: {  	[tilespmem:s1+$0xFFFFD0C0] =	vst v1  }
0x287: {  	s26 =	sadd.s32 $0x2110, s15;
	v1 =	vld.idx.msk [tilespmem:v2+s3+$0x0], $0xffff  }
0x288: {  	v2 =	vadd.s32 s26, v0;
	_ =	sdelay $0x3  }
0x289: {  	[tilespmem:s1+$0xFFFFD890] =	vst v1  }
0x28a: {  	s28 =	sadd.s32 $0x2220, s15;
	v1 =	vld.idx.msk [tilespmem:v2+s3+$0x0], $0xffff  }
0x28b: {  	v2 =	vadd.s32 s28, v0;
	_ =	sdelay $0x3  }
0x28c: {  	[tilespmem:s1+$0xFFFFD8A0] =	vst v1  }
0x28d: {  	s29 =	sadd.s32 $0x2120, s15;
	v1 =	vld.idx.msk [tilespmem:v2+s3+$0x0], $0xffff  }
0x28e: {  	v2 =	vadd.s32 s29, v0;
	_ =	sdelay $0x3  }
0x28f: {  	[tilespmem:s1+$0xFFFFE070] =	vst v1  }
0x290: {  	s30 =	sadd.s32 $0x2230, s15;
	v1 =	vld.idx.msk [tilespmem:v2+s3+$0x0], $0xffff  }
0x291: {  	v2 =	vadd.s32 s30, v0;
	_ =	sdelay $0x3  }
0x292: {  	[tilespmem:s1+$0xFFFFE080] =	vst v1  }
0x293: {  	s31 =	sadd.s32 $0x2130, s15;
	v1 =	vld.idx.msk [tilespmem:v2+s3+$0x0], $0xffff  }
0x294: {  	v2 =	vadd.s32 s31, v0;
	_ =	sdelay $0x3  }
0x295: {  	[tilespmem:s1+$0xFFFFE850] =	vst v1  }
0x296: {  	s2 =	sadd.s32 $0x2240, s15;
	v1 =	vld.idx.msk [tilespmem:v2+s3+$0x0], $0xffff  }
0x297: {  	v2 =	vadd.s32 s2, v0;
	_ =	sdelay $0x3  }
0x298: {  	[tilespmem:s1+$0xFFFFE860] =	vst v1  }
0x299: {  	s4 =	sadd.s32 $0x2140, s15;
	v1 =	vld.idx.msk [tilespmem:v2+s3+$0x0], $0xffff  }
0x29a: {  	v2 =	vadd.s32 s4, v0;
	_ =	sdelay $0x3  }
0x29b: {  	[tilespmem:s1+$0xFFFFF030] =	vst v1  }
0x29c: {  	s5 =	sadd.s32 $0x2250, s15;
	v1 =	vld.idx.msk [tilespmem:v2+s3+$0x0], $0xffff  }
0x29d: {  	v2 =	vadd.s32 s5, v0;
	_ =	sdelay $0x3  }
0x29e: {  	[tilespmem:s1+$0xFFFFF040] =	vst v1  }
0x29f: {  	s6 =	sadd.s32 $0x2150, s15;
	v1 =	vld.idx.msk [tilespmem:v2+s3+$0x0], $0xffff  }
0x2a0: {  	v2 =	vadd.s32 s6, v0;
	_ =	sdelay $0x3  }
0x2a1: {  	[tilespmem:s1+$0xFFFFF810] =	vst v1  }
0x2a2: {  	s7 =	sadd.s32 $0x2260, s15;
	v1 =	vld.idx.msk [tilespmem:v2+s3+$0x0], $0xffff  }
0x2a3: {  	v2 =	vadd.s32 s7, v0;
	_ =	sdelay $0x3  }
0x2a4: {  	[tilespmem:s1+$0xFFFFF820] =	vst v1  }
0x2a5: {  	s8 =	sadd.s32 $0x2160, s15;
	v1 =	vld.idx.msk [tilespmem:v2+s3+$0x0], $0xffff  }
0x2a6: {  	v2 =	vadd.s32 s8, v0;
	_ =	sdelay $0x3  }
0x2a7: {  	[tilespmem:s1+$0xFFFFFFF0] =	vst v1  }
0x2a8: {  	v1 =	vld.idx.msk [tilespmem:v2+s3+$0x0], $0xffff;
	_ =	sdelay $0x4  }
0x2a9: {  	s0 =	simm.s32 $0x0;
	s9 =	simm.s32 $0xFBF0;
	s4 =	rddreg [dreg:$0xe];
	[tilespmem:s1+$0x0] =	vst v1  }
0x2aa: {  	[hbm4b:s4+s0] =	stream.linear.scatter [tilespmem:s9], [sflag:$0x4], $0x400, $0x38;
	[tilespmem:$0x17610] =	vst v63  }
0x2ab: {  	s2 =	simm.s32 $0x103D0;
	s10 =	sadd.s32 $0x80, s4  }
0x2ac: {  	[hbm4b:s10+s0] =	stream.linear.scatter [tilespmem:s2], [sflag:$0x4], $0x400, $0x38;
	[tilespmem:$0x17610] =	vst v63  }
0x2ad: {  	s14 =	simm.s32 $0x10BB0;
	s13 =	sadd.s32 $0x100, s4  }
0x2ae: {  	[hbm4b:s13+s0] =	stream.linear.scatter [tilespmem:s14], [sflag:$0x4], $0x400, $0x38;
	[tilespmem:$0x17610] =	vst v63  }
0x2af: {  	s16 =	simm.s32 $0x11390;
	s15 =	sadd.s32 $0x180, s4  }
0x2b0: {  	[hbm4b:s15+s0] =	stream.linear.scatter [tilespmem:s16], [sflag:$0x4], $0x400, $0x38;
	[tilespmem:$0x17610] =	vst v63  }
0x2b1: {  	s18 =	simm.s32 $0x11B70;
	s17 =	sadd.s32 $0x200, s4  }
0x2b2: {  	[hbm4b:s17+s0] =	stream.linear.scatter [tilespmem:s18], [sflag:$0x4], $0x400, $0x38;
	[tilespmem:$0x17610] =	vst v63  }
0x2b3: {  	s20 =	simm.s32 $0x12350;
	s19 =	sadd.s32 $0x280, s4  }
0x2b4: {  	[hbm4b:s19+s0] =	stream.linear.scatter [tilespmem:s20], [sflag:$0x4], $0x400, $0x38;
	[tilespmem:$0x17610] =	vst v63  }
0x2b5: {  	s22 =	simm.s32 $0x12B30;
	s21 =	sadd.s32 $0x300, s4  }
0x2b6: {  	[hbm4b:s21+s0] =	stream.linear.scatter [tilespmem:s22], [sflag:$0x4], $0x400, $0x38;
	[tilespmem:$0x17610] =	vst v63  }
0x2b7: {  	s24 =	simm.s32 $0x13310;
	s23 =	sadd.s32 $0x380, s4  }
0x2b8: {  	[hbm4b:s23+s0] =	stream.linear.scatter [tilespmem:s24], [sflag:$0x4], $0x400, $0x38;
	[tilespmem:$0x17610] =	vst v63  }
0x2b9: {  	s26 =	simm.s32 $0x13AF0;
	s25 =	sadd.s32 $0x400, s4  }
0x2ba: {  	[hbm4b:s25+s0] =	stream.linear.scatter [tilespmem:s26], [sflag:$0x4], $0x400, $0x38;
	[tilespmem:$0x17610] =	vst v63  }
0x2bb: {  	s29 =	simm.s32 $0x142D0;
	s28 =	sadd.s32 $0x480, s4  }
0x2bc: {  	[hbm4b:s28+s0] =	stream.linear.scatter [tilespmem:s29], [sflag:$0x4], $0x400, $0x38;
	[tilespmem:$0x17610] =	vst v63  }
0x2bd: {  	s31 =	simm.s32 $0x14AB0;
	s30 =	sadd.s32 $0x500, s4  }
0x2be: {  	[hbm4b:s30+s0] =	stream.linear.scatter [tilespmem:s31], [sflag:$0x4], $0x400, $0x38;
	[tilespmem:$0x17610] =	vst v63  }
0x2bf: {  	s5 =	sadd.s32 $0x580, s4;
	s6 =	simm.s32 $0x15290  }
0x2c0: {  	[hbm4b:s5+s0] =	stream.linear.scatter [tilespmem:s6], [sflag:$0x4], $0x400, $0x38;
	[tilespmem:$0x17610] =	vst v63  }
0x2c1: {  	s7 =	sadd.s32 $0x600, s4;
	s8 =	simm.s32 $0x15A70  }
0x2c2: {  	[hbm4b:s7+s0] =	stream.linear.scatter [tilespmem:s8], [sflag:$0x4], $0x400, $0x38;
	[tilespmem:$0x17610] =	vst v63  }
0x2c3: {  	s1 =	sadd.s32 $0x0, s12;
	s9 =	sadd.s32 $0x680, s4;
	s10 =	simm.s32 $0x16250  }
0x2c4: {  	[hbm4b:s9+s0] =	stream.linear.scatter [tilespmem:s10], [sflag:$0x4], $0x400, $0x38;
	[tilespmem:$0x17610] =	vst v63  }
0x2c5: {  	s13 =	sadd.s32 $0x700, s4;
	s14 =	simm.s32 $0x16A30;
	s15 =	sadd.s32 $0x7FF0, s1  }
0x2c6: {  	[hbm4b:s13+s0] =	stream.linear.scatter [tilespmem:s14], [sflag:$0x4], $0x400, $0x38;
	[tilespmem:$0x17610] =	vst v63  }
0x2c7: {  	s4 =	sadd.s32 $0x780, s4;
	s16 =	simm.s32 $0x17210;
	v1 =	vadd.s32 s15, v0;
	s17 =	simm.s32 $0x3  }
0x2c8: {  	[hbm4b:s4+s0] =	stream.linear.scatter [tilespmem:s16], [sflag:$0x4], $0x400, $0x38;
	[tilespmem:$0x17610] =	vst v63  }
0x2c9: {  	_ =	swait.ge [sflag:s17], $0x7A10  }
0x2ca: {  	[sflag:s17] =	ssyncset.done $0x0  }
0x2cb: {  	[sflag:s17] =	ssyncadd.s32 $0xFFFF85F0  }
0x2cc: {  	s18 =	sadd.s32 $0x7EF0, s1;
	v1 =	vld.idx.msk [tilespmem:v1+s3+$0x0], $0xffff  }
0x2cd: {  	v2 =	vadd.s32 s18, v0;
	_ =	sdelay $0x2  }
0x2ce: {  	s4 =	simm.s32 $0x17200  }
0x2cf: {  	[tilespmem:s4+$0xFFFF89D0] =	vst v1  }
0x2d0: {  	s19 =	sadd.s32 $0x8000, s1;
	v1 =	vld.idx.msk [tilespmem:v2+s3+$0x0], $0xffff  }
0x2d1: {  	v2 =	vadd.s32 s19, v0;
	_ =	sdelay $0x3  }
0x2d2: {  	[tilespmem:s4+$0xFFFF89E0] =	vst v1  }
0x2d3: {  	s20 =	sadd.s32 $0x7F00, s1;
	v1 =	vld.idx.msk [tilespmem:v2+s3+$0x0], $0xffff  }
0x2d4: {  	v2 =	vadd.s32 s20, v0;
	_ =	sdelay $0x3  }
0x2d5: {  	[tilespmem:s4+$0xFFFF91B0] =	vst v1  }
0x2d6: {  	s21 =	sadd.s32 $0x8010, s1;
	v1 =	vld.idx.msk [tilespmem:v2+s3+$0x0], $0xffff  }
0x2d7: {  	v2 =	vadd.s32 s21, v0;
	_ =	sdelay $0x3  }
0x2d8: {  	[tilespmem:s4+$0xFFFF91C0] =	vst v1  }
0x2d9: {  	s22 =	sadd.s32 $0x7F10, s1;
	v1 =	vld.idx.msk [tilespmem:v2+s3+$0x0], $0xffff  }
0x2da: {  	v2 =	vadd.s32 s22, v0;
	_ =	sdelay $0x3  }
0x2db: {  	[tilespmem:s4+$0xFFFF9990] =	vst v1  }
0x2dc: {  	s23 =	sadd.s32 $0x8020, s1;
	v1 =	vld.idx.msk [tilespmem:v2+s3+$0x0], $0xffff  }
0x2dd: {  	v2 =	vadd.s32 s23, v0;
	_ =	sdelay $0x3  }
0x2de: {  	[tilespmem:s4+$0xFFFF99A0] =	vst v1  }
0x2df: {  	s24 =	sadd.s32 $0x7F20, s1;
	v1 =	vld.idx.msk [tilespmem:v2+s3+$0x0], $0xffff  }
0x2e0: {  	v2 =	vadd.s32 s24, v0;
	_ =	sdelay $0x3  }
0x2e1: {  	[tilespmem:s4+$0xFFFFA170] =	vst v1  }
0x2e2: {  	s25 =	sadd.s32 $0x8030, s1;
	v1 =	vld.idx.msk [tilespmem:v2+s3+$0x0], $0xffff  }
0x2e3: {  	v2 =	vadd.s32 s25, v0;
	_ =	sdelay $0x3  }
0x2e4: {  	[tilespmem:s4+$0xFFFFA180] =	vst v1  }
0x2e5: {  	s26 =	sadd.s32 $0x7F30, s1;
	v1 =	vld.idx.msk [tilespmem:v2+s3+$0x0], $0xffff  }
0x2e6: {  	v2 =	vadd.s32 s26, v0;
	_ =	sdelay $0x3  }
0x2e7: {  	[tilespmem:s4+$0xFFFFA950] =	vst v1  }
0x2e8: {  	s28 =	sadd.s32 $0x8040, s1;
	v1 =	vld.idx.msk [tilespmem:v2+s3+$0x0], $0xffff  }
0x2e9: {  	v2 =	vadd.s32 s28, v0;
	_ =	sdelay $0x3  }
0x2ea: {  	[tilespmem:s4+$0xFFFFA960] =	vst v1  }
0x2eb: {  	s29 =	sadd.s32 $0x7F40, s1;
	v1 =	vld.idx.msk [tilespmem:v2+s3+$0x0], $0xffff  }
0x2ec: {  	v2 =	vadd.s32 s29, v0;
	_ =	sdelay $0x3  }
0x2ed: {  	[tilespmem:s4+$0xFFFFB130] =	vst v1  }
0x2ee: {  	s30 =	sadd.s32 $0x8050, s1;
	v1 =	vld.idx.msk [tilespmem:v2+s3+$0x0], $0xffff  }
0x2ef: {  	v2 =	vadd.s32 s30, v0;
	_ =	sdelay $0x3  }
0x2f0: {  	[tilespmem:s4+$0xFFFFB140] =	vst v1  }
0x2f1: {  	s31 =	sadd.s32 $0x7F50, s1;
	v1 =	vld.idx.msk [tilespmem:v2+s3+$0x0], $0xffff  }
0x2f2: {  	v2 =	vadd.s32 s31, v0;
	_ =	sdelay $0x3  }
0x2f3: {  	[tilespmem:s4+$0xFFFFB910] =	vst v1  }
0x2f4: {  	s2 =	sadd.s32 $0x8060, s1;
	v1 =	vld.idx.msk [tilespmem:v2+s3+$0x0], $0xffff  }
0x2f5: {  	v2 =	vadd.s32 s2, v0;
	_ =	sdelay $0x3  }
0x2f6: {  	[tilespmem:s4+$0xFFFFB920] =	vst v1  }
0x2f7: {  	s5 =	sadd.s32 $0x7F60, s1;
	v1 =	vld.idx.msk [tilespmem:v2+s3+$0x0], $0xffff  }
0x2f8: {  	v2 =	vadd.s32 s5, v0;
	_ =	sdelay $0x3  }
0x2f9: {  	[tilespmem:s4+$0xFFFFC0F0] =	vst v1  }
0x2fa: {  	s6 =	sadd.s32 $0x8070, s1;
	v1 =	vld.idx.msk [tilespmem:v2+s3+$0x0], $0xffff  }
0x2fb: {  	v2 =	vadd.s32 s6, v0;
	_ =	sdelay $0x3  }
0x2fc: {  	[tilespmem:s4+$0xFFFFC100] =	vst v1  }
0x2fd: {  	s7 =	sadd.s32 $0x7F70, s1;
	v1 =	vld.idx.msk [tilespmem:v2+s3+$0x0], $0xffff  }
0x2fe: {  	v2 =	vadd.s32 s7, v0;
	_ =	sdelay $0x3  }
0x2ff: {  	[tilespmem:s4+$0xFFFFC8D0] =	vst v1  }
0x300: {  	s8 =	sadd.s32 $0x8080, s1;
	v1 =	vld.idx.msk [tilespmem:v2+s3+$0x0], $0xffff  }
0x301: {  	v2 =	vadd.s32 s8, v0;
	_ =	sdelay $0x3  }
0x302: {  	[tilespmem:s4+$0xFFFFC8E0] =	vst v1  }
0x303: {  	s9 =	sadd.s32 $0x7F80, s1;
	v1 =	vld.idx.msk [tilespmem:v2+s3+$0x0], $0xffff  }
0x304: {  	v2 =	vadd.s32 s9, v0;
	_ =	sdelay $0x3  }
0x305: {  	[tilespmem:s4+$0xFFFFD0B0] =	vst v1  }
0x306: {  	s10 =	sadd.s32 $0x8090, s1;
	v1 =	vld.idx.msk [tilespmem:v2+s3+$0x0], $0xffff  }
0x307: {  	v2 =	vadd.s32 s10, v0;
	_ =	sdelay $0x3  }
0x308: {  	[tilespmem:s4+$0xFFFFD0C0] =	vst v1  }
0x309: {  	s13 =	sadd.s32 $0x7F90, s1;
	v1 =	vld.idx.msk [tilespmem:v2+s3+$0x0], $0xffff  }
0x30a: {  	v2 =	vadd.s32 s13, v0;
	_ =	sdelay $0x3  }
0x30b: {  	[tilespmem:s4+$0xFFFFD890] =	vst v1  }
0x30c: {  	s14 =	sadd.s32 $0x80A0, s1;
	v1 =	vld.idx.msk [tilespmem:v2+s3+$0x0], $0xffff  }
0x30d: {  	v2 =	vadd.s32 s14, v0;
	_ =	sdelay $0x3  }
0x30e: {  	[tilespmem:s4+$0xFFFFD8A0] =	vst v1  }
0x30f: {  	s15 =	sadd.s32 $0x7FA0, s1;
	v1 =	vld.idx.msk [tilespmem:v2+s3+$0x0], $0xffff  }
0x310: {  	v2 =	vadd.s32 s15, v0;
	_ =	sdelay $0x3  }
0x311: {  	[tilespmem:s4+$0xFFFFE070] =	vst v1  }
0x312: {  	s16 =	sadd.s32 $0x80B0, s1;
	v1 =	vld.idx.msk [tilespmem:v2+s3+$0x0], $0xffff  }
0x313: {  	v2 =	vadd.s32 s16, v0;
	_ =	sdelay $0x3  }
0x314: {  	[tilespmem:s4+$0xFFFFE080] =	vst v1  }
0x315: {  	s17 =	sadd.s32 $0x7FB0, s1;
	v1 =	vld.idx.msk [tilespmem:v2+s3+$0x0], $0xffff  }
0x316: {  	v2 =	vadd.s32 s17, v0;
	_ =	sdelay $0x3  }
0x317: {  	[tilespmem:s4+$0xFFFFE850] =	vst v1  }
0x318: {  	s18 =	sadd.s32 $0x80C0, s1;
	v1 =	vld.idx.msk [tilespmem:v2+s3+$0x0], $0xffff  }
0x319: {  	v2 =	vadd.s32 s18, v0;
	_ =	sdelay $0x3  }
0x31a: {  	[tilespmem:s4+$0xFFFFE860] =	vst v1  }
0x31b: {  	s19 =	sadd.s32 $0x7FC0, s1;
	v1 =	vld.idx.msk [tilespmem:v2+s3+$0x0], $0xffff  }
0x31c: {  	v2 =	vadd.s32 s19, v0;
	_ =	sdelay $0x3  }
0x31d: {  	[tilespmem:s4+$0xFFFFF030] =	vst v1  }
0x31e: {  	s20 =	sadd.s32 $0x80D0, s1;
	v1 =	vld.idx.msk [tilespmem:v2+s3+$0x0], $0xffff  }
0x31f: {  	v2 =	vadd.s32 s20, v0;
	_ =	sdelay $0x3  }
0x320: {  	[tilespmem:s4+$0xFFFFF040] =	vst v1  }
0x321: {  	s21 =	sadd.s32 $0x7FD0, s1;
	v1 =	vld.idx.msk [tilespmem:v2+s3+$0x0], $0xffff  }
0x322: {  	v2 =	vadd.s32 s21, v0;
	_ =	sdelay $0x3  }
0x323: {  	[tilespmem:s4+$0xFFFFF810] =	vst v1  }
0x324: {  	s22 =	sadd.s32 $0x80E0, s1;
	v1 =	vld.idx.msk [tilespmem:v2+s3+$0x0], $0xffff  }
0x325: {  	v2 =	vadd.s32 s22, v0;
	_ =	sdelay $0x3  }
0x326: {  	[tilespmem:s4+$0xFFFFF820] =	vst v1  }
0x327: {  	s23 =	sadd.s32 $0x7FE0, s1;
	v1 =	vld.idx.msk [tilespmem:v2+s3+$0x0], $0xffff  }
0x328: {  	v2 =	vadd.s32 s23, v0;
	_ =	sdelay $0x3  }
0x329: {  	[tilespmem:s4+$0xFFFFFFF0] =	vst v1  }
0x32a: {  	v1 =	vld.idx.msk [tilespmem:v2+s3+$0x0], $0xffff;
	_ =	sdelay $0x2  }
0x32b: {  	s24 =	rddreg [dreg:$0x10]  }
0x32c: {  	s25 =	sshrl.u32 s24, $0x3  }
0x32d: {  	s26 =	simm.s32 $0xFBD0;
	[tilespmem:s4+$0x0] =	vst v1;
	s4 =	sadd.s32 s11, s25  }
0x32e: {  	[hbm4b:s4+s3] =	stream.linear.scatter [tilespmem:s26], [sflag:$0x4], $0x400, $0x38;
	[tilespmem:$0x17610] =	vst v63  }
0x32f: {  	s0 =	simm.s32 $0x171F0;
	s28 =	simm.s32 $0x103B0;
	s29 =	sadd.s32 $0x80, s4  }
0x330: {  	[hbm4b:s29+s3] =	stream.linear.scatter [tilespmem:s28], [sflag:$0x4], $0x400, $0x38;
	[tilespmem:$0x17610] =	vst v63  }
0x331: {  	s1 =	simm.s32 $0x11370;
	s30 =	simm.s32 $0x10B90;
	s31 =	sadd.s32 $0x100, s4  }
0x332: {  	[hbm4b:s31+s3] =	stream.linear.scatter [tilespmem:s30], [sflag:$0x4], $0x400, $0x38;
	[tilespmem:$0x17610] =	vst v63  }
0x333: {  	s24 =	sadd.s32 $0x8000, s24;
	s6 =	simm.s32 $0x11B50;
	s5 =	sadd.s32 $0x180, s4  }
0x334: {  	[hbm4b:s5+s3] =	stream.linear.scatter [tilespmem:s1], [sflag:$0x4], $0x400, $0x38;
	[tilespmem:$0x17610] =	vst v63  }
0x335: {  	s8 =	simm.s32 $0x12330;
	s10 =	simm.s32 $0x12B10;
	s7 =	sadd.s32 $0x200, s4  }
0x336: {  	[hbm4b:s7+s3] =	stream.linear.scatter [tilespmem:s6], [sflag:$0x4], $0x400, $0x38;
	[tilespmem:$0x17610] =	vst v63  }
0x337: {  	s14 =	simm.s32 $0x132F0;
	s16 =	simm.s32 $0x7E0;
	s9 =	sadd.s32 $0x280, s4  }
0x338: {  	[hbm4b:s9+s3] =	stream.linear.scatter [tilespmem:s8], [sflag:$0x4], $0x400, $0x38;
	[tilespmem:$0x17610] =	vst v63  }
0x339: {  	s17 =	simm.s32 $0x13AD0;
	s19 =	simm.s32 $0x142B0;
	s13 =	sadd.s32 $0x300, s4  }
0x33a: {  	[hbm4b:s13+s3] =	stream.linear.scatter [tilespmem:s10], [sflag:$0x4], $0x400, $0x38;
	[tilespmem:$0x17610] =	vst v63  }
0x33b: {  	s21 =	simm.s32 $0x14A90;
	s23 =	simm.s32 $0x16A10;
	s15 =	sadd.s32 $0x380, s4  }
0x33c: {  	[hbm4b:s15+s3] =	stream.linear.scatter [tilespmem:s14], [sflag:$0x4], $0x400, $0x38;
	[tilespmem:$0x17610] =	vst v63  }
0x33d: {  	s25 =	simm.s32 $0x15270;
	s18 =	sadd.s32 $0x400, s4;
	s20 =	sadd.s32 $0x480, s4  }
0x33e: {  	[hbm4b:s18+s3] =	stream.linear.scatter [tilespmem:s17], [sflag:$0x4], $0x400, $0x38;
	[tilespmem:$0x17610] =	vst v63  }
0x33f: {  	s22 =	sadd.s32 $0x500, s4;
	s26 =	simm.s32 $0x16230;
	s2 =	sadd.s32 $0x780, s4  }
0x340: {  	[hbm4b:s20+s3] =	stream.linear.scatter [tilespmem:s19], [sflag:$0x4], $0x400, $0x38;
	[tilespmem:$0x17610] =	vst v63  }
0x341: {  	s28 =	simm.s32 $0x15A50;
	s29 =	sadd.s32 $0x680, s4;
	s30 =	sadd.s32 $0x700, s4  }
0x342: {  	[hbm4b:s22+s3] =	stream.linear.scatter [tilespmem:s21], [sflag:$0x4], $0x400, $0x38;
	[tilespmem:$0x17610] =	vst v63  }
0x343: {  	s5 =	sadd.s32 $0x580, s4;
	s6 =	sadd.s32 $0x600, s4;
	s17 =	sadd.s32 $0x3F0, s12  }
0x344: {  	[hbm4b:s5+s3] =	stream.linear.scatter [tilespmem:s25], [sflag:$0x4], $0x400, $0x38;
	[tilespmem:$0x17610] =	vst v63  }
0x345: {  	s13 =	simm.s32 $0x171E0;
	s31 =	sadd.s32 $0x7FF0, s17;
	s4 =	sadd.s32 $0x7EF0, s17  }
0x346: {  	[hbm4b:s6+s3] =	stream.linear.scatter [tilespmem:s28], [sflag:$0x4], $0x400, $0x38;
	[tilespmem:$0x17610] =	vst v63  }
0x347: {  	s18 =	sadd.s32 $0x8000, s17;
	s10 =	sadd.s32 $0x8020, s17;
	s8 =	sadd.s32 $0x7F20, s17  }
0x348: {  	[hbm4b:s29+s3] =	stream.linear.scatter [tilespmem:s26], [sflag:$0x4], $0x400, $0x38;
	[tilespmem:$0x17610] =	vst v63  }
0x349: {  	s20 =	sadd.s32 $0x7F10, s17;
	s22 =	sadd.s32 $0x7F00, s17;
	s21 =	sadd.s32 $0x8010, s17  }
0x34a: {  	v1 =	vadd.s32 s31, v0;
	[hbm4b:s30+s3] =	stream.linear.scatter [tilespmem:s23], [sflag:$0x4], $0x400, $0x38;
	[tilespmem:$0x17610] =	vst v63  }
.LBB2_6:
0x34b: {  	_ =	sdelay $0x2  }
0x34c: {  	[hbm4b:s2+s3] =	stream.linear.scatter [tilespmem:s0], [sflag:$0x4], $0x400, $0x38;
	[tilespmem:$0x17610] =	vst v63  }
0x34d: {  	v1 =	vld.idx.msk [tilespmem:v1+s3+$0x0], $0xffff  }
0x34e: {  	v2 =	vadd.s32 s4, v0;
	_ =	sdelay $0x3  }
0x34f: {  	[tilespmem:s13+$0xFFFF89D0] =	vst v1  }
0x350: {  	v1 =	vld.idx.msk [tilespmem:v2+s3+$0x0], $0xffff  }
0x351: {  	v2 =	vadd.s32 s18, v0;
	_ =	sdelay $0x3  }
0x352: {  	[tilespmem:s13+$0xFFFF89E0] =	vst v1  }
0x353: {  	v1 =	vld.idx.msk [tilespmem:v2+s3+$0x0], $0xffff  }
0x354: {  	v2 =	vadd.s32 s22, v0;
	_ =	sdelay $0x3  }
0x355: {  	[tilespmem:s13+$0xFFFF91B0] =	vst v1  }
0x356: {  	v1 =	vld.idx.msk [tilespmem:v2+s3+$0x0], $0xffff  }
0x357: {  	v2 =	vadd.s32 s21, v0;
	_ =	sdelay $0x3  }
0x358: {  	[tilespmem:s13+$0xFFFF91C0] =	vst v1  }
0x359: {  	v1 =	vld.idx.msk [tilespmem:v2+s3+$0x0], $0xffff  }
0x35a: {  	v2 =	vadd.s32 s20, v0;
	_ =	sdelay $0x3  }
0x35b: {  	[tilespmem:s13+$0xFFFF9990] =	vst v1  }
0x35c: {  	v1 =	vld.idx.msk [tilespmem:v2+s3+$0x0], $0xffff  }
0x35d: {  	v2 =	vadd.s32 s10, v0;
	_ =	sdelay $0x3  }
0x35e: {  	[tilespmem:s13+$0xFFFF99A0] =	vst v1  }
0x35f: {  	v1 =	vld.idx.msk [tilespmem:v2+s3+$0x0], $0xffff  }
0x360: {  	v2 =	vadd.s32 s8, v0;
	_ =	sdelay $0x3  }
0x361: {  	[tilespmem:s13+$0xFFFFA170] =	vst v1  }
0x362: {  	s15 =	sadd.s32 $0x8030, s17;
	v1 =	vld.idx.msk [tilespmem:v2+s3+$0x0], $0xffff  }
0x363: {  	v2 =	vadd.s32 s15, v0;
	_ =	sdelay $0x3  }
0x364: {  	[tilespmem:s13+$0xFFFFA180] =	vst v1  }
0x365: {  	s2 =	sadd.s32 $0x7F30, s17;
	v1 =	vld.idx.msk [tilespmem:v2+s3+$0x0], $0xffff  }
0x366: {  	v2 =	vadd.s32 s2, v0;
	_ =	sdelay $0x3  }
0x367: {  	[tilespmem:s13+$0xFFFFA950] =	vst v1  }
0x368: {  	s0 =	sadd.s32 $0x8040, s17;
	v1 =	vld.idx.msk [tilespmem:v2+s3+$0x0], $0xffff  }
0x369: {  	v2 =	vadd.s32 s0, v0;
	_ =	sdelay $0x3  }
0x36a: {  	[tilespmem:s13+$0xFFFFA960] =	vst v1  }
0x36b: {  	s23 =	sadd.s32 $0x7F40, s17;
	v1 =	vld.idx.msk [tilespmem:v2+s3+$0x0], $0xffff  }
0x36c: {  	v2 =	vadd.s32 s23, v0;
	_ =	sdelay $0x3  }
0x36d: {  	[tilespmem:s13+$0xFFFFB130] =	vst v1  }
0x36e: {  	s19 =	sadd.s32 $0x8050, s17;
	v1 =	vld.idx.msk [tilespmem:v2+s3+$0x0], $0xffff  }
0x36f: {  	v2 =	vadd.s32 s19, v0;
	_ =	sdelay $0x3  }
0x370: {  	[tilespmem:s13+$0xFFFFB140] =	vst v1  }
0x371: {  	s1 =	sadd.s32 $0x7F50, s17;
	v1 =	vld.idx.msk [tilespmem:v2+s3+$0x0], $0xffff  }
0x372: {  	v2 =	vadd.s32 s1, v0;
	_ =	sdelay $0x3  }
0x373: {  	[tilespmem:s13+$0xFFFFB910] =	vst v1  }
0x374: {  	s14 =	sadd.s32 $0x8060, s17;
	v1 =	vld.idx.msk [tilespmem:v2+s3+$0x0], $0xffff  }
0x375: {  	v2 =	vadd.s32 s14, v0;
	_ =	sdelay $0x3  }
0x376: {  	[tilespmem:s13+$0xFFFFB920] =	vst v1  }
0x377: {  	s5 =	sadd.s32 $0x7F60, s17;
	v1 =	vld.idx.msk [tilespmem:v2+s3+$0x0], $0xffff  }
0x378: {  	v2 =	vadd.s32 s5, v0;
	_ =	sdelay $0x3  }
0x379: {  	[tilespmem:s13+$0xFFFFC0F0] =	vst v1  }
0x37a: {  	s9 =	sadd.s32 $0x8070, s17;
	v1 =	vld.idx.msk [tilespmem:v2+s3+$0x0], $0xffff  }
0x37b: {  	v2 =	vadd.s32 s9, v0;
	_ =	sdelay $0x3  }
0x37c: {  	[tilespmem:s13+$0xFFFFC100] =	vst v1  }
0x37d: {  	s7 =	sadd.s32 $0x7F70, s17;
	v1 =	vld.idx.msk [tilespmem:v2+s3+$0x0], $0xffff  }
0x37e: {  	v2 =	vadd.s32 s7, v0;
	_ =	sdelay $0x3  }
0x37f: {  	[tilespmem:s13+$0xFFFFC8D0] =	vst v1  }
0x380: {  	s6 =	sadd.s32 $0x8080, s17;
	v1 =	vld.idx.msk [tilespmem:v2+s3+$0x0], $0xffff  }
0x381: {  	v2 =	vadd.s32 s6, v0;
	_ =	sdelay $0x3  }
0x382: {  	[tilespmem:s13+$0xFFFFC8E0] =	vst v1  }
0x383: {  	s4 =	sadd.s32 $0x7F80, s17;
	v1 =	vld.idx.msk [tilespmem:v2+s3+$0x0], $0xffff  }
0x384: {  	v2 =	vadd.s32 s4, v0;
	_ =	sdelay $0x3  }
0x385: {  	[tilespmem:s13+$0xFFFFD0B0] =	vst v1  }
0x386: {  	s31 =	sadd.s32 $0x8090, s17;
	v1 =	vld.idx.msk [tilespmem:v2+s3+$0x0], $0xffff  }
0x387: {  	v2 =	vadd.s32 s31, v0;
	_ =	sdelay $0x3  }
0x388: {  	[tilespmem:s13+$0xFFFFD0C0] =	vst v1  }
0x389: {  	s30 =	sadd.s32 $0x7F90, s17;
	v1 =	vld.idx.msk [tilespmem:v2+s3+$0x0], $0xffff  }
0x38a: {  	v2 =	vadd.s32 s30, v0;
	_ =	sdelay $0x3  }
0x38b: {  	[tilespmem:s13+$0xFFFFD890] =	vst v1  }
0x38c: {  	s29 =	sadd.s32 $0x80A0, s17;
	v1 =	vld.idx.msk [tilespmem:v2+s3+$0x0], $0xffff  }
0x38d: {  	v2 =	vadd.s32 s29, v0;
	_ =	sdelay $0x3  }
0x38e: {  	[tilespmem:s13+$0xFFFFD8A0] =	vst v1  }
0x38f: {  	s28 =	sadd.s32 $0x7FA0, s17;
	v1 =	vld.idx.msk [tilespmem:v2+s3+$0x0], $0xffff  }
0x390: {  	v2 =	vadd.s32 s28, v0;
	_ =	sdelay $0x3  }
0x391: {  	[tilespmem:s13+$0xFFFFE070] =	vst v1  }
0x392: {  	s26 =	sadd.s32 $0x80B0, s17;
	v1 =	vld.idx.msk [tilespmem:v2+s3+$0x0], $0xffff  }
0x393: {  	v2 =	vadd.s32 s26, v0;
	_ =	sdelay $0x2  }
0x394: {  	s25 =	sadd.s32 $0x7FB0, s17  }
0x395: {  	[dreg:$0xa] =	wrdreg s25;
	[tilespmem:s13+$0xFFFFE080] =	vst v1  }
0x396: {  	s10 =	rddreg [dreg:$0xa];
	v1 =	vld.idx.msk [tilespmem:v2+s3+$0x0], $0xffff  }
0x397: {  	v2 =	vadd.s32 s10, v0;
	_ =	sdelay $0x2  }
0x398: {  	s25 =	sadd.s32 $0x80C0, s17  }
0x399: {  	[dreg:$0x9] =	wrdreg s25;
	[tilespmem:s13+$0xFFFFE850] =	vst v1  }
0x39a: {  	s14 =	rddreg [dreg:$0x9];
	v1 =	vld.idx.msk [tilespmem:v2+s3+$0x0], $0xffff  }
0x39b: {  	v2 =	vadd.s32 s14, v0;
	_ =	sdelay $0x2  }
0x39c: {  	s25 =	sadd.s32 $0x7FC0, s17  }
0x39d: {  	[dreg:$0x8] =	wrdreg s25;
	[tilespmem:s13+$0xFFFFE860] =	vst v1  }
0x39e: {  	s15 =	rddreg [dreg:$0x8];
	v1 =	vld.idx.msk [tilespmem:v2+s3+$0x0], $0xffff  }
0x39f: {  	v2 =	vadd.s32 s15, v0  }
0x3a0: {  	s25 =	sadd.s32 $0x80D0, s17  }
0x3a1: {  	[dreg:$0x7] =	wrdreg s25;
	s25 =	sadd.s32 $0x7FD0, s17  }
0x3a2: {  	[dreg:$0x6] =	wrdreg s25;
	s25 =	sadd.s32 $0x80E0, s17  }
0x3a3: {  	[dreg:$0x5] =	wrdreg s25;
	[tilespmem:s13+$0xFFFFF030] =	vst v1  }
0x3a4: {  	s25 =	sadd.s32 $0x7FE0, s17;
	s17 =	rddreg [dreg:$0x7];
	v1 =	vld.idx.msk [tilespmem:v2+s3+$0x0], $0xffff  }
0x3a5: {  	v2 =	vadd.s32 s17, v0;
	_ =	sdelay $0x3  }
0x3a6: {  	[tilespmem:s13+$0xFFFFF040] =	vst v1  }
0x3a7: {  	s19 =	rddreg [dreg:$0x6];
	v1 =	vld.idx.msk [tilespmem:v2+s3+$0x0], $0xffff  }
0x3a8: {  	v2 =	vadd.s32 s19, v0;
	_ =	sdelay $0x3  }
0x3a9: {  	[tilespmem:s13+$0xFFFFF810] =	vst v1  }
0x3aa: {  	s20 =	rddreg [dreg:$0x5];
	v1 =	vld.idx.msk [tilespmem:v2+s3+$0x0], $0xffff  }
0x3ab: {  	v2 =	vadd.s32 s20, v0;
	_ =	sdelay $0x3  }
0x3ac: {  	[dreg:$0x4] =	wrdreg s25;
	[tilespmem:s13+$0xFFFFF820] =	vst v1  }
0x3ad: {  	s21 =	rddreg [dreg:$0x4];
	v1 =	vld.idx.msk [tilespmem:v2+s3+$0x0], $0xffff  }
0x3ae: {  	v2 =	vadd.s32 s21, v0;
	_ =	sdelay $0x3  }
0x3af: {  	[tilespmem:s13+$0xFFFFFFF0] =	vst v1  }
0x3b0: {  	v1 =	vld.idx.msk [tilespmem:v2+s3+$0x0], $0xffff;
	_ =	sdelay $0x3  }
0x3b1: {  	p0 =	sne.s32 s16, $0x7620;
	s25 =	smov.u32 s16;
	s22 =	sshrl.u32 s24, $0x3  }
0x3b2: {  	s16 =	sadd.s32 $0x3F0, s16;
	s23 =	sadd.s32 $0xFFFF89D0, s13;
	s1 =	sadd.s32 s11, s22;
	[tilespmem:s13+$0x0] =	vst v1  }
0x3b3: {  	[hbm4b:s1+s3] =	stream.linear.scatter [tilespmem:s23], [sflag:$0x4], $0x400, $0x38;
	[tilespmem:$0x17610] =	vst v63  }
0x3b4: {  	[dreg:$0x3] =	wrdreg s25;
	s25 =	sadd.s32 $0xFFFF91B0, s13;
	s26 =	sadd.s32 $0x80, s1  }
0x3b5: {  	[hbm4b:s26+s3] =	stream.linear.scatter [tilespmem:s25], [sflag:$0x4], $0x400, $0x38;
	[tilespmem:$0x17610] =	vst v63  }
0x3b6: {  	s18 =	smov.u32 s13;
	s29 =	sadd.s32 $0x100, s1;
	s28 =	sadd.s32 $0xFFFF9990, s13  }
0x3b7: {  	[hbm4b:s29+s3] =	stream.linear.scatter [tilespmem:s28], [sflag:$0x4], $0x400, $0x38;
	[tilespmem:$0x17610] =	vst v63  }
0x3b8: {  	s24 =	sadd.s32 $0x8000, s24;
	s31 =	sadd.s32 $0x180, s1;
	s30 =	sadd.s32 $0xFFFFA170, s13  }
0x3b9: {  	[hbm4b:s31+s3] =	stream.linear.scatter [tilespmem:s30], [sflag:$0x4], $0x400, $0x38;
	[tilespmem:$0x17610] =	vst v63  }
0x3ba: {  	s2 =	sadd.s32 $0xFFFFA950, s18;
	s0 =	sadd.s32 $0xFFFFFFF0, s18;
	s4 =	sadd.s32 $0x200, s1  }
0x3bb: {  	[hbm4b:s4+s3] =	stream.linear.scatter [tilespmem:s2], [sflag:$0x4], $0x400, $0x38;
	[tilespmem:$0x17610] =	vst v63  }
0x3bc: {  	s22 =	sadd.s32 $0xFFFFD890, s18;
	s5 =	sadd.s32 $0xFFFFB130, s18;
	s6 =	sadd.s32 $0x280, s1  }
0x3bd: {  	[hbm4b:s6+s3] =	stream.linear.scatter [tilespmem:s5], [sflag:$0x4], $0x400, $0x38;
	[tilespmem:$0x17610] =	vst v63  }
0x3be: {  	s8 =	sadd.s32 $0x300, s1;
	s9 =	sadd.s32 $0xFFFFC0F0, s18;
	s7 =	sadd.s32 $0xFFFFB910, s18  }
0x3bf: {  	[hbm4b:s8+s3] =	stream.linear.scatter [tilespmem:s7], [sflag:$0x4], $0x400, $0x38;
	[tilespmem:$0x17610] =	vst v63  }
0x3c0: {  	s10 =	sadd.s32 $0x380, s1;
	s14 =	sadd.s32 $0xFFFFC8D0, s18;
	s15 =	sadd.s32 $0xFFFFF030, s18  }
0x3c1: {  	[hbm4b:s10+s3] =	stream.linear.scatter [tilespmem:s9], [sflag:$0x4], $0x400, $0x38;
	[tilespmem:$0x17610] =	vst v63  }
0x3c2: {  	s17 =	sadd.s32 $0x400, s1;
	s19 =	sadd.s32 $0xFFFFD0B0, s18;
	s20 =	sadd.s32 $0xFFFFE850, s18  }
0x3c3: {  	[hbm4b:s17+s3] =	stream.linear.scatter [tilespmem:s14], [sflag:$0x4], $0x400, $0x38;
	[tilespmem:$0x17610] =	vst v63  }
0x3c4: {  	s21 =	sadd.s32 $0x480, s1;
	s13 =	sadd.s32 $0xFFFFFFE0, s13;
	s23 =	sadd.s32 $0xFFFFE070, s18  }
0x3c5: {  	[hbm4b:s21+s3] =	stream.linear.scatter [tilespmem:s19], [sflag:$0x4], $0x400, $0x38;
	[tilespmem:$0x17610] =	vst v63  }
0x3c6: {  	s25 =	sadd.s32 $0x500, s1;
	s26 =	sadd.s32 $0x580, s1;
	s28 =	sadd.s32 $0x600, s1  }
0x3c7: {  	[hbm4b:s25+s3] =	stream.linear.scatter [tilespmem:s22], [sflag:$0x4], $0x400, $0x38;
	[tilespmem:$0x17610] =	vst v63  }
0x3c8: {  	s29 =	rddreg [dreg:$0x3];
	s30 =	sadd.s32 $0x680, s1;
	s2 =	sadd.s32 $0x780, s1  }
0x3c9: {  	[hbm4b:s26+s3] =	stream.linear.scatter [tilespmem:s23], [sflag:$0x4], $0x400, $0x38;
	[tilespmem:$0x17610] =	vst v63  }
0x3ca: {  	s1 =	sadd.s32 $0x700, s1;
	s5 =	sadd.s32 $0xFFFFF810, s18;
	s17 =	sadd.s32 s29, s12  }
0x3cb: {  	[hbm4b:s28+s3] =	stream.linear.scatter [tilespmem:s20], [sflag:$0x4], $0x400, $0x38;
	[tilespmem:$0x17610] =	vst v63  }
.Ltmp2:
0x3cc: {  	s31 =	sadd.s32 $0x7FF0, s17;
	s4 =	sadd.s32 $0x7EF0, s17;
	(pc) =	sbr.rel @p0 .LBB2_6-.Ltmp2, $4  }
0x3cd: {  	s18 =	sadd.s32 $0x8000, s17;
	s10 =	sadd.s32 $0x8020, s17;
	s8 =	sadd.s32 $0x7F20, s17  }
0x3ce: {  	[hbm4b:s30+s3] =	stream.linear.scatter [tilespmem:s15], [sflag:$0x4], $0x400, $0x38;
	[tilespmem:$0x17610] =	vst v63  }
0x3cf: {  	s21 =	sadd.s32 $0x8010, s17;
	s22 =	sadd.s32 $0x7F00, s17;
	s20 =	sadd.s32 $0x7F10, s17  }
0x3d0: {  	v1 =	vadd.s32 s31, v0;
	[hbm4b:s1+s3] =	stream.linear.scatter [tilespmem:s5], [sflag:$0x4], $0x400, $0x38;
	[tilespmem:$0x17610] =	vst v63  }
0x3d1: {  	_ =	sdelay $0x2  }
0x3d2: {  	[hbm4b:s2+s3] =	stream.linear.scatter [tilespmem:s0], [sflag:$0x4], $0x400, $0x38;
	[tilespmem:$0x17610] =	vst v63  }
0x3d3: {  	v1 =	vld.idx.msk [tilespmem:v1+s3+$0x0], $0xffff  }
0x3d4: {  	v2 =	vadd.s32 s4, v0;
	_ =	sdelay $0x3  }
0x3d5: {  	[tilespmem:s13+$0xFFFF89D0] =	vst v1  }
0x3d6: {  	v1 =	vld.idx.msk [tilespmem:v2+s3+$0x0], $0xffff  }
0x3d7: {  	v2 =	vadd.s32 s18, v0;
	_ =	sdelay $0x3  }
0x3d8: {  	[tilespmem:s13+$0xFFFF89E0] =	vst v1  }
0x3d9: {  	v1 =	vld.idx.msk [tilespmem:v2+s3+$0x0], $0xffff  }
0x3da: {  	v2 =	vadd.s32 s22, v0;
	_ =	sdelay $0x3  }
0x3db: {  	[tilespmem:s13+$0xFFFF91B0] =	vst v1  }
0x3dc: {  	v1 =	vld.idx.msk [tilespmem:v2+s3+$0x0], $0xffff  }
0x3dd: {  	v2 =	vadd.s32 s21, v0;
	_ =	sdelay $0x3  }
0x3de: {  	[tilespmem:s13+$0xFFFF91C0] =	vst v1  }
0x3df: {  	v1 =	vld.idx.msk [tilespmem:v2+s3+$0x0], $0xffff  }
0x3e0: {  	v2 =	vadd.s32 s20, v0;
	_ =	sdelay $0x3  }
0x3e1: {  	[tilespmem:s13+$0xFFFF9990] =	vst v1  }
0x3e2: {  	v1 =	vld.idx.msk [tilespmem:v2+s3+$0x0], $0xffff  }
0x3e3: {  	v2 =	vadd.s32 s10, v0;
	_ =	sdelay $0x3  }
0x3e4: {  	[tilespmem:s13+$0xFFFF99A0] =	vst v1  }
0x3e5: {  	v1 =	vld.idx.msk [tilespmem:v2+s3+$0x0], $0xffff  }
0x3e6: {  	v2 =	vadd.s32 s8, v0;
	_ =	sdelay $0x3  }
0x3e7: {  	[tilespmem:s13+$0xFFFFA170] =	vst v1  }
0x3e8: {  	s22 =	sadd.s32 $0x8030, s17;
	v1 =	vld.idx.msk [tilespmem:v2+s3+$0x0], $0xffff  }
0x3e9: {  	v2 =	vadd.s32 s22, v0;
	_ =	sdelay $0x3  }
0x3ea: {  	[tilespmem:s13+$0xFFFFA180] =	vst v1  }
0x3eb: {  	s23 =	sadd.s32 $0x7F30, s17;
	v1 =	vld.idx.msk [tilespmem:v2+s3+$0x0], $0xffff  }
0x3ec: {  	v2 =	vadd.s32 s23, v0;
	_ =	sdelay $0x3  }
0x3ed: {  	[tilespmem:s13+$0xFFFFA950] =	vst v1  }
0x3ee: {  	s25 =	sadd.s32 $0x8040, s17;
	v1 =	vld.idx.msk [tilespmem:v2+s3+$0x0], $0xffff  }
0x3ef: {  	v2 =	vadd.s32 s25, v0;
	_ =	sdelay $0x3  }
0x3f0: {  	[tilespmem:s13+$0xFFFFA960] =	vst v1  }
0x3f1: {  	s26 =	sadd.s32 $0x7F40, s17;
	v1 =	vld.idx.msk [tilespmem:v2+s3+$0x0], $0xffff  }
0x3f2: {  	v2 =	vadd.s32 s26, v0;
	_ =	sdelay $0x3  }
0x3f3: {  	[tilespmem:s13+$0xFFFFB130] =	vst v1  }
0x3f4: {  	s28 =	sadd.s32 $0x8050, s17;
	v1 =	vld.idx.msk [tilespmem:v2+s3+$0x0], $0xffff  }
0x3f5: {  	v2 =	vadd.s32 s28, v0;
	_ =	sdelay $0x3  }
0x3f6: {  	[tilespmem:s13+$0xFFFFB140] =	vst v1  }
0x3f7: {  	s29 =	sadd.s32 $0x7F50, s17;
	v1 =	vld.idx.msk [tilespmem:v2+s3+$0x0], $0xffff  }
0x3f8: {  	v2 =	vadd.s32 s29, v0;
	_ =	sdelay $0x3  }
0x3f9: {  	[tilespmem:s13+$0xFFFFB910] =	vst v1  }
0x3fa: {  	s30 =	sadd.s32 $0x8060, s17;
	v1 =	vld.idx.msk [tilespmem:v2+s3+$0x0], $0xffff  }
0x3fb: {  	v2 =	vadd.s32 s30, v0;
	_ =	sdelay $0x3  }
0x3fc: {  	[tilespmem:s13+$0xFFFFB920] =	vst v1  }
0x3fd: {  	s31 =	sadd.s32 $0x7F60, s17;
	v1 =	vld.idx.msk [tilespmem:v2+s3+$0x0], $0xffff  }
0x3fe: {  	v2 =	vadd.s32 s31, v0;
	_ =	sdelay $0x3  }
0x3ff: {  	[tilespmem:s13+$0xFFFFC0F0] =	vst v1  }
0x400: {  	s1 =	sadd.s32 $0x8070, s17;
	v1 =	vld.idx.msk [tilespmem:v2+s3+$0x0], $0xffff  }
0x401: {  	v2 =	vadd.s32 s1, v0;
	_ =	sdelay $0x3  }
0x402: {  	[tilespmem:s13+$0xFFFFC100] =	vst v1  }
0x403: {  	s2 =	sadd.s32 $0x7F70, s17;
	v1 =	vld.idx.msk [tilespmem:v2+s3+$0x0], $0xffff  }
0x404: {  	v2 =	vadd.s32 s2, v0;
	_ =	sdelay $0x3  }
0x405: {  	[tilespmem:s13+$0xFFFFC8D0] =	vst v1  }
0x406: {  	s4 =	sadd.s32 $0x8080, s17;
	v1 =	vld.idx.msk [tilespmem:v2+s3+$0x0], $0xffff  }
0x407: {  	v2 =	vadd.s32 s4, v0;
	_ =	sdelay $0x3  }
0x408: {  	[tilespmem:s13+$0xFFFFC8E0] =	vst v1  }
0x409: {  	s5 =	sadd.s32 $0x7F80, s17;
	v1 =	vld.idx.msk [tilespmem:v2+s3+$0x0], $0xffff  }
0x40a: {  	v2 =	vadd.s32 s5, v0;
	_ =	sdelay $0x3  }
0x40b: {  	[tilespmem:s13+$0xFFFFD0B0] =	vst v1  }
0x40c: {  	s6 =	sadd.s32 $0x8090, s17;
	v1 =	vld.idx.msk [tilespmem:v2+s3+$0x0], $0xffff  }
0x40d: {  	v2 =	vadd.s32 s6, v0;
	_ =	sdelay $0x3  }
0x40e: {  	[tilespmem:s13+$0xFFFFD0C0] =	vst v1  }
0x40f: {  	s7 =	sadd.s32 $0x7F90, s17;
	v1 =	vld.idx.msk [tilespmem:v2+s3+$0x0], $0xffff  }
0x410: {  	v2 =	vadd.s32 s7, v0;
	_ =	sdelay $0x3  }
0x411: {  	[tilespmem:s13+$0xFFFFD890] =	vst v1  }
0x412: {  	s8 =	sadd.s32 $0x80A0, s17;
	v1 =	vld.idx.msk [tilespmem:v2+s3+$0x0], $0xffff  }
0x413: {  	v2 =	vadd.s32 s8, v0;
	_ =	sdelay $0x3  }
0x414: {  	[tilespmem:s13+$0xFFFFD8A0] =	vst v1  }
0x415: {  	s9 =	sadd.s32 $0x7FA0, s17;
	v1 =	vld.idx.msk [tilespmem:v2+s3+$0x0], $0xffff  }
0x416: {  	v2 =	vadd.s32 s9, v0;
	_ =	sdelay $0x3  }
0x417: {  	[tilespmem:s13+$0xFFFFE070] =	vst v1  }
0x418: {  	s10 =	sadd.s32 $0x80B0, s17;
	v1 =	vld.idx.msk [tilespmem:v2+s3+$0x0], $0xffff  }
0x419: {  	v2 =	vadd.s32 s10, v0;
	_ =	sdelay $0x3  }
0x41a: {  	[tilespmem:s13+$0xFFFFE080] =	vst v1  }
0x41b: {  	s14 =	sadd.s32 $0x7FB0, s17;
	v1 =	vld.idx.msk [tilespmem:v2+s3+$0x0], $0xffff  }
0x41c: {  	v2 =	vadd.s32 s14, v0;
	_ =	sdelay $0x3  }
0x41d: {  	[tilespmem:s13+$0xFFFFE850] =	vst v1  }
0x41e: {  	s15 =	sadd.s32 $0x80C0, s17;
	v1 =	vld.idx.msk [tilespmem:v2+s3+$0x0], $0xffff  }
0x41f: {  	v2 =	vadd.s32 s15, v0;
	_ =	sdelay $0x3  }
0x420: {  	[tilespmem:s13+$0xFFFFE860] =	vst v1  }
0x421: {  	s16 =	sadd.s32 $0x7FC0, s17;
	v1 =	vld.idx.msk [tilespmem:v2+s3+$0x0], $0xffff  }
0x422: {  	v2 =	vadd.s32 s16, v0;
	_ =	sdelay $0x3  }
0x423: {  	[tilespmem:s13+$0xFFFFF030] =	vst v1  }
0x424: {  	s18 =	sadd.s32 $0x80D0, s17;
	v1 =	vld.idx.msk [tilespmem:v2+s3+$0x0], $0xffff  }
0x425: {  	v2 =	vadd.s32 s18, v0;
	_ =	sdelay $0x3  }
0x426: {  	[tilespmem:s13+$0xFFFFF040] =	vst v1  }
0x427: {  	s19 =	sadd.s32 $0x7FD0, s17;
	v1 =	vld.idx.msk [tilespmem:v2+s3+$0x0], $0xffff  }
0x428: {  	v2 =	vadd.s32 s19, v0;
	_ =	sdelay $0x3  }
0x429: {  	[tilespmem:s13+$0xFFFFF810] =	vst v1  }
0x42a: {  	s20 =	sadd.s32 $0x80E0, s17;
	v1 =	vld.idx.msk [tilespmem:v2+s3+$0x0], $0xffff  }
0x42b: {  	v2 =	vadd.s32 s20, v0;
	_ =	sdelay $0x3  }
0x42c: {  	[tilespmem:s13+$0xFFFFF820] =	vst v1  }
0x42d: {  	s21 =	sadd.s32 $0x7FE0, s17;
	v1 =	vld.idx.msk [tilespmem:v2+s3+$0x0], $0xffff  }
0x42e: {  	v2 =	vadd.s32 s21, v0;
	_ =	sdelay $0x3  }
0x42f: {  	[tilespmem:s13+$0xFFFFFFF0] =	vst v1  }
0x430: {  	v1 =	vld.idx.msk [tilespmem:v2+s3+$0x0], $0xffff;
	_ =	sdelay $0x3  }
0x431: {  	s22 =	sshrl.u32 s24, $0x3  }
0x432: {  	s0 =	sadd.s32 s11, s22;
	s1 =	sadd.s32 $0xFFFF89D0, s13;
	[tilespmem:s13+$0x0] =	vst v1  }
0x433: {  	[hbm4b:s0+s3] =	stream.linear.scatter [tilespmem:s1], [sflag:$0x4], $0x400, $0x38;
	[tilespmem:$0x17610] =	vst v63  }
0x434: {  	s24 =	sadd.s32 $0x80, s0;
	s23 =	sadd.s32 $0xFFFF91B0, s13  }
0x435: {  	[hbm4b:s24+s3] =	stream.linear.scatter [tilespmem:s23], [sflag:$0x4], $0x400, $0x38;
	[tilespmem:$0x17610] =	vst v63  }
0x436: {  	s25 =	sadd.s32 $0xFFFF9990, s13;
	s26 =	sadd.s32 $0x100, s0  }
0x437: {  	[hbm4b:s26+s3] =	stream.linear.scatter [tilespmem:s25], [sflag:$0x4], $0x400, $0x38;
	[tilespmem:$0x17610] =	vst v63  }
0x438: {  	s28 =	sadd.s32 $0xFFFFA170, s13;
	s29 =	sadd.s32 $0x180, s0  }
0x439: {  	[hbm4b:s29+s3] =	stream.linear.scatter [tilespmem:s28], [sflag:$0x4], $0x400, $0x38;
	[tilespmem:$0x17610] =	vst v63  }
0x43a: {  	s30 =	sadd.s32 $0xFFFFA950, s13;
	s31 =	sadd.s32 $0x200, s0  }
0x43b: {  	[hbm4b:s31+s3] =	stream.linear.scatter [tilespmem:s30], [sflag:$0x4], $0x400, $0x38;
	[tilespmem:$0x17610] =	vst v63  }
0x43c: {  	s4 =	sadd.s32 $0xFFFFB130, s13;
	s5 =	sadd.s32 $0x280, s0  }
0x43d: {  	[hbm4b:s5+s3] =	stream.linear.scatter [tilespmem:s4], [sflag:$0x4], $0x400, $0x38;
	[tilespmem:$0x17610] =	vst v63  }
0x43e: {  	s6 =	sadd.s32 $0xFFFFB910, s13;
	s7 =	sadd.s32 $0x300, s0  }
0x43f: {  	[hbm4b:s7+s3] =	stream.linear.scatter [tilespmem:s6], [sflag:$0x4], $0x400, $0x38;
	[tilespmem:$0x17610] =	vst v63  }
0x440: {  	s8 =	sadd.s32 $0xFFFFC0F0, s13;
	s9 =	sadd.s32 $0x380, s0  }
0x441: {  	[hbm4b:s9+s3] =	stream.linear.scatter [tilespmem:s8], [sflag:$0x4], $0x400, $0x38;
	[tilespmem:$0x17610] =	vst v63  }
0x442: {  	s10 =	sadd.s32 $0xFFFFC8D0, s13;
	s14 =	sadd.s32 $0x400, s0  }
0x443: {  	[hbm4b:s14+s3] =	stream.linear.scatter [tilespmem:s10], [sflag:$0x4], $0x400, $0x38;
	[tilespmem:$0x17610] =	vst v63  }
0x444: {  	s15 =	sadd.s32 $0xFFFFD0B0, s13;
	s16 =	sadd.s32 $0x480, s0  }
0x445: {  	[hbm4b:s16+s3] =	stream.linear.scatter [tilespmem:s15], [sflag:$0x4], $0x400, $0x38;
	[tilespmem:$0x17610] =	vst v63  }
0x446: {  	s17 =	sadd.s32 $0xFFFFD890, s13;
	s18 =	sadd.s32 $0x500, s0  }
0x447: {  	[hbm4b:s18+s3] =	stream.linear.scatter [tilespmem:s17], [sflag:$0x4], $0x400, $0x38;
	[tilespmem:$0x17610] =	vst v63  }
0x448: {  	s19 =	sadd.s32 $0xFFFFE070, s13;
	s20 =	sadd.s32 $0x580, s0  }
0x449: {  	[hbm4b:s20+s3] =	stream.linear.scatter [tilespmem:s19], [sflag:$0x4], $0x400, $0x38;
	[tilespmem:$0x17610] =	vst v63  }
0x44a: {  	s22 =	sadd.s32 $0x600, s0;
	s21 =	sadd.s32 $0xFFFFE850, s13  }
0x44b: {  	[hbm4b:s22+s3] =	stream.linear.scatter [tilespmem:s21], [sflag:$0x4], $0x400, $0x38;
	[tilespmem:$0x17610] =	vst v63  }
0x44c: {  	s23 =	sadd.s32 $0xFFFFF030, s13;
	s24 =	sadd.s32 $0x680, s0  }
0x44d: {  	[hbm4b:s24+s3] =	stream.linear.scatter [tilespmem:s23], [sflag:$0x4], $0x400, $0x38;
	[tilespmem:$0x17610] =	vst v63  }
0x44e: {  	s25 =	sadd.s32 $0xFFFFF810, s13;
	s26 =	sadd.s32 $0x700, s0  }
0x44f: {  	[hbm4b:s26+s3] =	stream.linear.scatter [tilespmem:s25], [sflag:$0x4], $0x400, $0x38;
	[tilespmem:$0x17610] =	vst v63  }
0x450: {  	s0 =	sadd.s32 $0x780, s0;
	s28 =	sadd.s32 $0xFFFFFFF0, s13;
	s29 =	simm.s32 $0x4  }
0x451: {  	[hbm4b:s0+s3] =	stream.linear.scatter [tilespmem:s28], [sflag:$0x4], $0x400, $0x38;
	[tilespmem:$0x17610] =	vst v63  }
0x452: {  	_ =	swait.ge [sflag:s29], $0x4000  }
0x453: {  	[sflag:s29] =	ssyncset.done $0x0  }
0x454: {  	[sflag:s29] =	ssyncadd.s32 $0xFFFFC000  }
0x455: {  	_ =	swait.ge [sflag:s29], $0x4000  }
0x456: {  	[sflag:s29] =	ssyncset.done $0x0  }
0x457: {  	[sflag:s29] =	ssyncadd.s32 $0xFFFFC000  }
0x458: {  	_ =	swait.ge [sflag:s29], $0x4000  }
0x459: {  	[sflag:s29] =	ssyncset.done $0x0  }
0x45a: {  	[sflag:s29] =	ssyncadd.s32 $0xFFFFC000  }
0x45b: {  	_ =	swait.ge [sflag:s29], $0x4000  }
0x45c: {  	[sflag:s29] =	ssyncset.done $0x0  }
0x45d: {  	[sflag:s29] =	ssyncadd.s32 $0xFFFFC000  }
0x45e: {  	_ =	swait.ge [sflag:s29], $0x4000  }
0x45f: {  	[sflag:s29] =	ssyncset.done $0x0  }
0x460: {  	[sflag:s29] =	ssyncadd.s32 $0xFFFFC000  }
0x461: {  	_ =	swait.ge [sflag:s29], $0x4000  }
0x462: {  	[sflag:s29] =	ssyncset.done $0x0  }
0x463: {  	[sflag:s29] =	ssyncadd.s32 $0xFFFFC000  }
0x464: {  	_ =	swait.ge [sflag:s29], $0x4000  }
0x465: {  	[sflag:s29] =	ssyncset.done $0x0  }
0x466: {  	[sflag:s29] =	ssyncadd.s32 $0xFFFFC000  }
0x467: {  	_ =	swait.ge [sflag:s29], $0x4000  }
0x468: {  	[sflag:s29] =	ssyncset.done $0x0  }
0x469: {  	[sflag:s29] =	ssyncadd.s32 $0xFFFFC000  }
0x46a: {  	_ =	swait.ge [sflag:s29], $0x4000  }
0x46b: {  	[sflag:s29] =	ssyncset.done $0x0  }
0x46c: {  	[sflag:s29] =	ssyncadd.s32 $0xFFFFC000  }
0x46d: {  	_ =	swait.ge [sflag:s29], $0x4000  }
0x46e: {  	[sflag:s29] =	ssyncset.done $0x0  }
0x46f: {  	[sflag:s29] =	ssyncadd.s32 $0xFFFFC000  }
0x470: {  	_ =	swait.ge [sflag:s29], $0x4000  }
0x471: {  	[sflag:s29] =	ssyncset.done $0x0  }
0x472: {  	[sflag:s29] =	ssyncadd.s32 $0xFFFFC000  }
0x473: {  	_ =	swait.ge [sflag:s29], $0x4000  }
0x474: {  	[sflag:s29] =	ssyncset.done $0x0  }
0x475: {  	[sflag:s29] =	ssyncadd.s32 $0xFFFFC000  }
0x476: {  	_ =	swait.ge [sflag:s29], $0x4000  }
0x477: {  	[sflag:s29] =	ssyncset.done $0x0  }
0x478: {  	[sflag:s29] =	ssyncadd.s32 $0xFFFFC000  }
0x479: {  	_ =	swait.ge [sflag:s29], $0x4000  }
0x47a: {  	[sflag:s29] =	ssyncset.done $0x0  }
0x47b: {  	[sflag:s29] =	ssyncadd.s32 $0xFFFFC000  }
0x47c: {  	_ =	swait.ge [sflag:s29], $0x4000  }
0x47d: {  	[sflag:s29] =	ssyncset.done $0x0  }
0x47e: {  	[sflag:s29] =	ssyncadd.s32 $0xFFFFC000  }
0x47f: {  	_ =	swait.ge [sflag:s29], $0x4000  }
0x480: {  	[sflag:s29] =	ssyncset.done $0x0  }
0x481: {  	[sflag:s29] =	ssyncadd.s32 $0xFFFFC000  }
0x482: {  	_ =	swait.ge [sflag:s29], $0x4000  }
0x483: {  	[sflag:s29] =	ssyncset.done $0x0  }
0x484: {  	[sflag:s29] =	ssyncadd.s32 $0xFFFFC000  }
0x485: {  	_ =	swait.ge [sflag:s29], $0x4000  }
0x486: {  	[sflag:s29] =	ssyncset.done $0x0  }
0x487: {  	[sflag:s29] =	ssyncadd.s32 $0xFFFFC000  }
0x488: {  	_ =	swait.ge [sflag:s29], $0x4000  }
0x489: {  	[sflag:s29] =	ssyncset.done $0x0  }
0x48a: {  	[sflag:s29] =	ssyncadd.s32 $0xFFFFC000  }
0x48b: {  	_ =	swait.ge [sflag:s29], $0x4000  }
0x48c: {  	[sflag:s29] =	ssyncset.done $0x0  }
0x48d: {  	[sflag:s29] =	ssyncadd.s32 $0xFFFFC000  }
0x48e: {  	_ =	swait.ge [sflag:s29], $0x4000  }
0x48f: {  	[sflag:s29] =	ssyncset.done $0x0  }
0x490: {  	[sflag:s29] =	ssyncadd.s32 $0xFFFFC000  }
0x491: {  	_ =	swait.ge [sflag:s29], $0x4000  }
0x492: {  	[sflag:s29] =	ssyncset.done $0x0  }
0x493: {  	[sflag:s29] =	ssyncadd.s32 $0xFFFFC000  }
0x494: {  	_ =	swait.ge [sflag:s29], $0x4000  }
0x495: {  	[sflag:s29] =	ssyncset.done $0x0  }
0x496: {  	[sflag:s29] =	ssyncadd.s32 $0xFFFFC000  }
0x497: {  	_ =	swait.ge [sflag:s29], $0x4000  }
0x498: {  	[sflag:s29] =	ssyncset.done $0x0  }
0x499: {  	[sflag:s29] =	ssyncadd.s32 $0xFFFFC000  }
0x49a: {  	_ =	swait.ge [sflag:s29], $0x4000  }
0x49b: {  	[sflag:s29] =	ssyncset.done $0x0  }
0x49c: {  	[sflag:s29] =	ssyncadd.s32 $0xFFFFC000  }
0x49d: {  	_ =	swait.ge [sflag:s29], $0x4000  }
0x49e: {  	[sflag:s29] =	ssyncset.done $0x0  }
0x49f: {  	[sflag:s29] =	ssyncadd.s32 $0xFFFFC000  }
0x4a0: {  	_ =	swait.ge [sflag:s29], $0x4000  }
0x4a1: {  	[sflag:s29] =	ssyncset.done $0x0  }
0x4a2: {  	[sflag:s29] =	ssyncadd.s32 $0xFFFFC000  }
0x4a3: {  	_ =	swait.ge [sflag:s29], $0x4000  }
0x4a4: {  	[sflag:s29] =	ssyncset.done $0x0  }
0x4a5: {  	[sflag:s29] =	ssyncadd.s32 $0xFFFFC000  }
0x4a6: {  	_ =	swait.ge [sflag:s29], $0x4000  }
0x4a7: {  	[sflag:s29] =	ssyncset.done $0x0  }
0x4a8: {  	[sflag:s29] =	ssyncadd.s32 $0xFFFFC000  }
0x4a9: {  	_ =	swait.ge [sflag:s29], $0x4000  }
0x4aa: {  	[sflag:s29] =	ssyncset.done $0x0  }
0x4ab: {  	[sflag:s29] =	ssyncadd.s32 $0xFFFFC000  }
0x4ac: {  	_ =	swait.ge [sflag:s29], $0x4000  }
0x4ad: {  	[sflag:s29] =	ssyncset.done $0x0  }
0x4ae: {  	[sflag:s29] =	ssyncadd.s32 $0xFFFFC000  }
0x4af: {  	_ =	swait.ge [sflag:s29], $0x4000  }
0x4b0: {  	s30 =	rddreg [dreg:$0x11]  }
0x4b1: {  	s31 =	rddreg [dreg:$0xf];
	s2 =	sadd.s32 $0x1, s30  }
0x4b2: {  	p0 =	sne.s32 s2, s31  }
.Ltmp3:
0x4b3: {  	_ = 	snop;
	(pc) =	sbr.rel @p0 .LBB2_1-.Ltmp3, $3  }
0x4b4: {  	_ =	sdelay $0x1  }
0x4b5: {  	[sflag:s29] =	ssyncset.done $0x0  }
0x4b6: {  	[sflag:s29] =	ssyncadd.s32 $0xFFFFC000  }
0x4b7: {  	_ =	sfence.sel $0x180000  }
0x4b8: {  	[bflag:$0x0] =	sbarrier.arrive $0xFFFF  }
0x4b9: {  	_ =	strace $0x90000047  }
0x4ba: {  	s0 =	stileid.u32;
	[bflag:$0x2] =	sbarrier.arrive $0xFFFF  }
0x4bb: {  	p0 =	sne.s32 s0, $0x0;
	s0 =	rddreg [dreg:$0x2]  }
0x4bc: {  	s0 =	sadd.s32 @!p0 $0x100000, s0  }
0x4bd: {  	[sflag:s0] =	ssyncadd.tile.s32 @!p0 $0x1;
	_ =	shalt  }
.Lfunc_end2:
_tile_overlayer_lowered:
.L_overlay_start_2:
0x4be: {  	(tag) =	ssettag $0x2  }
0x4bf: {  	s0 =	rddreg [dreg:$0x0];
	s2 =	stileid.u32  }
0x4c0: {  	s1 =	rddreg [dreg:$0x1];
	p0 =	sne.s32 s2, $0x0  }
0x4c1: {  	s3 =	rddreg [dreg:$0x2];
	[bflag:$0x3] =	sbarrier.arrive $0xFFFF;
	s2 =	simm.s32 @!p0 $0x1C05  }
0x4c2: {  	[timem:s3], [sflag:s2] =	dma.local @!p0 [hbm:s0], s1  }
0x4c3: {  	s0 =	simm.s32 @!p0 $0x5  }
0x4c4: {  	_ =	swait.ge @!p0 [sflag:s0], s1  }
0x4c5: {  	s1 =	ssub.s32 @!p0 $0x0, s1;
	[sflag:s0] =	ssyncset.done @!p0 $0x0  }
0x4c6: {  	[sflag:s0] =	ssyncadd.s32 @!p0 s1  }
0x4c7: {  	[bflag:$0x3] =	sbarrier.arrive $0xFFFF  }
0x4c8: {  	_ =	shalt  }

</sc_bundles>
